<compile_context>
chip_gen: v7x
topology: tpu7x:2x2x1
jax: 0.10.2.dev20260603
libtpu: 0.0.44.dev20260713+nightly
codegen_flags: <defaults>
</compile_context>

<pallas_src>
import functools

import jax
import jax.numpy as jnp
from jax import lax
from jax.experimental import pallas as pl
from jax.experimental.pallas import tpu as pltpu
from jax.experimental.pallas import tpu_sc as plsc

N_NODES = 10000
D = 128
N_EDGES = 320000

NC = 2
NS = 16
NW = NC * NS

NPAD = 10240
CHUNK = 128
E2 = 2 * N_EDGES
CPW = -(-E2 // (NW * CHUNK * 8)) * 8
E2P = NW * CPW * CHUNK
PADROW = N_NODES

RPS = NPAD // NS

_mesh = plsc.VectorSubcoreMesh(
    core_axis_name="c", subcore_axis_name="s", num_cores=NC, num_subcores=NS)

_f32 = jnp.float32


DW = 128


def _deg_body(didx_hbm, degp_hbm, didx_v, ones_v, acc, dsem):
    cid = lax.axis_index("c")
    sid = lax.axis_index("s")
    wid = cid * NS + sid

    pltpu.sync_copy(didx_hbm.at[pl.ds(wid * CPW, CPW)], didx_v)

    @pl.loop(0, CHUNK)
    def _zfill(i):
        for k in range(DW // 16):
            ones_v[i, pl.ds(k * 16, 16)] = jnp.zeros((16,), _f32)

    @pl.loop(0, RPS // CHUNK)
    def _zero(k):
        pltpu.sync_copy(ones_v, acc.at[pl.ds(sid * RPS + k * CHUNK, CHUNK)])

    @pl.loop(0, CHUNK)
    def _fill(i):
        ones_v[i, pl.ds(0, 16)] = jnp.ones((16,), _f32)

    plsc.subcore_barrier()

    @pl.loop(0, CPW // 8)
    def _scat(G):
        for k in range(8):
            pltpu.async_copy(ones_v, acc.at[didx_v.at[G * 8 + k]], dsem,
                             add=True)
        for k in range(8):
            pltpu.make_async_copy(ones_v, acc.at[didx_v.at[G * 8 + k]],
                                  dsem).wait()

    plsc.subcore_barrier()
    pltpu.sync_copy(acc.at[pl.ds(sid * RPS, RPS)],
                    degp_hbm.at[cid, pl.ds(sid * RPS, RPS)])


_deg_pass = functools.partial(
    pl.kernel,
    out_type=jax.ShapeDtypeStruct((NC, NPAD, DW), _f32),
    mesh=_mesh,
    scratch_types=[
        pltpu.VMEM((CPW, CHUNK), jnp.int32),
        pltpu.VMEM((CHUNK, DW), _f32),
        pltpu.VMEM_SHARED((NPAD, DW), _f32),
        pltpu.SemaphoreType.DMA,
    ],
)(_deg_body)


GRP = 40

CPH = E2P // (2 * CHUNK)
CPP = CPH // NW

Q = 4
SUB = CHUNK // Q


def _agg_body(xs_hbm, ids_hbm, agg_hbm,
              sidx_v, didx_v, gbuf0, gbuf1, acc, sem0, sem1):
    cid = lax.axis_index("c")
    sid = lax.axis_index("s")

    @pl.loop(0, CHUNK)
    def _zfill(i):
        for k in range(8):
            gbuf0[i, pl.ds(k * 16, 16)] = jnp.zeros((16,), _f32)

    @pl.loop(0, RPS // CHUNK)
    def _zero(k):
        pltpu.sync_copy(gbuf0, acc.at[pl.ds(sid * RPS + k * CHUNK, CHUNK)])

    plsc.subcore_barrier()

    base_c = (cid * NS + sid) * CPP

    for (s_off, d_off) in ((base_c, CPH + base_c), (CPH + base_c, base_c)):

        @pl.loop(0, CPP // GRP)
        def _grp(g):
            pltpu.sync_copy(ids_hbm.at[pl.ds(s_off + g * GRP, GRP)], sidx_v)
            pltpu.sync_copy(ids_hbm.at[pl.ds(d_off + g * GRP, GRP)], didx_v)

            def _fire(j, buf, sem):
                for q in range(Q):
                    pltpu.async_copy(
                        xs_hbm.at[sidx_v.at[j, pl.ds(q * SUB, SUB)]],
                        buf.at[pl.ds(q * SUB, SUB)], sem)

            def _drain(j, buf, sem):
                for q in range(Q):
                    pltpu.make_async_copy(
                        xs_hbm.at[sidx_v.at[j, pl.ds(q * SUB, SUB)]],
                        buf.at[pl.ds(q * SUB, SUB)], sem).wait()

            _fire(0, gbuf0, sem0)
            _fire(1, gbuf1, sem1)

            @pl.loop(0, GRP // 2)
            def _pair(p):
                j0 = 2 * p
                for (j, buf, sem) in ((j0, gbuf0, sem0), (j0 + 1, gbuf1, sem1)):
                    _drain(j, buf, sem)
                    pltpu.sync_copy(buf, acc.at[didx_v.at[j]], add=True)

                    @pl.when(j + 2 < GRP)
                    def _pre():
                        _fire(j + 2, buf, sem)

    plsc.subcore_barrier()
    pltpu.sync_copy(acc.at[pl.ds(sid * RPS, RPS)],
                    agg_hbm.at[cid, pl.ds(sid * RPS, RPS)])


_agg_pass = functools.partial(
    pl.kernel,
    out_type=jax.ShapeDtypeStruct((NC, NPAD, D), _f32),
    mesh=_mesh,
    scratch_types=[
        pltpu.VMEM((GRP, CHUNK), jnp.int32),
        pltpu.VMEM((GRP, CHUNK), jnp.int32),
        pltpu.VMEM((CHUNK, D), _f32),
        pltpu.VMEM((CHUNK, D), _f32),
        pltpu.VMEM_SHARED((NPAD, D), _f32),
        pltpu.SemaphoreType.DMA,
        pltpu.SemaphoreType.DMA,
    ],
)(_agg_body)


BR = 512


def _tc_a_kernel(x_ref, w_ref, degp_ref, xs_ref, norm_ref):
    deg = degp_ref[0, :, 0:1] + degp_ref[1, :, 0:1] + 1.0
    norm = lax.rsqrt(deg)
    xw = lax.dot_general(x_ref[...], w_ref[...], (((1,), (0,)), ((), ())),
                         precision=lax.Precision.HIGHEST,
                         preferred_element_type=_f32)
    xs_ref[...] = xw * norm
    norm_ref[...] = jnp.broadcast_to(norm, (BR, D))


def _tc_b_kernel(agg_ref, xs1_ref, norm_ref, w_ref, xs2_ref):
    acc = agg_ref[0] + agg_ref[1] + xs1_ref[...]
    h = jnp.maximum(acc * norm_ref[...], 0.0)
    hw = lax.dot_general(h, w_ref[...], (((1,), (0,)), ((), ())),
                         precision=lax.Precision.HIGHEST,
                         preferred_element_type=_f32)
    xs2_ref[...] = hw * norm_ref[...]


def _tc_c_kernel(agg_ref, xs2_ref, norm_ref, o_ref):
    o_ref[...] = (agg_ref[0] + agg_ref[1] + xs2_ref[...]) * norm_ref[...]


def _row_spec(shape3=False):
    if shape3:
        return pl.BlockSpec((NC, BR, D), lambda i: (0, i, 0))
    return pl.BlockSpec((BR, D), lambda i: (i, 0))


_W_SPEC = pl.BlockSpec((D, D), lambda i: (0, 0))
_GRID = (NPAD // BR,)

_tc_a = pl.pallas_call(
    _tc_a_kernel,
    grid=_GRID,
    in_specs=[_row_spec(), _W_SPEC, pl.BlockSpec((NC, BR, DW), lambda i: (0, i, 0))],
    out_specs=[_row_spec(), _row_spec()],
    out_shape=[jax.ShapeDtypeStruct((NPAD, D), _f32),
               jax.ShapeDtypeStruct((NPAD, D), _f32)],
)

_tc_b = pl.pallas_call(
    _tc_b_kernel,
    grid=_GRID,
    in_specs=[_row_spec(True), _row_spec(), _row_spec(), _W_SPEC],
    out_specs=_row_spec(),
    out_shape=jax.ShapeDtypeStruct((NPAD, D), _f32),
)

_tc_c = pl.pallas_call(
    _tc_c_kernel,
    grid=_GRID,
    in_specs=[_row_spec(True), _row_spec(), _row_spec()],
    out_specs=_row_spec(),
    out_shape=jax.ShapeDtypeStruct((NPAD, D), _f32),
)


def kernel(edge_index, emb_weight, W1, W2):
    npad_e = CPH * CHUNK - N_EDGES
    pad = PADROW + (jnp.arange(npad_e, dtype=jnp.int32) % (NPAD - N_NODES))
    ei_pad = jnp.concatenate([edge_index, jnp.stack([pad, pad])], axis=1)
    ids = ei_pad.reshape(2 * CPH, CHUNK)

    x = jnp.pad(emb_weight, ((0, NPAD - N_NODES), (0, 0)))

    degp = _deg_pass(ids)
    xs1, norm = _tc_a(x, W1, degp)
    agg1 = _agg_pass(xs1, ids)
    xs2 = _tc_b(agg1, xs1, norm, W2)
    agg2 = _agg_pass(xs2, ids)
    out = _tc_c(agg2, xs2, norm)
    return out[:N_NODES]

# --- scband reference (transcript-rebuilt; emitter-appended) ---
"""Pipeline reference for scband-heterogeneous-network-38766374814064 (READ-ONLY COPY).

The authoritative reference and input builder live on the scoring server;
editing this copy changes nothing except your own understanding.
"""

import jax, jax.numpy as jnp
import numpy as np

N_NODES = 10000
N_EDGES = 320000
D = 128


def setup_inputs(seed: int = 0) -> dict:
    key = jax.random.key(seed)
    k1, k2, k3, k4 = jax.random.split(key, 4)
    edge_index = jax.random.randint(k1, (2, N_EDGES), 0, N_NODES, dtype=jnp.int64 if jax.config.jax_enable_x64 else jnp.int32).astype(jnp.int32)
    emb_weight = jax.random.normal(k2, (N_NODES, D), dtype=jnp.float32) * 0.1
    W1 = jax.random.normal(k3, (D, D), dtype=jnp.float32) * (1.0 / np.sqrt(D))
    W2 = jax.random.normal(k4, (D, D), dtype=jnp.float32) * (1.0 / np.sqrt(D))
    return {"edge_index": edge_index, "emb_weight": emb_weight, "W1": W1, "W2": W2}


def reference(edge_index, emb_weight, W1, W2):
    # HeterogeneousNetwork with a single node type and single canonical edge
    # type, model_name='GCN'. Forward: build bidirected graph + self loops,
    # run 2-layer GCN aggregator over the node-embedding table, return
    # per-node embeddings.
    N = emb_weight.shape[0]
    src, dst = edge_index[0], edge_index[1]
    self_loop = jnp.arange(N, dtype=src.dtype)
    # dgl.to_bidirected + dgl.add_self_loop
    src_all = jnp.concatenate([src, dst, self_loop])
    dst_all = jnp.concatenate([dst, src, self_loop])
    deg = jnp.bincount(dst_all, length=N).astype(jnp.float32)
    norm = deg ** -0.5  # deg >= 1 thanks to self loops

    def gcn_conv(x, W):
        xw = x @ W
        msg = jnp.take(xw, src_all, axis=0) * norm[src_all][:, None]
        agg = jax.ops.segment_sum(msg, dst_all, num_segments=N)
        return agg * norm[:, None]

    h = jax.nn.relu(gcn_conv(emb_weight, W1))
    out = gcn_conv(h, W2)
    return out

if __name__ == "__main__":
    import jax
    _d = setup_inputs()
    print(jax.jit(kernel)(*tuple(_d.values())))

</pallas_src>

<mosaic_0001>
#map = affine_map<(d0, d1) -> (0, 0)>
#map1 = affine_map<(d0, d1) -> (0, 0, 0)>
module attributes {stable_mosaic.version = 14 : i64} {
  func.func @_agg_body(%arg0: i32, %arg1: i32, %arg2: memref<10240x128xf32, #tpu.memory_space<hbm>>, %arg3: memref<5120x128xi32, #tpu.memory_space<hbm>>, %arg4: memref<2x10240x128xf32, #tpu.memory_space<hbm>>, %arg5: memref<40x128xi32, #tpu.memory_space<vmem>>, %arg6: memref<40x128xi32, #tpu.memory_space<vmem>>, %arg7: memref<128x128xf32, #tpu.memory_space<vmem>>, %arg8: memref<128x128xf32, #tpu.memory_space<vmem>>, %arg9: memref<10240x128xf32, #tpu.memory_space<vmem_shared>>, %arg10: memref<!tpu.dma_semaphore, #tpu.memory_space<semaphore_mem>>, %arg11: memref<!tpu.dma_semaphore, #tpu.memory_space<semaphore_mem>>) attributes {dimension_semantics = [#tpu.dimension_semantics<core_parallel>, #tpu.dimension_semantics<subcore_parallel>], iteration_bounds = array<i64: 2, 16>, scalar_prefetch = 0 : i64, scratch_operands = 7 : i64, tpu.core_type = #tpu.core_type<sc_vector_subcore>, window_params = [{transform_indices = #map}, {transform_indices = #map}, {transform_indices = #map1}]} {
    %scan3A = arith.constant 0 : i32
    %scan3A_0 = arith.constant 128 : i32
    %scan3A_1 = arith.addi %scan3A, %scan3A_0 : i32
    %scan3A_2 = arith.constant 1 : i32
    scf.for %scan3A_31 = %scan3A to %scan3A_1 step %scan3A_2  : i32 {
      %mul3A_32 = arith.constant 1 : i32
      %mul3A_33 = arith.muli %scan3A_31, %mul3A_32 : i32
      %add3A_34 = arith.constant 0 : i32
      %add3A_35 = arith.addi %add3A_34, %mul3A_33 : i32
      %broadcast_in_dim3A = arith.constant 0.000000e+00 : f32
      %broadcast_in_dim3A_36 = vector.broadcast %broadcast_in_dim3A : f32 to vector<16xf32>
      %swap3A = arith.index_cast %add3A_35 : i32 to index
      %swap3A_37 = arith.constant 0 : index
      %swap3A_38 = tpu.vector_load %arg7[%swap3A, %swap3A_37] {strides = array<i32>} : memref<128x128xf32, #tpu.memory_space<vmem>>, vector<1x16xf32>,
      %swap3A_39 = vector.shape_cast %swap3A_38 : vector<1x16xf32> to vector<16xf32>
      %swap3A_40 = vector.shape_cast %broadcast_in_dim3A_36 : vector<16xf32> to vector<1x16xf32>
      tpu.vector_store %arg7[%swap3A, %swap3A_37], %swap3A_40 {strides = array<i32>} : memref<128x128xf32, #tpu.memory_space<vmem>>, vector<1x16xf32>,
      %broadcast_in_dim3A_41 = arith.constant 0.000000e+00 : f32
      %broadcast_in_dim3A_42 = vector.broadcast %broadcast_in_dim3A_41 : f32 to vector<16xf32>
      %swap3A_43 = arith.index_cast %add3A_35 : i32 to index
      %swap3A_44 = arith.constant 16 : index
      %swap3A_45 = tpu.vector_load %arg7[%swap3A_43, %swap3A_44] {strides = array<i32>} : memref<128x128xf32, #tpu.memory_space<vmem>>, vector<1x16xf32>,
      %swap3A_46 = vector.shape_cast %swap3A_45 : vector<1x16xf32> to vector<16xf32>
      %swap3A_47 = vector.shape_cast %broadcast_in_dim3A_42 : vector<16xf32> to vector<1x16xf32>
      tpu.vector_store %arg7[%swap3A_43, %swap3A_44], %swap3A_47 {strides = array<i32>} : memref<128x128xf32, #tpu.memory_space<vmem>>, vector<1x16xf32>,
      %broadcast_in_dim3A_48 = arith.constant 0.000000e+00 : f32
      %broadcast_in_dim3A_49 = vector.broadcast %broadcast_in_dim3A_48 : f32 to vector<16xf32>
      %swap3A_50 = arith.index_cast %add3A_35 : i32 to index
      %swap3A_51 = arith.constant 32 : index
      %swap3A_52 = tpu.vector_load %arg7[%swap3A_50, %swap3A_51] {strides = array<i32>} : memref<128x128xf32, #tpu.memory_space<vmem>>, vector<1x16xf32>,
      %swap3A_53 = vector.shape_cast %swap3A_52 : vector<1x16xf32> to vector<16xf32>
      %swap3A_54 = vector.shape_cast %broadcast_in_dim3A_49 : vector<16xf32> to vector<1x16xf32>
      tpu.vector_store %arg7[%swap3A_50, %swap3A_51], %swap3A_54 {strides = array<i32>} : memref<128x128xf32, #tpu.memory_space<vmem>>, vector<1x16xf32>,
      %broadcast_in_dim3A_55 = arith.constant 0.000000e+00 : f32
      %broadcast_in_dim3A_56 = vector.broadcast %broadcast_in_dim3A_55 : f32 to vector<16xf32>
      %swap3A_57 = arith.index_cast %add3A_35 : i32 to index
      %swap3A_58 = arith.constant 48 : index
      %swap3A_59 = tpu.vector_load %arg7[%swap3A_57, %swap3A_58] {strides = array<i32>} : memref<128x128xf32, #tpu.memory_space<vmem>>, vector<1x16xf32>,
      %swap3A_60 = vector.shape_cast %swap3A_59 : vector<1x16xf32> to vector<16xf32>
      %swap3A_61 = vector.shape_cast %broadcast_in_dim3A_56 : vector<16xf32> to vector<1x16xf32>
      tpu.vector_store %arg7[%swap3A_57, %swap3A_58], %swap3A_61 {strides = array<i32>} : memref<128x128xf32, #tpu.memory_space<vmem>>, vector<1x16xf32>,
      %broadcast_in_dim3A_62 = arith.constant 0.000000e+00 : f32
      %broadcast_in_dim3A_63 = vector.broadcast %broadcast_in_dim3A_62 : f32 to vector<16xf32>
      %swap3A_64 = arith.index_cast %add3A_35 : i32 to index
      %swap3A_65 = arith.constant 64 : index
      %swap3A_66 = tpu.vector_load %arg7[%swap3A_64, %swap3A_65] {strides = array<i32>} : memref<128x128xf32, #tpu.memory_space<vmem>>, vector<1x16xf32>,
      %swap3A_67 = vector.shape_cast %swap3A_66 : vector<1x16xf32> to vector<16xf32>
      %swap3A_68 = vector.shape_cast %broadcast_in_dim3A_63 : vector<16xf32> to vector<1x16xf32>
      tpu.vector_store %arg7[%swap3A_64, %swap3A_65], %swap3A_68 {strides = array<i32>} : memref<128x128xf32, #tpu.memory_space<vmem>>, vector<1x16xf32>,
      %broadcast_in_dim3A_69 = arith.constant 0.000000e+00 : f32
      %broadcast_in_dim3A_70 = vector.broadcast %broadcast_in_dim3A_69 : f32 to vector<16xf32>
      %swap3A_71 = arith.index_cast %add3A_35 : i32 to index
      %swap3A_72 = arith.constant 80 : index
      %swap3A_73 = tpu.vector_load %arg7[%swap3A_71, %swap3A_72] {strides = array<i32>} : memref<128x128xf32, #tpu.memory_space<vmem>>, vector<1x16xf32>,
      %swap3A_74 = vector.shape_cast %swap3A_73 : vector<1x16xf32> to vector<16xf32>
      %swap3A_75 = vector.shape_cast %broadcast_in_dim3A_70 : vector<16xf32> to vector<1x16xf32>
      tpu.vector_store %arg7[%swap3A_71, %swap3A_72], %swap3A_75 {strides = array<i32>} : memref<128x128xf32, #tpu.memory_space<vmem>>, vector<1x16xf32>,
      %broadcast_in_dim3A_76 = arith.constant 0.000000e+00 : f32
      %broadcast_in_dim3A_77 = vector.broadcast %broadcast_in_dim3A_76 : f32 to vector<16xf32>
      %swap3A_78 = arith.index_cast %add3A_35 : i32 to index
      %swap3A_79 = arith.constant 96 : index
      %swap3A_80 = tpu.vector_load %arg7[%swap3A_78, %swap3A_79] {strides = array<i32>} : memref<128x128xf32, #tpu.memory_space<vmem>>, vector<1x16xf32>,
      %swap3A_81 = vector.shape_cast %swap3A_80 : vector<1x16xf32> to vector<16xf32>
      %swap3A_82 = vector.shape_cast %broadcast_in_dim3A_77 : vector<16xf32> to vector<1x16xf32>
      tpu.vector_store %arg7[%swap3A_78, %swap3A_79], %swap3A_82 {strides = array<i32>} : memref<128x128xf32, #tpu.memory_space<vmem>>, vector<1x16xf32>,
      %broadcast_in_dim3A_83 = arith.constant 0.000000e+00 : f32
      %broadcast_in_dim3A_84 = vector.broadcast %broadcast_in_dim3A_83 : f32 to vector<16xf32>
      %swap3A_85 = arith.index_cast %add3A_35 : i32 to index
      %swap3A_86 = arith.constant 112 : index
      %swap3A_87 = tpu.vector_load %arg7[%swap3A_85, %swap3A_86] {strides = array<i32>} : memref<128x128xf32, #tpu.memory_space<vmem>>, vector<1x16xf32>,
      %swap3A_88 = vector.shape_cast %swap3A_87 : vector<1x16xf32> to vector<16xf32>
      %swap3A_89 = vector.shape_cast %broadcast_in_dim3A_84 : vector<16xf32> to vector<1x16xf32>
      tpu.vector_store %arg7[%swap3A_85, %swap3A_86], %swap3A_89 {strides = array<i32>} : memref<128x128xf32, #tpu.memory_space<vmem>>, vector<1x16xf32>,
    }
    %scan3A_3 = arith.constant 128 : i32
    %scan3A_4 = arith.constant 0 : i32
    %scan3A_5 = arith.constant 5 : i32
    %scan3A_6 = arith.addi %scan3A_4, %scan3A_5 : i32
    %scan3A_7 = arith.constant 1 : i32
    scf.for %scan3A_31 = %scan3A_4 to %scan3A_6 step %scan3A_7  : i32 {
      %mul3A_32 = arith.constant 1 : i32
      %mul3A_33 = arith.muli %scan3A_31, %mul3A_32 : i32
      %add3A_34 = arith.constant 0 : i32
      %add3A_35 = arith.addi %add3A_34, %mul3A_33 : i32
      %mul3A_36 = arith.constant 640 : i32
      %mul3A_37 = arith.muli %arg1, %mul3A_36 : i32
      %mul3A_38 = arith.constant 128 : i32
      %mul3A_39 = arith.muli %add3A_35, %mul3A_38 : i32
      %add3A_40 = arith.addi %mul3A_37, %mul3A_39 : i32
      "tpu.region"() ({
        %run_scoped3A = tpu.sem_alloc : memref<!tpu.dma_semaphore, #tpu.memory_space<semaphore_mem>>
        %dma_start3A = arith.constant 0 : i32
        %dma_start3A_41 = tpu.memref_slice %arg9[%add3A_40, %dma_start3A] : memref<10240x128xf32, #tpu.memory_space<vmem_shared>> -> memref<128x128xf32, #tpu.memory_space<vmem_shared>>
        %dma_start3A_42 = arith.constant 0 : i32
        %dma_start3A_43 = tpu.memref_slice %arg9[%add3A_40, %dma_start3A_42] : memref<10240x128xf32, #tpu.memory_space<vmem_shared>> -> memref<128x128xf32, #tpu.memory_space<vmem_shared>>
        tpu.enqueue_dma source(%arg7 : memref<128x128xf32, #tpu.memory_space<vmem>>) target(%dma_start3A_43 : memref<128x128xf32, #tpu.memory_space<vmem_shared>>) target_semaphore(%run_scoped3A : memref<!tpu.dma_semaphore, #tpu.memory_space<semaphore_mem>>)
        %dma_wait3A = arith.constant 0 : i32
        %dma_wait3A_44 = tpu.memref_slice %arg9[%add3A_40, %dma_wait3A] : memref<10240x128xf32, #tpu.memory_space<vmem_shared>> -> memref<128x128xf32, #tpu.memory_space<vmem_shared>>
        %dma_wait3A_45 = arith.constant 0 : i32
        %dma_wait3A_46 = tpu.memref_slice %arg9[%add3A_40, %dma_wait3A_45] : memref<10240x128xf32, #tpu.memory_space<vmem_shared>> -> memref<128x128xf32, #tpu.memory_space<vmem_shared>>
        tpu.wait_dma2 semaphore(%run_scoped3A : memref<!tpu.dma_semaphore, #tpu.memory_space<semaphore_mem>>) src(%arg7 : memref<128x128xf32, #tpu.memory_space<vmem>>) dst(%dma_wait3A_46 : memref<128x128xf32, #tpu.memory_space<vmem_shared>>)
        tpu.yield
      }) : () -> ()
    }
    %scan3A_8 = arith.constant 5 : i32
    %barrier3A = arith.constant 0 : index
    tpu.barrier barrier_id(%barrier3A)
    %mul3A = arith.constant 16 : i32
    %mul3A_9 = arith.muli %arg0, %mul3A : i32
    %add3A = arith.addi %mul3A_9, %arg1 : i32
    %mul3A_10 = arith.constant 80 : i32
    %mul3A_11 = arith.muli %add3A, %mul3A_10 : i32
    %add3A_12 = arith.constant 2560 : i32
    %add3A_13 = arith.addi %add3A_12, %mul3A_11 : i32
    %add3A_14 = arith.constant 2560 : i32
    %add3A_15 = arith.addi %add3A_14, %mul3A_11 : i32
    %scan3A_16 = arith.constant 0 : i32
    %scan3A_17 = arith.constant 2 : i32
    %scan3A_18 = arith.addi %scan3A_16, %scan3A_17 : i32
    %scan3A_19 = arith.constant 1 : i32
    scf.for %scan3A_31 = %scan3A_16 to %scan3A_18 step %scan3A_19  : i32 {
      %mul3A_32 = arith.constant 1 : i32
      %mul3A_33 = arith.muli %scan3A_31, %mul3A_32 : i32
      %add3A_34 = arith.constant 0 : i32
      %add3A_35 = arith.addi %add3A_34, %mul3A_33 : i32
      %mul3A_36 = arith.constant 40 : i32
      %mul3A_37 = arith.muli %add3A_35, %mul3A_36 : i32
      %add3A_38 = arith.addi %mul3A_11, %mul3A_37 : i32
      "tpu.region"() ({
        %run_scoped3A = tpu.sem_alloc : memref<!tpu.dma_semaphore, #tpu.memory_space<semaphore_mem>>
        %dma_start3A_126 = arith.constant 0 : i32
        %dma_start3A_127 = tpu.memref_slice %arg3[%add3A_38, %dma_start3A_126] : memref<5120x128xi32, #tpu.memory_space<hbm>> -> memref<40x128xi32, #tpu.memory_space<hbm>>
        %dma_start3A_128 = arith.constant 0 : i32
        %dma_start3A_129 = tpu.memref_slice %arg3[%add3A_38, %dma_start3A_128] : memref<5120x128xi32, #tpu.memory_space<hbm>> -> memref<40x128xi32, #tpu.memory_space<hbm>>
        tpu.enqueue_dma source(%dma_start3A_129 : memref<40x128xi32, #tpu.memory_space<hbm>>) target(%arg5 : memref<40x128xi32, #tpu.memory_space<vmem>>) target_semaphore(%run_scoped3A : memref<!tpu.dma_semaphore, #tpu.memory_space<semaphore_mem>>)
        %dma_wait3A = arith.constant 0 : i32
        %dma_wait3A_130 = tpu.memref_slice %arg3[%add3A_38, %dma_wait3A] : memref<5120x128xi32, #tpu.memory_space<hbm>> -> memref<40x128xi32, #tpu.memory_space<hbm>>
        %dma_wait3A_131 = arith.constant 0 : i32
        %dma_wait3A_132 = tpu.memref_slice %arg3[%add3A_38, %dma_wait3A_131] : memref<5120x128xi32, #tpu.memory_space<hbm>> -> memref<40x128xi32, #tpu.memory_space<hbm>>
        tpu.wait_dma2 semaphore(%run_scoped3A : memref<!tpu.dma_semaphore, #tpu.memory_space<semaphore_mem>>) src(%dma_wait3A_132 : memref<40x128xi32, #tpu.memory_space<hbm>>) dst(%arg5 : memref<40x128xi32, #tpu.memory_space<vmem>>)
        tpu.yield
      }) : () -> ()
      %mul3A_39 = arith.constant 40 : i32
      %mul3A_40 = arith.muli %add3A_35, %mul3A_39 : i32
      %add3A_41 = arith.addi %add3A_13, %mul3A_40 : i32
      "tpu.region"() ({
        %run_scoped3A = tpu.sem_alloc : memref<!tpu.dma_semaphore, #tpu.memory_space<semaphore_mem>>
        %dma_start3A_126 = arith.constant 0 : i32
        %dma_start3A_127 = tpu.memref_slice %arg3[%add3A_41, %dma_start3A_126] : memref<5120x128xi32, #tpu.memory_space<hbm>> -> memref<40x128xi32, #tpu.memory_space<hbm>>
        %dma_start3A_128 = arith.constant 0 : i32
        %dma_start3A_129 = tpu.memref_slice %arg3[%add3A_41, %dma_start3A_128] : memref<5120x128xi32, #tpu.memory_space<hbm>> -> memref<40x128xi32, #tpu.memory_space<hbm>>
        tpu.enqueue_dma source(%dma_start3A_129 : memref<40x128xi32, #tpu.memory_space<hbm>>) target(%arg6 : memref<40x128xi32, #tpu.memory_space<vmem>>) target_semaphore(%run_scoped3A : memref<!tpu.dma_semaphore, #tpu.memory_space<semaphore_mem>>)
        %dma_wait3A = arith.constant 0 : i32
        %dma_wait3A_130 = tpu.memref_slice %arg3[%add3A_41, %dma_wait3A] : memref<5120x128xi32, #tpu.memory_space<hbm>> -> memref<40x128xi32, #tpu.memory_space<hbm>>
        %dma_wait3A_131 = arith.constant 0 : i32
        %dma_wait3A_132 = tpu.memref_slice %arg3[%add3A_41, %dma_wait3A_131] : memref<5120x128xi32, #tpu.memory_space<hbm>> -> memref<40x128xi32, #tpu.memory_space<hbm>>
        tpu.wait_dma2 semaphore(%run_scoped3A : memref<!tpu.dma_semaphore, #tpu.memory_space<semaphore_mem>>) src(%dma_wait3A_132 : memref<40x128xi32, #tpu.memory_space<hbm>>) dst(%arg6 : memref<40x128xi32, #tpu.memory_space<vmem>>)
        tpu.yield
      }) : () -> ()
      %dma_start3A = arith.constant 0 : i32
      %dma_start3A_42 = arith.constant 0 : i32
      %dma_start3A_43 = arith.constant 0 : i32
      %dma_start3A_44 = tpu.memref_slice %arg7[%dma_start3A_42, %dma_start3A_43] : memref<128x128xf32, #tpu.memory_space<vmem>> -> memref<32x128xf32, #tpu.memory_space<vmem>>
      %dma_start3A_45 = arith.constant 0 : i32
      %dma_start3A_46 = tpu.memref_slice %arg5[%dma_start3A, %dma_start3A_45] : memref<40x128xi32, #tpu.memory_space<vmem>> -> memref<1x32xi32, #tpu.memory_space<vmem>>
      %dma_start3A_47 = tpu.memref_squeeze %dma_start3A_46 : memref<1x32xi32, #tpu.memory_space<vmem>> -> memref<32xi32, #tpu.memory_space<vmem>>
      %dma_start3A_48 = arith.constant 0 : i32
      %dma_start3A_49 = arith.constant 0 : i32
      %dma_start3A_50 = tpu.memref_slice %arg2[%dma_start3A_48, %dma_start3A_49] : memref<10240x128xf32, #tpu.memory_space<hbm>> -> memref<10240x128xf32, #tpu.memory_space<hbm>>
      tpu.enqueue_indirect_dma source(%dma_start3A_50 : memref<10240x128xf32, #tpu.memory_space<hbm>>) target(%dma_start3A_44 : memref<32x128xf32, #tpu.memory_space<vmem>>) offsets(%dma_start3A_47 : memref<32xi32, #tpu.memory_space<vmem>>) semaphore(%arg10 : memref<!tpu.dma_semaphore, #tpu.memory_space<semaphore_mem>>)
      %dma_start3A_51 = arith.constant 0 : i32
      %dma_start3A_52 = arith.constant 32 : i32
      %dma_start3A_53 = arith.constant 0 : i32
      %dma_start3A_54 = tpu.memref_slice %arg7[%dma_start3A_52, %dma_start3A_53] : memref<128x128xf32, #tpu.memory_space<vmem>> -> memref<32x128xf32, #tpu.memory_space<vmem>>
      %dma_start3A_55 = arith.constant 32 : i32
      %dma_start3A_56 = tpu.memref_slice %arg5[%dma_start3A_51, %dma_start3A_55] : memref<40x128xi32, #tpu.memory_space<vmem>> -> memref<1x32xi32, #tpu.memory_space<vmem>>
      %dma_start3A_57 = tpu.memref_squeeze %dma_start3A_56 : memref<1x32xi32, #tpu.memory_space<vmem>> -> memref<32xi32, #tpu.memory_space<vmem>>
      %dma_start3A_58 = arith.constant 0 : i32
      %dma_start3A_59 = arith.constant 0 : i32
      %dma_start3A_60 = tpu.memref_slice %arg2[%dma_start3A_58, %dma_start3A_59] : memref<10240x128xf32, #tpu.memory_space<hbm>> -> memref<10240x128xf32, #tpu.memory_space<hbm>>
      tpu.enqueue_indirect_dma source(%dma_start3A_60 : memref<10240x128xf32, #tpu.memory_space<hbm>>) target(%dma_start3A_54 : memref<32x128xf32, #tpu.memory_space<vmem>>) offsets(%dma_start3A_57 : memref<32xi32, #tpu.memory_space<vmem>>) semaphore(%arg10 : memref<!tpu.dma_semaphore, #tpu.memory_space<semaphore_mem>>)
      %dma_start3A_61 = arith.constant 0 : i32
      %dma_start3A_62 = arith.constant 64 : i32
      %dma_start3A_63 = arith.constant 0 : i32
      %dma_start3A_64 = tpu.memref_slice %arg7[%dma_start3A_62, %dma_start3A_63] : memref<128x128xf32, #tpu.memory_space<vmem>> -> memref<32x128xf32, #tpu.memory_space<vmem>>
      %dma_start3A_65 = arith.constant 64 : i32
      %dma_start3A_66 = tpu.memref_slice %arg5[%dma_start3A_61, %dma_start3A_65] : memref<40x128xi32, #tpu.memory_space<vmem>> -> memref<1x32xi32, #tpu.memory_space<vmem>>
      %dma_start3A_67 = tpu.memref_squeeze %dma_start3A_66 : memref<1x32xi32, #tpu.memory_space<vmem>> -> memref<32xi32, #tpu.memory_space<vmem>>
      %dma_start3A_68 = arith.constant 0 : i32
      %dma_start3A_69 = arith.constant 0 : i32
      %dma_start3A_70 = tpu.memref_slice %arg2[%dma_start3A_68, %dma_start3A_69] : memref<10240x128xf32, #tpu.memory_space<hbm>> -> memref<10240x128xf32, #tpu.memory_space<hbm>>
      tpu.enqueue_indirect_dma source(%dma_start3A_70 : memref<10240x128xf32, #tpu.memory_space<hbm>>) target(%dma_start3A_64 : memref<32x128xf32, #tpu.memory_space<vmem>>) offsets(%dma_start3A_67 : memref<32xi32, #tpu.memory_space<vmem>>) semaphore(%arg10 : memref<!tpu.dma_semaphore, #tpu.memory_space<semaphore_mem>>)
      %dma_start3A_71 = arith.constant 0 : i32
      %dma_start3A_72 = arith.constant 96 : i32
      %dma_start3A_73 = arith.constant 0 : i32
      %dma_start3A_74 = tpu.memref_slice %arg7[%dma_start3A_72, %dma_start3A_73] : memref<128x128xf32, #tpu.memory_space<vmem>> -> memref<32x128xf32, #tpu.memory_space<vmem>>
      %dma_start3A_75 = arith.constant 96 : i32
      %dma_start3A_76 = tpu.memref_slice %arg5[%dma_start3A_71, %dma_start3A_75] : memref<40x128xi32, #tpu.memory_space<vmem>> -> memref<1x32xi32, #tpu.memory_space<vmem>>
      %dma_start3A_77 = tpu.memref_squeeze %dma_start3A_76 : memref<1x32xi32, #tpu.memory_space<vmem>> -> memref<32xi32, #tpu.memory_space<vmem>>
      %dma_start3A_78 = arith.constant 0 : i32
      %dma_start3A_79 = arith.constant 0 : i32
      %dma_start3A_80 = tpu.memref_slice %arg2[%dma_start3A_78, %dma_start3A_79] : memref<10240x128xf32, #tpu.memory_space<hbm>> -> memref<10240x128xf32, #tpu.memory_space<hbm>>
      tpu.enqueue_indirect_dma source(%dma_start3A_80 : memref<10240x128xf32, #tpu.memory_space<hbm>>) target(%dma_start3A_74 : memref<32x128xf32, #tpu.memory_space<vmem>>) offsets(%dma_start3A_77 : memref<32xi32, #tpu.memory_space<vmem>>) semaphore(%arg10 : memref<!tpu.dma_semaphore, #tpu.memory_space<semaphore_mem>>)
      %dma_start3A_81 = arith.constant 1 : i32
      %dma_start3A_82 = arith.constant 0 : i32
      %dma_start3A_83 = arith.constant 0 : i32
      %dma_start3A_84 = tpu.memref_slice %arg8[%dma_start3A_82, %dma_start3A_83] : memref<128x128xf32, #tpu.memory_space<vmem>> -> memref<32x128xf32, #tpu.memory_space<vmem>>
      %dma_start3A_85 = arith.constant 0 : i32
      %dma_start3A_86 = tpu.memref_slice %arg5[%dma_start3A_81, %dma_start3A_85] : memref<40x128xi32, #tpu.memory_space<vmem>> -> memref<1x32xi32, #tpu.memory_space<vmem>>
      %dma_start3A_87 = tpu.memref_squeeze %dma_start3A_86 : memref<1x32xi32, #tpu.memory_space<vmem>> -> memref<32xi32, #tpu.memory_space<vmem>>
      %dma_start3A_88 = arith.constant 0 : i32
      %dma_start3A_89 = arith.constant 0 : i32
      %dma_start3A_90 = tpu.memref_slice %arg2[%dma_start3A_88, %dma_start3A_89] : memref<10240x128xf32, #tpu.memory_space<hbm>> -> memref<10240x128xf32, #tpu.memory_space<hbm>>
      tpu.enqueue_indirect_dma source(%dma_start3A_90 : memref<10240x128xf32, #tpu.memory_space<hbm>>) target(%dma_start3A_84 : memref<32x128xf32, #tpu.memory_space<vmem>>) offsets(%dma_start3A_87 : memref<32xi32, #tpu.memory_space<vmem>>) semaphore(%arg11 : memref<!tpu.dma_semaphore, #tpu.memory_space<semaphore_mem>>)
      %dma_start3A_91 = arith.constant 1 : i32
      %dma_start3A_92 = arith.constant 32 : i32
      %dma_start3A_93 = arith.constant 0 : i32
      %dma_start3A_94 = tpu.memref_slice %arg8[%dma_start3A_92, %dma_start3A_93] : memref<128x128xf32, #tpu.memory_space<vmem>> -> memref<32x128xf32, #tpu.memory_space<vmem>>
      %dma_start3A_95 = arith.constant 32 : i32
      %dma_start3A_96 = tpu.memref_slice %arg5[%dma_start3A_91, %dma_start3A_95] : memref<40x128xi32, #tpu.memory_space<vmem>> -> memref<1x32xi32, #tpu.memory_space<vmem>>
      %dma_start3A_97 = tpu.memref_squeeze %dma_start3A_96 : memref<1x32xi32, #tpu.memory_space<vmem>> -> memref<32xi32, #tpu.memory_space<vmem>>
      %dma_start3A_98 = arith.constant 0 : i32
      %dma_start3A_99 = arith.constant 0 : i32
      %dma_start3A_100 = tpu.memref_slice %arg2[%dma_start3A_98, %dma_start3A_99] : memref<10240x128xf32, #tpu.memory_space<hbm>> -> memref<10240x128xf32, #tpu.memory_space<hbm>>
      tpu.enqueue_indirect_dma source(%dma_start3A_100 : memref<10240x128xf32, #tpu.memory_space<hbm>>) target(%dma_start3A_94 : memref<32x128xf32, #tpu.memory_space<vmem>>) offsets(%dma_start3A_97 : memref<32xi32, #tpu.memory_space<vmem>>) semaphore(%arg11 : memref<!tpu.dma_semaphore, #tpu.memory_space<semaphore_mem>>)
      %dma_start3A_101 = arith.constant 1 : i32
      %dma_start3A_102 = arith.constant 64 : i32
      %dma_start3A_103 = arith.constant 0 : i32
      %dma_start3A_104 = tpu.memref_slice %arg8[%dma_start3A_102, %dma_start3A_103] : memref<128x128xf32, #tpu.memory_space<vmem>> -> memref<32x128xf32, #tpu.memory_space<vmem>>
      %dma_start3A_105 = arith.constant 64 : i32
      %dma_start3A_106 = tpu.memref_slice %arg5[%dma_start3A_101, %dma_start3A_105] : memref<40x128xi32, #tpu.memory_space<vmem>> -> memref<1x32xi32, #tpu.memory_space<vmem>>
      %dma_start3A_107 = tpu.memref_squeeze %dma_start3A_106 : memref<1x32xi32, #tpu.memory_space<vmem>> -> memref<32xi32, #tpu.memory_space<vmem>>
      %dma_start3A_108 = arith.constant 0 : i32
      %dma_start3A_109 = arith.constant 0 : i32
      %dma_start3A_110 = tpu.memref_slice %arg2[%dma_start3A_108, %dma_start3A_109] : memref<10240x128xf32, #tpu.memory_space<hbm>> -> memref<10240x128xf32, #tpu.memory_space<hbm>>
      tpu.enqueue_indirect_dma source(%dma_start3A_110 : memref<10240x128xf32, #tpu.memory_space<hbm>>) target(%dma_start3A_104 : memref<32x128xf32, #tpu.memory_space<vmem>>) offsets(%dma_start3A_107 : memref<32xi32, #tpu.memory_space<vmem>>) semaphore(%arg11 : memref<!tpu.dma_semaphore, #tpu.memory_space<semaphore_mem>>)
      %dma_start3A_111 = arith.constant 1 : i32
      %dma_start3A_112 = arith.constant 96 : i32
      %dma_start3A_113 = arith.constant 0 : i32
      %dma_start3A_114 = tpu.memref_slice %arg8[%dma_start3A_112, %dma_start3A_113] : memref<128x128xf32, #tpu.memory_space<vmem>> -> memref<32x128xf32, #tpu.memory_space<vmem>>
      %dma_start3A_115 = arith.constant 96 : i32
      %dma_start3A_116 = tpu.memref_slice %arg5[%dma_start3A_111, %dma_start3A_115] : memref<40x128xi32, #tpu.memory_space<vmem>> -> memref<1x32xi32, #tpu.memory_space<vmem>>
      %dma_start3A_117 = tpu.memref_squeeze %dma_start3A_116 : memref<1x32xi32, #tpu.memory_space<vmem>> -> memref<32xi32, #tpu.memory_space<vmem>>
      %dma_start3A_118 = arith.constant 0 : i32
      %dma_start3A_119 = arith.constant 0 : i32
      %dma_start3A_120 = tpu.memref_slice %arg2[%dma_start3A_118, %dma_start3A_119] : memref<10240x128xf32, #tpu.memory_space<hbm>> -> memref<10240x128xf32, #tpu.memory_space<hbm>>
      tpu.enqueue_indirect_dma source(%dma_start3A_120 : memref<10240x128xf32, #tpu.memory_space<hbm>>) target(%dma_start3A_114 : memref<32x128xf32, #tpu.memory_space<vmem>>) offsets(%dma_start3A_117 : memref<32xi32, #tpu.memory_space<vmem>>) semaphore(%arg11 : memref<!tpu.dma_semaphore, #tpu.memory_space<semaphore_mem>>)
      %scan3A_121 = arith.constant 0 : i32
      %scan3A_122 = arith.constant 20 : i32
      %scan3A_123 = arith.addi %scan3A_121, %scan3A_122 : i32
      %scan3A_124 = arith.constant 1 : i32
      scf.for %scan3A_126 = %scan3A_121 to %scan3A_123 step %scan3A_124  : i32 {
        %mul3A_127 = arith.constant 1 : i32
        %mul3A_128 = arith.muli %scan3A_126, %mul3A_127 : i32
        %add3A_129 = arith.constant 0 : i32
        %add3A_130 = arith.addi %add3A_129, %mul3A_128 : i32
        %mul3A_131 = arith.constant 2 : i32
        %mul3A_132 = arith.muli %mul3A_131, %add3A_130 : i32
        %add3A_133 = arith.constant 1 : i32
        %add3A_134 = arith.addi %mul3A_132, %add3A_133 : i32
        %dma_wait3A = arith.constant 0 : i32
        %dma_wait3A_135 = arith.constant 0 : i32
        %dma_wait3A_136 = tpu.memref_slice %arg7[%dma_wait3A, %dma_wait3A_135] : memref<128x128xf32, #tpu.memory_space<vmem>> -> memref<32x128xf32, #tpu.memory_space<vmem>>
        %dma_wait3A_137 = arith.constant 0 : i32
        %dma_wait3A_138 = tpu.memref_slice %arg5[%mul3A_132, %dma_wait3A_137] : memref<40x128xi32, #tpu.memory_space<vmem>> -> memref<1x32xi32, #tpu.memory_space<vmem>>
        %dma_wait3A_139 = tpu.memref_squeeze %dma_wait3A_138 : memref<1x32xi32, #tpu.memory_space<vmem>> -> memref<32xi32, #tpu.memory_space<vmem>>
        %dma_wait3A_140 = arith.constant 0 : i32
        %dma_wait3A_141 = arith.constant 0 : i32
        %dma_wait3A_142 = tpu.memref_slice %arg2[%dma_wait3A_140, %dma_wait3A_141] : memref<10240x128xf32, #tpu.memory_space<hbm>> -> memref<10240x128xf32, #tpu.memory_space<hbm>>
        tpu.wait_indirect_dma semaphore(%arg10 : memref<!tpu.dma_semaphore, #tpu.memory_space<semaphore_mem>>) src(%dma_wait3A_142 : memref<10240x128xf32, #tpu.memory_space<hbm>>) dst(%dma_wait3A_136 : memref<32x128xf32, #tpu.memory_space<vmem>>)
        %dma_wait3A_143 = arith.constant 32 : i32
        %dma_wait3A_144 = arith.constant 0 : i32
        %dma_wait3A_145 = tpu.memref_slice %arg7[%dma_wait3A_143, %dma_wait3A_144] : memref<128x128xf32, #tpu.memory_space<vmem>> -> memref<32x128xf32, #tpu.memory_space<vmem>>
        %dma_wait3A_146 = arith.constant 32 : i32
        %dma_wait3A_147 = tpu.memref_slice %arg5[%mul3A_132, %dma_wait3A_146] : memref<40x128xi32, #tpu.memory_space<vmem>> -> memref<1x32xi32, #tpu.memory_space<vmem>>
        %dma_wait3A_148 = tpu.memref_squeeze %dma_wait3A_147 : memref<1x32xi32, #tpu.memory_space<vmem>> -> memref<32xi32, #tpu.memory_space<vmem>>
        %dma_wait3A_149 = arith.constant 0 : i32
        %dma_wait3A_150 = arith.constant 0 : i32
        %dma_wait3A_151 = tpu.memref_slice %arg2[%dma_wait3A_149, %dma_wait3A_150] : memref<10240x128xf32, #tpu.memory_space<hbm>> -> memref<10240x128xf32, #tpu.memory_space<hbm>>
        tpu.wait_indirect_dma semaphore(%arg10 : memref<!tpu.dma_semaphore, #tpu.memory_space<semaphore_mem>>) src(%dma_wait3A_151 : memref<10240x128xf32, #tpu.memory_space<hbm>>) dst(%dma_wait3A_145 : memref<32x128xf32, #tpu.memory_space<vmem>>)
        %dma_wait3A_152 = arith.constant 64 : i32
        %dma_wait3A_153 = arith.constant 0 : i32
        %dma_wait3A_154 = tpu.memref_slice %arg7[%dma_wait3A_152, %dma_wait3A_153] : memref<128x128xf32, #tpu.memory_space<vmem>> -> memref<32x128xf32, #tpu.memory_space<vmem>>
        %dma_wait3A_155 = arith.constant 64 : i32
        %dma_wait3A_156 = tpu.memref_slice %arg5[%mul3A_132, %dma_wait3A_155] : memref<40x128xi32, #tpu.memory_space<vmem>> -> memref<1x32xi32, #tpu.memory_space<vmem>>
        %dma_wait3A_157 = tpu.memref_squeeze %dma_wait3A_156 : memref<1x32xi32, #tpu.memory_space<vmem>> -> memref<32xi32, #tpu.memory_space<vmem>>
        %dma_wait3A_158 = arith.constant 0 : i32
        %dma_wait3A_159 = arith.constant 0 : i32
        %dma_wait3A_160 = tpu.memref_slice %arg2[%dma_wait3A_158, %dma_wait3A_159] : memref<10240x128xf32, #tpu.memory_space<hbm>> -> memref<10240x128xf32, #tpu.memory_space<hbm>>
        tpu.wait_indirect_dma semaphore(%arg10 : memref<!tpu.dma_semaphore, #tpu.memory_space<semaphore_mem>>) src(%dma_wait3A_160 : memref<10240x128xf32, #tpu.memory_space<hbm>>) dst(%dma_wait3A_154 : memref<32x128xf32, #tpu.memory_space<vmem>>)
        %dma_wait3A_161 = arith.constant 96 : i32
        %dma_wait3A_162 = arith.constant 0 : i32
        %dma_wait3A_163 = tpu.memref_slice %arg7[%dma_wait3A_161, %dma_wait3A_162] : memref<128x128xf32, #tpu.memory_space<vmem>> -> memref<32x128xf32, #tpu.memory_space<vmem>>
        %dma_wait3A_164 = arith.constant 96 : i32
        %dma_wait3A_165 = tpu.memref_slice %arg5[%mul3A_132, %dma_wait3A_164] : memref<40x128xi32, #tpu.memory_space<vmem>> -> memref<1x32xi32, #tpu.memory_space<vmem>>
        %dma_wait3A_166 = tpu.memref_squeeze %dma_wait3A_165 : memref<1x32xi32, #tpu.memory_space<vmem>> -> memref<32xi32, #tpu.memory_space<vmem>>
        %dma_wait3A_167 = arith.constant 0 : i32
        %dma_wait3A_168 = arith.constant 0 : i32
        %dma_wait3A_169 = tpu.memref_slice %arg2[%dma_wait3A_167, %dma_wait3A_168] : memref<10240x128xf32, #tpu.memory_space<hbm>> -> memref<10240x128xf32, #tpu.memory_space<hbm>>
        tpu.wait_indirect_dma semaphore(%arg10 : memref<!tpu.dma_semaphore, #tpu.memory_space<semaphore_mem>>) src(%dma_wait3A_169 : memref<10240x128xf32, #tpu.memory_space<hbm>>) dst(%dma_wait3A_163 : memref<32x128xf32, #tpu.memory_space<vmem>>)
        "tpu.region"() ({
          %run_scoped3A = tpu.sem_alloc : memref<!tpu.dma_semaphore, #tpu.memory_space<semaphore_mem>>
          %dma_start3A_217 = arith.constant 0 : i32
          %dma_start3A_218 = tpu.memref_slice %arg6[%mul3A_132, %dma_start3A_217] : memref<40x128xi32, #tpu.memory_space<vmem>> -> memref<1x128xi32, #tpu.memory_space<vmem>>
          %dma_start3A_219 = tpu.memref_squeeze %dma_start3A_218 : memref<1x128xi32, #tpu.memory_space<vmem>> -> memref<128xi32, #tpu.memory_space<vmem>>
          %dma_start3A_220 = arith.constant 0 : i32
          %dma_start3A_221 = arith.constant 0 : i32
          %dma_start3A_222 = tpu.memref_slice %arg9[%dma_start3A_220, %dma_start3A_221] : memref<10240x128xf32, #tpu.memory_space<vmem_shared>> -> memref<10240x128xf32, #tpu.memory_space<vmem_shared>>
          tpu.enqueue_indirect_dma source(%arg7 : memref<128x128xf32, #tpu.memory_space<vmem>>) target(%dma_start3A_222 : memref<10240x128xf32, #tpu.memory_space<vmem_shared>>) offsets(%dma_start3A_219 : memref<128xi32, #tpu.memory_space<vmem>>) semaphore(%run_scoped3A : memref<!tpu.dma_semaphore, #tpu.memory_space<semaphore_mem>>) {add = true}
          %dma_wait3A_223 = arith.constant 0 : i32
          %dma_wait3A_224 = tpu.memref_slice %arg6[%mul3A_132, %dma_wait3A_223] : memref<40x128xi32, #tpu.memory_space<vmem>> -> memref<1x128xi32, #tpu.memory_space<vmem>>
          %dma_wait3A_225 = tpu.memref_squeeze %dma_wait3A_224 : memref<1x128xi32, #tpu.memory_space<vmem>> -> memref<128xi32, #tpu.memory_space<vmem>>
          %dma_wait3A_226 = arith.constant 0 : i32
          %dma_wait3A_227 = arith.constant 0 : i32
          %dma_wait3A_228 = tpu.memref_slice %arg9[%dma_wait3A_226, %dma_wait3A_227] : memref<10240x128xf32, #tpu.memory_space<vmem_shared>> -> memref<10240x128xf32, #tpu.memory_space<vmem_shared>>
          tpu.wait_indirect_dma semaphore(%run_scoped3A : memref<!tpu.dma_semaphore, #tpu.memory_space<semaphore_mem>>) src(%arg7 : memref<128x128xf32, #tpu.memory_space<vmem>>) dst(%dma_wait3A_228 : memref<10240x128xf32, #tpu.memory_space<vmem_shared>>)
          tpu.yield
        }) : () -> ()
        %add3A_170 = arith.constant 2 : i32
        %add3A_171 = arith.addi %mul3A_132, %add3A_170 : i32
        %lt3A = arith.constant 40 : i32
        %lt3A_172 = arith.cmpi slt, %add3A_171, %lt3A : i32
        %convert_element_type3A = arith.extui %lt3A_172 : i1 to i32
        %cond3A = arith.constant 0 : i32
        %cond3A_173 = arith.cmpi ne, %convert_element_type3A, %cond3A : i32
        scf.if %cond3A_173 {
          %add3A_217 = arith.constant 2 : i32
          %add3A_218 = arith.addi %mul3A_132, %add3A_217 : i32
          %dma_start3A_219 = arith.constant 0 : i32
          %dma_start3A_220 = arith.constant 0 : i32
          %dma_start3A_221 = tpu.memref_slice %arg7[%dma_start3A_219, %dma_start3A_220] : memref<128x128xf32, #tpu.memory_space<vmem>> -> memref<32x128xf32, #tpu.memory_space<vmem>>
          %dma_start3A_222 = arith.constant 0 : i32
          %dma_start3A_223 = tpu.memref_slice %arg5[%add3A_218, %dma_start3A_222] : memref<40x128xi32, #tpu.memory_space<vmem>> -> memref<1x32xi32, #tpu.memory_space<vmem>>
          %dma_start3A_224 = tpu.memref_squeeze %dma_start3A_223 : memref<1x32xi32, #tpu.memory_space<vmem>> -> memref<32xi32, #tpu.memory_space<vmem>>
          %dma_start3A_225 = arith.constant 0 : i32
          %dma_start3A_226 = arith.constant 0 : i32
          %dma_start3A_227 = tpu.memref_slice %arg2[%dma_start3A_225, %dma_start3A_226] : memref<10240x128xf32, #tpu.memory_space<hbm>> -> memref<10240x128xf32, #tpu.memory_space<hbm>>
          tpu.enqueue_indirect_dma source(%dma_start3A_227 : memref<10240x128xf32, #tpu.memory_space<hbm>>) target(%dma_start3A_221 : memref<32x128xf32, #tpu.memory_space<vmem>>) offsets(%dma_start3A_224 : memref<32xi32, #tpu.memory_space<vmem>>) semaphore(%arg10 : memref<!tpu.dma_semaphore, #tpu.memory_space<semaphore_mem>>)
          %dma_start3A_228 = arith.constant 32 : i32
          %dma_start3A_229 = arith.constant 0 : i32
          %dma_start3A_230 = tpu.memref_slice %arg7[%dma_start3A_228, %dma_start3A_229] : memref<128x128xf32, #tpu.memory_space<vmem>> -> memref<32x128xf32, #tpu.memory_space<vmem>>
          %dma_start3A_231 = arith.constant 32 : i32
          %dma_start3A_232 = tpu.memref_slice %arg5[%add3A_218, %dma_start3A_231] : memref<40x128xi32, #tpu.memory_space<vmem>> -> memref<1x32xi32, #tpu.memory_space<vmem>>
          %dma_start3A_233 = tpu.memref_squeeze %dma_start3A_232 : memref<1x32xi32, #tpu.memory_space<vmem>> -> memref<32xi32, #tpu.memory_space<vmem>>
          %dma_start3A_234 = arith.constant 0 : i32
          %dma_start3A_235 = arith.constant 0 : i32
          %dma_start3A_236 = tpu.memref_slice %arg2[%dma_start3A_234, %dma_start3A_235] : memref<10240x128xf32, #tpu.memory_space<hbm>> -> memref<10240x128xf32, #tpu.memory_space<hbm>>
          tpu.enqueue_indirect_dma source(%dma_start3A_236 : memref<10240x128xf32, #tpu.memory_space<hbm>>) target(%dma_start3A_230 : memref<32x128xf32, #tpu.memory_space<vmem>>) offsets(%dma_start3A_233 : memref<32xi32, #tpu.memory_space<vmem>>) semaphore(%arg10 : memref<!tpu.dma_semaphore, #tpu.memory_space<semaphore_mem>>)
          %dma_start3A_237 = arith.constant 64 : i32
          %dma_start3A_238 = arith.constant 0 : i32
          %dma_start3A_239 = tpu.memref_slice %arg7[%dma_start3A_237, %dma_start3A_238] : memref<128x128xf32, #tpu.memory_space<vmem>> -> memref<32x128xf32, #tpu.memory_space<vmem>>
          %dma_start3A_240 = arith.constant 64 : i32
          %dma_start3A_241 = tpu.memref_slice %arg5[%add3A_218, %dma_start3A_240] : memref<40x128xi32, #tpu.memory_space<vmem>> -> memref<1x32xi32, #tpu.memory_space<vmem>>
          %dma_start3A_242 = tpu.memref_squeeze %dma_start3A_241 : memref<1x32xi32, #tpu.memory_space<vmem>> -> memref<32xi32, #tpu.memory_space<vmem>>
          %dma_start3A_243 = arith.constant 0 : i32
          %dma_start3A_244 = arith.constant 0 : i32
          %dma_start3A_245 = tpu.memref_slice %arg2[%dma_start3A_243, %dma_start3A_244] : memref<10240x128xf32, #tpu.memory_space<hbm>> -> memref<10240x128xf32, #tpu.memory_space<hbm>>
          tpu.enqueue_indirect_dma source(%dma_start3A_245 : memref<10240x128xf32, #tpu.memory_space<hbm>>) target(%dma_start3A_239 : memref<32x128xf32, #tpu.memory_space<vmem>>) offsets(%dma_start3A_242 : memref<32xi32, #tpu.memory_space<vmem>>) semaphore(%arg10 : memref<!tpu.dma_semaphore, #tpu.memory_space<semaphore_mem>>)
          %dma_start3A_246 = arith.constant 96 : i32
          %dma_start3A_247 = arith.constant 0 : i32
          %dma_start3A_248 = tpu.memref_slice %arg7[%dma_start3A_246, %dma_start3A_247] : memref<128x128xf32, #tpu.memory_space<vmem>> -> memref<32x128xf32, #tpu.memory_space<vmem>>
          %dma_start3A_249 = arith.constant 96 : i32
          %dma_start3A_250 = tpu.memref_slice %arg5[%add3A_218, %dma_start3A_249] : memref<40x128xi32, #tpu.memory_space<vmem>> -> memref<1x32xi32, #tpu.memory_space<vmem>>
          %dma_start3A_251 = tpu.memref_squeeze %dma_start3A_250 : memref<1x32xi32, #tpu.memory_space<vmem>> -> memref<32xi32, #tpu.memory_space<vmem>>
          %dma_start3A_252 = arith.constant 0 : i32
          %dma_start3A_253 = arith.constant 0 : i32
          %dma_start3A_254 = tpu.memref_slice %arg2[%dma_start3A_252, %dma_start3A_253] : memref<10240x128xf32, #tpu.memory_space<hbm>> -> memref<10240x128xf32, #tpu.memory_space<hbm>>
          tpu.enqueue_indirect_dma source(%dma_start3A_254 : memref<10240x128xf32, #tpu.memory_space<hbm>>) target(%dma_start3A_248 : memref<32x128xf32, #tpu.memory_space<vmem>>) offsets(%dma_start3A_251 : memref<32xi32, #tpu.memory_space<vmem>>) semaphore(%arg10 : memref<!tpu.dma_semaphore, #tpu.memory_space<semaphore_mem>>)
        } else {
        }
        %dma_wait3A_174 = arith.constant 0 : i32
        %dma_wait3A_175 = arith.constant 0 : i32
        %dma_wait3A_176 = tpu.memref_slice %arg8[%dma_wait3A_174, %dma_wait3A_175] : memref<128x128xf32, #tpu.memory_space<vmem>> -> memref<32x128xf32, #tpu.memory_space<vmem>>
        %dma_wait3A_177 = arith.constant 0 : i32
        %dma_wait3A_178 = tpu.memref_slice %arg5[%add3A_134, %dma_wait3A_177] : memref<40x128xi32, #tpu.memory_space<vmem>> -> memref<1x32xi32, #tpu.memory_space<vmem>>
        %dma_wait3A_179 = tpu.memref_squeeze %dma_wait3A_178 : memref<1x32xi32, #tpu.memory_space<vmem>> -> memref<32xi32, #tpu.memory_space<vmem>>
        %dma_wait3A_180 = arith.constant 0 : i32
        %dma_wait3A_181 = arith.constant 0 : i32
        %dma_wait3A_182 = tpu.memref_slice %arg2[%dma_wait3A_180, %dma_wait3A_181] : memref<10240x128xf32, #tpu.memory_space<hbm>> -> memref<10240x128xf32, #tpu.memory_space<hbm>>
        tpu.wait_indirect_dma semaphore(%arg11 : memref<!tpu.dma_semaphore, #tpu.memory_space<semaphore_mem>>) src(%dma_wait3A_182 : memref<10240x128xf32, #tpu.memory_space<hbm>>) dst(%dma_wait3A_176 : memref<32x128xf32, #tpu.memory_space<vmem>>)
        %dma_wait3A_183 = arith.constant 32 : i32
        %dma_wait3A_184 = arith.constant 0 : i32
        %dma_wait3A_185 = tpu.memref_slice %arg8[%dma_wait3A_183, %dma_wait3A_184] : memref<128x128xf32, #tpu.memory_space<vmem>> -> memref<32x128xf32, #tpu.memory_space<vmem>>
        %dma_wait3A_186 = arith.constant 32 : i32
        %dma_wait3A_187 = tpu.memref_slice %arg5[%add3A_134, %dma_wait3A_186] : memref<40x128xi32, #tpu.memory_space<vmem>> -> memref<1x32xi32, #tpu.memory_space<vmem>>
        %dma_wait3A_188 = tpu.memref_squeeze %dma_wait3A_187 : memref<1x32xi32, #tpu.memory_space<vmem>> -> memref<32xi32, #tpu.memory_space<vmem>>
        %dma_wait3A_189 = arith.constant 0 : i32
        %dma_wait3A_190 = arith.constant 0 : i32
        %dma_wait3A_191 = tpu.memref_slice %arg2[%dma_wait3A_189, %dma_wait3A_190] : memref<10240x128xf32, #tpu.memory_space<hbm>> -> memref<10240x128xf32, #tpu.memory_space<hbm>>
        tpu.wait_indirect_dma semaphore(%arg11 : memref<!tpu.dma_semaphore, #tpu.memory_space<semaphore_mem>>) src(%dma_wait3A_191 : memref<10240x128xf32, #tpu.memory_space<hbm>>) dst(%dma_wait3A_185 : memref<32x128xf32, #tpu.memory_space<vmem>>)
        %dma_wait3A_192 = arith.constant 64 : i32
        %dma_wait3A_193 = arith.constant 0 : i32
        %dma_wait3A_194 = tpu.memref_slice %arg8[%dma_wait3A_192, %dma_wait3A_193] : memref<128x128xf32, #tpu.memory_space<vmem>> -> memref<32x128xf32, #tpu.memory_space<vmem>>
        %dma_wait3A_195 = arith.constant 64 : i32
        %dma_wait3A_196 = tpu.memref_slice %arg5[%add3A_134, %dma_wait3A_195] : memref<40x128xi32, #tpu.memory_space<vmem>> -> memref<1x32xi32, #tpu.memory_space<vmem>>
        %dma_wait3A_197 = tpu.memref_squeeze %dma_wait3A_196 : memref<1x32xi32, #tpu.memory_space<vmem>> -> memref<32xi32, #tpu.memory_space<vmem>>
        %dma_wait3A_198 = arith.constant 0 : i32
        %dma_wait3A_199 = arith.constant 0 : i32
        %dma_wait3A_200 = tpu.memref_slice %arg2[%dma_wait3A_198, %dma_wait3A_199] : memref<10240x128xf32, #tpu.memory_space<hbm>> -> memref<10240x128xf32, #tpu.memory_space<hbm>>
        tpu.wait_indirect_dma semaphore(%arg11 : memref<!tpu.dma_semaphore, #tpu.memory_space<semaphore_mem>>) src(%dma_wait3A_200 : memref<10240x128xf32, #tpu.memory_space<hbm>>) dst(%dma_wait3A_194 : memref<32x128xf32, #tpu.memory_space<vmem>>)
        %dma_wait3A_201 = arith.constant 96 : i32
        %dma_wait3A_202 = arith.constant 0 : i32
        %dma_wait3A_203 = tpu.memref_slice %arg8[%dma_wait3A_201, %dma_wait3A_202] : memref<128x128xf32, #tpu.memory_space<vmem>> -> memref<32x128xf32, #tpu.memory_space<vmem>>
        %dma_wait3A_204 = arith.constant 96 : i32
        %dma_wait3A_205 = tpu.memref_slice %arg5[%add3A_134, %dma_wait3A_204] : memref<40x128xi32, #tpu.memory_space<vmem>> -> memref<1x32xi32, #tpu.memory_space<vmem>>
        %dma_wait3A_206 = tpu.memref_squeeze %dma_wait3A_205 : memref<1x32xi32, #tpu.memory_space<vmem>> -> memref<32xi32, #tpu.memory_space<vmem>>
        %dma_wait3A_207 = arith.constant 0 : i32
        %dma_wait3A_208 = arith.constant 0 : i32
        %dma_wait3A_209 = tpu.memref_slice %arg2[%dma_wait3A_207, %dma_wait3A_208] : memref<10240x128xf32, #tpu.memory_space<hbm>> -> memref<10240x128xf32, #tpu.memory_space<hbm>>
        tpu.wait_indirect_dma semaphore(%arg11 : memref<!tpu.dma_semaphore, #tpu.memory_space<semaphore_mem>>) src(%dma_wait3A_209 : memref<10240x128xf32, #tpu.memory_space<hbm>>) dst(%dma_wait3A_203 : memref<32x128xf32, #tpu.memory_space<vmem>>)
        "tpu.region"() ({
          %run_scoped3A = tpu.sem_alloc : memref<!tpu.dma_semaphore, #tpu.memory_space<semaphore_mem>>
          %dma_start3A_217 = arith.constant 0 : i32
          %dma_start3A_218 = tpu.memref_slice %arg6[%add3A_134, %dma_start3A_217] : memref<40x128xi32, #tpu.memory_space<vmem>> -> memref<1x128xi32, #tpu.memory_space<vmem>>
          %dma_start3A_219 = tpu.memref_squeeze %dma_start3A_218 : memref<1x128xi32, #tpu.memory_space<vmem>> -> memref<128xi32, #tpu.memory_space<vmem>>
          %dma_start3A_220 = arith.constant 0 : i32
          %dma_start3A_221 = arith.constant 0 : i32
          %dma_start3A_222 = tpu.memref_slice %arg9[%dma_start3A_220, %dma_start3A_221] : memref<10240x128xf32, #tpu.memory_space<vmem_shared>> -> memref<10240x128xf32, #tpu.memory_space<vmem_shared>>
          tpu.enqueue_indirect_dma source(%arg8 : memref<128x128xf32, #tpu.memory_space<vmem>>) target(%dma_start3A_222 : memref<10240x128xf32, #tpu.memory_space<vmem_shared>>) offsets(%dma_start3A_219 : memref<128xi32, #tpu.memory_space<vmem>>) semaphore(%run_scoped3A : memref<!tpu.dma_semaphore, #tpu.memory_space<semaphore_mem>>) {add = true}
          %dma_wait3A_223 = arith.constant 0 : i32
          %dma_wait3A_224 = tpu.memref_slice %arg6[%add3A_134, %dma_wait3A_223] : memref<40x128xi32, #tpu.memory_space<vmem>> -> memref<1x128xi32, #tpu.memory_space<vmem>>
          %dma_wait3A_225 = tpu.memref_squeeze %dma_wait3A_224 : memref<1x128xi32, #tpu.memory_space<vmem>> -> memref<128xi32, #tpu.memory_space<vmem>>
          %dma_wait3A_226 = arith.constant 0 : i32
          %dma_wait3A_227 = arith.constant 0 : i32
          %dma_wait3A_228 = tpu.memref_slice %arg9[%dma_wait3A_226, %dma_wait3A_227] : memref<10240x128xf32, #tpu.memory_space<vmem_shared>> -> memref<10240x128xf32, #tpu.memory_space<vmem_shared>>
          tpu.wait_indirect_dma semaphore(%run_scoped3A : memref<!tpu.dma_semaphore, #tpu.memory_space<semaphore_mem>>) src(%arg8 : memref<128x128xf32, #tpu.memory_space<vmem>>) dst(%dma_wait3A_228 : memref<10240x128xf32, #tpu.memory_space<vmem_shared>>)
          tpu.yield
        }) : () -> ()
        %add3A_210 = arith.constant 2 : i32
        %add3A_211 = arith.addi %add3A_134, %add3A_210 : i32
        %lt3A_212 = arith.constant 40 : i32
        %lt3A_213 = arith.cmpi slt, %add3A_211, %lt3A_212 : i32
        %convert_element_type3A_214 = arith.extui %lt3A_213 : i1 to i32
        %cond3A_215 = arith.constant 0 : i32
        %cond3A_216 = arith.cmpi ne, %convert_element_type3A_214, %cond3A_215 : i32
        scf.if %cond3A_216 {
          %add3A_217 = arith.constant 2 : i32
          %add3A_218 = arith.addi %add3A_134, %add3A_217 : i32
          %dma_start3A_219 = arith.constant 0 : i32
          %dma_start3A_220 = arith.constant 0 : i32
          %dma_start3A_221 = tpu.memref_slice %arg8[%dma_start3A_219, %dma_start3A_220] : memref<128x128xf32, #tpu.memory_space<vmem>> -> memref<32x128xf32, #tpu.memory_space<vmem>>
          %dma_start3A_222 = arith.constant 0 : i32
          %dma_start3A_223 = tpu.memref_slice %arg5[%add3A_218, %dma_start3A_222] : memref<40x128xi32, #tpu.memory_space<vmem>> -> memref<1x32xi32, #tpu.memory_space<vmem>>
          %dma_start3A_224 = tpu.memref_squeeze %dma_start3A_223 : memref<1x32xi32, #tpu.memory_space<vmem>> -> memref<32xi32, #tpu.memory_space<vmem>>
          %dma_start3A_225 = arith.constant 0 : i32
          %dma_start3A_226 = arith.constant 0 : i32
          %dma_start3A_227 = tpu.memref_slice %arg2[%dma_start3A_225, %dma_start3A_226] : memref<10240x128xf32, #tpu.memory_space<hbm>> -> memref<10240x128xf32, #tpu.memory_space<hbm>>
          tpu.enqueue_indirect_dma source(%dma_start3A_227 : memref<10240x128xf32, #tpu.memory_space<hbm>>) target(%dma_start3A_221 : memref<32x128xf32, #tpu.memory_space<vmem>>) offsets(%dma_start3A_224 : memref<32xi32, #tpu.memory_space<vmem>>) semaphore(%arg11 : memref<!tpu.dma_semaphore, #tpu.memory_space<semaphore_mem>>)
          %dma_start3A_228 = arith.constant 32 : i32
          %dma_start3A_229 = arith.constant 0 : i32
          %dma_start3A_230 = tpu.memref_slice %arg8[%dma_start3A_228, %dma_start3A_229] : memref<128x128xf32, #tpu.memory_space<vmem>> -> memref<32x128xf32, #tpu.memory_space<vmem>>
          %dma_start3A_231 = arith.constant 32 : i32
          %dma_start3A_232 = tpu.memref_slice %arg5[%add3A_218, %dma_start3A_231] : memref<40x128xi32, #tpu.memory_space<vmem>> -> memref<1x32xi32, #tpu.memory_space<vmem>>
          %dma_start3A_233 = tpu.memref_squeeze %dma_start3A_232 : memref<1x32xi32, #tpu.memory_space<vmem>> -> memref<32xi32, #tpu.memory_space<vmem>>
          %dma_start3A_234 = arith.constant 0 : i32
          %dma_start3A_235 = arith.constant 0 : i32
          %dma_start3A_236 = tpu.memref_slice %arg2[%dma_start3A_234, %dma_start3A_235] : memref<10240x128xf32, #tpu.memory_space<hbm>> -> memref<10240x128xf32, #tpu.memory_space<hbm>>
          tpu.enqueue_indirect_dma source(%dma_start3A_236 : memref<10240x128xf32, #tpu.memory_space<hbm>>) target(%dma_start3A_230 : memref<32x128xf32, #tpu.memory_space<vmem>>) offsets(%dma_start3A_233 : memref<32xi32, #tpu.memory_space<vmem>>) semaphore(%arg11 : memref<!tpu.dma_semaphore, #tpu.memory_space<semaphore_mem>>)
          %dma_start3A_237 = arith.constant 64 : i32
          %dma_start3A_238 = arith.constant 0 : i32
          %dma_start3A_239 = tpu.memref_slice %arg8[%dma_start3A_237, %dma_start3A_238] : memref<128x128xf32, #tpu.memory_space<vmem>> -> memref<32x128xf32, #tpu.memory_space<vmem>>
          %dma_start3A_240 = arith.constant 64 : i32
          %dma_start3A_241 = tpu.memref_slice %arg5[%add3A_218, %dma_start3A_240] : memref<40x128xi32, #tpu.memory_space<vmem>> -> memref<1x32xi32, #tpu.memory_space<vmem>>
          %dma_start3A_242 = tpu.memref_squeeze %dma_start3A_241 : memref<1x32xi32, #tpu.memory_space<vmem>> -> memref<32xi32, #tpu.memory_space<vmem>>
          %dma_start3A_243 = arith.constant 0 : i32
          %dma_start3A_244 = arith.constant 0 : i32
          %dma_start3A_245 = tpu.memref_slice %arg2[%dma_start3A_243, %dma_start3A_244] : memref<10240x128xf32, #tpu.memory_space<hbm>> -> memref<10240x128xf32, #tpu.memory_space<hbm>>
          tpu.enqueue_indirect_dma source(%dma_start3A_245 : memref<10240x128xf32, #tpu.memory_space<hbm>>) target(%dma_start3A_239 : memref<32x128xf32, #tpu.memory_space<vmem>>) offsets(%dma_start3A_242 : memref<32xi32, #tpu.memory_space<vmem>>) semaphore(%arg11 : memref<!tpu.dma_semaphore, #tpu.memory_space<semaphore_mem>>)
          %dma_start3A_246 = arith.constant 96 : i32
          %dma_start3A_247 = arith.constant 0 : i32
          %dma_start3A_248 = tpu.memref_slice %arg8[%dma_start3A_246, %dma_start3A_247] : memref<128x128xf32, #tpu.memory_space<vmem>> -> memref<32x128xf32, #tpu.memory_space<vmem>>
          %dma_start3A_249 = arith.constant 96 : i32
          %dma_start3A_250 = tpu.memref_slice %arg5[%add3A_218, %dma_start3A_249] : memref<40x128xi32, #tpu.memory_space<vmem>> -> memref<1x32xi32, #tpu.memory_space<vmem>>
          %dma_start3A_251 = tpu.memref_squeeze %dma_start3A_250 : memref<1x32xi32, #tpu.memory_space<vmem>> -> memref<32xi32, #tpu.memory_space<vmem>>
          %dma_start3A_252 = arith.constant 0 : i32
          %dma_start3A_253 = arith.constant 0 : i32
          %dma_start3A_254 = tpu.memref_slice %arg2[%dma_start3A_252, %dma_start3A_253] : memref<10240x128xf32, #tpu.memory_space<hbm>> -> memref<10240x128xf32, #tpu.memory_space<hbm>>
          tpu.enqueue_indirect_dma source(%dma_start3A_254 : memref<10240x128xf32, #tpu.memory_space<hbm>>) target(%dma_start3A_248 : memref<32x128xf32, #tpu.memory_space<vmem>>) offsets(%dma_start3A_251 : memref<32xi32, #tpu.memory_space<vmem>>) semaphore(%arg11 : memref<!tpu.dma_semaphore, #tpu.memory_space<semaphore_mem>>)
        } else {
        }
      }
      %scan3A_125 = arith.constant 20 : i32
    }
    %scan3A_20 = arith.constant 2 : i32
    %scan3A_21 = arith.constant 0 : i32
    %scan3A_22 = arith.constant 2 : i32
    %scan3A_23 = arith.addi %scan3A_21, %scan3A_22 : i32
    %scan3A_24 = arith.constant 1 : i32
    scf.for %scan3A_31 = %scan3A_21 to %scan3A_23 step %scan3A_24  : i32 {
      %mul3A_32 = arith.constant 1 : i32
      %mul3A_33 = arith.muli %scan3A_31, %mul3A_32 : i32
      %add3A_34 = arith.constant 0 : i32
      %add3A_35 = arith.addi %add3A_34, %mul3A_33 : i32
      %mul3A_36 = arith.constant 40 : i32
      %mul3A_37 = arith.muli %add3A_35, %mul3A_36 : i32
      %add3A_38 = arith.addi %add3A_15, %mul3A_37 : i32
      "tpu.region"() ({
        %run_scoped3A = tpu.sem_alloc : memref<!tpu.dma_semaphore, #tpu.memory_space<semaphore_mem>>
        %dma_start3A_126 = arith.constant 0 : i32
        %dma_start3A_127 = tpu.memref_slice %arg3[%add3A_38, %dma_start3A_126] : memref<5120x128xi32, #tpu.memory_space<hbm>> -> memref<40x128xi32, #tpu.memory_space<hbm>>
        %dma_start3A_128 = arith.constant 0 : i32
        %dma_start3A_129 = tpu.memref_slice %arg3[%add3A_38, %dma_start3A_128] : memref<5120x128xi32, #tpu.memory_space<hbm>> -> memref<40x128xi32, #tpu.memory_space<hbm>>
        tpu.enqueue_dma source(%dma_start3A_129 : memref<40x128xi32, #tpu.memory_space<hbm>>) target(%arg5 : memref<40x128xi32, #tpu.memory_space<vmem>>) target_semaphore(%run_scoped3A : memref<!tpu.dma_semaphore, #tpu.memory_space<semaphore_mem>>)
        %dma_wait3A = arith.constant 0 : i32
        %dma_wait3A_130 = tpu.memref_slice %arg3[%add3A_38, %dma_wait3A] : memref<5120x128xi32, #tpu.memory_space<hbm>> -> memref<40x128xi32, #tpu.memory_space<hbm>>
        %dma_wait3A_131 = arith.constant 0 : i32
        %dma_wait3A_132 = tpu.memref_slice %arg3[%add3A_38, %dma_wait3A_131] : memref<5120x128xi32, #tpu.memory_space<hbm>> -> memref<40x128xi32, #tpu.memory_space<hbm>>
        tpu.wait_dma2 semaphore(%run_scoped3A : memref<!tpu.dma_semaphore, #tpu.memory_space<semaphore_mem>>) src(%dma_wait3A_132 : memref<40x128xi32, #tpu.memory_space<hbm>>) dst(%arg5 : memref<40x128xi32, #tpu.memory_space<vmem>>)
        tpu.yield
      }) : () -> ()
      %mul3A_39 = arith.constant 40 : i32
      %mul3A_40 = arith.muli %add3A_35, %mul3A_39 : i32
      %add3A_41 = arith.addi %mul3A_11, %mul3A_40 : i32
      "tpu.region"() ({
        %run_scoped3A = tpu.sem_alloc : memref<!tpu.dma_semaphore, #tpu.memory_space<semaphore_mem>>
        %dma_start3A_126 = arith.constant 0 : i32
        %dma_start3A_127 = tpu.memref_slice %arg3[%add3A_41, %dma_start3A_126] : memref<5120x128xi32, #tpu.memory_space<hbm>> -> memref<40x128xi32, #tpu.memory_space<hbm>>
        %dma_start3A_128 = arith.constant 0 : i32
        %dma_start3A_129 = tpu.memref_slice %arg3[%add3A_41, %dma_start3A_128] : memref<5120x128xi32, #tpu.memory_space<hbm>> -> memref<40x128xi32, #tpu.memory_space<hbm>>
        tpu.enqueue_dma source(%dma_start3A_129 : memref<40x128xi32, #tpu.memory_space<hbm>>) target(%arg6 : memref<40x128xi32, #tpu.memory_space<vmem>>) target_semaphore(%run_scoped3A : memref<!tpu.dma_semaphore, #tpu.memory_space<semaphore_mem>>)
        %dma_wait3A = arith.constant 0 : i32
        %dma_wait3A_130 = tpu.memref_slice %arg3[%add3A_41, %dma_wait3A] : memref<5120x128xi32, #tpu.memory_space<hbm>> -> memref<40x128xi32, #tpu.memory_space<hbm>>
        %dma_wait3A_131 = arith.constant 0 : i32
        %dma_wait3A_132 = tpu.memref_slice %arg3[%add3A_41, %dma_wait3A_131] : memref<5120x128xi32, #tpu.memory_space<hbm>> -> memref<40x128xi32, #tpu.memory_space<hbm>>
        tpu.wait_dma2 semaphore(%run_scoped3A : memref<!tpu.dma_semaphore, #tpu.memory_space<semaphore_mem>>) src(%dma_wait3A_132 : memref<40x128xi32, #tpu.memory_space<hbm>>) dst(%arg6 : memref<40x128xi32, #tpu.memory_space<vmem>>)
        tpu.yield
      }) : () -> ()
      %dma_start3A = arith.constant 0 : i32
      %dma_start3A_42 = arith.constant 0 : i32
      %dma_start3A_43 = arith.constant 0 : i32
      %dma_start3A_44 = tpu.memref_slice %arg7[%dma_start3A_42, %dma_start3A_43] : memref<128x128xf32, #tpu.memory_space<vmem>> -> memref<32x128xf32, #tpu.memory_space<vmem>>
      %dma_start3A_45 = arith.constant 0 : i32
      %dma_start3A_46 = tpu.memref_slice %arg5[%dma_start3A, %dma_start3A_45] : memref<40x128xi32, #tpu.memory_space<vmem>> -> memref<1x32xi32, #tpu.memory_space<vmem>>
      %dma_start3A_47 = tpu.memref_squeeze %dma_start3A_46 : memref<1x32xi32, #tpu.memory_space<vmem>> -> memref<32xi32, #tpu.memory_space<vmem>>
      %dma_start3A_48 = arith.constant 0 : i32
      %dma_start3A_49 = arith.constant 0 : i32
      %dma_start3A_50 = tpu.memref_slice %arg2[%dma_start3A_48, %dma_start3A_49] : memref<10240x128xf32, #tpu.memory_space<hbm>> -> memref<10240x128xf32, #tpu.memory_space<hbm>>
      tpu.enqueue_indirect_dma source(%dma_start3A_50 : memref<10240x128xf32, #tpu.memory_space<hbm>>) target(%dma_start3A_44 : memref<32x128xf32, #tpu.memory_space<vmem>>) offsets(%dma_start3A_47 : memref<32xi32, #tpu.memory_space<vmem>>) semaphore(%arg10 : memref<!tpu.dma_semaphore, #tpu.memory_space<semaphore_mem>>)
      %dma_start3A_51 = arith.constant 0 : i32
      %dma_start3A_52 = arith.constant 32 : i32
      %dma_start3A_53 = arith.constant 0 : i32
      %dma_start3A_54 = tpu.memref_slice %arg7[%dma_start3A_52, %dma_start3A_53] : memref<128x128xf32, #tpu.memory_space<vmem>> -> memref<32x128xf32, #tpu.memory_space<vmem>>
      %dma_start3A_55 = arith.constant 32 : i32
      %dma_start3A_56 = tpu.memref_slice %arg5[%dma_start3A_51, %dma_start3A_55] : memref<40x128xi32, #tpu.memory_space<vmem>> -> memref<1x32xi32, #tpu.memory_space<vmem>>
      %dma_start3A_57 = tpu.memref_squeeze %dma_start3A_56 : memref<1x32xi32, #tpu.memory_space<vmem>> -> memref<32xi32, #tpu.memory_space<vmem>>
      %dma_start3A_58 = arith.constant 0 : i32
      %dma_start3A_59 = arith.constant 0 : i32
      %dma_start3A_60 = tpu.memref_slice %arg2[%dma_start3A_58, %dma_start3A_59] : memref<10240x128xf32, #tpu.memory_space<hbm>> -> memref<10240x128xf32, #tpu.memory_space<hbm>>
      tpu.enqueue_indirect_dma source(%dma_start3A_60 : memref<10240x128xf32, #tpu.memory_space<hbm>>) target(%dma_start3A_54 : memref<32x128xf32, #tpu.memory_space<vmem>>) offsets(%dma_start3A_57 : memref<32xi32, #tpu.memory_space<vmem>>) semaphore(%arg10 : memref<!tpu.dma_semaphore, #tpu.memory_space<semaphore_mem>>)
      %dma_start3A_61 = arith.constant 0 : i32
      %dma_start3A_62 = arith.constant 64 : i32
      %dma_start3A_63 = arith.constant 0 : i32
      %dma_start3A_64 = tpu.memref_slice %arg7[%dma_start3A_62, %dma_start3A_63] : memref<128x128xf32, #tpu.memory_space<vmem>> -> memref<32x128xf32, #tpu.memory_space<vmem>>
      %dma_start3A_65 = arith.constant 64 : i32
      %dma_start3A_66 = tpu.memref_slice %arg5[%dma_start3A_61, %dma_start3A_65] : memref<40x128xi32, #tpu.memory_space<vmem>> -> memref<1x32xi32, #tpu.memory_space<vmem>>
      %dma_start3A_67 = tpu.memref_squeeze %dma_start3A_66 : memref<1x32xi32, #tpu.memory_space<vmem>> -> memref<32xi32, #tpu.memory_space<vmem>>
      %dma_start3A_68 = arith.constant 0 : i32
      %dma_start3A_69 = arith.constant 0 : i32
      %dma_start3A_70 = tpu.memref_slice %arg2[%dma_start3A_68, %dma_start3A_69] : memref<10240x128xf32, #tpu.memory_space<hbm>> -> memref<10240x128xf32, #tpu.memory_space<hbm>>
      tpu.enqueue_indirect_dma source(%dma_start3A_70 : memref<10240x128xf32, #tpu.memory_space<hbm>>) target(%dma_start3A_64 : memref<32x128xf32, #tpu.memory_space<vmem>>) offsets(%dma_start3A_67 : memref<32xi32, #tpu.memory_space<vmem>>) semaphore(%arg10 : memref<!tpu.dma_semaphore, #tpu.memory_space<semaphore_mem>>)
      %dma_start3A_71 = arith.constant 0 : i32
      %dma_start3A_72 = arith.constant 96 : i32
      %dma_start3A_73 = arith.constant 0 : i32
      %dma_start3A_74 = tpu.memref_slice %arg7[%dma_start3A_72, %dma_start3A_73] : memref<128x128xf32, #tpu.memory_space<vmem>> -> memref<32x128xf32, #tpu.memory_space<vmem>>
      %dma_start3A_75 = arith.constant 96 : i32
      %dma_start3A_76 = tpu.memref_slice %arg5[%dma_start3A_71, %dma_start3A_75] : memref<40x128xi32, #tpu.memory_space<vmem>> -> memref<1x32xi32, #tpu.memory_space<vmem>>
      %dma_start3A_77 = tpu.memref_squeeze %dma_start3A_76 : memref<1x32xi32, #tpu.memory_space<vmem>> -> memref<32xi32, #tpu.memory_space<vmem>>
      %dma_start3A_78 = arith.constant 0 : i32
      %dma_start3A_79 = arith.constant 0 : i32
      %dma_start3A_80 = tpu.memref_slice %arg2[%dma_start3A_78, %dma_start3A_79] : memref<10240x128xf32, #tpu.memory_space<hbm>> -> memref<10240x128xf32, #tpu.memory_space<hbm>>
      tpu.enqueue_indirect_dma source(%dma_start3A_80 : memref<10240x128xf32, #tpu.memory_space<hbm>>) target(%dma_start3A_74 : memref<32x128xf32, #tpu.memory_space<vmem>>) offsets(%dma_start3A_77 : memref<32xi32, #tpu.memory_space<vmem>>) semaphore(%arg10 : memref<!tpu.dma_semaphore, #tpu.memory_space<semaphore_mem>>)
      %dma_start3A_81 = arith.constant 1 : i32
      %dma_start3A_82 = arith.constant 0 : i32
      %dma_start3A_83 = arith.constant 0 : i32
      %dma_start3A_84 = tpu.memref_slice %arg8[%dma_start3A_82, %dma_start3A_83] : memref<128x128xf32, #tpu.memory_space<vmem>> -> memref<32x128xf32, #tpu.memory_space<vmem>>
      %dma_start3A_85 = arith.constant 0 : i32
      %dma_start3A_86 = tpu.memref_slice %arg5[%dma_start3A_81, %dma_start3A_85] : memref<40x128xi32, #tpu.memory_space<vmem>> -> memref<1x32xi32, #tpu.memory_space<vmem>>
      %dma_start3A_87 = tpu.memref_squeeze %dma_start3A_86 : memref<1x32xi32, #tpu.memory_space<vmem>> -> memref<32xi32, #tpu.memory_space<vmem>>
      %dma_start3A_88 = arith.constant 0 : i32
      %dma_start3A_89 = arith.constant 0 : i32
      %dma_start3A_90 = tpu.memref_slice %arg2[%dma_start3A_88, %dma_start3A_89] : memref<10240x128xf32, #tpu.memory_space<hbm>> -> memref<10240x128xf32, #tpu.memory_space<hbm>>
      tpu.enqueue_indirect_dma source(%dma_start3A_90 : memref<10240x128xf32, #tpu.memory_space<hbm>>) target(%dma_start3A_84 : memref<32x128xf32, #tpu.memory_space<vmem>>) offsets(%dma_start3A_87 : memref<32xi32, #tpu.memory_space<vmem>>) semaphore(%arg11 : memref<!tpu.dma_semaphore, #tpu.memory_space<semaphore_mem>>)
      %dma_start3A_91 = arith.constant 1 : i32
      %dma_start3A_92 = arith.constant 32 : i32
      %dma_start3A_93 = arith.constant 0 : i32
      %dma_start3A_94 = tpu.memref_slice %arg8[%dma_start3A_92, %dma_start3A_93] : memref<128x128xf32, #tpu.memory_space<vmem>> -> memref<32x128xf32, #tpu.memory_space<vmem>>
      %dma_start3A_95 = arith.constant 32 : i32
      %dma_start3A_96 = tpu.memref_slice %arg5[%dma_start3A_91, %dma_start3A_95] : memref<40x128xi32, #tpu.memory_space<vmem>> -> memref<1x32xi32, #tpu.memory_space<vmem>>
      %dma_start3A_97 = tpu.memref_squeeze %dma_start3A_96 : memref<1x32xi32, #tpu.memory_space<vmem>> -> memref<32xi32, #tpu.memory_space<vmem>>
      %dma_start3A_98 = arith.constant 0 : i32
      %dma_start3A_99 = arith.constant 0 : i32
      %dma_start3A_100 = tpu.memref_slice %arg2[%dma_start3A_98, %dma_start3A_99] : memref<10240x128xf32, #tpu.memory_space<hbm>> -> memref<10240x128xf32, #tpu.memory_space<hbm>>
      tpu.enqueue_indirect_dma source(%dma_start3A_100 : memref<10240x128xf32, #tpu.memory_space<hbm>>) target(%dma_start3A_94 : memref<32x128xf32, #tpu.memory_space<vmem>>) offsets(%dma_start3A_97 : memref<32xi32, #tpu.memory_space<vmem>>) semaphore(%arg11 : memref<!tpu.dma_semaphore, #tpu.memory_space<semaphore_mem>>)
      %dma_start3A_101 = arith.constant 1 : i32
      %dma_start3A_102 = arith.constant 64 : i32
      %dma_start3A_103 = arith.constant 0 : i32
      %dma_start3A_104 = tpu.memref_slice %arg8[%dma_start3A_102, %dma_start3A_103] : memref<128x128xf32, #tpu.memory_space<vmem>> -> memref<32x128xf32, #tpu.memory_space<vmem>>
      %dma_start3A_105 = arith.constant 64 : i32
      %dma_start3A_106 = tpu.memref_slice %arg5[%dma_start3A_101, %dma_start3A_105] : memref<40x128xi32, #tpu.memory_space<vmem>> -> memref<1x32xi32, #tpu.memory_space<vmem>>
      %dma_start3A_107 = tpu.memref_squeeze %dma_start3A_106 : memref<1x32xi32, #tpu.memory_space<vmem>> -> memref<32xi32, #tpu.memory_space<vmem>>
      %dma_start3A_108 = arith.constant 0 : i32
      %dma_start3A_109 = arith.constant 0 : i32
      %dma_start3A_110 = tpu.memref_slice %arg2[%dma_start3A_108, %dma_start3A_109] : memref<10240x128xf32, #tpu.memory_space<hbm>> -> memref<10240x128xf32, #tpu.memory_space<hbm>>
      tpu.enqueue_indirect_dma source(%dma_start3A_110 : memref<10240x128xf32, #tpu.memory_space<hbm>>) target(%dma_start3A_104 : memref<32x128xf32, #tpu.memory_space<vmem>>) offsets(%dma_start3A_107 : memref<32xi32, #tpu.memory_space<vmem>>) semaphore(%arg11 : memref<!tpu.dma_semaphore, #tpu.memory_space<semaphore_mem>>)
      %dma_start3A_111 = arith.constant 1 : i32
      %dma_start3A_112 = arith.constant 96 : i32
      %dma_start3A_113 = arith.constant 0 : i32
      %dma_start3A_114 = tpu.memref_slice %arg8[%dma_start3A_112, %dma_start3A_113] : memref<128x128xf32, #tpu.memory_space<vmem>> -> memref<32x128xf32, #tpu.memory_space<vmem>>
      %dma_start3A_115 = arith.constant 96 : i32
      %dma_start3A_116 = tpu.memref_slice %arg5[%dma_start3A_111, %dma_start3A_115] : memref<40x128xi32, #tpu.memory_space<vmem>> -> memref<1x32xi32, #tpu.memory_space<vmem>>
      %dma_start3A_117 = tpu.memref_squeeze %dma_start3A_116 : memref<1x32xi32, #tpu.memory_space<vmem>> -> memref<32xi32, #tpu.memory_space<vmem>>
      %dma_start3A_118 = arith.constant 0 : i32
      %dma_start3A_119 = arith.constant 0 : i32
      %dma_start3A_120 = tpu.memref_slice %arg2[%dma_start3A_118, %dma_start3A_119] : memref<10240x128xf32, #tpu.memory_space<hbm>> -> memref<10240x128xf32, #tpu.memory_space<hbm>>
      tpu.enqueue_indirect_dma source(%dma_start3A_120 : memref<10240x128xf32, #tpu.memory_space<hbm>>) target(%dma_start3A_114 : memref<32x128xf32, #tpu.memory_space<vmem>>) offsets(%dma_start3A_117 : memref<32xi32, #tpu.memory_space<vmem>>) semaphore(%arg11 : memref<!tpu.dma_semaphore, #tpu.memory_space<semaphore_mem>>)
      %scan3A_121 = arith.constant 0 : i32
      %scan3A_122 = arith.constant 20 : i32
      %scan3A_123 = arith.addi %scan3A_121, %scan3A_122 : i32
      %scan3A_124 = arith.constant 1 : i32
      scf.for %scan3A_126 = %scan3A_121 to %scan3A_123 step %scan3A_124  : i32 {
        %mul3A_127 = arith.constant 1 : i32
        %mul3A_128 = arith.muli %scan3A_126, %mul3A_127 : i32
        %add3A_129 = arith.constant 0 : i32
        %add3A_130 = arith.addi %add3A_129, %mul3A_128 : i32
        %mul3A_131 = arith.constant 2 : i32
        %mul3A_132 = arith.muli %mul3A_131, %add3A_130 : i32
        %add3A_133 = arith.constant 1 : i32
        %add3A_134 = arith.addi %mul3A_132, %add3A_133 : i32
        %dma_wait3A = arith.constant 0 : i32
        %dma_wait3A_135 = arith.constant 0 : i32
        %dma_wait3A_136 = tpu.memref_slice %arg7[%dma_wait3A, %dma_wait3A_135] : memref<128x128xf32, #tpu.memory_space<vmem>> -> memref<32x128xf32, #tpu.memory_space<vmem>>
        %dma_wait3A_137 = arith.constant 0 : i32
        %dma_wait3A_138 = tpu.memref_slice %arg5[%mul3A_132, %dma_wait3A_137] : memref<40x128xi32, #tpu.memory_space<vmem>> -> memref<1x32xi32, #tpu.memory_space<vmem>>
        %dma_wait3A_139 = tpu.memref_squeeze %dma_wait3A_138 : memref<1x32xi32, #tpu.memory_space<vmem>> -> memref<32xi32, #tpu.memory_space<vmem>>
        %dma_wait3A_140 = arith.constant 0 : i32
        %dma_wait3A_141 = arith.constant 0 : i32
        %dma_wait3A_142 = tpu.memref_slice %arg2[%dma_wait3A_140, %dma_wait3A_141] : memref<10240x128xf32, #tpu.memory_space<hbm>> -> memref<10240x128xf32, #tpu.memory_space<hbm>>
        tpu.wait_indirect_dma semaphore(%arg10 : memref<!tpu.dma_semaphore, #tpu.memory_space<semaphore_mem>>) src(%dma_wait3A_142 : memref<10240x128xf32, #tpu.memory_space<hbm>>) dst(%dma_wait3A_136 : memref<32x128xf32, #tpu.memory_space<vmem>>)
        %dma_wait3A_143 = arith.constant 32 : i32
        %dma_wait3A_144 = arith.constant 0 : i32
        %dma_wait3A_145 = tpu.memref_slice %arg7[%dma_wait3A_143, %dma_wait3A_144] : memref<128x128xf32, #tpu.memory_space<vmem>> -> memref<32x128xf32, #tpu.memory_space<vmem>>
        %dma_wait3A_146 = arith.constant 32 : i32
        %dma_wait3A_147 = tpu.memref_slice %arg5[%mul3A_132, %dma_wait3A_146] : memref<40x128xi32, #tpu.memory_space<vmem>> -> memref<1x32xi32, #tpu.memory_space<vmem>>
        %dma_wait3A_148 = tpu.memref_squeeze %dma_wait3A_147 : memref<1x32xi32, #tpu.memory_space<vmem>> -> memref<32xi32, #tpu.memory_space<vmem>>
        %dma_wait3A_149 = arith.constant 0 : i32
        %dma_wait3A_150 = arith.constant 0 : i32
        %dma_wait3A_151 = tpu.memref_slice %arg2[%dma_wait3A_149, %dma_wait3A_150] : memref<10240x128xf32, #tpu.memory_space<hbm>> -> memref<10240x128xf32, #tpu.memory_space<hbm>>
        tpu.wait_indirect_dma semaphore(%arg10 : memref<!tpu.dma_semaphore, #tpu.memory_space<semaphore_mem>>) src(%dma_wait3A_151 : memref<10240x128xf32, #tpu.memory_space<hbm>>) dst(%dma_wait3A_145 : memref<32x128xf32, #tpu.memory_space<vmem>>)
        %dma_wait3A_152 = arith.constant 64 : i32
        %dma_wait3A_153 = arith.constant 0 : i32
        %dma_wait3A_154 = tpu.memref_slice %arg7[%dma_wait3A_152, %dma_wait3A_153] : memref<128x128xf32, #tpu.memory_space<vmem>> -> memref<32x128xf32, #tpu.memory_space<vmem>>
        %dma_wait3A_155 = arith.constant 64 : i32
        %dma_wait3A_156 = tpu.memref_slice %arg5[%mul3A_132, %dma_wait3A_155] : memref<40x128xi32, #tpu.memory_space<vmem>> -> memref<1x32xi32, #tpu.memory_space<vmem>>
        %dma_wait3A_157 = tpu.memref_squeeze %dma_wait3A_156 : memref<1x32xi32, #tpu.memory_space<vmem>> -> memref<32xi32, #tpu.memory_space<vmem>>
        %dma_wait3A_158 = arith.constant 0 : i32
        %dma_wait3A_159 = arith.constant 0 : i32
        %dma_wait3A_160 = tpu.memref_slice %arg2[%dma_wait3A_158, %dma_wait3A_159] : memref<10240x128xf32, #tpu.memory_space<hbm>> -> memref<10240x128xf32, #tpu.memory_space<hbm>>
        tpu.wait_indirect_dma semaphore(%arg10 : memref<!tpu.dma_semaphore, #tpu.memory_space<semaphore_mem>>) src(%dma_wait3A_160 : memref<10240x128xf32, #tpu.memory_space<hbm>>) dst(%dma_wait3A_154 : memref<32x128xf32, #tpu.memory_space<vmem>>)
        %dma_wait3A_161 = arith.constant 96 : i32
        %dma_wait3A_162 = arith.constant 0 : i32
        %dma_wait3A_163 = tpu.memref_slice %arg7[%dma_wait3A_161, %dma_wait3A_162] : memref<128x128xf32, #tpu.memory_space<vmem>> -> memref<32x128xf32, #tpu.memory_space<vmem>>
        %dma_wait3A_164 = arith.constant 96 : i32
        %dma_wait3A_165 = tpu.memref_slice %arg5[%mul3A_132, %dma_wait3A_164] : memref<40x128xi32, #tpu.memory_space<vmem>> -> memref<1x32xi32, #tpu.memory_space<vmem>>
        %dma_wait3A_166 = tpu.memref_squeeze %dma_wait3A_165 : memref<1x32xi32, #tpu.memory_space<vmem>> -> memref<32xi32, #tpu.memory_space<vmem>>
        %dma_wait3A_167 = arith.constant 0 : i32
        %dma_wait3A_168 = arith.constant 0 : i32
        %dma_wait3A_169 = tpu.memref_slice %arg2[%dma_wait3A_167, %dma_wait3A_168] : memref<10240x128xf32, #tpu.memory_space<hbm>> -> memref<10240x128xf32, #tpu.memory_space<hbm>>
        tpu.wait_indirect_dma semaphore(%arg10 : memref<!tpu.dma_semaphore, #tpu.memory_space<semaphore_mem>>) src(%dma_wait3A_169 : memref<10240x128xf32, #tpu.memory_space<hbm>>) dst(%dma_wait3A_163 : memref<32x128xf32, #tpu.memory_space<vmem>>)
        "tpu.region"() ({
          %run_scoped3A = tpu.sem_alloc : memref<!tpu.dma_semaphore, #tpu.memory_space<semaphore_mem>>
          %dma_start3A_217 = arith.constant 0 : i32
          %dma_start3A_218 = tpu.memref_slice %arg6[%mul3A_132, %dma_start3A_217] : memref<40x128xi32, #tpu.memory_space<vmem>> -> memref<1x128xi32, #tpu.memory_space<vmem>>
          %dma_start3A_219 = tpu.memref_squeeze %dma_start3A_218 : memref<1x128xi32, #tpu.memory_space<vmem>> -> memref<128xi32, #tpu.memory_space<vmem>>
          %dma_start3A_220 = arith.constant 0 : i32
          %dma_start3A_221 = arith.constant 0 : i32
          %dma_start3A_222 = tpu.memref_slice %arg9[%dma_start3A_220, %dma_start3A_221] : memref<10240x128xf32, #tpu.memory_space<vmem_shared>> -> memref<10240x128xf32, #tpu.memory_space<vmem_shared>>
          tpu.enqueue_indirect_dma source(%arg7 : memref<128x128xf32, #tpu.memory_space<vmem>>) target(%dma_start3A_222 : memref<10240x128xf32, #tpu.memory_space<vmem_shared>>) offsets(%dma_start3A_219 : memref<128xi32, #tpu.memory_space<vmem>>) semaphore(%run_scoped3A : memref<!tpu.dma_semaphore, #tpu.memory_space<semaphore_mem>>) {add = true}
          %dma_wait3A_223 = arith.constant 0 : i32
          %dma_wait3A_224 = tpu.memref_slice %arg6[%mul3A_132, %dma_wait3A_223] : memref<40x128xi32, #tpu.memory_space<vmem>> -> memref<1x128xi32, #tpu.memory_space<vmem>>
          %dma_wait3A_225 = tpu.memref_squeeze %dma_wait3A_224 : memref<1x128xi32, #tpu.memory_space<vmem>> -> memref<128xi32, #tpu.memory_space<vmem>>
          %dma_wait3A_226 = arith.constant 0 : i32
          %dma_wait3A_227 = arith.constant 0 : i32
          %dma_wait3A_228 = tpu.memref_slice %arg9[%dma_wait3A_226, %dma_wait3A_227] : memref<10240x128xf32, #tpu.memory_space<vmem_shared>> -> memref<10240x128xf32, #tpu.memory_space<vmem_shared>>
          tpu.wait_indirect_dma semaphore(%run_scoped3A : memref<!tpu.dma_semaphore, #tpu.memory_space<semaphore_mem>>) src(%arg7 : memref<128x128xf32, #tpu.memory_space<vmem>>) dst(%dma_wait3A_228 : memref<10240x128xf32, #tpu.memory_space<vmem_shared>>)
          tpu.yield
        }) : () -> ()
        %add3A_170 = arith.constant 2 : i32
        %add3A_171 = arith.addi %mul3A_132, %add3A_170 : i32
        %lt3A = arith.constant 40 : i32
        %lt3A_172 = arith.cmpi slt, %add3A_171, %lt3A : i32
        %convert_element_type3A = arith.extui %lt3A_172 : i1 to i32
        %cond3A = arith.constant 0 : i32
        %cond3A_173 = arith.cmpi ne, %convert_element_type3A, %cond3A : i32
        scf.if %cond3A_173 {
          %add3A_217 = arith.constant 2 : i32
          %add3A_218 = arith.addi %mul3A_132, %add3A_217 : i32
          %dma_start3A_219 = arith.constant 0 : i32
          %dma_start3A_220 = arith.constant 0 : i32
          %dma_start3A_221 = tpu.memref_slice %arg7[%dma_start3A_219, %dma_start3A_220] : memref<128x128xf32, #tpu.memory_space<vmem>> -> memref<32x128xf32, #tpu.memory_space<vmem>>
          %dma_start3A_222 = arith.constant 0 : i32
          %dma_start3A_223 = tpu.memref_slice %arg5[%add3A_218, %dma_start3A_222] : memref<40x128xi32, #tpu.memory_space<vmem>> -> memref<1x32xi32, #tpu.memory_space<vmem>>
          %dma_start3A_224 = tpu.memref_squeeze %dma_start3A_223 : memref<1x32xi32, #tpu.memory_space<vmem>> -> memref<32xi32, #tpu.memory_space<vmem>>
          %dma_start3A_225 = arith.constant 0 : i32
          %dma_start3A_226 = arith.constant 0 : i32
          %dma_start3A_227 = tpu.memref_slice %arg2[%dma_start3A_225, %dma_start3A_226] : memref<10240x128xf32, #tpu.memory_space<hbm>> -> memref<10240x128xf32, #tpu.memory_space<hbm>>
          tpu.enqueue_indirect_dma source(%dma_start3A_227 : memref<10240x128xf32, #tpu.memory_space<hbm>>) target(%dma_start3A_221 : memref<32x128xf32, #tpu.memory_space<vmem>>) offsets(%dma_start3A_224 : memref<32xi32, #tpu.memory_space<vmem>>) semaphore(%arg10 : memref<!tpu.dma_semaphore, #tpu.memory_space<semaphore_mem>>)
          %dma_start3A_228 = arith.constant 32 : i32
          %dma_start3A_229 = arith.constant 0 : i32
          %dma_start3A_230 = tpu.memref_slice %arg7[%dma_start3A_228, %dma_start3A_229] : memref<128x128xf32, #tpu.memory_space<vmem>> -> memref<32x128xf32, #tpu.memory_space<vmem>>
          %dma_start3A_231 = arith.constant 32 : i32
          %dma_start3A_232 = tpu.memref_slice %arg5[%add3A_218, %dma_start3A_231] : memref<40x128xi32, #tpu.memory_space<vmem>> -> memref<1x32xi32, #tpu.memory_space<vmem>>
          %dma_start3A_233 = tpu.memref_squeeze %dma_start3A_232 : memref<1x32xi32, #tpu.memory_space<vmem>> -> memref<32xi32, #tpu.memory_space<vmem>>
          %dma_start3A_234 = arith.constant 0 : i32
          %dma_start3A_235 = arith.constant 0 : i32
          %dma_start3A_236 = tpu.memref_slice %arg2[%dma_start3A_234, %dma_start3A_235] : memref<10240x128xf32, #tpu.memory_space<hbm>> -> memref<10240x128xf32, #tpu.memory_space<hbm>>
          tpu.enqueue_indirect_dma source(%dma_start3A_236 : memref<10240x128xf32, #tpu.memory_space<hbm>>) target(%dma_start3A_230 : memref<32x128xf32, #tpu.memory_space<vmem>>) offsets(%dma_start3A_233 : memref<32xi32, #tpu.memory_space<vmem>>) semaphore(%arg10 : memref<!tpu.dma_semaphore, #tpu.memory_space<semaphore_mem>>)
          %dma_start3A_237 = arith.constant 64 : i32
          %dma_start3A_238 = arith.constant 0 : i32
          %dma_start3A_239 = tpu.memref_slice %arg7[%dma_start3A_237, %dma_start3A_238] : memref<128x128xf32, #tpu.memory_space<vmem>> -> memref<32x128xf32, #tpu.memory_space<vmem>>
          %dma_start3A_240 = arith.constant 64 : i32
          %dma_start3A_241 = tpu.memref_slice %arg5[%add3A_218, %dma_start3A_240] : memref<40x128xi32, #tpu.memory_space<vmem>> -> memref<1x32xi32, #tpu.memory_space<vmem>>
          %dma_start3A_242 = tpu.memref_squeeze %dma_start3A_241 : memref<1x32xi32, #tpu.memory_space<vmem>> -> memref<32xi32, #tpu.memory_space<vmem>>
          %dma_start3A_243 = arith.constant 0 : i32
          %dma_start3A_244 = arith.constant 0 : i32
          %dma_start3A_245 = tpu.memref_slice %arg2[%dma_start3A_243, %dma_start3A_244] : memref<10240x128xf32, #tpu.memory_space<hbm>> -> memref<10240x128xf32, #tpu.memory_space<hbm>>
          tpu.enqueue_indirect_dma source(%dma_start3A_245 : memref<10240x128xf32, #tpu.memory_space<hbm>>) target(%dma_start3A_239 : memref<32x128xf32, #tpu.memory_space<vmem>>) offsets(%dma_start3A_242 : memref<32xi32, #tpu.memory_space<vmem>>) semaphore(%arg10 : memref<!tpu.dma_semaphore, #tpu.memory_space<semaphore_mem>>)
          %dma_start3A_246 = arith.constant 96 : i32
          %dma_start3A_247 = arith.constant 0 : i32
          %dma_start3A_248 = tpu.memref_slice %arg7[%dma_start3A_246, %dma_start3A_247] : memref<128x128xf32, #tpu.memory_space<vmem>> -> memref<32x128xf32, #tpu.memory_space<vmem>>
          %dma_start3A_249 = arith.constant 96 : i32
          %dma_start3A_250 = tpu.memref_slice %arg5[%add3A_218, %dma_start3A_249] : memref<40x128xi32, #tpu.memory_space<vmem>> -> memref<1x32xi32, #tpu.memory_space<vmem>>
          %dma_start3A_251 = tpu.memref_squeeze %dma_start3A_250 : memref<1x32xi32, #tpu.memory_space<vmem>> -> memref<32xi32, #tpu.memory_space<vmem>>
          %dma_start3A_252 = arith.constant 0 : i32
          %dma_start3A_253 = arith.constant 0 : i32
          %dma_start3A_254 = tpu.memref_slice %arg2[%dma_start3A_252, %dma_start3A_253] : memref<10240x128xf32, #tpu.memory_space<hbm>> -> memref<10240x128xf32, #tpu.memory_space<hbm>>
          tpu.enqueue_indirect_dma source(%dma_start3A_254 : memref<10240x128xf32, #tpu.memory_space<hbm>>) target(%dma_start3A_248 : memref<32x128xf32, #tpu.memory_space<vmem>>) offsets(%dma_start3A_251 : memref<32xi32, #tpu.memory_space<vmem>>) semaphore(%arg10 : memref<!tpu.dma_semaphore, #tpu.memory_space<semaphore_mem>>)
        } else {
        }
        %dma_wait3A_174 = arith.constant 0 : i32
        %dma_wait3A_175 = arith.constant 0 : i32
        %dma_wait3A_176 = tpu.memref_slice %arg8[%dma_wait3A_174, %dma_wait3A_175] : memref<128x128xf32, #tpu.memory_space<vmem>> -> memref<32x128xf32, #tpu.memory_space<vmem>>
        %dma_wait3A_177 = arith.constant 0 : i32
        %dma_wait3A_178 = tpu.memref_slice %arg5[%add3A_134, %dma_wait3A_177] : memref<40x128xi32, #tpu.memory_space<vmem>> -> memref<1x32xi32, #tpu.memory_space<vmem>>
        %dma_wait3A_179 = tpu.memref_squeeze %dma_wait3A_178 : memref<1x32xi32, #tpu.memory_space<vmem>> -> memref<32xi32, #tpu.memory_space<vmem>>
        %dma_wait3A_180 = arith.constant 0 : i32
        %dma_wait3A_181 = arith.constant 0 : i32
        %dma_wait3A_182 = tpu.memref_slice %arg2[%dma_wait3A_180, %dma_wait3A_181] : memref<10240x128xf32, #tpu.memory_space<hbm>> -> memref<10240x128xf32, #tpu.memory_space<hbm>>
        tpu.wait_indirect_dma semaphore(%arg11 : memref<!tpu.dma_semaphore, #tpu.memory_space<semaphore_mem>>) src(%dma_wait3A_182 : memref<10240x128xf32, #tpu.memory_space<hbm>>) dst(%dma_wait3A_176 : memref<32x128xf32, #tpu.memory_space<vmem>>)
        %dma_wait3A_183 = arith.constant 32 : i32
        %dma_wait3A_184 = arith.constant 0 : i32
        %dma_wait3A_185 = tpu.memref_slice %arg8[%dma_wait3A_183, %dma_wait3A_184] : memref<128x128xf32, #tpu.memory_space<vmem>> -> memref<32x128xf32, #tpu.memory_space<vmem>>
        %dma_wait3A_186 = arith.constant 32 : i32
        %dma_wait3A_187 = tpu.memref_slice %arg5[%add3A_134, %dma_wait3A_186] : memref<40x128xi32, #tpu.memory_space<vmem>> -> memref<1x32xi32, #tpu.memory_space<vmem>>
        %dma_wait3A_188 = tpu.memref_squeeze %dma_wait3A_187 : memref<1x32xi32, #tpu.memory_space<vmem>> -> memref<32xi32, #tpu.memory_space<vmem>>
        %dma_wait3A_189 = arith.constant 0 : i32
        %dma_wait3A_190 = arith.constant 0 : i32
        %dma_wait3A_191 = tpu.memref_slice %arg2[%dma_wait3A_189, %dma_wait3A_190] : memref<10240x128xf32, #tpu.memory_space<hbm>> -> memref<10240x128xf32, #tpu.memory_space<hbm>>
        tpu.wait_indirect_dma semaphore(%arg11 : memref<!tpu.dma_semaphore, #tpu.memory_space<semaphore_mem>>) src(%dma_wait3A_191 : memref<10240x128xf32, #tpu.memory_space<hbm>>) dst(%dma_wait3A_185 : memref<32x128xf32, #tpu.memory_space<vmem>>)
        %dma_wait3A_192 = arith.constant 64 : i32
        %dma_wait3A_193 = arith.constant 0 : i32
        %dma_wait3A_194 = tpu.memref_slice %arg8[%dma_wait3A_192, %dma_wait3A_193] : memref<128x128xf32, #tpu.memory_space<vmem>> -> memref<32x128xf32, #tpu.memory_space<vmem>>
        %dma_wait3A_195 = arith.constant 64 : i32
        %dma_wait3A_196 = tpu.memref_slice %arg5[%add3A_134, %dma_wait3A_195] : memref<40x128xi32, #tpu.memory_space<vmem>> -> memref<1x32xi32, #tpu.memory_space<vmem>>
        %dma_wait3A_197 = tpu.memref_squeeze %dma_wait3A_196 : memref<1x32xi32, #tpu.memory_space<vmem>> -> memref<32xi32, #tpu.memory_space<vmem>>
        %dma_wait3A_198 = arith.constant 0 : i32
        %dma_wait3A_199 = arith.constant 0 : i32
        %dma_wait3A_200 = tpu.memref_slice %arg2[%dma_wait3A_198, %dma_wait3A_199] : memref<10240x128xf32, #tpu.memory_space<hbm>> -> memref<10240x128xf32, #tpu.memory_space<hbm>>
        tpu.wait_indirect_dma semaphore(%arg11 : memref<!tpu.dma_semaphore, #tpu.memory_space<semaphore_mem>>) src(%dma_wait3A_200 : memref<10240x128xf32, #tpu.memory_space<hbm>>) dst(%dma_wait3A_194 : memref<32x128xf32, #tpu.memory_space<vmem>>)
        %dma_wait3A_201 = arith.constant 96 : i32
        %dma_wait3A_202 = arith.constant 0 : i32
        %dma_wait3A_203 = tpu.memref_slice %arg8[%dma_wait3A_201, %dma_wait3A_202] : memref<128x128xf32, #tpu.memory_space<vmem>> -> memref<32x128xf32, #tpu.memory_space<vmem>>
        %dma_wait3A_204 = arith.constant 96 : i32
        %dma_wait3A_205 = tpu.memref_slice %arg5[%add3A_134, %dma_wait3A_204] : memref<40x128xi32, #tpu.memory_space<vmem>> -> memref<1x32xi32, #tpu.memory_space<vmem>>
        %dma_wait3A_206 = tpu.memref_squeeze %dma_wait3A_205 : memref<1x32xi32, #tpu.memory_space<vmem>> -> memref<32xi32, #tpu.memory_space<vmem>>
        %dma_wait3A_207 = arith.constant 0 : i32
        %dma_wait3A_208 = arith.constant 0 : i32
        %dma_wait3A_209 = tpu.memref_slice %arg2[%dma_wait3A_207, %dma_wait3A_208] : memref<10240x128xf32, #tpu.memory_space<hbm>> -> memref<10240x128xf32, #tpu.memory_space<hbm>>
        tpu.wait_indirect_dma semaphore(%arg11 : memref<!tpu.dma_semaphore, #tpu.memory_space<semaphore_mem>>) src(%dma_wait3A_209 : memref<10240x128xf32, #tpu.memory_space<hbm>>) dst(%dma_wait3A_203 : memref<32x128xf32, #tpu.memory_space<vmem>>)
        "tpu.region"() ({
          %run_scoped3A = tpu.sem_alloc : memref<!tpu.dma_semaphore, #tpu.memory_space<semaphore_mem>>
          %dma_start3A_217 = arith.constant 0 : i32
          %dma_start3A_218 = tpu.memref_slice %arg6[%add3A_134, %dma_start3A_217] : memref<40x128xi32, #tpu.memory_space<vmem>> -> memref<1x128xi32, #tpu.memory_space<vmem>>
          %dma_start3A_219 = tpu.memref_squeeze %dma_start3A_218 : memref<1x128xi32, #tpu.memory_space<vmem>> -> memref<128xi32, #tpu.memory_space<vmem>>
          %dma_start3A_220 = arith.constant 0 : i32
          %dma_start3A_221 = arith.constant 0 : i32
          %dma_start3A_222 = tpu.memref_slice %arg9[%dma_start3A_220, %dma_start3A_221] : memref<10240x128xf32, #tpu.memory_space<vmem_shared>> -> memref<10240x128xf32, #tpu.memory_space<vmem_shared>>
          tpu.enqueue_indirect_dma source(%arg8 : memref<128x128xf32, #tpu.memory_space<vmem>>) target(%dma_start3A_222 : memref<10240x128xf32, #tpu.memory_space<vmem_shared>>) offsets(%dma_start3A_219 : memref<128xi32, #tpu.memory_space<vmem>>) semaphore(%run_scoped3A : memref<!tpu.dma_semaphore, #tpu.memory_space<semaphore_mem>>) {add = true}
          %dma_wait3A_223 = arith.constant 0 : i32
          %dma_wait3A_224 = tpu.memref_slice %arg6[%add3A_134, %dma_wait3A_223] : memref<40x128xi32, #tpu.memory_space<vmem>> -> memref<1x128xi32, #tpu.memory_space<vmem>>
          %dma_wait3A_225 = tpu.memref_squeeze %dma_wait3A_224 : memref<1x128xi32, #tpu.memory_space<vmem>> -> memref<128xi32, #tpu.memory_space<vmem>>
          %dma_wait3A_226 = arith.constant 0 : i32
          %dma_wait3A_227 = arith.constant 0 : i32
          %dma_wait3A_228 = tpu.memref_slice %arg9[%dma_wait3A_226, %dma_wait3A_227] : memref<10240x128xf32, #tpu.memory_space<vmem_shared>> -> memref<10240x128xf32, #tpu.memory_space<vmem_shared>>
          tpu.wait_indirect_dma semaphore(%run_scoped3A : memref<!tpu.dma_semaphore, #tpu.memory_space<semaphore_mem>>) src(%arg8 : memref<128x128xf32, #tpu.memory_space<vmem>>) dst(%dma_wait3A_228 : memref<10240x128xf32, #tpu.memory_space<vmem_shared>>)
          tpu.yield
        }) : () -> ()
        %add3A_210 = arith.constant 2 : i32
        %add3A_211 = arith.addi %add3A_134, %add3A_210 : i32
        %lt3A_212 = arith.constant 40 : i32
        %lt3A_213 = arith.cmpi slt, %add3A_211, %lt3A_212 : i32
        %convert_element_type3A_214 = arith.extui %lt3A_213 : i1 to i32
        %cond3A_215 = arith.constant 0 : i32
        %cond3A_216 = arith.cmpi ne, %convert_element_type3A_214, %cond3A_215 : i32
        scf.if %cond3A_216 {
          %add3A_217 = arith.constant 2 : i32
          %add3A_218 = arith.addi %add3A_134, %add3A_217 : i32
          %dma_start3A_219 = arith.constant 0 : i32
          %dma_start3A_220 = arith.constant 0 : i32
          %dma_start3A_221 = tpu.memref_slice %arg8[%dma_start3A_219, %dma_start3A_220] : memref<128x128xf32, #tpu.memory_space<vmem>> -> memref<32x128xf32, #tpu.memory_space<vmem>>
          %dma_start3A_222 = arith.constant 0 : i32
          %dma_start3A_223 = tpu.memref_slice %arg5[%add3A_218, %dma_start3A_222] : memref<40x128xi32, #tpu.memory_space<vmem>> -> memref<1x32xi32, #tpu.memory_space<vmem>>
          %dma_start3A_224 = tpu.memref_squeeze %dma_start3A_223 : memref<1x32xi32, #tpu.memory_space<vmem>> -> memref<32xi32, #tpu.memory_space<vmem>>
          %dma_start3A_225 = arith.constant 0 : i32
          %dma_start3A_226 = arith.constant 0 : i32
          %dma_start3A_227 = tpu.memref_slice %arg2[%dma_start3A_225, %dma_start3A_226] : memref<10240x128xf32, #tpu.memory_space<hbm>> -> memref<10240x128xf32, #tpu.memory_space<hbm>>
          tpu.enqueue_indirect_dma source(%dma_start3A_227 : memref<10240x128xf32, #tpu.memory_space<hbm>>) target(%dma_start3A_221 : memref<32x128xf32, #tpu.memory_space<vmem>>) offsets(%dma_start3A_224 : memref<32xi32, #tpu.memory_space<vmem>>) semaphore(%arg11 : memref<!tpu.dma_semaphore, #tpu.memory_space<semaphore_mem>>)
          %dma_start3A_228 = arith.constant 32 : i32
          %dma_start3A_229 = arith.constant 0 : i32
          %dma_start3A_230 = tpu.memref_slice %arg8[%dma_start3A_228, %dma_start3A_229] : memref<128x128xf32, #tpu.memory_space<vmem>> -> memref<32x128xf32, #tpu.memory_space<vmem>>
          %dma_start3A_231 = arith.constant 32 : i32
          %dma_start3A_232 = tpu.memref_slice %arg5[%add3A_218, %dma_start3A_231] : memref<40x128xi32, #tpu.memory_space<vmem>> -> memref<1x32xi32, #tpu.memory_space<vmem>>
          %dma_start3A_233 = tpu.memref_squeeze %dma_start3A_232 : memref<1x32xi32, #tpu.memory_space<vmem>> -> memref<32xi32, #tpu.memory_space<vmem>>
          %dma_start3A_234 = arith.constant 0 : i32
          %dma_start3A_235 = arith.constant 0 : i32
          %dma_start3A_236 = tpu.memref_slice %arg2[%dma_start3A_234, %dma_start3A_235] : memref<10240x128xf32, #tpu.memory_space<hbm>> -> memref<10240x128xf32, #tpu.memory_space<hbm>>
          tpu.enqueue_indirect_dma source(%dma_start3A_236 : memref<10240x128xf32, #tpu.memory_space<hbm>>) target(%dma_start3A_230 : memref<32x128xf32, #tpu.memory_space<vmem>>) offsets(%dma_start3A_233 : memref<32xi32, #tpu.memory_space<vmem>>) semaphore(%arg11 : memref<!tpu.dma_semaphore, #tpu.memory_space<semaphore_mem>>)
          %dma_start3A_237 = arith.constant 64 : i32
          %dma_start3A_238 = arith.constant 0 : i32
          %dma_start3A_239 = tpu.memref_slice %arg8[%dma_start3A_237, %dma_start3A_238] : memref<128x128xf32, #tpu.memory_space<vmem>> -> memref<32x128xf32, #tpu.memory_space<vmem>>
          %dma_start3A_240 = arith.constant 64 : i32
          %dma_start3A_241 = tpu.memref_slice %arg5[%add3A_218, %dma_start3A_240] : memref<40x128xi32, #tpu.memory_space<vmem>> -> memref<1x32xi32, #tpu.memory_space<vmem>>
          %dma_start3A_242 = tpu.memref_squeeze %dma_start3A_241 : memref<1x32xi32, #tpu.memory_space<vmem>> -> memref<32xi32, #tpu.memory_space<vmem>>
          %dma_start3A_243 = arith.constant 0 : i32
          %dma_start3A_244 = arith.constant 0 : i32
          %dma_start3A_245 = tpu.memref_slice %arg2[%dma_start3A_243, %dma_start3A_244] : memref<10240x128xf32, #tpu.memory_space<hbm>> -> memref<10240x128xf32, #tpu.memory_space<hbm>>
          tpu.enqueue_indirect_dma source(%dma_start3A_245 : memref<10240x128xf32, #tpu.memory_space<hbm>>) target(%dma_start3A_239 : memref<32x128xf32, #tpu.memory_space<vmem>>) offsets(%dma_start3A_242 : memref<32xi32, #tpu.memory_space<vmem>>) semaphore(%arg11 : memref<!tpu.dma_semaphore, #tpu.memory_space<semaphore_mem>>)
          %dma_start3A_246 = arith.constant 96 : i32
          %dma_start3A_247 = arith.constant 0 : i32
          %dma_start3A_248 = tpu.memref_slice %arg8[%dma_start3A_246, %dma_start3A_247] : memref<128x128xf32, #tpu.memory_space<vmem>> -> memref<32x128xf32, #tpu.memory_space<vmem>>
          %dma_start3A_249 = arith.constant 96 : i32
          %dma_start3A_250 = tpu.memref_slice %arg5[%add3A_218, %dma_start3A_249] : memref<40x128xi32, #tpu.memory_space<vmem>> -> memref<1x32xi32, #tpu.memory_space<vmem>>
          %dma_start3A_251 = tpu.memref_squeeze %dma_start3A_250 : memref<1x32xi32, #tpu.memory_space<vmem>> -> memref<32xi32, #tpu.memory_space<vmem>>
          %dma_start3A_252 = arith.constant 0 : i32
          %dma_start3A_253 = arith.constant 0 : i32
          %dma_start3A_254 = tpu.memref_slice %arg2[%dma_start3A_252, %dma_start3A_253] : memref<10240x128xf32, #tpu.memory_space<hbm>> -> memref<10240x128xf32, #tpu.memory_space<hbm>>
          tpu.enqueue_indirect_dma source(%dma_start3A_254 : memref<10240x128xf32, #tpu.memory_space<hbm>>) target(%dma_start3A_248 : memref<32x128xf32, #tpu.memory_space<vmem>>) offsets(%dma_start3A_251 : memref<32xi32, #tpu.memory_space<vmem>>) semaphore(%arg11 : memref<!tpu.dma_semaphore, #tpu.memory_space<semaphore_mem>>)
        } else {
        }
      }
      %scan3A_125 = arith.constant 20 : i32
    }
    %scan3A_25 = arith.constant 2 : i32
    %barrier3A_26 = arith.constant 0 : index
    tpu.barrier barrier_id(%barrier3A_26)
    %mul3A_27 = arith.constant 640 : i32
    %mul3A_28 = arith.muli %arg1, %mul3A_27 : i32
    %mul3A_29 = arith.constant 640 : i32
    %mul3A_30 = arith.muli %arg1, %mul3A_29 : i32
    "tpu.region"() ({
      %run_scoped3A = tpu.sem_alloc : memref<!tpu.dma_semaphore, #tpu.memory_space<semaphore_mem>>
      %dma_start3A = arith.constant 0 : i32
      %dma_start3A_31 = tpu.memref_slice %arg4[%arg0, %mul3A_30, %dma_start3A] : memref<2x10240x128xf32, #tpu.memory_space<hbm>> -> memref<1x640x128xf32, #tpu.memory_space<hbm>>
      %dma_start3A_32 = tpu.memref_squeeze %dma_start3A_31 : memref<1x640x128xf32, #tpu.memory_space<hbm>> -> memref<640x128xf32, #tpu.memory_space<hbm>>
      %dma_start3A_33 = arith.constant 0 : i32
      %dma_start3A_34 = tpu.memref_slice %arg9[%mul3A_28, %dma_start3A_33] : memref<10240x128xf32, #tpu.memory_space<vmem_shared>> -> memref<640x128xf32, #tpu.memory_space<vmem_shared>>
      tpu.enqueue_dma source(%dma_start3A_34 : memref<640x128xf32, #tpu.memory_space<vmem_shared>>) target(%dma_start3A_32 : memref<640x128xf32, #tpu.memory_space<hbm>>) target_semaphore(%run_scoped3A : memref<!tpu.dma_semaphore, #tpu.memory_space<semaphore_mem>>)
      %dma_wait3A = arith.constant 0 : i32
      %dma_wait3A_35 = tpu.memref_slice %arg4[%arg0, %mul3A_30, %dma_wait3A] : memref<2x10240x128xf32, #tpu.memory_space<hbm>> -> memref<1x640x128xf32, #tpu.memory_space<hbm>>
      %dma_wait3A_36 = tpu.memref_squeeze %dma_wait3A_35 : memref<1x640x128xf32, #tpu.memory_space<hbm>> -> memref<640x128xf32, #tpu.memory_space<hbm>>
      %dma_wait3A_37 = arith.constant 0 : i32
      %dma_wait3A_38 = tpu.memref_slice %arg9[%mul3A_28, %dma_wait3A_37] : memref<10240x128xf32, #tpu.memory_space<vmem_shared>> -> memref<640x128xf32, #tpu.memory_space<vmem_shared>>
      tpu.wait_dma2 semaphore(%run_scoped3A : memref<!tpu.dma_semaphore, #tpu.memory_space<semaphore_mem>>) src(%dma_wait3A_38 : memref<640x128xf32, #tpu.memory_space<vmem_shared>>) dst(%dma_wait3A_36 : memref<640x128xf32, #tpu.memory_space<hbm>>)
      tpu.yield
    }) : () -> ()
    return
  }
}

#map = affine_map<(d0, d1) -> (0, 0)>
#map1 = affine_map<(d0, d1) -> (0, 0, 0)>
module attributes {stable_mosaic.version = 14 : i64} {
  func.func @_agg_body(%arg0: i32, %arg1: i32, %arg2: memref<10240x128xf32, #tpu.memory_space<hbm>>, %arg3: memref<5120x128xi32, #tpu.memory_space<hbm>>, %arg4: memref<2x10240x128xf32, #tpu.memory_space<hbm>>, %arg5: memref<40x128xi32, #tpu.memory_space<vmem>>, %arg6: memref<40x128xi32, #tpu.memory_space<vmem>>, %arg7: memref<128x128xf32, #tpu.memory_space<vmem>>, %arg8: memref<128x128xf32, #tpu.memory_space<vmem>>, %arg9: memref<10240x128xf32, #tpu.memory_space<vmem_shared>>, %arg10: memref<!tpu.dma_semaphore, #tpu.memory_space<semaphore_mem>>, %arg11: memref<!tpu.dma_semaphore, #tpu.memory_space<semaphore_mem>>) attributes {dimension_semantics = [#tpu.dimension_semantics<core_parallel>, #tpu.dimension_semantics<subcore_parallel>], iteration_bounds = array<i64: 2, 16>, scalar_prefetch = 0 : i64, scratch_operands = 7 : i64, tpu.core_type = #tpu.core_type<sc_vector_subcore>, window_params = [{transform_indices = #map}, {transform_indices = #map}, {transform_indices = #map1}]} {
    %scan3A = arith.constant 0 : i32
    %scan3A_0 = arith.constant 128 : i32
    %scan3A_1 = arith.addi %scan3A, %scan3A_0 : i32
    %scan3A_2 = arith.constant 1 : i32
    scf.for %scan3A_31 = %scan3A to %scan3A_1 step %scan3A_2  : i32 {
      %mul3A_32 = arith.constant 1 : i32
      %mul3A_33 = arith.muli %scan3A_31, %mul3A_32 : i32
      %add3A_34 = arith.constant 0 : i32
      %add3A_35 = arith.addi %add3A_34, %mul3A_33 : i32
      %broadcast_in_dim3A = arith.constant 0.000000e+00 : f32
      %broadcast_in_dim3A_36 = vector.broadcast %broadcast_in_dim3A : f32 to vector<16xf32>
      %swap3A = arith.index_cast %add3A_35 : i32 to index
      %swap3A_37 = arith.constant 0 : index
      %swap3A_38 = tpu.vector_load %arg7[%swap3A, %swap3A_37] {strides = array<i32>} : memref<128x128xf32, #tpu.memory_space<vmem>>, vector<1x16xf32>,
      %swap3A_39 = vector.shape_cast %swap3A_38 : vector<1x16xf32> to vector<16xf32>
      %swap3A_40 = vector.shape_cast %broadcast_in_dim3A_36 : vector<16xf32> to vector<1x16xf32>
      tpu.vector_store %arg7[%swap3A, %swap3A_37], %swap3A_40 {strides = array<i32>} : memref<128x128xf32, #tpu.memory_space<vmem>>, vector<1x16xf32>,
      %broadcast_in_dim3A_41 = arith.constant 0.000000e+00 : f32
      %broadcast_in_dim3A_42 = vector.broadcast %broadcast_in_dim3A_41 : f32 to vector<16xf32>
      %swap3A_43 = arith.index_cast %add3A_35 : i32 to index
      %swap3A_44 = arith.constant 16 : index
      %swap3A_45 = tpu.vector_load %arg7[%swap3A_43, %swap3A_44] {strides = array<i32>} : memref<128x128xf32, #tpu.memory_space<vmem>>, vector<1x16xf32>,
      %swap3A_46 = vector.shape_cast %swap3A_45 : vector<1x16xf32> to vector<16xf32>
      %swap3A_47 = vector.shape_cast %broadcast_in_dim3A_42 : vector<16xf32> to vector<1x16xf32>
      tpu.vector_store %arg7[%swap3A_43, %swap3A_44], %swap3A_47 {strides = array<i32>} : memref<128x128xf32, #tpu.memory_space<vmem>>, vector<1x16xf32>,
      %broadcast_in_dim3A_48 = arith.constant 0.000000e+00 : f32
      %broadcast_in_dim3A_49 = vector.broadcast %broadcast_in_dim3A_48 : f32 to vector<16xf32>
      %swap3A_50 = arith.index_cast %add3A_35 : i32 to index
      %swap3A_51 = arith.constant 32 : index
      %swap3A_52 = tpu.vector_load %arg7[%swap3A_50, %swap3A_51] {strides = array<i32>} : memref<128x128xf32, #tpu.memory_space<vmem>>, vector<1x16xf32>,
      %swap3A_53 = vector.shape_cast %swap3A_52 : vector<1x16xf32> to vector<16xf32>
      %swap3A_54 = vector.shape_cast %broadcast_in_dim3A_49 : vector<16xf32> to vector<1x16xf32>
      tpu.vector_store %arg7[%swap3A_50, %swap3A_51], %swap3A_54 {strides = array<i32>} : memref<128x128xf32, #tpu.memory_space<vmem>>, vector<1x16xf32>,
      %broadcast_in_dim3A_55 = arith.constant 0.000000e+00 : f32
      %broadcast_in_dim3A_56 = vector.broadcast %broadcast_in_dim3A_55 : f32 to vector<16xf32>
      %swap3A_57 = arith.index_cast %add3A_35 : i32 to index
      %swap3A_58 = arith.constant 48 : index
      %swap3A_59 = tpu.vector_load %arg7[%swap3A_57, %swap3A_58] {strides = array<i32>} : memref<128x128xf32, #tpu.memory_space<vmem>>, vector<1x16xf32>,
      %swap3A_60 = vector.shape_cast %swap3A_59 : vector<1x16xf32> to vector<16xf32>
      %swap3A_61 = vector.shape_cast %broadcast_in_dim3A_56 : vector<16xf32> to vector<1x16xf32>
      tpu.vector_store %arg7[%swap3A_57, %swap3A_58], %swap3A_61 {strides = array<i32>} : memref<128x128xf32, #tpu.memory_space<vmem>>, vector<1x16xf32>,
      %broadcast_in_dim3A_62 = arith.constant 0.000000e+00 : f32
      %broadcast_in_dim3A_63 = vector.broadcast %broadcast_in_dim3A_62 : f32 to vector<16xf32>
      %swap3A_64 = arith.index_cast %add3A_35 : i32 to index
      %swap3A_65 = arith.constant 64 : index
      %swap3A_66 = tpu.vector_load %arg7[%swap3A_64, %swap3A_65] {strides = array<i32>} : memref<128x128xf32, #tpu.memory_space<vmem>>, vector<1x16xf32>,
      %swap3A_67 = vector.shape_cast %swap3A_66 : vector<1x16xf32> to vector<16xf32>
      %swap3A_68 = vector.shape_cast %broadcast_in_dim3A_63 : vector<16xf32> to vector<1x16xf32>
      tpu.vector_store %arg7[%swap3A_64, %swap3A_65], %swap3A_68 {strides = array<i32>} : memref<128x128xf32, #tpu.memory_space<vmem>>, vector<1x16xf32>,
      %broadcast_in_dim3A_69 = arith.constant 0.000000e+00 : f32
      %broadcast_in_dim3A_70 = vector.broadcast %broadcast_in_dim3A_69 : f32 to vector<16xf32>
      %swap3A_71 = arith.index_cast %add3A_35 : i32 to index
      %swap3A_72 = arith.constant 80 : index
      %swap3A_73 = tpu.vector_load %arg7[%swap3A_71, %swap3A_72] {strides = array<i32>} : memref<128x128xf32, #tpu.memory_space<vmem>>, vector<1x16xf32>,
      %swap3A_74 = vector.shape_cast %swap3A_73 : vector<1x16xf32> to vector<16xf32>
      %swap3A_75 = vector.shape_cast %broadcast_in_dim3A_70 : vector<16xf32> to vector<1x16xf32>
      tpu.vector_store %arg7[%swap3A_71, %swap3A_72], %swap3A_75 {strides = array<i32>} : memref<128x128xf32, #tpu.memory_space<vmem>>, vector<1x16xf32>,
      %broadcast_in_dim3A_76 = arith.constant 0.000000e+00 : f32
      %broadcast_in_dim3A_77 = vector.broadcast %broadcast_in_dim3A_76 : f32 to vector<16xf32>
      %swap3A_78 = arith.index_cast %add3A_35 : i32 to index
      %swap3A_79 = arith.constant 96 : index
      %swap3A_80 = tpu.vector_load %arg7[%swap3A_78, %swap3A_79] {strides = array<i32>} : memref<128x128xf32, #tpu.memory_space<vmem>>, vector<1x16xf32>,
      %swap3A_81 = vector.shape_cast %swap3A_80 : vector<1x16xf32> to vector<16xf32>
      %swap3A_82 = vector.shape_cast %broadcast_in_dim3A_77 : vector<16xf32> to vector<1x16xf32>
      tpu.vector_store %arg7[%swap3A_78, %swap3A_79], %swap3A_82 {strides = array<i32>} : memref<128x128xf32, #tpu.memory_space<vmem>>, vector<1x16xf32>,
      %broadcast_in_dim3A_83 = arith.constant 0.000000e+00 : f32
      %broadcast_in_dim3A_84 = vector.broadcast %broadcast_in_dim3A_83 : f32 to vector<16xf32>
      %swap3A_85 = arith.index_cast %add3A_35 : i32 to index
      %swap3A_86 = arith.constant 112 : index
      %swap3A_87 = tpu.vector_load %arg7[%swap3A_85, %swap3A_86] {strides = array<i32>} : memref<128x128xf32, #tpu.memory_space<vmem>>, vector<1x16xf32>,
      %swap3A_88 = vector.shape_cast %swap3A_87 : vector<1x16xf32> to vector<16xf32>
      %swap3A_89 = vector.shape_cast %broadcast_in_dim3A_84 : vector<16xf32> to vector<1x16xf32>
      tpu.vector_store %arg7[%swap3A_85, %swap3A_86], %swap3A_89 {strides = array<i32>} : memref<128x128xf32, #tpu.memory_space<vmem>>, vector<1x16xf32>,
    }
    %scan3A_3 = arith.constant 128 : i32
    %scan3A_4 = arith.constant 0 : i32
    %scan3A_5 = arith.constant 5 : i32
    %scan3A_6 = arith.addi %scan3A_4, %scan3A_5 : i32
    %scan3A_7 = arith.constant 1 : i32
    scf.for %scan3A_31 = %scan3A_4 to %scan3A_6 step %scan3A_7  : i32 {
      %mul3A_32 = arith.constant 1 : i32
      %mul3A_33 = arith.muli %scan3A_31, %mul3A_32 : i32
      %add3A_34 = arith.constant 0 : i32
      %add3A_35 = arith.addi %add3A_34, %mul3A_33 : i32
      %mul3A_36 = arith.constant 640 : i32
      %mul3A_37 = arith.muli %arg1, %mul3A_36 : i32
      %mul3A_38 = arith.constant 128 : i32
      %mul3A_39 = arith.muli %add3A_35, %mul3A_38 : i32
      %add3A_40 = arith.addi %mul3A_37, %mul3A_39 : i32
      "tpu.region"() ({
        %run_scoped3A = tpu.sem_alloc : memref<!tpu.dma_semaphore, #tpu.memory_space<semaphore_mem>>
        %dma_start3A = arith.constant 0 : i32
        %dma_start3A_41 = tpu.memref_slice %arg9[%add3A_40, %dma_start3A] : memref<10240x128xf32, #tpu.memory_space<vmem_shared>> -> memref<128x128xf32, #tpu.memory_space<vmem_shared>>
        %dma_start3A_42 = arith.constant 0 : i32
        %dma_start3A_43 = tpu.memref_slice %arg9[%add3A_40, %dma_start3A_42] : memref<10240x128xf32, #tpu.memory_space<vmem_shared>> -> memref<128x128xf32, #tpu.memory_space<vmem_shared>>
        tpu.enqueue_dma source(%arg7 : memref<128x128xf32, #tpu.memory_space<vmem>>) target(%dma_start3A_43 : memref<128x128xf32, #tpu.memory_space<vmem_shared>>) target_semaphore(%run_scoped3A : memref<!tpu.dma_semaphore, #tpu.memory_space<semaphore_mem>>)
        %dma_wait3A = arith.constant 0 : i32
        %dma_wait3A_44 = tpu.memref_slice %arg9[%add3A_40, %dma_wait3A] : memref<10240x128xf32, #tpu.memory_space<vmem_shared>> -> memref<128x128xf32, #tpu.memory_space<vmem_shared>>
        %dma_wait3A_45 = arith.constant 0 : i32
        %dma_wait3A_46 = tpu.memref_slice %arg9[%add3A_40, %dma_wait3A_45] : memref<10240x128xf32, #tpu.memory_space<vmem_shared>> -> memref<128x128xf32, #tpu.memory_space<vmem_shared>>
        tpu.wait_dma2 semaphore(%run_scoped3A : memref<!tpu.dma_semaphore, #tpu.memory_space<semaphore_mem>>) src(%arg7 : memref<128x128xf32, #tpu.memory_space<vmem>>) dst(%dma_wait3A_46 : memref<128x128xf32, #tpu.memory_space<vmem_shared>>)
        tpu.yield
      }) : () -> ()
    }
    %scan3A_8 = arith.constant 5 : i32
    %barrier3A = arith.constant 0 : index
    tpu.barrier barrier_id(%barrier3A)
    %mul3A = arith.constant 16 : i32
    %mul3A_9 = arith.muli %arg0, %mul3A : i32
    %add3A = arith.addi %mul3A_9, %arg1 : i32
    %mul3A_10 = arith.constant 80 : i32
    %mul3A_11 = arith.muli %add3A, %mul3A_10 : i32
    %add3A_12 = arith.constant 2560 : i32
    %add3A_13 = arith.addi %add3A_12, %mul3A_11 : i32
    %add3A_14 = arith.constant 2560 : i32
    %add3A_15 = arith.addi %add3A_14, %mul3A_11 : i32
    %scan3A_16 = arith.constant 0 : i32
    %scan3A_17 = arith.constant 2 : i32
    %scan3A_18 = arith.addi %scan3A_16, %scan3A_17 : i32
    %scan3A_19 = arith.constant 1 : i32
    scf.for %scan3A_31 = %scan3A_16 to %scan3A_18 step %scan3A_19  : i32 {
      %mul3A_32 = arith.constant 1 : i32
      %mul3A_33 = arith.muli %scan3A_31, %mul3A_32 : i32
      %add3A_34 = arith.constant 0 : i32
      %add3A_35 = arith.addi %add3A_34, %mul3A_33 : i32
      %mul3A_36 = arith.constant 40 : i32
      %mul3A_37 = arith.muli %add3A_35, %mul3A_36 : i32
      %add3A_38 = arith.addi %mul3A_11, %mul3A_37 : i32
      "tpu.region"() ({
        %run_scoped3A = tpu.sem_alloc : memref<!tpu.dma_semaphore, #tpu.memory_space<semaphore_mem>>
        %dma_start3A_126 = arith.constant 0 : i32
        %dma_start3A_127 = tpu.memref_slice %arg3[%add3A_38, %dma_start3A_126] : memref<5120x128xi32, #tpu.memory_space<hbm>> -> memref<40x128xi32, #tpu.memory_space<hbm>>
        %dma_start3A_128 = arith.constant 0 : i32
        %dma_start3A_129 = tpu.memref_slice %arg3[%add3A_38, %dma_start3A_128] : memref<5120x128xi32, #tpu.memory_space<hbm>> -> memref<40x128xi32, #tpu.memory_space<hbm>>
        tpu.enqueue_dma source(%dma_start3A_129 : memref<40x128xi32, #tpu.memory_space<hbm>>) target(%arg5 : memref<40x128xi32, #tpu.memory_space<vmem>>) target_semaphore(%run_scoped3A : memref<!tpu.dma_semaphore, #tpu.memory_space<semaphore_mem>>)
        %dma_wait3A = arith.constant 0 : i32
        %dma_wait3A_130 = tpu.memref_slice %arg3[%add3A_38, %dma_wait3A] : memref<5120x128xi32, #tpu.memory_space<hbm>> -> memref<40x128xi32, #tpu.memory_space<hbm>>
        %dma_wait3A_131 = arith.constant 0 : i32
        %dma_wait3A_132 = tpu.memref_slice %arg3[%add3A_38, %dma_wait3A_131] : memref<5120x128xi32, #tpu.memory_space<hbm>> -> memref<40x128xi32, #tpu.memory_space<hbm>>
        tpu.wait_dma2 semaphore(%run_scoped3A : memref<!tpu.dma_semaphore, #tpu.memory_space<semaphore_mem>>) src(%dma_wait3A_132 : memref<40x128xi32, #tpu.memory_space<hbm>>) dst(%arg5 : memref<40x128xi32, #tpu.memory_space<vmem>>)
        tpu.yield
      }) : () -> ()
      %mul3A_39 = arith.constant 40 : i32
      %mul3A_40 = arith.muli %add3A_35, %mul3A_39 : i32
      %add3A_41 = arith.addi %add3A_13, %mul3A_40 : i32
      "tpu.region"() ({
        %run_scoped3A = tpu.sem_alloc : memref<!tpu.dma_semaphore, #tpu.memory_space<semaphore_mem>>
        %dma_start3A_126 = arith.constant 0 : i32
        %dma_start3A_127 = tpu.memref_slice %arg3[%add3A_41, %dma_start3A_126] : memref<5120x128xi32, #tpu.memory_space<hbm>> -> memref<40x128xi32, #tpu.memory_space<hbm>>
        %dma_start3A_128 = arith.constant 0 : i32
        %dma_start3A_129 = tpu.memref_slice %arg3[%add3A_41, %dma_start3A_128] : memref<5120x128xi32, #tpu.memory_space<hbm>> -> memref<40x128xi32, #tpu.memory_space<hbm>>
        tpu.enqueue_dma source(%dma_start3A_129 : memref<40x128xi32, #tpu.memory_space<hbm>>) target(%arg6 : memref<40x128xi32, #tpu.memory_space<vmem>>) target_semaphore(%run_scoped3A : memref<!tpu.dma_semaphore, #tpu.memory_space<semaphore_mem>>)
        %dma_wait3A = arith.constant 0 : i32
        %dma_wait3A_130 = tpu.memref_slice %arg3[%add3A_41, %dma_wait3A] : memref<5120x128xi32, #tpu.memory_space<hbm>> -> memref<40x128xi32, #tpu.memory_space<hbm>>
        %dma_wait3A_131 = arith.constant 0 : i32
        %dma_wait3A_132 = tpu.memref_slice %arg3[%add3A_41, %dma_wait3A_131] : memref<5120x128xi32, #tpu.memory_space<hbm>> -> memref<40x128xi32, #tpu.memory_space<hbm>>
        tpu.wait_dma2 semaphore(%run_scoped3A : memref<!tpu.dma_semaphore, #tpu.memory_space<semaphore_mem>>) src(%dma_wait3A_132 : memref<40x128xi32, #tpu.memory_space<hbm>>) dst(%arg6 : memref<40x128xi32, #tpu.memory_space<vmem>>)
        tpu.yield
      }) : () -> ()
      %dma_start3A = arith.constant 0 : i32
      %dma_start3A_42 = arith.constant 0 : i32
      %dma_start3A_43 = arith.constant 0 : i32
      %dma_start3A_44 = tpu.memref_slice %arg7[%dma_start3A_42, %dma_start3A_43] : memref<128x128xf32, #tpu.memory_space<vmem>> -> memref<32x128xf32, #tpu.memory_space<vmem>>
      %dma_start3A_45 = arith.constant 0 : i32
      %dma_start3A_46 = tpu.memref_slice %arg5[%dma_start3A, %dma_start3A_45] : memref<40x128xi32, #tpu.memory_space<vmem>> -> memref<1x32xi32, #tpu.memory_space<vmem>>
      %dma_start3A_47 = tpu.memref_squeeze %dma_start3A_46 : memref<1x32xi32, #tpu.memory_space<vmem>> -> memref<32xi32, #tpu.memory_space<vmem>>
      %dma_start3A_48 = arith.constant 0 : i32
      %dma_start3A_49 = arith.constant 0 : i32
      %dma_start3A_50 = tpu.memref_slice %arg2[%dma_start3A_48, %dma_start3A_49] : memref<10240x128xf32, #tpu.memory_space<hbm>> -> memref<10240x128xf32, #tpu.memory_space<hbm>>
      tpu.enqueue_indirect_dma source(%dma_start3A_50 : memref<10240x128xf32, #tpu.memory_space<hbm>>) target(%dma_start3A_44 : memref<32x128xf32, #tpu.memory_space<vmem>>) offsets(%dma_start3A_47 : memref<32xi32, #tpu.memory_space<vmem>>) semaphore(%arg10 : memref<!tpu.dma_semaphore, #tpu.memory_space<semaphore_mem>>)
      %dma_start3A_51 = arith.constant 0 : i32
      %dma_start3A_52 = arith.constant 32 : i32
      %dma_start3A_53 = arith.constant 0 : i32
      %dma_start3A_54 = tpu.memref_slice %arg7[%dma_start3A_52, %dma_start3A_53] : memref<128x128xf32, #tpu.memory_space<vmem>> -> memref<32x128xf32, #tpu.memory_space<vmem>>
      %dma_start3A_55 = arith.constant 32 : i32
      %dma_start3A_56 = tpu.memref_slice %arg5[%dma_start3A_51, %dma_start3A_55] : memref<40x128xi32, #tpu.memory_space<vmem>> -> memref<1x32xi32, #tpu.memory_space<vmem>>
      %dma_start3A_57 = tpu.memref_squeeze %dma_start3A_56 : memref<1x32xi32, #tpu.memory_space<vmem>> -> memref<32xi32, #tpu.memory_space<vmem>>
      %dma_start3A_58 = arith.constant 0 : i32
      %dma_start3A_59 = arith.constant 0 : i32
      %dma_start3A_60 = tpu.memref_slice %arg2[%dma_start3A_58, %dma_start3A_59] : memref<10240x128xf32, #tpu.memory_space<hbm>> -> memref<10240x128xf32, #tpu.memory_space<hbm>>
      tpu.enqueue_indirect_dma source(%dma_start3A_60 : memref<10240x128xf32, #tpu.memory_space<hbm>>) target(%dma_start3A_54 : memref<32x128xf32, #tpu.memory_space<vmem>>) offsets(%dma_start3A_57 : memref<32xi32, #tpu.memory_space<vmem>>) semaphore(%arg10 : memref<!tpu.dma_semaphore, #tpu.memory_space<semaphore_mem>>)
      %dma_start3A_61 = arith.constant 0 : i32
      %dma_start3A_62 = arith.constant 64 : i32
      %dma_start3A_63 = arith.constant 0 : i32
      %dma_start3A_64 = tpu.memref_slice %arg7[%dma_start3A_62, %dma_start3A_63] : memref<128x128xf32, #tpu.memory_space<vmem>> -> memref<32x128xf32, #tpu.memory_space<vmem>>
      %dma_start3A_65 = arith.constant 64 : i32
      %dma_start3A_66 = tpu.memref_slice %arg5[%dma_start3A_61, %dma_start3A_65] : memref<40x128xi32, #tpu.memory_space<vmem>> -> memref<1x32xi32, #tpu.memory_space<vmem>>
      %dma_start3A_67 = tpu.memref_squeeze %dma_start3A_66 : memref<1x32xi32, #tpu.memory_space<vmem>> -> memref<32xi32, #tpu.memory_space<vmem>>
      %dma_start3A_68 = arith.constant 0 : i32
      %dma_start3A_69 = arith.constant 0 : i32
      %dma_start3A_70 = tpu.memref_slice %arg2[%dma_start3A_68, %dma_start3A_69] : memref<10240x128xf32, #tpu.memory_space<hbm>> -> memref<10240x128xf32, #tpu.memory_space<hbm>>
      tpu.enqueue_indirect_dma source(%dma_start3A_70 : memref<10240x128xf32, #tpu.memory_space<hbm>>) target(%dma_start3A_64 : memref<32x128xf32, #tpu.memory_space<vmem>>) offsets(%dma_start3A_67 : memref<32xi32, #tpu.memory_space<vmem>>) semaphore(%arg10 : memref<!tpu.dma_semaphore, #tpu.memory_space<semaphore_mem>>)
      %dma_start3A_71 = arith.constant 0 : i32
      %dma_start3A_72 = arith.constant 96 : i32
      %dma_start3A_73 = arith.constant 0 : i32
      %dma_start3A_74 = tpu.memref_slice %arg7[%dma_start3A_72, %dma_start3A_73] : memref<128x128xf32, #tpu.memory_space<vmem>> -> memref<32x128xf32, #tpu.memory_space<vmem>>
      %dma_start3A_75 = arith.constant 96 : i32
      %dma_start3A_76 = tpu.memref_slice %arg5[%dma_start3A_71, %dma_start3A_75] : memref<40x128xi32, #tpu.memory_space<vmem>> -> memref<1x32xi32, #tpu.memory_space<vmem>>
      %dma_start3A_77 = tpu.memref_squeeze %dma_start3A_76 : memref<1x32xi32, #tpu.memory_space<vmem>> -> memref<32xi32, #tpu.memory_space<vmem>>
      %dma_start3A_78 = arith.constant 0 : i32
      %dma_start3A_79 = arith.constant 0 : i32
      %dma_start3A_80 = tpu.memref_slice %arg2[%dma_start3A_78, %dma_start3A_79] : memref<10240x128xf32, #tpu.memory_space<hbm>> -> memref<10240x128xf32, #tpu.memory_space<hbm>>
      tpu.enqueue_indirect_dma source(%dma_start3A_80 : memref<10240x128xf32, #tpu.memory_space<hbm>>) target(%dma_start3A_74 : memref<32x128xf32, #tpu.memory_space<vmem>>) offsets(%dma_start3A_77 : memref<32xi32, #tpu.memory_space<vmem>>) semaphore(%arg10 : memref<!tpu.dma_semaphore, #tpu.memory_space<semaphore_mem>>)
      %dma_start3A_81 = arith.constant 1 : i32
      %dma_start3A_82 = arith.constant 0 : i32
      %dma_start3A_83 = arith.constant 0 : i32
      %dma_start3A_84 = tpu.memref_slice %arg8[%dma_start3A_82, %dma_start3A_83] : memref<128x128xf32, #tpu.memory_space<vmem>> -> memref<32x128xf32, #tpu.memory_space<vmem>>
      %dma_start3A_85 = arith.constant 0 : i32
      %dma_start3A_86 = tpu.memref_slice %arg5[%dma_start3A_81, %dma_start3A_85] : memref<40x128xi32, #tpu.memory_space<vmem>> -> memref<1x32xi32, #tpu.memory_space<vmem>>
      %dma_start3A_87 = tpu.memref_squeeze %dma_start3A_86 : memref<1x32xi32, #tpu.memory_space<vmem>> -> memref<32xi32, #tpu.memory_space<vmem>>
      %dma_start3A_88 = arith.constant 0 : i32
      %dma_start3A_89 = arith.constant 0 : i32
      %dma_start3A_90 = tpu.memref_slice %arg2[%dma_start3A_88, %dma_start3A_89] : memref<10240x128xf32, #tpu.memory_space<hbm>> -> memref<10240x128xf32, #tpu.memory_space<hbm>>
      tpu.enqueue_indirect_dma source(%dma_start3A_90 : memref<10240x128xf32, #tpu.memory_space<hbm>>) target(%dma_start3A_84 : memref<32x128xf32, #tpu.memory_space<vmem>>) offsets(%dma_start3A_87 : memref<32xi32, #tpu.memory_space<vmem>>) semaphore(%arg11 : memref<!tpu.dma_semaphore, #tpu.memory_space<semaphore_mem>>)
      %dma_start3A_91 = arith.constant 1 : i32
      %dma_start3A_92 = arith.constant 32 : i32
      %dma_start3A_93 = arith.constant 0 : i32
      %dma_start3A_94 = tpu.memref_slice %arg8[%dma_start3A_92, %dma_start3A_93] : memref<128x128xf32, #tpu.memory_space<vmem>> -> memref<32x128xf32, #tpu.memory_space<vmem>>
      %dma_start3A_95 = arith.constant 32 : i32
      %dma_start3A_96 = tpu.memref_slice %arg5[%dma_start3A_91, %dma_start3A_95] : memref<40x128xi32, #tpu.memory_space<vmem>> -> memref<1x32xi32, #tpu.memory_space<vmem>>
      %dma_start3A_97 = tpu.memref_squeeze %dma_start3A_96 : memref<1x32xi32, #tpu.memory_space<vmem>> -> memref<32xi32, #tpu.memory_space<vmem>>
      %dma_start3A_98 = arith.constant 0 : i32
      %dma_start3A_99 = arith.constant 0 : i32
      %dma_start3A_100 = tpu.memref_slice %arg2[%dma_start3A_98, %dma_start3A_99] : memref<10240x128xf32, #tpu.memory_space<hbm>> -> memref<10240x128xf32, #tpu.memory_space<hbm>>
      tpu.enqueue_indirect_dma source(%dma_start3A_100 : memref<10240x128xf32, #tpu.memory_space<hbm>>) target(%dma_start3A_94 : memref<32x128xf32, #tpu.memory_space<vmem>>) offsets(%dma_start3A_97 : memref<32xi32, #tpu.memory_space<vmem>>) semaphore(%arg11 : memref<!tpu.dma_semaphore, #tpu.memory_space<semaphore_mem>>)
      %dma_start3A_101 = arith.constant 1 : i32
      %dma_start3A_102 = arith.constant 64 : i32
      %dma_start3A_103 = arith.constant 0 : i32
      %dma_start3A_104 = tpu.memref_slice %arg8[%dma_start3A_102, %dma_start3A_103] : memref<128x128xf32, #tpu.memory_space<vmem>> -> memref<32x128xf32, #tpu.memory_space<vmem>>
      %dma_start3A_105 = arith.constant 64 : i32
      %dma_start3A_106 = tpu.memref_slice %arg5[%dma_start3A_101, %dma_start3A_105] : memref<40x128xi32, #tpu.memory_space<vmem>> -> memref<1x32xi32, #tpu.memory_space<vmem>>
      %dma_start3A_107 = tpu.memref_squeeze %dma_start3A_106 : memref<1x32xi32, #tpu.memory_space<vmem>> -> memref<32xi32, #tpu.memory_space<vmem>>
      %dma_start3A_108 = arith.constant 0 : i32
      %dma_start3A_109 = arith.constant 0 : i32
      %dma_start3A_110 = tpu.memref_slice %arg2[%dma_start3A_108, %dma_start3A_109] : memref<10240x128xf32, #tpu.memory_space<hbm>> -> memref<10240x128xf32, #tpu.memory_space<hbm>>
      tpu.enqueue_indirect_dma source(%dma_start3A_110 : memref<10240x128xf32, #tpu.memory_space<hbm>>) target(%dma_start3A_104 : memref<32x128xf32, #tpu.memory_space<vmem>>) offsets(%dma_start3A_107 : memref<32xi32, #tpu.memory_space<vmem>>) semaphore(%arg11 : memref<!tpu.dma_semaphore, #tpu.memory_space<semaphore_mem>>)
      %dma_start3A_111 = arith.constant 1 : i32
      %dma_start3A_112 = arith.constant 96 : i32
      %dma_start3A_113 = arith.constant 0 : i32
      %dma_start3A_114 = tpu.memref_slice %arg8[%dma_start3A_112, %dma_start3A_113] : memref<128x128xf32, #tpu.memory_space<vmem>> -> memref<32x128xf32, #tpu.memory_space<vmem>>
      %dma_start3A_115 = arith.constant 96 : i32
      %dma_start3A_116 = tpu.memref_slice %arg5[%dma_start3A_111, %dma_start3A_115] : memref<40x128xi32, #tpu.memory_space<vmem>> -> memref<1x32xi32, #tpu.memory_space<vmem>>
      %dma_start3A_117 = tpu.memref_squeeze %dma_start3A_116 : memref<1x32xi32, #tpu.memory_space<vmem>> -> memref<32xi32, #tpu.memory_space<vmem>>
      %dma_start3A_118 = arith.constant 0 : i32
      %dma_start3A_119 = arith.constant 0 : i32
      %dma_start3A_120 = tpu.memref_slice %arg2[%dma_start3A_118, %dma_start3A_119] : memref<10240x128xf32, #tpu.memory_space<hbm>> -> memref<10240x128xf32, #tpu.memory_space<hbm>>
      tpu.enqueue_indirect_dma source(%dma_start3A_120 : memref<10240x128xf32, #tpu.memory_space<hbm>>) target(%dma_start3A_114 : memref<32x128xf32, #tpu.memory_space<vmem>>) offsets(%dma_start3A_117 : memref<32xi32, #tpu.memory_space<vmem>>) semaphore(%arg11 : memref<!tpu.dma_semaphore, #tpu.memory_space<semaphore_mem>>)
      %scan3A_121 = arith.constant 0 : i32
      %scan3A_122 = arith.constant 20 : i32
      %scan3A_123 = arith.addi %scan3A_121, %scan3A_122 : i32
      %scan3A_124 = arith.constant 1 : i32
      scf.for %scan3A_126 = %scan3A_121 to %scan3A_123 step %scan3A_124  : i32 {
        %mul3A_127 = arith.constant 1 : i32
        %mul3A_128 = arith.muli %scan3A_126, %mul3A_127 : i32
        %add3A_129 = arith.constant 0 : i32
        %add3A_130 = arith.addi %add3A_129, %mul3A_128 : i32
        %mul3A_131 = arith.constant 2 : i32
        %mul3A_132 = arith.muli %mul3A_131, %add3A_130 : i32
        %add3A_133 = arith.constant 1 : i32
        %add3A_134 = arith.addi %mul3A_132, %add3A_133 : i32
        %dma_wait3A = arith.constant 0 : i32
        %dma_wait3A_135 = arith.constant 0 : i32
        %dma_wait3A_136 = tpu.memref_slice %arg7[%dma_wait3A, %dma_wait3A_135] : memref<128x128xf32, #tpu.memory_space<vmem>> -> memref<32x128xf32, #tpu.memory_space<vmem>>
        %dma_wait3A_137 = arith.constant 0 : i32
        %dma_wait3A_138 = tpu.memref_slice %arg5[%mul3A_132, %dma_wait3A_137] : memref<40x128xi32, #tpu.memory_space<vmem>> -> memref<1x32xi32, #tpu.memory_space<vmem>>
        %dma_wait3A_139 = tpu.memref_squeeze %dma_wait3A_138 : memref<1x32xi32, #tpu.memory_space<vmem>> -> memref<32xi32, #tpu.memory_space<vmem>>
        %dma_wait3A_140 = arith.constant 0 : i32
        %dma_wait3A_141 = arith.constant 0 : i32
        %dma_wait3A_142 = tpu.memref_slice %arg2[%dma_wait3A_140, %dma_wait3A_141] : memref<10240x128xf32, #tpu.memory_space<hbm>> -> memref<10240x128xf32, #tpu.memory_space<hbm>>
        tpu.wait_indirect_dma semaphore(%arg10 : memref<!tpu.dma_semaphore, #tpu.memory_space<semaphore_mem>>) src(%dma_wait3A_142 : memref<10240x128xf32, #tpu.memory_space<hbm>>) dst(%dma_wait3A_136 : memref<32x128xf32, #tpu.memory_space<vmem>>)
        %dma_wait3A_143 = arith.constant 32 : i32
        %dma_wait3A_144 = arith.constant 0 : i32
        %dma_wait3A_145 = tpu.memref_slice %arg7[%dma_wait3A_143, %dma_wait3A_144] : memref<128x128xf32, #tpu.memory_space<vmem>> -> memref<32x128xf32, #tpu.memory_space<vmem>>
        %dma_wait3A_146 = arith.constant 32 : i32
        %dma_wait3A_147 = tpu.memref_slice %arg5[%mul3A_132, %dma_wait3A_146] : memref<40x128xi32, #tpu.memory_space<vmem>> -> memref<1x32xi32, #tpu.memory_space<vmem>>
        %dma_wait3A_148 = tpu.memref_squeeze %dma_wait3A_147 : memref<1x32xi32, #tpu.memory_space<vmem>> -> memref<32xi32, #tpu.memory_space<vmem>>
        %dma_wait3A_149 = arith.constant 0 : i32
        %dma_wait3A_150 = arith.constant 0 : i32
        %dma_wait3A_151 = tpu.memref_slice %arg2[%dma_wait3A_149, %dma_wait3A_150] : memref<10240x128xf32, #tpu.memory_space<hbm>> -> memref<10240x128xf32, #tpu.memory_space<hbm>>
        tpu.wait_indirect_dma semaphore(%arg10 : memref<!tpu.dma_semaphore, #tpu.memory_space<semaphore_mem>>) src(%dma_wait3A_151 : memref<10240x128xf32, #tpu.memory_space<hbm>>) dst(%dma_wait3A_145 : memref<32x128xf32, #tpu.memory_space<vmem>>)
        %dma_wait3A_152 = arith.constant 64 : i32
        %dma_wait3A_153 = arith.constant 0 : i32
        %dma_wait3A_154 = tpu.memref_slice %arg7[%dma_wait3A_152, %dma_wait3A_153] : memref<128x128xf32, #tpu.memory_space<vmem>> -> memref<32x128xf32, #tpu.memory_space<vmem>>
        %dma_wait3A_155 = arith.constant 64 : i32
        %dma_wait3A_156 = tpu.memref_slice %arg5[%mul3A_132, %dma_wait3A_155] : memref<40x128xi32, #tpu.memory_space<vmem>> -> memref<1x32xi32, #tpu.memory_space<vmem>>
        %dma_wait3A_157 = tpu.memref_squeeze %dma_wait3A_156 : memref<1x32xi32, #tpu.memory_space<vmem>> -> memref<32xi32, #tpu.memory_space<vmem>>
        %dma_wait3A_158 = arith.constant 0 : i32
        %dma_wait3A_159 = arith.constant 0 : i32
        %dma_wait3A_160 = tpu.memref_slice %arg2[%dma_wait3A_158, %dma_wait3A_159] : memref<10240x128xf32, #tpu.memory_space<hbm>> -> memref<10240x128xf32, #tpu.memory_space<hbm>>
        tpu.wait_indirect_dma semaphore(%arg10 : memref<!tpu.dma_semaphore, #tpu.memory_space<semaphore_mem>>) src(%dma_wait3A_160 : memref<10240x128xf32, #tpu.memory_space<hbm>>) dst(%dma_wait3A_154 : memref<32x128xf32, #tpu.memory_space<vmem>>)
        %dma_wait3A_161 = arith.constant 96 : i32
        %dma_wait3A_162 = arith.constant 0 : i32
        %dma_wait3A_163 = tpu.memref_slice %arg7[%dma_wait3A_161, %dma_wait3A_162] : memref<128x128xf32, #tpu.memory_space<vmem>> -> memref<32x128xf32, #tpu.memory_space<vmem>>
        %dma_wait3A_164 = arith.constant 96 : i32
        %dma_wait3A_165 = tpu.memref_slice %arg5[%mul3A_132, %dma_wait3A_164] : memref<40x128xi32, #tpu.memory_space<vmem>> -> memref<1x32xi32, #tpu.memory_space<vmem>>
        %dma_wait3A_166 = tpu.memref_squeeze %dma_wait3A_165 : memref<1x32xi32, #tpu.memory_space<vmem>> -> memref<32xi32, #tpu.memory_space<vmem>>
        %dma_wait3A_167 = arith.constant 0 : i32
        %dma_wait3A_168 = arith.constant 0 : i32
        %dma_wait3A_169 = tpu.memref_slice %arg2[%dma_wait3A_167, %dma_wait3A_168] : memref<10240x128xf32, #tpu.memory_space<hbm>> -> memref<10240x128xf32, #tpu.memory_space<hbm>>
        tpu.wait_indirect_dma semaphore(%arg10 : memref<!tpu.dma_semaphore, #tpu.memory_space<semaphore_mem>>) src(%dma_wait3A_169 : memref<10240x128xf32, #tpu.memory_space<hbm>>) dst(%dma_wait3A_163 : memref<32x128xf32, #tpu.memory_space<vmem>>)
        "tpu.region"() ({
          %run_scoped3A = tpu.sem_alloc : memref<!tpu.dma_semaphore, #tpu.memory_space<semaphore_mem>>
          %dma_start3A_217 = arith.constant 0 : i32
          %dma_start3A_218 = tpu.memref_slice %arg6[%mul3A_132, %dma_start3A_217] : memref<40x128xi32, #tpu.memory_space<vmem>> -> memref<1x128xi32, #tpu.memory_space<vmem>>
          %dma_start3A_219 = tpu.memref_squeeze %dma_start3A_218 : memref<1x128xi32, #tpu.memory_space<vmem>> -> memref<128xi32, #tpu.memory_space<vmem>>
          %dma_start3A_220 = arith.constant 0 : i32
          %dma_start3A_221 = arith.constant 0 : i32
          %dma_start3A_222 = tpu.memref_slice %arg9[%dma_start3A_220, %dma_start3A_221] : memref<10240x128xf32, #tpu.memory_space<vmem_shared>> -> memref<10240x128xf32, #tpu.memory_space<vmem_shared>>
          tpu.enqueue_indirect_dma source(%arg7 : memref<128x128xf32, #tpu.memory_space<vmem>>) target(%dma_start3A_222 : memref<10240x128xf32, #tpu.memory_space<vmem_shared>>) offsets(%dma_start3A_219 : memref<128xi32, #tpu.memory_space<vmem>>) semaphore(%run_scoped3A : memref<!tpu.dma_semaphore, #tpu.memory_space<semaphore_mem>>) {add = true}
          %dma_wait3A_223 = arith.constant 0 : i32
          %dma_wait3A_224 = tpu.memref_slice %arg6[%mul3A_132, %dma_wait3A_223] : memref<40x128xi32, #tpu.memory_space<vmem>> -> memref<1x128xi32, #tpu.memory_space<vmem>>
          %dma_wait3A_225 = tpu.memref_squeeze %dma_wait3A_224 : memref<1x128xi32, #tpu.memory_space<vmem>> -> memref<128xi32, #tpu.memory_space<vmem>>
          %dma_wait3A_226 = arith.constant 0 : i32
          %dma_wait3A_227 = arith.constant 0 : i32
          %dma_wait3A_228 = tpu.memref_slice %arg9[%dma_wait3A_226, %dma_wait3A_227] : memref<10240x128xf32, #tpu.memory_space<vmem_shared>> -> memref<10240x128xf32, #tpu.memory_space<vmem_shared>>
          tpu.wait_indirect_dma semaphore(%run_scoped3A : memref<!tpu.dma_semaphore, #tpu.memory_space<semaphore_mem>>) src(%arg7 : memref<128x128xf32, #tpu.memory_space<vmem>>) dst(%dma_wait3A_228 : memref<10240x128xf32, #tpu.memory_space<vmem_shared>>)
          tpu.yield
        }) : () -> ()
        %add3A_170 = arith.constant 2 : i32
        %add3A_171 = arith.addi %mul3A_132, %add3A_170 : i32
        %lt3A = arith.constant 40 : i32
        %lt3A_172 = arith.cmpi slt, %add3A_171, %lt3A : i32
        %convert_element_type3A = arith.extui %lt3A_172 : i1 to i32
        %cond3A = arith.constant 0 : i32
        %cond3A_173 = arith.cmpi ne, %convert_element_type3A, %cond3A : i32
        scf.if %cond3A_173 {
          %add3A_217 = arith.constant 2 : i32
          %add3A_218 = arith.addi %mul3A_132, %add3A_217 : i32
          %dma_start3A_219 = arith.constant 0 : i32
          %dma_start3A_220 = arith.constant 0 : i32
          %dma_start3A_221 = tpu.memref_slice %arg7[%dma_start3A_219, %dma_start3A_220] : memref<128x128xf32, #tpu.memory_space<vmem>> -> memref<32x128xf32, #tpu.memory_space<vmem>>
          %dma_start3A_222 = arith.constant 0 : i32
          %dma_start3A_223 = tpu.memref_slice %arg5[%add3A_218, %dma_start3A_222] : memref<40x128xi32, #tpu.memory_space<vmem>> -> memref<1x32xi32, #tpu.memory_space<vmem>>
          %dma_start3A_224 = tpu.memref_squeeze %dma_start3A_223 : memref<1x32xi32, #tpu.memory_space<vmem>> -> memref<32xi32, #tpu.memory_space<vmem>>
          %dma_start3A_225 = arith.constant 0 : i32
          %dma_start3A_226 = arith.constant 0 : i32
          %dma_start3A_227 = tpu.memref_slice %arg2[%dma_start3A_225, %dma_start3A_226] : memref<10240x128xf32, #tpu.memory_space<hbm>> -> memref<10240x128xf32, #tpu.memory_space<hbm>>
          tpu.enqueue_indirect_dma source(%dma_start3A_227 : memref<10240x128xf32, #tpu.memory_space<hbm>>) target(%dma_start3A_221 : memref<32x128xf32, #tpu.memory_space<vmem>>) offsets(%dma_start3A_224 : memref<32xi32, #tpu.memory_space<vmem>>) semaphore(%arg10 : memref<!tpu.dma_semaphore, #tpu.memory_space<semaphore_mem>>)
          %dma_start3A_228 = arith.constant 32 : i32
          %dma_start3A_229 = arith.constant 0 : i32
          %dma_start3A_230 = tpu.memref_slice %arg7[%dma_start3A_228, %dma_start3A_229] : memref<128x128xf32, #tpu.memory_space<vmem>> -> memref<32x128xf32, #tpu.memory_space<vmem>>
          %dma_start3A_231 = arith.constant 32 : i32
          %dma_start3A_232 = tpu.memref_slice %arg5[%add3A_218, %dma_start3A_231] : memref<40x128xi32, #tpu.memory_space<vmem>> -> memref<1x32xi32, #tpu.memory_space<vmem>>
          %dma_start3A_233 = tpu.memref_squeeze %dma_start3A_232 : memref<1x32xi32, #tpu.memory_space<vmem>> -> memref<32xi32, #tpu.memory_space<vmem>>
          %dma_start3A_234 = arith.constant 0 : i32
          %dma_start3A_235 = arith.constant 0 : i32
          %dma_start3A_236 = tpu.memref_slice %arg2[%dma_start3A_234, %dma_start3A_235] : memref<10240x128xf32, #tpu.memory_space<hbm>> -> memref<10240x128xf32, #tpu.memory_space<hbm>>
          tpu.enqueue_indirect_dma source(%dma_start3A_236 : memref<10240x128xf32, #tpu.memory_space<hbm>>) target(%dma_start3A_230 : memref<32x128xf32, #tpu.memory_space<vmem>>) offsets(%dma_start3A_233 : memref<32xi32, #tpu.memory_space<vmem>>) semaphore(%arg10 : memref<!tpu.dma_semaphore, #tpu.memory_space<semaphore_mem>>)
          %dma_start3A_237 = arith.constant 64 : i32
          %dma_start3A_238 = arith.constant 0 : i32
          %dma_start3A_239 = tpu.memref_slice %arg7[%dma_start3A_237, %dma_start3A_238] : memref<128x128xf32, #tpu.memory_space<vmem>> -> memref<32x128xf32, #tpu.memory_space<vmem>>
          %dma_start3A_240 = arith.constant 64 : i32
          %dma_start3A_241 = tpu.memref_slice %arg5[%add3A_218, %dma_start3A_240] : memref<40x128xi32, #tpu.memory_space<vmem>> -> memref<1x32xi32, #tpu.memory_space<vmem>>
          %dma_start3A_242 = tpu.memref_squeeze %dma_start3A_241 : memref<1x32xi32, #tpu.memory_space<vmem>> -> memref<32xi32, #tpu.memory_space<vmem>>
          %dma_start3A_243 = arith.constant 0 : i32
          %dma_start3A_244 = arith.constant 0 : i32
          %dma_start3A_245 = tpu.memref_slice %arg2[%dma_start3A_243, %dma_start3A_244] : memref<10240x128xf32, #tpu.memory_space<hbm>> -> memref<10240x128xf32, #tpu.memory_space<hbm>>
          tpu.enqueue_indirect_dma source(%dma_start3A_245 : memref<10240x128xf32, #tpu.memory_space<hbm>>) target(%dma_start3A_239 : memref<32x128xf32, #tpu.memory_space<vmem>>) offsets(%dma_start3A_242 : memref<32xi32, #tpu.memory_space<vmem>>) semaphore(%arg10 : memref<!tpu.dma_semaphore, #tpu.memory_space<semaphore_mem>>)
          %dma_start3A_246 = arith.constant 96 : i32
          %dma_start3A_247 = arith.constant 0 : i32
          %dma_start3A_248 = tpu.memref_slice %arg7[%dma_start3A_246, %dma_start3A_247] : memref<128x128xf32, #tpu.memory_space<vmem>> -> memref<32x128xf32, #tpu.memory_space<vmem>>
          %dma_start3A_249 = arith.constant 96 : i32
          %dma_start3A_250 = tpu.memref_slice %arg5[%add3A_218, %dma_start3A_249] : memref<40x128xi32, #tpu.memory_space<vmem>> -> memref<1x32xi32, #tpu.memory_space<vmem>>
          %dma_start3A_251 = tpu.memref_squeeze %dma_start3A_250 : memref<1x32xi32, #tpu.memory_space<vmem>> -> memref<32xi32, #tpu.memory_space<vmem>>
          %dma_start3A_252 = arith.constant 0 : i32
          %dma_start3A_253 = arith.constant 0 : i32
          %dma_start3A_254 = tpu.memref_slice %arg2[%dma_start3A_252, %dma_start3A_253] : memref<10240x128xf32, #tpu.memory_space<hbm>> -> memref<10240x128xf32, #tpu.memory_space<hbm>>
          tpu.enqueue_indirect_dma source(%dma_start3A_254 : memref<10240x128xf32, #tpu.memory_space<hbm>>) target(%dma_start3A_248 : memref<32x128xf32, #tpu.memory_space<vmem>>) offsets(%dma_start3A_251 : memref<32xi32, #tpu.memory_space<vmem>>) semaphore(%arg10 : memref<!tpu.dma_semaphore, #tpu.memory_space<semaphore_mem>>)
        } else {
        }
        %dma_wait3A_174 = arith.constant 0 : i32
        %dma_wait3A_175 = arith.constant 0 : i32
        %dma_wait3A_176 = tpu.memref_slice %arg8[%dma_wait3A_174, %dma_wait3A_175] : memref<128x128xf32, #tpu.memory_space<vmem>> -> memref<32x128xf32, #tpu.memory_space<vmem>>
        %dma_wait3A_177 = arith.constant 0 : i32
        %dma_wait3A_178 = tpu.memref_slice %arg5[%add3A_134, %dma_wait3A_177] : memref<40x128xi32, #tpu.memory_space<vmem>> -> memref<1x32xi32, #tpu.memory_space<vmem>>
        %dma_wait3A_179 = tpu.memref_squeeze %dma_wait3A_178 : memref<1x32xi32, #tpu.memory_space<vmem>> -> memref<32xi32, #tpu.memory_space<vmem>>
        %dma_wait3A_180 = arith.constant 0 : i32
        %dma_wait3A_181 = arith.constant 0 : i32
        %dma_wait3A_182 = tpu.memref_slice %arg2[%dma_wait3A_180, %dma_wait3A_181] : memref<10240x128xf32, #tpu.memory_space<hbm>> -> memref<10240x128xf32, #tpu.memory_space<hbm>>
        tpu.wait_indirect_dma semaphore(%arg11 : memref<!tpu.dma_semaphore, #tpu.memory_space<semaphore_mem>>) src(%dma_wait3A_182 : memref<10240x128xf32, #tpu.memory_space<hbm>>) dst(%dma_wait3A_176 : memref<32x128xf32, #tpu.memory_space<vmem>>)
        %dma_wait3A_183 = arith.constant 32 : i32
        %dma_wait3A_184 = arith.constant 0 : i32
        %dma_wait3A_185 = tpu.memref_slice %arg8[%dma_wait3A_183, %dma_wait3A_184] : memref<128x128xf32, #tpu.memory_space<vmem>> -> memref<32x128xf32, #tpu.memory_space<vmem>>
        %dma_wait3A_186 = arith.constant 32 : i32
        %dma_wait3A_187 = tpu.memref_slice %arg5[%add3A_134, %dma_wait3A_186] : memref<40x128xi32, #tpu.memory_space<vmem>> -> memref<1x32xi32, #tpu.memory_space<vmem>>
        %dma_wait3A_188 = tpu.memref_squeeze %dma_wait3A_187 : memref<1x32xi32, #tpu.memory_space<vmem>> -> memref<32xi32, #tpu.memory_space<vmem>>
        %dma_wait3A_189 = arith.constant 0 : i32
        %dma_wait3A_190 = arith.constant 0 : i32
        %dma_wait3A_191 = tpu.memref_slice %arg2[%dma_wait3A_189, %dma_wait3A_190] : memref<10240x128xf32, #tpu.memory_space<hbm>> -> memref<10240x128xf32, #tpu.memory_space<hbm>>
        tpu.wait_indirect_dma semaphore(%arg11 : memref<!tpu.dma_semaphore, #tpu.memory_space<semaphore_mem>>) src(%dma_wait3A_191 : memref<10240x128xf32, #tpu.memory_space<hbm>>) dst(%dma_wait3A_185 : memref<32x128xf32, #tpu.memory_space<vmem>>)
        %dma_wait3A_192 = arith.constant 64 : i32
        %dma_wait3A_193 = arith.constant 0 : i32
        %dma_wait3A_194 = tpu.memref_slice %arg8[%dma_wait3A_192, %dma_wait3A_193] : memref<128x128xf32, #tpu.memory_space<vmem>> -> memref<32x128xf32, #tpu.memory_space<vmem>>
        %dma_wait3A_195 = arith.constant 64 : i32
        %dma_wait3A_196 = tpu.memref_slice %arg5[%add3A_134, %dma_wait3A_195] : memref<40x128xi32, #tpu.memory_space<vmem>> -> memref<1x32xi32, #tpu.memory_space<vmem>>
        %dma_wait3A_197 = tpu.memref_squeeze %dma_wait3A_196 : memref<1x32xi32, #tpu.memory_space<vmem>> -> memref<32xi32, #tpu.memory_space<vmem>>
        %dma_wait3A_198 = arith.constant 0 : i32
        %dma_wait3A_199 = arith.constant 0 : i32
        %dma_wait3A_200 = tpu.memref_slice %arg2[%dma_wait3A_198, %dma_wait3A_199] : memref<10240x128xf32, #tpu.memory_space<hbm>> -> memref<10240x128xf32, #tpu.memory_space<hbm>>
        tpu.wait_indirect_dma semaphore(%arg11 : memref<!tpu.dma_semaphore, #tpu.memory_space<semaphore_mem>>) src(%dma_wait3A_200 : memref<10240x128xf32, #tpu.memory_space<hbm>>) dst(%dma_wait3A_194 : memref<32x128xf32, #tpu.memory_space<vmem>>)
        %dma_wait3A_201 = arith.constant 96 : i32
        %dma_wait3A_202 = arith.constant 0 : i32
        %dma_wait3A_203 = tpu.memref_slice %arg8[%dma_wait3A_201, %dma_wait3A_202] : memref<128x128xf32, #tpu.memory_space<vmem>> -> memref<32x128xf32, #tpu.memory_space<vmem>>
        %dma_wait3A_204 = arith.constant 96 : i32
        %dma_wait3A_205 = tpu.memref_slice %arg5[%add3A_134, %dma_wait3A_204] : memref<40x128xi32, #tpu.memory_space<vmem>> -> memref<1x32xi32, #tpu.memory_space<vmem>>
        %dma_wait3A_206 = tpu.memref_squeeze %dma_wait3A_205 : memref<1x32xi32, #tpu.memory_space<vmem>> -> memref<32xi32, #tpu.memory_space<vmem>>
        %dma_wait3A_207 = arith.constant 0 : i32
        %dma_wait3A_208 = arith.constant 0 : i32
        %dma_wait3A_209 = tpu.memref_slice %arg2[%dma_wait3A_207, %dma_wait3A_208] : memref<10240x128xf32, #tpu.memory_space<hbm>> -> memref<10240x128xf32, #tpu.memory_space<hbm>>
        tpu.wait_indirect_dma semaphore(%arg11 : memref<!tpu.dma_semaphore, #tpu.memory_space<semaphore_mem>>) src(%dma_wait3A_209 : memref<10240x128xf32, #tpu.memory_space<hbm>>) dst(%dma_wait3A_203 : memref<32x128xf32, #tpu.memory_space<vmem>>)
        "tpu.region"() ({
          %run_scoped3A = tpu.sem_alloc : memref<!tpu.dma_semaphore, #tpu.memory_space<semaphore_mem>>
          %dma_start3A_217 = arith.constant 0 : i32
          %dma_start3A_218 = tpu.memref_slice %arg6[%add3A_134, %dma_start3A_217] : memref<40x128xi32, #tpu.memory_space<vmem>> -> memref<1x128xi32, #tpu.memory_space<vmem>>
          %dma_start3A_219 = tpu.memref_squeeze %dma_start3A_218 : memref<1x128xi32, #tpu.memory_space<vmem>> -> memref<128xi32, #tpu.memory_space<vmem>>
          %dma_start3A_220 = arith.constant 0 : i32
          %dma_start3A_221 = arith.constant 0 : i32
          %dma_start3A_222 = tpu.memref_slice %arg9[%dma_start3A_220, %dma_start3A_221] : memref<10240x128xf32, #tpu.memory_space<vmem_shared>> -> memref<10240x128xf32, #tpu.memory_space<vmem_shared>>
          tpu.enqueue_indirect_dma source(%arg8 : memref<128x128xf32, #tpu.memory_space<vmem>>) target(%dma_start3A_222 : memref<10240x128xf32, #tpu.memory_space<vmem_shared>>) offsets(%dma_start3A_219 : memref<128xi32, #tpu.memory_space<vmem>>) semaphore(%run_scoped3A : memref<!tpu.dma_semaphore, #tpu.memory_space<semaphore_mem>>) {add = true}
          %dma_wait3A_223 = arith.constant 0 : i32
          %dma_wait3A_224 = tpu.memref_slice %arg6[%add3A_134, %dma_wait3A_223] : memref<40x128xi32, #tpu.memory_space<vmem>> -> memref<1x128xi32, #tpu.memory_space<vmem>>
          %dma_wait3A_225 = tpu.memref_squeeze %dma_wait3A_224 : memref<1x128xi32, #tpu.memory_space<vmem>> -> memref<128xi32, #tpu.memory_space<vmem>>
          %dma_wait3A_226 = arith.constant 0 : i32
          %dma_wait3A_227 = arith.constant 0 : i32
          %dma_wait3A_228 = tpu.memref_slice %arg9[%dma_wait3A_226, %dma_wait3A_227] : memref<10240x128xf32, #tpu.memory_space<vmem_shared>> -> memref<10240x128xf32, #tpu.memory_space<vmem_shared>>
          tpu.wait_indirect_dma semaphore(%run_scoped3A : memref<!tpu.dma_semaphore, #tpu.memory_space<semaphore_mem>>) src(%arg8 : memref<128x128xf32, #tpu.memory_space<vmem>>) dst(%dma_wait3A_228 : memref<10240x128xf32, #tpu.memory_space<vmem_shared>>)
          tpu.yield
        }) : () -> ()
        %add3A_210 = arith.constant 2 : i32
        %add3A_211 = arith.addi %add3A_134, %add3A_210 : i32
        %lt3A_212 = arith.constant 40 : i32
        %lt3A_213 = arith.cmpi slt, %add3A_211, %lt3A_212 : i32
        %convert_element_type3A_214 = arith.extui %lt3A_213 : i1 to i32
        %cond3A_215 = arith.constant 0 : i32
        %cond3A_216 = arith.cmpi ne, %convert_element_type3A_214, %cond3A_215 : i32
        scf.if %cond3A_216 {
          %add3A_217 = arith.constant 2 : i32
          %add3A_218 = arith.addi %add3A_134, %add3A_217 : i32
          %dma_start3A_219 = arith.constant 0 : i32
          %dma_start3A_220 = arith.constant 0 : i32
          %dma_start3A_221 = tpu.memref_slice %arg8[%dma_start3A_219, %dma_start3A_220] : memref<128x128xf32, #tpu.memory_space<vmem>> -> memref<32x128xf32, #tpu.memory_space<vmem>>
          %dma_start3A_222 = arith.constant 0 : i32
          %dma_start3A_223 = tpu.memref_slice %arg5[%add3A_218, %dma_start3A_222] : memref<40x128xi32, #tpu.memory_space<vmem>> -> memref<1x32xi32, #tpu.memory_space<vmem>>
          %dma_start3A_224 = tpu.memref_squeeze %dma_start3A_223 : memref<1x32xi32, #tpu.memory_space<vmem>> -> memref<32xi32, #tpu.memory_space<vmem>>
          %dma_start3A_225 = arith.constant 0 : i32
          %dma_start3A_226 = arith.constant 0 : i32
          %dma_start3A_227 = tpu.memref_slice %arg2[%dma_start3A_225, %dma_start3A_226] : memref<10240x128xf32, #tpu.memory_space<hbm>> -> memref<10240x128xf32, #tpu.memory_space<hbm>>
          tpu.enqueue_indirect_dma source(%dma_start3A_227 : memref<10240x128xf32, #tpu.memory_space<hbm>>) target(%dma_start3A_221 : memref<32x128xf32, #tpu.memory_space<vmem>>) offsets(%dma_start3A_224 : memref<32xi32, #tpu.memory_space<vmem>>) semaphore(%arg11 : memref<!tpu.dma_semaphore, #tpu.memory_space<semaphore_mem>>)
          %dma_start3A_228 = arith.constant 32 : i32
          %dma_start3A_229 = arith.constant 0 : i32
          %dma_start3A_230 = tpu.memref_slice %arg8[%dma_start3A_228, %dma_start3A_229] : memref<128x128xf32, #tpu.memory_space<vmem>> -> memref<32x128xf32, #tpu.memory_space<vmem>>
          %dma_start3A_231 = arith.constant 32 : i32
          %dma_start3A_232 = tpu.memref_slice %arg5[%add3A_218, %dma_start3A_231] : memref<40x128xi32, #tpu.memory_space<vmem>> -> memref<1x32xi32, #tpu.memory_space<vmem>>
          %dma_start3A_233 = tpu.memref_squeeze %dma_start3A_232 : memref<1x32xi32, #tpu.memory_space<vmem>> -> memref<32xi32, #tpu.memory_space<vmem>>
          %dma_start3A_234 = arith.constant 0 : i32
          %dma_start3A_235 = arith.constant 0 : i32
          %dma_start3A_236 = tpu.memref_slice %arg2[%dma_start3A_234, %dma_start3A_235] : memref<10240x128xf32, #tpu.memory_space<hbm>> -> memref<10240x128xf32, #tpu.memory_space<hbm>>
          tpu.enqueue_indirect_dma source(%dma_start3A_236 : memref<10240x128xf32, #tpu.memory_space<hbm>>) target(%dma_start3A_230 : memref<32x128xf32, #tpu.memory_space<vmem>>) offsets(%dma_start3A_233 : memref<32xi32, #tpu.memory_space<vmem>>) semaphore(%arg11 : memref<!tpu.dma_semaphore, #tpu.memory_space<semaphore_mem>>)
          %dma_start3A_237 = arith.constant 64 : i32
          %dma_start3A_238 = arith.constant 0 : i32
          %dma_start3A_239 = tpu.memref_slice %arg8[%dma_start3A_237, %dma_start3A_238] : memref<128x128xf32, #tpu.memory_space<vmem>> -> memref<32x128xf32, #tpu.memory_space<vmem>>
          %dma_start3A_240 = arith.constant 64 : i32
          %dma_start3A_241 = tpu.memref_slice %arg5[%add3A_218, %dma_start3A_240] : memref<40x128xi32, #tpu.memory_space<vmem>> -> memref<1x32xi32, #tpu.memory_space<vmem>>
          %dma_start3A_242 = tpu.memref_squeeze %dma_start3A_241 : memref<1x32xi32, #tpu.memory_space<vmem>> -> memref<32xi32, #tpu.memory_space<vmem>>
          %dma_start3A_243 = arith.constant 0 : i32
          %dma_start3A_244 = arith.constant 0 : i32
          %dma_start3A_245 = tpu.memref_slice %arg2[%dma_start3A_243, %dma_start3A_244] : memref<10240x128xf32, #tpu.memory_space<hbm>> -> memref<10240x128xf32, #tpu.memory_space<hbm>>
          tpu.enqueue_indirect_dma source(%dma_start3A_245 : memref<10240x128xf32, #tpu.memory_space<hbm>>) target(%dma_start3A_239 : memref<32x128xf32, #tpu.memory_space<vmem>>) offsets(%dma_start3A_242 : memref<32xi32, #tpu.memory_space<vmem>>) semaphore(%arg11 : memref<!tpu.dma_semaphore, #tpu.memory_space<semaphore_mem>>)
          %dma_start3A_246 = arith.constant 96 : i32
          %dma_start3A_247 = arith.constant 0 : i32
          %dma_start3A_248 = tpu.memref_slice %arg8[%dma_start3A_246, %dma_start3A_247] : memref<128x128xf32, #tpu.memory_space<vmem>> -> memref<32x128xf32, #tpu.memory_space<vmem>>
          %dma_start3A_249 = arith.constant 96 : i32
          %dma_start3A_250 = tpu.memref_slice %arg5[%add3A_218, %dma_start3A_249] : memref<40x128xi32, #tpu.memory_space<vmem>> -> memref<1x32xi32, #tpu.memory_space<vmem>>
          %dma_start3A_251 = tpu.memref_squeeze %dma_start3A_250 : memref<1x32xi32, #tpu.memory_space<vmem>> -> memref<32xi32, #tpu.memory_space<vmem>>
          %dma_start3A_252 = arith.constant 0 : i32
          %dma_start3A_253 = arith.constant 0 : i32
          %dma_start3A_254 = tpu.memref_slice %arg2[%dma_start3A_252, %dma_start3A_253] : memref<10240x128xf32, #tpu.memory_space<hbm>> -> memref<10240x128xf32, #tpu.memory_space<hbm>>
          tpu.enqueue_indirect_dma source(%dma_start3A_254 : memref<10240x128xf32, #tpu.memory_space<hbm>>) target(%dma_start3A_248 : memref<32x128xf32, #tpu.memory_space<vmem>>) offsets(%dma_start3A_251 : memref<32xi32, #tpu.memory_space<vmem>>) semaphore(%arg11 : memref<!tpu.dma_semaphore, #tpu.memory_space<semaphore_mem>>)
        } else {
        }
      }
      %scan3A_125 = arith.constant 20 : i32
    }
    %scan3A_20 = arith.constant 2 : i32
    %scan3A_21 = arith.constant 0 : i32
    %scan3A_22 = arith.constant 2 : i32
    %scan3A_23 = arith.addi %scan3A_21, %scan3A_22 : i32
    %scan3A_24 = arith.constant 1 : i32
    scf.for %scan3A_31 = %scan3A_21 to %scan3A_23 step %scan3A_24  : i32 {
      %mul3A_32 = arith.constant 1 : i32
      %mul3A_33 = arith.muli %scan3A_31, %mul3A_32 : i32
      %add3A_34 = arith.constant 0 : i32
      %add3A_35 = arith.addi %add3A_34, %mul3A_33 : i32
      %mul3A_36 = arith.constant 40 : i32
      %mul3A_37 = arith.muli %add3A_35, %mul3A_36 : i32
      %add3A_38 = arith.addi %add3A_15, %mul3A_37 : i32
      "tpu.region"() ({
        %run_scoped3A = tpu.sem_alloc : memref<!tpu.dma_semaphore, #tpu.memory_space<semaphore_mem>>
        %dma_start3A_126 = arith.constant 0 : i32
        %dma_start3A_127 = tpu.memref_slice %arg3[%add3A_38, %dma_start3A_126] : memref<5120x128xi32, #tpu.memory_space<hbm>> -> memref<40x128xi32, #tpu.memory_space<hbm>>
        %dma_start3A_128 = arith.constant 0 : i32
        %dma_start3A_129 = tpu.memref_slice %arg3[%add3A_38, %dma_start3A_128] : memref<5120x128xi32, #tpu.memory_space<hbm>> -> memref<40x128xi32, #tpu.memory_space<hbm>>
        tpu.enqueue_dma source(%dma_start3A_129 : memref<40x128xi32, #tpu.memory_space<hbm>>) target(%arg5 : memref<40x128xi32, #tpu.memory_space<vmem>>) target_semaphore(%run_scoped3A : memref<!tpu.dma_semaphore, #tpu.memory_space<semaphore_mem>>)
        %dma_wait3A = arith.constant 0 : i32
        %dma_wait3A_130 = tpu.memref_slice %arg3[%add3A_38, %dma_wait3A] : memref<5120x128xi32, #tpu.memory_space<hbm>> -> memref<40x128xi32, #tpu.memory_space<hbm>>
        %dma_wait3A_131 = arith.constant 0 : i32
        %dma_wait3A_132 = tpu.memref_slice %arg3[%add3A_38, %dma_wait3A_131] : memref<5120x128xi32, #tpu.memory_space<hbm>> -> memref<40x128xi32, #tpu.memory_space<hbm>>
        tpu.wait_dma2 semaphore(%run_scoped3A : memref<!tpu.dma_semaphore, #tpu.memory_space<semaphore_mem>>) src(%dma_wait3A_132 : memref<40x128xi32, #tpu.memory_space<hbm>>) dst(%arg5 : memref<40x128xi32, #tpu.memory_space<vmem>>)
        tpu.yield
      }) : () -> ()
      %mul3A_39 = arith.constant 40 : i32
      %mul3A_40 = arith.muli %add3A_35, %mul3A_39 : i32
      %add3A_41 = arith.addi %mul3A_11, %mul3A_40 : i32
      "tpu.region"() ({
        %run_scoped3A = tpu.sem_alloc : memref<!tpu.dma_semaphore, #tpu.memory_space<semaphore_mem>>
        %dma_start3A_126 = arith.constant 0 : i32
        %dma_start3A_127 = tpu.memref_slice %arg3[%add3A_41, %dma_start3A_126] : memref<5120x128xi32, #tpu.memory_space<hbm>> -> memref<40x128xi32, #tpu.memory_space<hbm>>
        %dma_start3A_128 = arith.constant 0 : i32
        %dma_start3A_129 = tpu.memref_slice %arg3[%add3A_41, %dma_start3A_128] : memref<5120x128xi32, #tpu.memory_space<hbm>> -> memref<40x128xi32, #tpu.memory_space<hbm>>
        tpu.enqueue_dma source(%dma_start3A_129 : memref<40x128xi32, #tpu.memory_space<hbm>>) target(%arg6 : memref<40x128xi32, #tpu.memory_space<vmem>>) target_semaphore(%run_scoped3A : memref<!tpu.dma_semaphore, #tpu.memory_space<semaphore_mem>>)
        %dma_wait3A = arith.constant 0 : i32
        %dma_wait3A_130 = tpu.memref_slice %arg3[%add3A_41, %dma_wait3A] : memref<5120x128xi32, #tpu.memory_space<hbm>> -> memref<40x128xi32, #tpu.memory_space<hbm>>
        %dma_wait3A_131 = arith.constant 0 : i32
        %dma_wait3A_132 = tpu.memref_slice %arg3[%add3A_41, %dma_wait3A_131] : memref<5120x128xi32, #tpu.memory_space<hbm>> -> memref<40x128xi32, #tpu.memory_space<hbm>>
        tpu.wait_dma2 semaphore(%run_scoped3A : memref<!tpu.dma_semaphore, #tpu.memory_space<semaphore_mem>>) src(%dma_wait3A_132 : memref<40x128xi32, #tpu.memory_space<hbm>>) dst(%arg6 : memref<40x128xi32, #tpu.memory_space<vmem>>)
        tpu.yield
      }) : () -> ()
      %dma_start3A = arith.constant 0 : i32
      %dma_start3A_42 = arith.constant 0 : i32
      %dma_start3A_43 = arith.constant 0 : i32
      %dma_start3A_44 = tpu.memref_slice %arg7[%dma_start3A_42, %dma_start3A_43] : memref<128x128xf32, #tpu.memory_space<vmem>> -> memref<32x128xf32, #tpu.memory_space<vmem>>
      %dma_start3A_45 = arith.constant 0 : i32
      %dma_start3A_46 = tpu.memref_slice %arg5[%dma_start3A, %dma_start3A_45] : memref<40x128xi32, #tpu.memory_space<vmem>> -> memref<1x32xi32, #tpu.memory_space<vmem>>
      %dma_start3A_47 = tpu.memref_squeeze %dma_start3A_46 : memref<1x32xi32, #tpu.memory_space<vmem>> -> memref<32xi32, #tpu.memory_space<vmem>>
      %dma_start3A_48 = arith.constant 0 : i32
      %dma_start3A_49 = arith.constant 0 : i32
      %dma_start3A_50 = tpu.memref_slice %arg2[%dma_start3A_48, %dma_start3A_49] : memref<10240x128xf32, #tpu.memory_space<hbm>> -> memref<10240x128xf32, #tpu.memory_space<hbm>>
      tpu.enqueue_indirect_dma source(%dma_start3A_50 : memref<10240x128xf32, #tpu.memory_space<hbm>>) target(%dma_start3A_44 : memref<32x128xf32, #tpu.memory_space<vmem>>) offsets(%dma_start3A_47 : memref<32xi32, #tpu.memory_space<vmem>>) semaphore(%arg10 : memref<!tpu.dma_semaphore, #tpu.memory_space<semaphore_mem>>)
      %dma_start3A_51 = arith.constant 0 : i32
      %dma_start3A_52 = arith.constant 32 : i32
      %dma_start3A_53 = arith.constant 0 : i32
      %dma_start3A_54 = tpu.memref_slice %arg7[%dma_start3A_52, %dma_start3A_53] : memref<128x128xf32, #tpu.memory_space<vmem>> -> memref<32x128xf32, #tpu.memory_space<vmem>>
      %dma_start3A_55 = arith.constant 32 : i32
      %dma_start3A_56 = tpu.memref_slice %arg5[%dma_start3A_51, %dma_start3A_55] : memref<40x128xi32, #tpu.memory_space<vmem>> -> memref<1x32xi32, #tpu.memory_space<vmem>>
      %dma_start3A_57 = tpu.memref_squeeze %dma_start3A_56 : memref<1x32xi32, #tpu.memory_space<vmem>> -> memref<32xi32, #tpu.memory_space<vmem>>
      %dma_start3A_58 = arith.constant 0 : i32
      %dma_start3A_59 = arith.constant 0 : i32
      %dma_start3A_60 = tpu.memref_slice %arg2[%dma_start3A_58, %dma_start3A_59] : memref<10240x128xf32, #tpu.memory_space<hbm>> -> memref<10240x128xf32, #tpu.memory_space<hbm>>
      tpu.enqueue_indirect_dma source(%dma_start3A_60 : memref<10240x128xf32, #tpu.memory_space<hbm>>) target(%dma_start3A_54 : memref<32x128xf32, #tpu.memory_space<vmem>>) offsets(%dma_start3A_57 : memref<32xi32, #tpu.memory_space<vmem>>) semaphore(%arg10 : memref<!tpu.dma_semaphore, #tpu.memory_space<semaphore_mem>>)
      %dma_start3A_61 = arith.constant 0 : i32
      %dma_start3A_62 = arith.constant 64 : i32
      %dma_start3A_63 = arith.constant 0 : i32
      %dma_start3A_64 = tpu.memref_slice %arg7[%dma_start3A_62, %dma_start3A_63] : memref<128x128xf32, #tpu.memory_space<vmem>> -> memref<32x128xf32, #tpu.memory_space<vmem>>
      %dma_start3A_65 = arith.constant 64 : i32
      %dma_start3A_66 = tpu.memref_slice %arg5[%dma_start3A_61, %dma_start3A_65] : memref<40x128xi32, #tpu.memory_space<vmem>> -> memref<1x32xi32, #tpu.memory_space<vmem>>
      %dma_start3A_67 = tpu.memref_squeeze %dma_start3A_66 : memref<1x32xi32, #tpu.memory_space<vmem>> -> memref<32xi32, #tpu.memory_space<vmem>>
      %dma_start3A_68 = arith.constant 0 : i32
      %dma_start3A_69 = arith.constant 0 : i32
      %dma_start3A_70 = tpu.memref_slice %arg2[%dma_start3A_68, %dma_start3A_69] : memref<10240x128xf32, #tpu.memory_space<hbm>> -> memref<10240x128xf32, #tpu.memory_space<hbm>>
      tpu.enqueue_indirect_dma source(%dma_start3A_70 : memref<10240x128xf32, #tpu.memory_space<hbm>>) target(%dma_start3A_64 : memref<32x128xf32, #tpu.memory_space<vmem>>) offsets(%dma_start3A_67 : memref<32xi32, #tpu.memory_space<vmem>>) semaphore(%arg10 : memref<!tpu.dma_semaphore, #tpu.memory_space<semaphore_mem>>)
      %dma_start3A_71 = arith.constant 0 : i32
      %dma_start3A_72 = arith.constant 96 : i32
      %dma_start3A_73 = arith.constant 0 : i32
      %dma_start3A_74 = tpu.memref_slice %arg7[%dma_start3A_72, %dma_start3A_73] : memref<128x128xf32, #tpu.memory_space<vmem>> -> memref<32x128xf32, #tpu.memory_space<vmem>>
      %dma_start3A_75 = arith.constant 96 : i32
      %dma_start3A_76 = tpu.memref_slice %arg5[%dma_start3A_71, %dma_start3A_75] : memref<40x128xi32, #tpu.memory_space<vmem>> -> memref<1x32xi32, #tpu.memory_space<vmem>>
      %dma_start3A_77 = tpu.memref_squeeze %dma_start3A_76 : memref<1x32xi32, #tpu.memory_space<vmem>> -> memref<32xi32, #tpu.memory_space<vmem>>
      %dma_start3A_78 = arith.constant 0 : i32
      %dma_start3A_79 = arith.constant 0 : i32
      %dma_start3A_80 = tpu.memref_slice %arg2[%dma_start3A_78, %dma_start3A_79] : memref<10240x128xf32, #tpu.memory_space<hbm>> -> memref<10240x128xf32, #tpu.memory_space<hbm>>
      tpu.enqueue_indirect_dma source(%dma_start3A_80 : memref<10240x128xf32, #tpu.memory_space<hbm>>) target(%dma_start3A_74 : memref<32x128xf32, #tpu.memory_space<vmem>>) offsets(%dma_start3A_77 : memref<32xi32, #tpu.memory_space<vmem>>) semaphore(%arg10 : memref<!tpu.dma_semaphore, #tpu.memory_space<semaphore_mem>>)
      %dma_start3A_81 = arith.constant 1 : i32
      %dma_start3A_82 = arith.constant 0 : i32
      %dma_start3A_83 = arith.constant 0 : i32
      %dma_start3A_84 = tpu.memref_slice %arg8[%dma_start3A_82, %dma_start3A_83] : memref<128x128xf32, #tpu.memory_space<vmem>> -> memref<32x128xf32, #tpu.memory_space<vmem>>
      %dma_start3A_85 = arith.constant 0 : i32
      %dma_start3A_86 = tpu.memref_slice %arg5[%dma_start3A_81, %dma_start3A_85] : memref<40x128xi32, #tpu.memory_space<vmem>> -> memref<1x32xi32, #tpu.memory_space<vmem>>
      %dma_start3A_87 = tpu.memref_squeeze %dma_start3A_86 : memref<1x32xi32, #tpu.memory_space<vmem>> -> memref<32xi32, #tpu.memory_space<vmem>>
      %dma_start3A_88 = arith.constant 0 : i32
      %dma_start3A_89 = arith.constant 0 : i32
      %dma_start3A_90 = tpu.memref_slice %arg2[%dma_start3A_88, %dma_start3A_89] : memref<10240x128xf32, #tpu.memory_space<hbm>> -> memref<10240x128xf32, #tpu.memory_space<hbm>>
      tpu.enqueue_indirect_dma source(%dma_start3A_90 : memref<10240x128xf32, #tpu.memory_space<hbm>>) target(%dma_start3A_84 : memref<32x128xf32, #tpu.memory_space<vmem>>) offsets(%dma_start3A_87 : memref<32xi32, #tpu.memory_space<vmem>>) semaphore(%arg11 : memref<!tpu.dma_semaphore, #tpu.memory_space<semaphore_mem>>)
      %dma_start3A_91 = arith.constant 1 : i32
      %dma_start3A_92 = arith.constant 32 : i32
      %dma_start3A_93 = arith.constant 0 : i32
      %dma_start3A_94 = tpu.memref_slice %arg8[%dma_start3A_92, %dma_start3A_93] : memref<128x128xf32, #tpu.memory_space<vmem>> -> memref<32x128xf32, #tpu.memory_space<vmem>>
      %dma_start3A_95 = arith.constant 32 : i32
      %dma_start3A_96 = tpu.memref_slice %arg5[%dma_start3A_91, %dma_start3A_95] : memref<40x128xi32, #tpu.memory_space<vmem>> -> memref<1x32xi32, #tpu.memory_space<vmem>>
      %dma_start3A_97 = tpu.memref_squeeze %dma_start3A_96 : memref<1x32xi32, #tpu.memory_space<vmem>> -> memref<32xi32, #tpu.memory_space<vmem>>
      %dma_start3A_98 = arith.constant 0 : i32
      %dma_start3A_99 = arith.constant 0 : i32
      %dma_start3A_100 = tpu.memref_slice %arg2[%dma_start3A_98, %dma_start3A_99] : memref<10240x128xf32, #tpu.memory_space<hbm>> -> memref<10240x128xf32, #tpu.memory_space<hbm>>
      tpu.enqueue_indirect_dma source(%dma_start3A_100 : memref<10240x128xf32, #tpu.memory_space<hbm>>) target(%dma_start3A_94 : memref<32x128xf32, #tpu.memory_space<vmem>>) offsets(%dma_start3A_97 : memref<32xi32, #tpu.memory_space<vmem>>) semaphore(%arg11 : memref<!tpu.dma_semaphore, #tpu.memory_space<semaphore_mem>>)
      %dma_start3A_101 = arith.constant 1 : i32
      %dma_start3A_102 = arith.constant 64 : i32
      %dma_start3A_103 = arith.constant 0 : i32
      %dma_start3A_104 = tpu.memref_slice %arg8[%dma_start3A_102, %dma_start3A_103] : memref<128x128xf32, #tpu.memory_space<vmem>> -> memref<32x128xf32, #tpu.memory_space<vmem>>
      %dma_start3A_105 = arith.constant 64 : i32
      %dma_start3A_106 = tpu.memref_slice %arg5[%dma_start3A_101, %dma_start3A_105] : memref<40x128xi32, #tpu.memory_space<vmem>> -> memref<1x32xi32, #tpu.memory_space<vmem>>
      %dma_start3A_107 = tpu.memref_squeeze %dma_start3A_106 : memref<1x32xi32, #tpu.memory_space<vmem>> -> memref<32xi32, #tpu.memory_space<vmem>>
      %dma_start3A_108 = arith.constant 0 : i32
      %dma_start3A_109 = arith.constant 0 : i32
      %dma_start3A_110 = tpu.memref_slice %arg2[%dma_start3A_108, %dma_start3A_109] : memref<10240x128xf32, #tpu.memory_space<hbm>> -> memref<10240x128xf32, #tpu.memory_space<hbm>>
      tpu.enqueue_indirect_dma source(%dma_start3A_110 : memref<10240x128xf32, #tpu.memory_space<hbm>>) target(%dma_start3A_104 : memref<32x128xf32, #tpu.memory_space<vmem>>) offsets(%dma_start3A_107 : memref<32xi32, #tpu.memory_space<vmem>>) semaphore(%arg11 : memref<!tpu.dma_semaphore, #tpu.memory_space<semaphore_mem>>)
      %dma_start3A_111 = arith.constant 1 : i32
      %dma_start3A_112 = arith.constant 96 : i32
      %dma_start3A_113 = arith.constant 0 : i32
      %dma_start3A_114 = tpu.memref_slice %arg8[%dma_start3A_112, %dma_start3A_113] : memref<128x128xf32, #tpu.memory_space<vmem>> -> memref<32x128xf32, #tpu.memory_space<vmem>>
      %dma_start3A_115 = arith.constant 96 : i32
      %dma_start3A_116 = tpu.memref_slice %arg5[%dma_start3A_111, %dma_start3A_115] : memref<40x128xi32, #tpu.memory_space<vmem>> -> memref<1x32xi32, #tpu.memory_space<vmem>>
      %dma_start3A_117 = tpu.memref_squeeze %dma_start3A_116 : memref<1x32xi32, #tpu.memory_space<vmem>> -> memref<32xi32, #tpu.memory_space<vmem>>
      %dma_start3A_118 = arith.constant 0 : i32
      %dma_start3A_119 = arith.constant 0 : i32
      %dma_start3A_120 = tpu.memref_slice %arg2[%dma_start3A_118, %dma_start3A_119] : memref<10240x128xf32, #tpu.memory_space<hbm>> -> memref<10240x128xf32, #tpu.memory_space<hbm>>
      tpu.enqueue_indirect_dma source(%dma_start3A_120 : memref<10240x128xf32, #tpu.memory_space<hbm>>) target(%dma_start3A_114 : memref<32x128xf32, #tpu.memory_space<vmem>>) offsets(%dma_start3A_117 : memref<32xi32, #tpu.memory_space<vmem>>) semaphore(%arg11 : memref<!tpu.dma_semaphore, #tpu.memory_space<semaphore_mem>>)
      %scan3A_121 = arith.constant 0 : i32
      %scan3A_122 = arith.constant 20 : i32
      %scan3A_123 = arith.addi %scan3A_121, %scan3A_122 : i32
      %scan3A_124 = arith.constant 1 : i32
      scf.for %scan3A_126 = %scan3A_121 to %scan3A_123 step %scan3A_124  : i32 {
        %mul3A_127 = arith.constant 1 : i32
        %mul3A_128 = arith.muli %scan3A_126, %mul3A_127 : i32
        %add3A_129 = arith.constant 0 : i32
        %add3A_130 = arith.addi %add3A_129, %mul3A_128 : i32
        %mul3A_131 = arith.constant 2 : i32
        %mul3A_132 = arith.muli %mul3A_131, %add3A_130 : i32
        %add3A_133 = arith.constant 1 : i32
        %add3A_134 = arith.addi %mul3A_132, %add3A_133 : i32
        %dma_wait3A = arith.constant 0 : i32
        %dma_wait3A_135 = arith.constant 0 : i32
        %dma_wait3A_136 = tpu.memref_slice %arg7[%dma_wait3A, %dma_wait3A_135] : memref<128x128xf32, #tpu.memory_space<vmem>> -> memref<32x128xf32, #tpu.memory_space<vmem>>
        %dma_wait3A_137 = arith.constant 0 : i32
        %dma_wait3A_138 = tpu.memref_slice %arg5[%mul3A_132, %dma_wait3A_137] : memref<40x128xi32, #tpu.memory_space<vmem>> -> memref<1x32xi32, #tpu.memory_space<vmem>>
        %dma_wait3A_139 = tpu.memref_squeeze %dma_wait3A_138 : memref<1x32xi32, #tpu.memory_space<vmem>> -> memref<32xi32, #tpu.memory_space<vmem>>
        %dma_wait3A_140 = arith.constant 0 : i32
        %dma_wait3A_141 = arith.constant 0 : i32
        %dma_wait3A_142 = tpu.memref_slice %arg2[%dma_wait3A_140, %dma_wait3A_141] : memref<10240x128xf32, #tpu.memory_space<hbm>> -> memref<10240x128xf32, #tpu.memory_space<hbm>>
        tpu.wait_indirect_dma semaphore(%arg10 : memref<!tpu.dma_semaphore, #tpu.memory_space<semaphore_mem>>) src(%dma_wait3A_142 : memref<10240x128xf32, #tpu.memory_space<hbm>>) dst(%dma_wait3A_136 : memref<32x128xf32, #tpu.memory_space<vmem>>)
        %dma_wait3A_143 = arith.constant 32 : i32
        %dma_wait3A_144 = arith.constant 0 : i32
        %dma_wait3A_145 = tpu.memref_slice %arg7[%dma_wait3A_143, %dma_wait3A_144] : memref<128x128xf32, #tpu.memory_space<vmem>> -> memref<32x128xf32, #tpu.memory_space<vmem>>
        %dma_wait3A_146 = arith.constant 32 : i32
        %dma_wait3A_147 = tpu.memref_slice %arg5[%mul3A_132, %dma_wait3A_146] : memref<40x128xi32, #tpu.memory_space<vmem>> -> memref<1x32xi32, #tpu.memory_space<vmem>>
        %dma_wait3A_148 = tpu.memref_squeeze %dma_wait3A_147 : memref<1x32xi32, #tpu.memory_space<vmem>> -> memref<32xi32, #tpu.memory_space<vmem>>
        %dma_wait3A_149 = arith.constant 0 : i32
        %dma_wait3A_150 = arith.constant 0 : i32
        %dma_wait3A_151 = tpu.memref_slice %arg2[%dma_wait3A_149, %dma_wait3A_150] : memref<10240x128xf32, #tpu.memory_space<hbm>> -> memref<10240x128xf32, #tpu.memory_space<hbm>>
        tpu.wait_indirect_dma semaphore(%arg10 : memref<!tpu.dma_semaphore, #tpu.memory_space<semaphore_mem>>) src(%dma_wait3A_151 : memref<10240x128xf32, #tpu.memory_space<hbm>>) dst(%dma_wait3A_145 : memref<32x128xf32, #tpu.memory_space<vmem>>)
        %dma_wait3A_152 = arith.constant 64 : i32
        %dma_wait3A_153 = arith.constant 0 : i32
        %dma_wait3A_154 = tpu.memref_slice %arg7[%dma_wait3A_152, %dma_wait3A_153] : memref<128x128xf32, #tpu.memory_space<vmem>> -> memref<32x128xf32, #tpu.memory_space<vmem>>
        %dma_wait3A_155 = arith.constant 64 : i32
        %dma_wait3A_156 = tpu.memref_slice %arg5[%mul3A_132, %dma_wait3A_155] : memref<40x128xi32, #tpu.memory_space<vmem>> -> memref<1x32xi32, #tpu.memory_space<vmem>>
        %dma_wait3A_157 = tpu.memref_squeeze %dma_wait3A_156 : memref<1x32xi32, #tpu.memory_space<vmem>> -> memref<32xi32, #tpu.memory_space<vmem>>
        %dma_wait3A_158 = arith.constant 0 : i32
        %dma_wait3A_159 = arith.constant 0 : i32
        %dma_wait3A_160 = tpu.memref_slice %arg2[%dma_wait3A_158, %dma_wait3A_159] : memref<10240x128xf32, #tpu.memory_space<hbm>> -> memref<10240x128xf32, #tpu.memory_space<hbm>>
        tpu.wait_indirect_dma semaphore(%arg10 : memref<!tpu.dma_semaphore, #tpu.memory_space<semaphore_mem>>) src(%dma_wait3A_160 : memref<10240x128xf32, #tpu.memory_space<hbm>>) dst(%dma_wait3A_154 : memref<32x128xf32, #tpu.memory_space<vmem>>)
        %dma_wait3A_161 = arith.constant 96 : i32
        %dma_wait3A_162 = arith.constant 0 : i32
        %dma_wait3A_163 = tpu.memref_slice %arg7[%dma_wait3A_161, %dma_wait3A_162] : memref<128x128xf32, #tpu.memory_space<vmem>> -> memref<32x128xf32, #tpu.memory_space<vmem>>
        %dma_wait3A_164 = arith.constant 96 : i32
        %dma_wait3A_165 = tpu.memref_slice %arg5[%mul3A_132, %dma_wait3A_164] : memref<40x128xi32, #tpu.memory_space<vmem>> -> memref<1x32xi32, #tpu.memory_space<vmem>>
        %dma_wait3A_166 = tpu.memref_squeeze %dma_wait3A_165 : memref<1x32xi32, #tpu.memory_space<vmem>> -> memref<32xi32, #tpu.memory_space<vmem>>
        %dma_wait3A_167 = arith.constant 0 : i32
        %dma_wait3A_168 = arith.constant 0 : i32
        %dma_wait3A_169 = tpu.memref_slice %arg2[%dma_wait3A_167, %dma_wait3A_168] : memref<10240x128xf32, #tpu.memory_space<hbm>> -> memref<10240x128xf32, #tpu.memory_space<hbm>>
        tpu.wait_indirect_dma semaphore(%arg10 : memref<!tpu.dma_semaphore, #tpu.memory_space<semaphore_mem>>) src(%dma_wait3A_169 : memref<10240x128xf32, #tpu.memory_space<hbm>>) dst(%dma_wait3A_163 : memref<32x128xf32, #tpu.memory_space<vmem>>)
        "tpu.region"() ({
          %run_scoped3A = tpu.sem_alloc : memref<!tpu.dma_semaphore, #tpu.memory_space<semaphore_mem>>
          %dma_start3A_217 = arith.constant 0 : i32
          %dma_start3A_218 = tpu.memref_slice %arg6[%mul3A_132, %dma_start3A_217] : memref<40x128xi32, #tpu.memory_space<vmem>> -> memref<1x128xi32, #tpu.memory_space<vmem>>
          %dma_start3A_219 = tpu.memref_squeeze %dma_start3A_218 : memref<1x128xi32, #tpu.memory_space<vmem>> -> memref<128xi32, #tpu.memory_space<vmem>>
          %dma_start3A_220 = arith.constant 0 : i32
          %dma_start3A_221 = arith.constant 0 : i32
          %dma_start3A_222 = tpu.memref_slice %arg9[%dma_start3A_220, %dma_start3A_221] : memref<10240x128xf32, #tpu.memory_space<vmem_shared>> -> memref<10240x128xf32, #tpu.memory_space<vmem_shared>>
          tpu.enqueue_indirect_dma source(%arg7 : memref<128x128xf32, #tpu.memory_space<vmem>>) target(%dma_start3A_222 : memref<10240x128xf32, #tpu.memory_space<vmem_shared>>) offsets(%dma_start3A_219 : memref<128xi32, #tpu.memory_space<vmem>>) semaphore(%run_scoped3A : memref<!tpu.dma_semaphore, #tpu.memory_space<semaphore_mem>>) {add = true}
          %dma_wait3A_223 = arith.constant 0 : i32
          %dma_wait3A_224 = tpu.memref_slice %arg6[%mul3A_132, %dma_wait3A_223] : memref<40x128xi32, #tpu.memory_space<vmem>> -> memref<1x128xi32, #tpu.memory_space<vmem>>
          %dma_wait3A_225 = tpu.memref_squeeze %dma_wait3A_224 : memref<1x128xi32, #tpu.memory_space<vmem>> -> memref<128xi32, #tpu.memory_space<vmem>>
          %dma_wait3A_226 = arith.constant 0 : i32
          %dma_wait3A_227 = arith.constant 0 : i32
          %dma_wait3A_228 = tpu.memref_slice %arg9[%dma_wait3A_226, %dma_wait3A_227] : memref<10240x128xf32, #tpu.memory_space<vmem_shared>> -> memref<10240x128xf32, #tpu.memory_space<vmem_shared>>
          tpu.wait_indirect_dma semaphore(%run_scoped3A : memref<!tpu.dma_semaphore, #tpu.memory_space<semaphore_mem>>) src(%arg7 : memref<128x128xf32, #tpu.memory_space<vmem>>) dst(%dma_wait3A_228 : memref<10240x128xf32, #tpu.memory_space<vmem_shared>>)
          tpu.yield
        }) : () -> ()
        %add3A_170 = arith.constant 2 : i32
        %add3A_171 = arith.addi %mul3A_132, %add3A_170 : i32
        %lt3A = arith.constant 40 : i32
        %lt3A_172 = arith.cmpi slt, %add3A_171, %lt3A : i32
        %convert_element_type3A = arith.extui %lt3A_172 : i1 to i32
        %cond3A = arith.constant 0 : i32
        %cond3A_173 = arith.cmpi ne, %convert_element_type3A, %cond3A : i32
        scf.if %cond3A_173 {
          %add3A_217 = arith.constant 2 : i32
          %add3A_218 = arith.addi %mul3A_132, %add3A_217 : i32
          %dma_start3A_219 = arith.constant 0 : i32
          %dma_start3A_220 = arith.constant 0 : i32
          %dma_start3A_221 = tpu.memref_slice %arg7[%dma_start3A_219, %dma_start3A_220] : memref<128x128xf32, #tpu.memory_space<vmem>> -> memref<32x128xf32, #tpu.memory_space<vmem>>
          %dma_start3A_222 = arith.constant 0 : i32
          %dma_start3A_223 = tpu.memref_slice %arg5[%add3A_218, %dma_start3A_222] : memref<40x128xi32, #tpu.memory_space<vmem>> -> memref<1x32xi32, #tpu.memory_space<vmem>>
          %dma_start3A_224 = tpu.memref_squeeze %dma_start3A_223 : memref<1x32xi32, #tpu.memory_space<vmem>> -> memref<32xi32, #tpu.memory_space<vmem>>
          %dma_start3A_225 = arith.constant 0 : i32
          %dma_start3A_226 = arith.constant 0 : i32
          %dma_start3A_227 = tpu.memref_slice %arg2[%dma_start3A_225, %dma_start3A_226] : memref<10240x128xf32, #tpu.memory_space<hbm>> -> memref<10240x128xf32, #tpu.memory_space<hbm>>
          tpu.enqueue_indirect_dma source(%dma_start3A_227 : memref<10240x128xf32, #tpu.memory_space<hbm>>) target(%dma_start3A_221 : memref<32x128xf32, #tpu.memory_space<vmem>>) offsets(%dma_start3A_224 : memref<32xi32, #tpu.memory_space<vmem>>) semaphore(%arg10 : memref<!tpu.dma_semaphore, #tpu.memory_space<semaphore_mem>>)
          %dma_start3A_228 = arith.constant 32 : i32
          %dma_start3A_229 = arith.constant 0 : i32
          %dma_start3A_230 = tpu.memref_slice %arg7[%dma_start3A_228, %dma_start3A_229] : memref<128x128xf32, #tpu.memory_space<vmem>> -> memref<32x128xf32, #tpu.memory_space<vmem>>
          %dma_start3A_231 = arith.constant 32 : i32
          %dma_start3A_232 = tpu.memref_slice %arg5[%add3A_218, %dma_start3A_231] : memref<40x128xi32, #tpu.memory_space<vmem>> -> memref<1x32xi32, #tpu.memory_space<vmem>>
          %dma_start3A_233 = tpu.memref_squeeze %dma_start3A_232 : memref<1x32xi32, #tpu.memory_space<vmem>> -> memref<32xi32, #tpu.memory_space<vmem>>
          %dma_start3A_234 = arith.constant 0 : i32
          %dma_start3A_235 = arith.constant 0 : i32
          %dma_start3A_236 = tpu.memref_slice %arg2[%dma_start3A_234, %dma_start3A_235] : memref<10240x128xf32, #tpu.memory_space<hbm>> -> memref<10240x128xf32, #tpu.memory_space<hbm>>
          tpu.enqueue_indirect_dma source(%dma_start3A_236 : memref<10240x128xf32, #tpu.memory_space<hbm>>) target(%dma_start3A_230 : memref<32x128xf32, #tpu.memory_space<vmem>>) offsets(%dma_start3A_233 : memref<32xi32, #tpu.memory_space<vmem>>) semaphore(%arg10 : memref<!tpu.dma_semaphore, #tpu.memory_space<semaphore_mem>>)
          %dma_start3A_237 = arith.constant 64 : i32
          %dma_start3A_238 = arith.constant 0 : i32
          %dma_start3A_239 = tpu.memref_slice %arg7[%dma_start3A_237, %dma_start3A_238] : memref<128x128xf32, #tpu.memory_space<vmem>> -> memref<32x128xf32, #tpu.memory_space<vmem>>
          %dma_start3A_240 = arith.constant 64 : i32
          %dma_start3A_241 = tpu.memref_slice %arg5[%add3A_218, %dma_start3A_240] : memref<40x128xi32, #tpu.memory_space<vmem>> -> memref<1x32xi32, #tpu.memory_space<vmem>>
          %dma_start3A_242 = tpu.memref_squeeze %dma_start3A_241 : memref<1x32xi32, #tpu.memory_space<vmem>> -> memref<32xi32, #tpu.memory_space<vmem>>
          %dma_start3A_243 = arith.constant 0 : i32
          %dma_start3A_244 = arith.constant 0 : i32
          %dma_start3A_245 = tpu.memref_slice %arg2[%dma_start3A_243, %dma_start3A_244] : memref<10240x128xf32, #tpu.memory_space<hbm>> -> memref<10240x128xf32, #tpu.memory_space<hbm>>
          tpu.enqueue_indirect_dma source(%dma_start3A_245 : memref<10240x128xf32, #tpu.memory_space<hbm>>) target(%dma_start3A_239 : memref<32x128xf32, #tpu.memory_space<vmem>>) offsets(%dma_start3A_242 : memref<32xi32, #tpu.memory_space<vmem>>) semaphore(%arg10 : memref<!tpu.dma_semaphore, #tpu.memory_space<semaphore_mem>>)
          %dma_start3A_246 = arith.constant 96 : i32
          %dma_start3A_247 = arith.constant 0 : i32
          %dma_start3A_248 = tpu.memref_slice %arg7[%dma_start3A_246, %dma_start3A_247] : memref<128x128xf32, #tpu.memory_space<vmem>> -> memref<32x128xf32, #tpu.memory_space<vmem>>
          %dma_start3A_249 = arith.constant 96 : i32
          %dma_start3A_250 = tpu.memref_slice %arg5[%add3A_218, %dma_start3A_249] : memref<40x128xi32, #tpu.memory_space<vmem>> -> memref<1x32xi32, #tpu.memory_space<vmem>>
          %dma_start3A_251 = tpu.memref_squeeze %dma_start3A_250 : memref<1x32xi32, #tpu.memory_space<vmem>> -> memref<32xi32, #tpu.memory_space<vmem>>
          %dma_start3A_252 = arith.constant 0 : i32
          %dma_start3A_253 = arith.constant 0 : i32
          %dma_start3A_254 = tpu.memref_slice %arg2[%dma_start3A_252, %dma_start3A_253] : memref<10240x128xf32, #tpu.memory_space<hbm>> -> memref<10240x128xf32, #tpu.memory_space<hbm>>
          tpu.enqueue_indirect_dma source(%dma_start3A_254 : memref<10240x128xf32, #tpu.memory_space<hbm>>) target(%dma_start3A_248 : memref<32x128xf32, #tpu.memory_space<vmem>>) offsets(%dma_start3A_251 : memref<32xi32, #tpu.memory_space<vmem>>) semaphore(%arg10 : memref<!tpu.dma_semaphore, #tpu.memory_space<semaphore_mem>>)
        } else {
        }
        %dma_wait3A_174 = arith.constant 0 : i32
        %dma_wait3A_175 = arith.constant 0 : i32
        %dma_wait3A_176 = tpu.memref_slice %arg8[%dma_wait3A_174, %dma_wait3A_175] : memref<128x128xf32, #tpu.memory_space<vmem>> -> memref<32x128xf32, #tpu.memory_space<vmem>>
        %dma_wait3A_177 = arith.constant 0 : i32
        %dma_wait3A_178 = tpu.memref_slice %arg5[%add3A_134, %dma_wait3A_177] : memref<40x128xi32, #tpu.memory_space<vmem>> -> memref<1x32xi32, #tpu.memory_space<vmem>>
        %dma_wait3A_179 = tpu.memref_squeeze %dma_wait3A_178 : memref<1x32xi32, #tpu.memory_space<vmem>> -> memref<32xi32, #tpu.memory_space<vmem>>
        %dma_wait3A_180 = arith.constant 0 : i32
        %dma_wait3A_181 = arith.constant 0 : i32
        %dma_wait3A_182 = tpu.memref_slice %arg2[%dma_wait3A_180, %dma_wait3A_181] : memref<10240x128xf32, #tpu.memory_space<hbm>> -> memref<10240x128xf32, #tpu.memory_space<hbm>>
        tpu.wait_indirect_dma semaphore(%arg11 : memref<!tpu.dma_semaphore, #tpu.memory_space<semaphore_mem>>) src(%dma_wait3A_182 : memref<10240x128xf32, #tpu.memory_space<hbm>>) dst(%dma_wait3A_176 : memref<32x128xf32, #tpu.memory_space<vmem>>)
        %dma_wait3A_183 = arith.constant 32 : i32
        %dma_wait3A_184 = arith.constant 0 : i32
        %dma_wait3A_185 = tpu.memref_slice %arg8[%dma_wait3A_183, %dma_wait3A_184] : memref<128x128xf32, #tpu.memory_space<vmem>> -> memref<32x128xf32, #tpu.memory_space<vmem>>
        %dma_wait3A_186 = arith.constant 32 : i32
        %dma_wait3A_187 = tpu.memref_slice %arg5[%add3A_134, %dma_wait3A_186] : memref<40x128xi32, #tpu.memory_space<vmem>> -> memref<1x32xi32, #tpu.memory_space<vmem>>
        %dma_wait3A_188 = tpu.memref_squeeze %dma_wait3A_187 : memref<1x32xi32, #tpu.memory_space<vmem>> -> memref<32xi32, #tpu.memory_space<vmem>>
        %dma_wait3A_189 = arith.constant 0 : i32
        %dma_wait3A_190 = arith.constant 0 : i32
        %dma_wait3A_191 = tpu.memref_slice %arg2[%dma_wait3A_189, %dma_wait3A_190] : memref<10240x128xf32, #tpu.memory_space<hbm>> -> memref<10240x128xf32, #tpu.memory_space<hbm>>
        tpu.wait_indirect_dma semaphore(%arg11 : memref<!tpu.dma_semaphore, #tpu.memory_space<semaphore_mem>>) src(%dma_wait3A_191 : memref<10240x128xf32, #tpu.memory_space<hbm>>) dst(%dma_wait3A_185 : memref<32x128xf32, #tpu.memory_space<vmem>>)
        %dma_wait3A_192 = arith.constant 64 : i32
        %dma_wait3A_193 = arith.constant 0 : i32
        %dma_wait3A_194 = tpu.memref_slice %arg8[%dma_wait3A_192, %dma_wait3A_193] : memref<128x128xf32, #tpu.memory_space<vmem>> -> memref<32x128xf32, #tpu.memory_space<vmem>>
        %dma_wait3A_195 = arith.constant 64 : i32
        %dma_wait3A_196 = tpu.memref_slice %arg5[%add3A_134, %dma_wait3A_195] : memref<40x128xi32, #tpu.memory_space<vmem>> -> memref<1x32xi32, #tpu.memory_space<vmem>>
        %dma_wait3A_197 = tpu.memref_squeeze %dma_wait3A_196 : memref<1x32xi32, #tpu.memory_space<vmem>> -> memref<32xi32, #tpu.memory_space<vmem>>
        %dma_wait3A_198 = arith.constant 0 : i32
        %dma_wait3A_199 = arith.constant 0 : i32
        %dma_wait3A_200 = tpu.memref_slice %arg2[%dma_wait3A_198, %dma_wait3A_199] : memref<10240x128xf32, #tpu.memory_space<hbm>> -> memref<10240x128xf32, #tpu.memory_space<hbm>>
        tpu.wait_indirect_dma semaphore(%arg11 : memref<!tpu.dma_semaphore, #tpu.memory_space<semaphore_mem>>) src(%dma_wait3A_200 : memref<10240x128xf32, #tpu.memory_space<hbm>>) dst(%dma_wait3A_194 : memref<32x128xf32, #tpu.memory_space<vmem>>)
        %dma_wait3A_201 = arith.constant 96 : i32
        %dma_wait3A_202 = arith.constant 0 : i32
        %dma_wait3A_203 = tpu.memref_slice %arg8[%dma_wait3A_201, %dma_wait3A_202] : memref<128x128xf32, #tpu.memory_space<vmem>> -> memref<32x128xf32, #tpu.memory_space<vmem>>
        %dma_wait3A_204 = arith.constant 96 : i32
        %dma_wait3A_205 = tpu.memref_slice %arg5[%add3A_134, %dma_wait3A_204] : memref<40x128xi32, #tpu.memory_space<vmem>> -> memref<1x32xi32, #tpu.memory_space<vmem>>
        %dma_wait3A_206 = tpu.memref_squeeze %dma_wait3A_205 : memref<1x32xi32, #tpu.memory_space<vmem>> -> memref<32xi32, #tpu.memory_space<vmem>>
        %dma_wait3A_207 = arith.constant 0 : i32
        %dma_wait3A_208 = arith.constant 0 : i32
        %dma_wait3A_209 = tpu.memref_slice %arg2[%dma_wait3A_207, %dma_wait3A_208] : memref<10240x128xf32, #tpu.memory_space<hbm>> -> memref<10240x128xf32, #tpu.memory_space<hbm>>
        tpu.wait_indirect_dma semaphore(%arg11 : memref<!tpu.dma_semaphore, #tpu.memory_space<semaphore_mem>>) src(%dma_wait3A_209 : memref<10240x128xf32, #tpu.memory_space<hbm>>) dst(%dma_wait3A_203 : memref<32x128xf32, #tpu.memory_space<vmem>>)
        "tpu.region"() ({
          %run_scoped3A = tpu.sem_alloc : memref<!tpu.dma_semaphore, #tpu.memory_space<semaphore_mem>>
          %dma_start3A_217 = arith.constant 0 : i32
          %dma_start3A_218 = tpu.memref_slice %arg6[%add3A_134, %dma_start3A_217] : memref<40x128xi32, #tpu.memory_space<vmem>> -> memref<1x128xi32, #tpu.memory_space<vmem>>
          %dma_start3A_219 = tpu.memref_squeeze %dma_start3A_218 : memref<1x128xi32, #tpu.memory_space<vmem>> -> memref<128xi32, #tpu.memory_space<vmem>>
          %dma_start3A_220 = arith.constant 0 : i32
          %dma_start3A_221 = arith.constant 0 : i32
          %dma_start3A_222 = tpu.memref_slice %arg9[%dma_start3A_220, %dma_start3A_221] : memref<10240x128xf32, #tpu.memory_space<vmem_shared>> -> memref<10240x128xf32, #tpu.memory_space<vmem_shared>>
          tpu.enqueue_indirect_dma source(%arg8 : memref<128x128xf32, #tpu.memory_space<vmem>>) target(%dma_start3A_222 : memref<10240x128xf32, #tpu.memory_space<vmem_shared>>) offsets(%dma_start3A_219 : memref<128xi32, #tpu.memory_space<vmem>>) semaphore(%run_scoped3A : memref<!tpu.dma_semaphore, #tpu.memory_space<semaphore_mem>>) {add = true}
          %dma_wait3A_223 = arith.constant 0 : i32
          %dma_wait3A_224 = tpu.memref_slice %arg6[%add3A_134, %dma_wait3A_223] : memref<40x128xi32, #tpu.memory_space<vmem>> -> memref<1x128xi32, #tpu.memory_space<vmem>>
          %dma_wait3A_225 = tpu.memref_squeeze %dma_wait3A_224 : memref<1x128xi32, #tpu.memory_space<vmem>> -> memref<128xi32, #tpu.memory_space<vmem>>
          %dma_wait3A_226 = arith.constant 0 : i32
          %dma_wait3A_227 = arith.constant 0 : i32
          %dma_wait3A_228 = tpu.memref_slice %arg9[%dma_wait3A_226, %dma_wait3A_227] : memref<10240x128xf32, #tpu.memory_space<vmem_shared>> -> memref<10240x128xf32, #tpu.memory_space<vmem_shared>>
          tpu.wait_indirect_dma semaphore(%run_scoped3A : memref<!tpu.dma_semaphore, #tpu.memory_space<semaphore_mem>>) src(%arg8 : memref<128x128xf32, #tpu.memory_space<vmem>>) dst(%dma_wait3A_228 : memref<10240x128xf32, #tpu.memory_space<vmem_shared>>)
          tpu.yield
        }) : () -> ()
        %add3A_210 = arith.constant 2 : i32
        %add3A_211 = arith.addi %add3A_134, %add3A_210 : i32
        %lt3A_212 = arith.constant 40 : i32
        %lt3A_213 = arith.cmpi slt, %add3A_211, %lt3A_212 : i32
        %convert_element_type3A_214 = arith.extui %lt3A_213 : i1 to i32
        %cond3A_215 = arith.constant 0 : i32
        %cond3A_216 = arith.cmpi ne, %convert_element_type3A_214, %cond3A_215 : i32
        scf.if %cond3A_216 {
          %add3A_217 = arith.constant 2 : i32
          %add3A_218 = arith.addi %add3A_134, %add3A_217 : i32
          %dma_start3A_219 = arith.constant 0 : i32
          %dma_start3A_220 = arith.constant 0 : i32
          %dma_start3A_221 = tpu.memref_slice %arg8[%dma_start3A_219, %dma_start3A_220] : memref<128x128xf32, #tpu.memory_space<vmem>> -> memref<32x128xf32, #tpu.memory_space<vmem>>
          %dma_start3A_222 = arith.constant 0 : i32
          %dma_start3A_223 = tpu.memref_slice %arg5[%add3A_218, %dma_start3A_222] : memref<40x128xi32, #tpu.memory_space<vmem>> -> memref<1x32xi32, #tpu.memory_space<vmem>>
          %dma_start3A_224 = tpu.memref_squeeze %dma_start3A_223 : memref<1x32xi32, #tpu.memory_space<vmem>> -> memref<32xi32, #tpu.memory_space<vmem>>
          %dma_start3A_225 = arith.constant 0 : i32
          %dma_start3A_226 = arith.constant 0 : i32
          %dma_start3A_227 = tpu.memref_slice %arg2[%dma_start3A_225, %dma_start3A_226] : memref<10240x128xf32, #tpu.memory_space<hbm>> -> memref<10240x128xf32, #tpu.memory_space<hbm>>
          tpu.enqueue_indirect_dma source(%dma_start3A_227 : memref<10240x128xf32, #tpu.memory_space<hbm>>) target(%dma_start3A_221 : memref<32x128xf32, #tpu.memory_space<vmem>>) offsets(%dma_start3A_224 : memref<32xi32, #tpu.memory_space<vmem>>) semaphore(%arg11 : memref<!tpu.dma_semaphore, #tpu.memory_space<semaphore_mem>>)
          %dma_start3A_228 = arith.constant 32 : i32
          %dma_start3A_229 = arith.constant 0 : i32
          %dma_start3A_230 = tpu.memref_slice %arg8[%dma_start3A_228, %dma_start3A_229] : memref<128x128xf32, #tpu.memory_space<vmem>> -> memref<32x128xf32, #tpu.memory_space<vmem>>
          %dma_start3A_231 = arith.constant 32 : i32
          %dma_start3A_232 = tpu.memref_slice %arg5[%add3A_218, %dma_start3A_231] : memref<40x128xi32, #tpu.memory_space<vmem>> -> memref<1x32xi32, #tpu.memory_space<vmem>>
          %dma_start3A_233 = tpu.memref_squeeze %dma_start3A_232 : memref<1x32xi32, #tpu.memory_space<vmem>> -> memref<32xi32, #tpu.memory_space<vmem>>
          %dma_start3A_234 = arith.constant 0 : i32
          %dma_start3A_235 = arith.constant 0 : i32
          %dma_start3A_236 = tpu.memref_slice %arg2[%dma_start3A_234, %dma_start3A_235] : memref<10240x128xf32, #tpu.memory_space<hbm>> -> memref<10240x128xf32, #tpu.memory_space<hbm>>
          tpu.enqueue_indirect_dma source(%dma_start3A_236 : memref<10240x128xf32, #tpu.memory_space<hbm>>) target(%dma_start3A_230 : memref<32x128xf32, #tpu.memory_space<vmem>>) offsets(%dma_start3A_233 : memref<32xi32, #tpu.memory_space<vmem>>) semaphore(%arg11 : memref<!tpu.dma_semaphore, #tpu.memory_space<semaphore_mem>>)
          %dma_start3A_237 = arith.constant 64 : i32
          %dma_start3A_238 = arith.constant 0 : i32
          %dma_start3A_239 = tpu.memref_slice %arg8[%dma_start3A_237, %dma_start3A_238] : memref<128x128xf32, #tpu.memory_space<vmem>> -> memref<32x128xf32, #tpu.memory_space<vmem>>
          %dma_start3A_240 = arith.constant 64 : i32
          %dma_start3A_241 = tpu.memref_slice %arg5[%add3A_218, %dma_start3A_240] : memref<40x128xi32, #tpu.memory_space<vmem>> -> memref<1x32xi32, #tpu.memory_space<vmem>>
          %dma_start3A_242 = tpu.memref_squeeze %dma_start3A_241 : memref<1x32xi32, #tpu.memory_space<vmem>> -> memref<32xi32, #tpu.memory_space<vmem>>
          %dma_start3A_243 = arith.constant 0 : i32
          %dma_start3A_244 = arith.constant 0 : i32
          %dma_start3A_245 = tpu.memref_slice %arg2[%dma_start3A_243, %dma_start3A_244] : memref<10240x128xf32, #tpu.memory_space<hbm>> -> memref<10240x128xf32, #tpu.memory_space<hbm>>
          tpu.enqueue_indirect_dma source(%dma_start3A_245 : memref<10240x128xf32, #tpu.memory_space<hbm>>) target(%dma_start3A_239 : memref<32x128xf32, #tpu.memory_space<vmem>>) offsets(%dma_start3A_242 : memref<32xi32, #tpu.memory_space<vmem>>) semaphore(%arg11 : memref<!tpu.dma_semaphore, #tpu.memory_space<semaphore_mem>>)
          %dma_start3A_246 = arith.constant 96 : i32
          %dma_start3A_247 = arith.constant 0 : i32
          %dma_start3A_248 = tpu.memref_slice %arg8[%dma_start3A_246, %dma_start3A_247] : memref<128x128xf32, #tpu.memory_space<vmem>> -> memref<32x128xf32, #tpu.memory_space<vmem>>
          %dma_start3A_249 = arith.constant 96 : i32
          %dma_start3A_250 = tpu.memref_slice %arg5[%add3A_218, %dma_start3A_249] : memref<40x128xi32, #tpu.memory_space<vmem>> -> memref<1x32xi32, #tpu.memory_space<vmem>>
          %dma_start3A_251 = tpu.memref_squeeze %dma_start3A_250 : memref<1x32xi32, #tpu.memory_space<vmem>> -> memref<32xi32, #tpu.memory_space<vmem>>
          %dma_start3A_252 = arith.constant 0 : i32
          %dma_start3A_253 = arith.constant 0 : i32
          %dma_start3A_254 = tpu.memref_slice %arg2[%dma_start3A_252, %dma_start3A_253] : memref<10240x128xf32, #tpu.memory_space<hbm>> -> memref<10240x128xf32, #tpu.memory_space<hbm>>
          tpu.enqueue_indirect_dma source(%dma_start3A_254 : memref<10240x128xf32, #tpu.memory_space<hbm>>) target(%dma_start3A_248 : memref<32x128xf32, #tpu.memory_space<vmem>>) offsets(%dma_start3A_251 : memref<32xi32, #tpu.memory_space<vmem>>) semaphore(%arg11 : memref<!tpu.dma_semaphore, #tpu.memory_space<semaphore_mem>>)
        } else {
        }
      }
      %scan3A_125 = arith.constant 20 : i32
    }
    %scan3A_25 = arith.constant 2 : i32
    %barrier3A_26 = arith.constant 0 : index
    tpu.barrier barrier_id(%barrier3A_26)
    %mul3A_27 = arith.constant 640 : i32
    %mul3A_28 = arith.muli %arg1, %mul3A_27 : i32
    %mul3A_29 = arith.constant 640 : i32
    %mul3A_30 = arith.muli %arg1, %mul3A_29 : i32
    "tpu.region"() ({
      %run_scoped3A = tpu.sem_alloc : memref<!tpu.dma_semaphore, #tpu.memory_space<semaphore_mem>>
      %dma_start3A = arith.constant 0 : i32
      %dma_start3A_31 = tpu.memref_slice %arg4[%arg0, %mul3A_30, %dma_start3A] : memref<2x10240x128xf32, #tpu.memory_space<hbm>> -> memref<1x640x128xf32, #tpu.memory_space<hbm>>
      %dma_start3A_32 = tpu.memref_squeeze %dma_start3A_31 : memref<1x640x128xf32, #tpu.memory_space<hbm>> -> memref<640x128xf32, #tpu.memory_space<hbm>>
      %dma_start3A_33 = arith.constant 0 : i32
      %dma_start3A_34 = tpu.memref_slice %arg9[%mul3A_28, %dma_start3A_33] : memref<10240x128xf32, #tpu.memory_space<vmem_shared>> -> memref<640x128xf32, #tpu.memory_space<vmem_shared>>
      tpu.enqueue_dma source(%dma_start3A_34 : memref<640x128xf32, #tpu.memory_space<vmem_shared>>) target(%dma_start3A_32 : memref<640x128xf32, #tpu.memory_space<hbm>>) target_semaphore(%run_scoped3A : memref<!tpu.dma_semaphore, #tpu.memory_space<semaphore_mem>>)
      %dma_wait3A = arith.constant 0 : i32
      %dma_wait3A_35 = tpu.memref_slice %arg4[%arg0, %mul3A_30, %dma_wait3A] : memref<2x10240x128xf32, #tpu.memory_space<hbm>> -> memref<1x640x128xf32, #tpu.memory_space<hbm>>
      %dma_wait3A_36 = tpu.memref_squeeze %dma_wait3A_35 : memref<1x640x128xf32, #tpu.memory_space<hbm>> -> memref<640x128xf32, #tpu.memory_space<hbm>>
      %dma_wait3A_37 = arith.constant 0 : i32
      %dma_wait3A_38 = tpu.memref_slice %arg9[%mul3A_28, %dma_wait3A_37] : memref<10240x128xf32, #tpu.memory_space<vmem_shared>> -> memref<640x128xf32, #tpu.memory_space<vmem_shared>>
      tpu.wait_dma2 semaphore(%run_scoped3A : memref<!tpu.dma_semaphore, #tpu.memory_space<semaphore_mem>>) src(%dma_wait3A_38 : memref<640x128xf32, #tpu.memory_space<vmem_shared>>) dst(%dma_wait3A_36 : memref<640x128xf32, #tpu.memory_space<hbm>>)
      tpu.yield
    }) : () -> ()
    return
  }
}

#map = affine_map<(d0, d1) -> (0, 0)>
#map1 = affine_map<(d0, d1) -> (0, 0, 0)>
module attributes {stable_mosaic.version = 14 : i64} {
  func.func @_deg_body(%arg0: i32, %arg1: i32, %arg2: memref<5120x128xi32, #tpu.memory_space<hbm>>, %arg3: memref<2x10240x128xf32, #tpu.memory_space<hbm>>, %arg4: memref<160x128xi32, #tpu.memory_space<vmem>>, %arg5: memref<128x128xf32, #tpu.memory_space<vmem>>, %arg6: memref<10240x128xf32, #tpu.memory_space<vmem_shared>>, %arg7: memref<!tpu.dma_semaphore, #tpu.memory_space<semaphore_mem>>) attributes {dimension_semantics = [#tpu.dimension_semantics<core_parallel>, #tpu.dimension_semantics<subcore_parallel>], iteration_bounds = array<i64: 2, 16>, scalar_prefetch = 0 : i64, scratch_operands = 4 : i64, tpu.core_type = #tpu.core_type<sc_vector_subcore>, window_params = [{transform_indices = #map}, {transform_indices = #map1}]} {
    %mul3A = arith.constant 16 : i32
    %mul3A_0 = arith.muli %arg0, %mul3A : i32
    %add3A = arith.addi %mul3A_0, %arg1 : i32
    %mul3A_1 = arith.constant 160 : i32
    %mul3A_2 = arith.muli %add3A, %mul3A_1 : i32
    "tpu.region"() ({
      %run_scoped3A = tpu.sem_alloc : memref<!tpu.dma_semaphore, #tpu.memory_space<semaphore_mem>>
      %dma_start3A = arith.constant 0 : i32
      %dma_start3A_27 = tpu.memref_slice %arg2[%mul3A_2, %dma_start3A] : memref<5120x128xi32, #tpu.memory_space<hbm>> -> memref<160x128xi32, #tpu.memory_space<hbm>>
      %dma_start3A_28 = arith.constant 0 : i32
      %dma_start3A_29 = tpu.memref_slice %arg2[%mul3A_2, %dma_start3A_28] : memref<5120x128xi32, #tpu.memory_space<hbm>> -> memref<160x128xi32, #tpu.memory_space<hbm>>
      tpu.enqueue_dma source(%dma_start3A_29 : memref<160x128xi32, #tpu.memory_space<hbm>>) target(%arg4 : memref<160x128xi32, #tpu.memory_space<vmem>>) target_semaphore(%run_scoped3A : memref<!tpu.dma_semaphore, #tpu.memory_space<semaphore_mem>>)
      %dma_wait3A = arith.constant 0 : i32
      %dma_wait3A_30 = tpu.memref_slice %arg2[%mul3A_2, %dma_wait3A] : memref<5120x128xi32, #tpu.memory_space<hbm>> -> memref<160x128xi32, #tpu.memory_space<hbm>>
      %dma_wait3A_31 = arith.constant 0 : i32
      %dma_wait3A_32 = tpu.memref_slice %arg2[%mul3A_2, %dma_wait3A_31] : memref<5120x128xi32, #tpu.memory_space<hbm>> -> memref<160x128xi32, #tpu.memory_space<hbm>>
      tpu.wait_dma2 semaphore(%run_scoped3A : memref<!tpu.dma_semaphore, #tpu.memory_space<semaphore_mem>>) src(%dma_wait3A_32 : memref<160x128xi32, #tpu.memory_space<hbm>>) dst(%arg4 : memref<160x128xi32, #tpu.memory_space<vmem>>)
      tpu.yield
    }) : () -> ()
    %scan3A = arith.constant 0 : i32
    %scan3A_3 = arith.constant 128 : i32
    %scan3A_4 = arith.addi %scan3A, %scan3A_3 : i32
    %scan3A_5 = arith.constant 1 : i32
    scf.for %scan3A_27 = %scan3A to %scan3A_4 step %scan3A_5  : i32 {
      %mul3A_28 = arith.constant 1 : i32
      %mul3A_29 = arith.muli %scan3A_27, %mul3A_28 : i32
      %add3A_30 = arith.constant 0 : i32
      %add3A_31 = arith.addi %add3A_30, %mul3A_29 : i32
      %broadcast_in_dim3A = arith.constant 0.000000e+00 : f32
      %broadcast_in_dim3A_32 = vector.broadcast %broadcast_in_dim3A : f32 to vector<16xf32>
      %swap3A = arith.index_cast %add3A_31 : i32 to index
      %swap3A_33 = arith.constant 0 : index
      %swap3A_34 = tpu.vector_load %arg5[%swap3A, %swap3A_33] {strides = array<i32>} : memref<128x128xf32, #tpu.memory_space<vmem>>, vector<1x16xf32>,
      %swap3A_35 = vector.shape_cast %swap3A_34 : vector<1x16xf32> to vector<16xf32>
      %swap3A_36 = vector.shape_cast %broadcast_in_dim3A_32 : vector<16xf32> to vector<1x16xf32>
      tpu.vector_store %arg5[%swap3A, %swap3A_33], %swap3A_36 {strides = array<i32>} : memref<128x128xf32, #tpu.memory_space<vmem>>, vector<1x16xf32>,
      %broadcast_in_dim3A_37 = arith.constant 0.000000e+00 : f32
      %broadcast_in_dim3A_38 = vector.broadcast %broadcast_in_dim3A_37 : f32 to vector<16xf32>
      %swap3A_39 = arith.index_cast %add3A_31 : i32 to index
      %swap3A_40 = arith.constant 16 : index
      %swap3A_41 = tpu.vector_load %arg5[%swap3A_39, %swap3A_40] {strides = array<i32>} : memref<128x128xf32, #tpu.memory_space<vmem>>, vector<1x16xf32>,
      %swap3A_42 = vector.shape_cast %swap3A_41 : vector<1x16xf32> to vector<16xf32>
      %swap3A_43 = vector.shape_cast %broadcast_in_dim3A_38 : vector<16xf32> to vector<1x16xf32>
      tpu.vector_store %arg5[%swap3A_39, %swap3A_40], %swap3A_43 {strides = array<i32>} : memref<128x128xf32, #tpu.memory_space<vmem>>, vector<1x16xf32>,
      %broadcast_in_dim3A_44 = arith.constant 0.000000e+00 : f32
      %broadcast_in_dim3A_45 = vector.broadcast %broadcast_in_dim3A_44 : f32 to vector<16xf32>
      %swap3A_46 = arith.index_cast %add3A_31 : i32 to index
      %swap3A_47 = arith.constant 32 : index
      %swap3A_48 = tpu.vector_load %arg5[%swap3A_46, %swap3A_47] {strides = array<i32>} : memref<128x128xf32, #tpu.memory_space<vmem>>, vector<1x16xf32>,
      %swap3A_49 = vector.shape_cast %swap3A_48 : vector<1x16xf32> to vector<16xf32>
      %swap3A_50 = vector.shape_cast %broadcast_in_dim3A_45 : vector<16xf32> to vector<1x16xf32>
      tpu.vector_store %arg5[%swap3A_46, %swap3A_47], %swap3A_50 {strides = array<i32>} : memref<128x128xf32, #tpu.memory_space<vmem>>, vector<1x16xf32>,
      %broadcast_in_dim3A_51 = arith.constant 0.000000e+00 : f32
      %broadcast_in_dim3A_52 = vector.broadcast %broadcast_in_dim3A_51 : f32 to vector<16xf32>
      %swap3A_53 = arith.index_cast %add3A_31 : i32 to index
      %swap3A_54 = arith.constant 48 : index
      %swap3A_55 = tpu.vector_load %arg5[%swap3A_53, %swap3A_54] {strides = array<i32>} : memref<128x128xf32, #tpu.memory_space<vmem>>, vector<1x16xf32>,
      %swap3A_56 = vector.shape_cast %swap3A_55 : vector<1x16xf32> to vector<16xf32>
      %swap3A_57 = vector.shape_cast %broadcast_in_dim3A_52 : vector<16xf32> to vector<1x16xf32>
      tpu.vector_store %arg5[%swap3A_53, %swap3A_54], %swap3A_57 {strides = array<i32>} : memref<128x128xf32, #tpu.memory_space<vmem>>, vector<1x16xf32>,
      %broadcast_in_dim3A_58 = arith.constant 0.000000e+00 : f32
      %broadcast_in_dim3A_59 = vector.broadcast %broadcast_in_dim3A_58 : f32 to vector<16xf32>
      %swap3A_60 = arith.index_cast %add3A_31 : i32 to index
      %swap3A_61 = arith.constant 64 : index
      %swap3A_62 = tpu.vector_load %arg5[%swap3A_60, %swap3A_61] {strides = array<i32>} : memref<128x128xf32, #tpu.memory_space<vmem>>, vector<1x16xf32>,
      %swap3A_63 = vector.shape_cast %swap3A_62 : vector<1x16xf32> to vector<16xf32>
      %swap3A_64 = vector.shape_cast %broadcast_in_dim3A_59 : vector<16xf32> to vector<1x16xf32>
      tpu.vector_store %arg5[%swap3A_60, %swap3A_61], %swap3A_64 {strides = array<i32>} : memref<128x128xf32, #tpu.memory_space<vmem>>, vector<1x16xf32>,
      %broadcast_in_dim3A_65 = arith.constant 0.000000e+00 : f32
      %broadcast_in_dim3A_66 = vector.broadcast %broadcast_in_dim3A_65 : f32 to vector<16xf32>
      %swap3A_67 = arith.index_cast %add3A_31 : i32 to index
      %swap3A_68 = arith.constant 80 : index
      %swap3A_69 = tpu.vector_load %arg5[%swap3A_67, %swap3A_68] {strides = array<i32>} : memref<128x128xf32, #tpu.memory_space<vmem>>, vector<1x16xf32>,
      %swap3A_70 = vector.shape_cast %swap3A_69 : vector<1x16xf32> to vector<16xf32>
      %swap3A_71 = vector.shape_cast %broadcast_in_dim3A_66 : vector<16xf32> to vector<1x16xf32>
      tpu.vector_store %arg5[%swap3A_67, %swap3A_68], %swap3A_71 {strides = array<i32>} : memref<128x128xf32, #tpu.memory_space<vmem>>, vector<1x16xf32>,
      %broadcast_in_dim3A_72 = arith.constant 0.000000e+00 : f32
      %broadcast_in_dim3A_73 = vector.broadcast %broadcast_in_dim3A_72 : f32 to vector<16xf32>
      %swap3A_74 = arith.index_cast %add3A_31 : i32 to index
      %swap3A_75 = arith.constant 96 : index
      %swap3A_76 = tpu.vector_load %arg5[%swap3A_74, %swap3A_75] {strides = array<i32>} : memref<128x128xf32, #tpu.memory_space<vmem>>, vector<1x16xf32>,
      %swap3A_77 = vector.shape_cast %swap3A_76 : vector<1x16xf32> to vector<16xf32>
      %swap3A_78 = vector.shape_cast %broadcast_in_dim3A_73 : vector<16xf32> to vector<1x16xf32>
      tpu.vector_store %arg5[%swap3A_74, %swap3A_75], %swap3A_78 {strides = array<i32>} : memref<128x128xf32, #tpu.memory_space<vmem>>, vector<1x16xf32>,
      %broadcast_in_dim3A_79 = arith.constant 0.000000e+00 : f32
      %broadcast_in_dim3A_80 = vector.broadcast %broadcast_in_dim3A_79 : f32 to vector<16xf32>
      %swap3A_81 = arith.index_cast %add3A_31 : i32 to index
      %swap3A_82 = arith.constant 112 : index
      %swap3A_83 = tpu.vector_load %arg5[%swap3A_81, %swap3A_82] {strides = array<i32>} : memref<128x128xf32, #tpu.memory_space<vmem>>, vector<1x16xf32>,
      %swap3A_84 = vector.shape_cast %swap3A_83 : vector<1x16xf32> to vector<16xf32>
      %swap3A_85 = vector.shape_cast %broadcast_in_dim3A_80 : vector<16xf32> to vector<1x16xf32>
      tpu.vector_store %arg5[%swap3A_81, %swap3A_82], %swap3A_85 {strides = array<i32>} : memref<128x128xf32, #tpu.memory_space<vmem>>, vector<1x16xf32>,
    }
    %scan3A_6 = arith.constant 128 : i32
    %scan3A_7 = arith.constant 0 : i32
    %scan3A_8 = arith.constant 5 : i32
    %scan3A_9 = arith.addi %scan3A_7, %scan3A_8 : i32
    %scan3A_10 = arith.constant 1 : i32
    scf.for %scan3A_27 = %scan3A_7 to %scan3A_9 step %scan3A_10  : i32 {
      %mul3A_28 = arith.constant 1 : i32
      %mul3A_29 = arith.muli %scan3A_27, %mul3A_28 : i32
      %add3A_30 = arith.constant 0 : i32
      %add3A_31 = arith.addi %add3A_30, %mul3A_29 : i32
      %mul3A_32 = arith.constant 640 : i32
      %mul3A_33 = arith.muli %arg1, %mul3A_32 : i32
      %mul3A_34 = arith.constant 128 : i32
      %mul3A_35 = arith.muli %add3A_31, %mul3A_34 : i32
      %add3A_36 = arith.addi %mul3A_33, %mul3A_35 : i32
      "tpu.region"() ({
        %run_scoped3A = tpu.sem_alloc : memref<!tpu.dma_semaphore, #tpu.memory_space<semaphore_mem>>
        %dma_start3A = arith.constant 0 : i32
        %dma_start3A_37 = tpu.memref_slice %arg6[%add3A_36, %dma_start3A] : memref<10240x128xf32, #tpu.memory_space<vmem_shared>> -> memref<128x128xf32, #tpu.memory_space<vmem_shared>>
        %dma_start3A_38 = arith.constant 0 : i32
        %dma_start3A_39 = tpu.memref_slice %arg6[%add3A_36, %dma_start3A_38] : memref<10240x128xf32, #tpu.memory_space<vmem_shared>> -> memref<128x128xf32, #tpu.memory_space<vmem_shared>>
        tpu.enqueue_dma source(%arg5 : memref<128x128xf32, #tpu.memory_space<vmem>>) target(%dma_start3A_39 : memref<128x128xf32, #tpu.memory_space<vmem_shared>>) target_semaphore(%run_scoped3A : memref<!tpu.dma_semaphore, #tpu.memory_space<semaphore_mem>>)
        %dma_wait3A = arith.constant 0 : i32
        %dma_wait3A_40 = tpu.memref_slice %arg6[%add3A_36, %dma_wait3A] : memref<10240x128xf32, #tpu.memory_space<vmem_shared>> -> memref<128x128xf32, #tpu.memory_space<vmem_shared>>
        %dma_wait3A_41 = arith.constant 0 : i32
        %dma_wait3A_42 = tpu.memref_slice %arg6[%add3A_36, %dma_wait3A_41] : memref<10240x128xf32, #tpu.memory_space<vmem_shared>> -> memref<128x128xf32, #tpu.memory_space<vmem_shared>>
        tpu.wait_dma2 semaphore(%run_scoped3A : memref<!tpu.dma_semaphore, #tpu.memory_space<semaphore_mem>>) src(%arg5 : memref<128x128xf32, #tpu.memory_space<vmem>>) dst(%dma_wait3A_42 : memref<128x128xf32, #tpu.memory_space<vmem_shared>>)
        tpu.yield
      }) : () -> ()
    }
    %scan3A_11 = arith.constant 5 : i32
    %scan3A_12 = arith.constant 0 : i32
    %scan3A_13 = arith.constant 128 : i32
    %scan3A_14 = arith.addi %scan3A_12, %scan3A_13 : i32
    %scan3A_15 = arith.constant 1 : i32
    scf.for %scan3A_27 = %scan3A_12 to %scan3A_14 step %scan3A_15  : i32 {
      %mul3A_28 = arith.constant 1 : i32
      %mul3A_29 = arith.muli %scan3A_27, %mul3A_28 : i32
      %add3A_30 = arith.constant 0 : i32
      %add3A_31 = arith.addi %add3A_30, %mul3A_29 : i32
      %broadcast_in_dim3A = arith.constant 1.000000e+00 : f32
      %broadcast_in_dim3A_32 = vector.broadcast %broadcast_in_dim3A : f32 to vector<16xf32>
      %swap3A = arith.index_cast %add3A_31 : i32 to index
      %swap3A_33 = arith.constant 0 : index
      %swap3A_34 = tpu.vector_load %arg5[%swap3A, %swap3A_33] {strides = array<i32>} : memref<128x128xf32, #tpu.memory_space<vmem>>, vector<1x16xf32>,
      %swap3A_35 = vector.shape_cast %swap3A_34 : vector<1x16xf32> to vector<16xf32>
      %swap3A_36 = vector.shape_cast %broadcast_in_dim3A_32 : vector<16xf32> to vector<1x16xf32>
      tpu.vector_store %arg5[%swap3A, %swap3A_33], %swap3A_36 {strides = array<i32>} : memref<128x128xf32, #tpu.memory_space<vmem>>, vector<1x16xf32>,
    }
    %scan3A_16 = arith.constant 128 : i32
    %barrier3A = arith.constant 0 : index
    tpu.barrier barrier_id(%barrier3A)
    %scan3A_17 = arith.constant 0 : i32
    %scan3A_18 = arith.constant 20 : i32
    %scan3A_19 = arith.addi %scan3A_17, %scan3A_18 : i32
    %scan3A_20 = arith.constant 1 : i32
    scf.for %scan3A_27 = %scan3A_17 to %scan3A_19 step %scan3A_20  : i32 {
      %mul3A_28 = arith.constant 1 : i32
      %mul3A_29 = arith.muli %scan3A_27, %mul3A_28 : i32
      %add3A_30 = arith.constant 0 : i32
      %add3A_31 = arith.addi %add3A_30, %mul3A_29 : i32
      %mul3A_32 = arith.constant 8 : i32
      %mul3A_33 = arith.muli %add3A_31, %mul3A_32 : i32
      %add3A_34 = arith.constant 0 : i32
      %add3A_35 = arith.addi %mul3A_33, %add3A_34 : i32
      %dma_start3A = arith.constant 0 : i32
      %dma_start3A_36 = tpu.memref_slice %arg4[%add3A_35, %dma_start3A] : memref<160x128xi32, #tpu.memory_space<vmem>> -> memref<1x128xi32, #tpu.memory_space<vmem>>
      %dma_start3A_37 = tpu.memref_squeeze %dma_start3A_36 : memref<1x128xi32, #tpu.memory_space<vmem>> -> memref<128xi32, #tpu.memory_space<vmem>>
      %dma_start3A_38 = arith.constant 0 : i32
      %dma_start3A_39 = arith.constant 0 : i32
      %dma_start3A_40 = tpu.memref_slice %arg6[%dma_start3A_38, %dma_start3A_39] : memref<10240x128xf32, #tpu.memory_space<vmem_shared>> -> memref<10240x128xf32, #tpu.memory_space<vmem_shared>>
      tpu.enqueue_indirect_dma source(%arg5 : memref<128x128xf32, #tpu.memory_space<vmem>>) target(%dma_start3A_40 : memref<10240x128xf32, #tpu.memory_space<vmem_shared>>) offsets(%dma_start3A_37 : memref<128xi32, #tpu.memory_space<vmem>>) semaphore(%arg7 : memref<!tpu.dma_semaphore, #tpu.memory_space<semaphore_mem>>) {add = true}
      %mul3A_41 = arith.constant 8 : i32
      %mul3A_42 = arith.muli %add3A_31, %mul3A_41 : i32
      %add3A_43 = arith.constant 1 : i32
      %add3A_44 = arith.addi %mul3A_42, %add3A_43 : i32
      %dma_start3A_45 = arith.constant 0 : i32
      %dma_start3A_46 = tpu.memref_slice %arg4[%add3A_44, %dma_start3A_45] : memref<160x128xi32, #tpu.memory_space<vmem>> -> memref<1x128xi32, #tpu.memory_space<vmem>>
      %dma_start3A_47 = tpu.memref_squeeze %dma_start3A_46 : memref<1x128xi32, #tpu.memory_space<vmem>> -> memref<128xi32, #tpu.memory_space<vmem>>
      %dma_start3A_48 = arith.constant 0 : i32
      %dma_start3A_49 = arith.constant 0 : i32
      %dma_start3A_50 = tpu.memref_slice %arg6[%dma_start3A_48, %dma_start3A_49] : memref<10240x128xf32, #tpu.memory_space<vmem_shared>> -> memref<10240x128xf32, #tpu.memory_space<vmem_shared>>
      tpu.enqueue_indirect_dma source(%arg5 : memref<128x128xf32, #tpu.memory_space<vmem>>) target(%dma_start3A_50 : memref<10240x128xf32, #tpu.memory_space<vmem_shared>>) offsets(%dma_start3A_47 : memref<128xi32, #tpu.memory_space<vmem>>) semaphore(%arg7 : memref<!tpu.dma_semaphore, #tpu.memory_space<semaphore_mem>>) {add = true}
      %mul3A_51 = arith.constant 8 : i32
      %mul3A_52 = arith.muli %add3A_31, %mul3A_51 : i32
      %add3A_53 = arith.constant 2 : i32
      %add3A_54 = arith.addi %mul3A_52, %add3A_53 : i32
      %dma_start3A_55 = arith.constant 0 : i32
      %dma_start3A_56 = tpu.memref_slice %arg4[%add3A_54, %dma_start3A_55] : memref<160x128xi32, #tpu.memory_space<vmem>> -> memref<1x128xi32, #tpu.memory_space<vmem>>
      %dma_start3A_57 = tpu.memref_squeeze %dma_start3A_56 : memref<1x128xi32, #tpu.memory_space<vmem>> -> memref<128xi32, #tpu.memory_space<vmem>>
      %dma_start3A_58 = arith.constant 0 : i32
      %dma_start3A_59 = arith.constant 0 : i32
      %dma_start3A_60 = tpu.memref_slice %arg6[%dma_start3A_58, %dma_start3A_59] : memref<10240x128xf32, #tpu.memory_space<vmem_shared>> -> memref<10240x128xf32, #tpu.memory_space<vmem_shared>>
      tpu.enqueue_indirect_dma source(%arg5 : memref<128x128xf32, #tpu.memory_space<vmem>>) target(%dma_start3A_60 : memref<10240x128xf32, #tpu.memory_space<vmem_shared>>) offsets(%dma_start3A_57 : memref<128xi32, #tpu.memory_space<vmem>>) semaphore(%arg7 : memref<!tpu.dma_semaphore, #tpu.memory_space<semaphore_mem>>) {add = true}
      %mul3A_61 = arith.constant 8 : i32
      %mul3A_62 = arith.muli %add3A_31, %mul3A_61 : i32
      %add3A_63 = arith.constant 3 : i32
      %add3A_64 = arith.addi %mul3A_62, %add3A_63 : i32
      %dma_start3A_65 = arith.constant 0 : i32
      %dma_start3A_66 = tpu.memref_slice %arg4[%add3A_64, %dma_start3A_65] : memref<160x128xi32, #tpu.memory_space<vmem>> -> memref<1x128xi32, #tpu.memory_space<vmem>>
      %dma_start3A_67 = tpu.memref_squeeze %dma_start3A_66 : memref<1x128xi32, #tpu.memory_space<vmem>> -> memref<128xi32, #tpu.memory_space<vmem>>
      %dma_start3A_68 = arith.constant 0 : i32
      %dma_start3A_69 = arith.constant 0 : i32
      %dma_start3A_70 = tpu.memref_slice %arg6[%dma_start3A_68, %dma_start3A_69] : memref<10240x128xf32, #tpu.memory_space<vmem_shared>> -> memref<10240x128xf32, #tpu.memory_space<vmem_shared>>
      tpu.enqueue_indirect_dma source(%arg5 : memref<128x128xf32, #tpu.memory_space<vmem>>) target(%dma_start3A_70 : memref<10240x128xf32, #tpu.memory_space<vmem_shared>>) offsets(%dma_start3A_67 : memref<128xi32, #tpu.memory_space<vmem>>) semaphore(%arg7 : memref<!tpu.dma_semaphore, #tpu.memory_space<semaphore_mem>>) {add = true}
      %mul3A_71 = arith.constant 8 : i32
      %mul3A_72 = arith.muli %add3A_31, %mul3A_71 : i32
      %add3A_73 = arith.constant 4 : i32
      %add3A_74 = arith.addi %mul3A_72, %add3A_73 : i32
      %dma_start3A_75 = arith.constant 0 : i32
      %dma_start3A_76 = tpu.memref_slice %arg4[%add3A_74, %dma_start3A_75] : memref<160x128xi32, #tpu.memory_space<vmem>> -> memref<1x128xi32, #tpu.memory_space<vmem>>
      %dma_start3A_77 = tpu.memref_squeeze %dma_start3A_76 : memref<1x128xi32, #tpu.memory_space<vmem>> -> memref<128xi32, #tpu.memory_space<vmem>>
      %dma_start3A_78 = arith.constant 0 : i32
      %dma_start3A_79 = arith.constant 0 : i32
      %dma_start3A_80 = tpu.memref_slice %arg6[%dma_start3A_78, %dma_start3A_79] : memref<10240x128xf32, #tpu.memory_space<vmem_shared>> -> memref<10240x128xf32, #tpu.memory_space<vmem_shared>>
      tpu.enqueue_indirect_dma source(%arg5 : memref<128x128xf32, #tpu.memory_space<vmem>>) target(%dma_start3A_80 : memref<10240x128xf32, #tpu.memory_space<vmem_shared>>) offsets(%dma_start3A_77 : memref<128xi32, #tpu.memory_space<vmem>>) semaphore(%arg7 : memref<!tpu.dma_semaphore, #tpu.memory_space<semaphore_mem>>) {add = true}
      %mul3A_81 = arith.constant 8 : i32
      %mul3A_82 = arith.muli %add3A_31, %mul3A_81 : i32
      %add3A_83 = arith.constant 5 : i32
      %add3A_84 = arith.addi %mul3A_82, %add3A_83 : i32
      %dma_start3A_85 = arith.constant 0 : i32
      %dma_start3A_86 = tpu.memref_slice %arg4[%add3A_84, %dma_start3A_85] : memref<160x128xi32, #tpu.memory_space<vmem>> -> memref<1x128xi32, #tpu.memory_space<vmem>>
      %dma_start3A_87 = tpu.memref_squeeze %dma_start3A_86 : memref<1x128xi32, #tpu.memory_space<vmem>> -> memref<128xi32, #tpu.memory_space<vmem>>
      %dma_start3A_88 = arith.constant 0 : i32
      %dma_start3A_89 = arith.constant 0 : i32
      %dma_start3A_90 = tpu.memref_slice %arg6[%dma_start3A_88, %dma_start3A_89] : memref<10240x128xf32, #tpu.memory_space<vmem_shared>> -> memref<10240x128xf32, #tpu.memory_space<vmem_shared>>
      tpu.enqueue_indirect_dma source(%arg5 : memref<128x128xf32, #tpu.memory_space<vmem>>) target(%dma_start3A_90 : memref<10240x128xf32, #tpu.memory_space<vmem_shared>>) offsets(%dma_start3A_87 : memref<128xi32, #tpu.memory_space<vmem>>) semaphore(%arg7 : memref<!tpu.dma_semaphore, #tpu.memory_space<semaphore_mem>>) {add = true}
      %mul3A_91 = arith.constant 8 : i32
      %mul3A_92 = arith.muli %add3A_31, %mul3A_91 : i32
      %add3A_93 = arith.constant 6 : i32
      %add3A_94 = arith.addi %mul3A_92, %add3A_93 : i32
      %dma_start3A_95 = arith.constant 0 : i32
      %dma_start3A_96 = tpu.memref_slice %arg4[%add3A_94, %dma_start3A_95] : memref<160x128xi32, #tpu.memory_space<vmem>> -> memref<1x128xi32, #tpu.memory_space<vmem>>
      %dma_start3A_97 = tpu.memref_squeeze %dma_start3A_96 : memref<1x128xi32, #tpu.memory_space<vmem>> -> memref<128xi32, #tpu.memory_space<vmem>>
      %dma_start3A_98 = arith.constant 0 : i32
      %dma_start3A_99 = arith.constant 0 : i32
      %dma_start3A_100 = tpu.memref_slice %arg6[%dma_start3A_98, %dma_start3A_99] : memref<10240x128xf32, #tpu.memory_space<vmem_shared>> -> memref<10240x128xf32, #tpu.memory_space<vmem_shared>>
      tpu.enqueue_indirect_dma source(%arg5 : memref<128x128xf32, #tpu.memory_space<vmem>>) target(%dma_start3A_100 : memref<10240x128xf32, #tpu.memory_space<vmem_shared>>) offsets(%dma_start3A_97 : memref<128xi32, #tpu.memory_space<vmem>>) semaphore(%arg7 : memref<!tpu.dma_semaphore, #tpu.memory_space<semaphore_mem>>) {add = true}
      %mul3A_101 = arith.constant 8 : i32
      %mul3A_102 = arith.muli %add3A_31, %mul3A_101 : i32
      %add3A_103 = arith.constant 7 : i32
      %add3A_104 = arith.addi %mul3A_102, %add3A_103 : i32
      %dma_start3A_105 = arith.constant 0 : i32
      %dma_start3A_106 = tpu.memref_slice %arg4[%add3A_104, %dma_start3A_105] : memref<160x128xi32, #tpu.memory_space<vmem>> -> memref<1x128xi32, #tpu.memory_space<vmem>>
      %dma_start3A_107 = tpu.memref_squeeze %dma_start3A_106 : memref<1x128xi32, #tpu.memory_space<vmem>> -> memref<128xi32, #tpu.memory_space<vmem>>
      %dma_start3A_108 = arith.constant 0 : i32
      %dma_start3A_109 = arith.constant 0 : i32
      %dma_start3A_110 = tpu.memref_slice %arg6[%dma_start3A_108, %dma_start3A_109] : memref<10240x128xf32, #tpu.memory_space<vmem_shared>> -> memref<10240x128xf32, #tpu.memory_space<vmem_shared>>
      tpu.enqueue_indirect_dma source(%arg5 : memref<128x128xf32, #tpu.memory_space<vmem>>) target(%dma_start3A_110 : memref<10240x128xf32, #tpu.memory_space<vmem_shared>>) offsets(%dma_start3A_107 : memref<128xi32, #tpu.memory_space<vmem>>) semaphore(%arg7 : memref<!tpu.dma_semaphore, #tpu.memory_space<semaphore_mem>>) {add = true}
      %mul3A_111 = arith.constant 8 : i32
      %mul3A_112 = arith.muli %add3A_31, %mul3A_111 : i32
      %add3A_113 = arith.constant 0 : i32
      %add3A_114 = arith.addi %mul3A_112, %add3A_113 : i32
      %dma_wait3A = arith.constant 0 : i32
      %dma_wait3A_115 = tpu.memref_slice %arg4[%add3A_114, %dma_wait3A] : memref<160x128xi32, #tpu.memory_space<vmem>> -> memref<1x128xi32, #tpu.memory_space<vmem>>
      %dma_wait3A_116 = tpu.memref_squeeze %dma_wait3A_115 : memref<1x128xi32, #tpu.memory_space<vmem>> -> memref<128xi32, #tpu.memory_space<vmem>>
      %dma_wait3A_117 = arith.constant 0 : i32
      %dma_wait3A_118 = arith.constant 0 : i32
      %dma_wait3A_119 = tpu.memref_slice %arg6[%dma_wait3A_117, %dma_wait3A_118] : memref<10240x128xf32, #tpu.memory_space<vmem_shared>> -> memref<10240x128xf32, #tpu.memory_space<vmem_shared>>
      tpu.wait_indirect_dma semaphore(%arg7 : memref<!tpu.dma_semaphore, #tpu.memory_space<semaphore_mem>>) src(%arg5 : memref<128x128xf32, #tpu.memory_space<vmem>>) dst(%dma_wait3A_119 : memref<10240x128xf32, #tpu.memory_space<vmem_shared>>)
      %mul3A_120 = arith.constant 8 : i32
      %mul3A_121 = arith.muli %add3A_31, %mul3A_120 : i32
      %add3A_122 = arith.constant 1 : i32
      %add3A_123 = arith.addi %mul3A_121, %add3A_122 : i32
      %dma_wait3A_124 = arith.constant 0 : i32
      %dma_wait3A_125 = tpu.memref_slice %arg4[%add3A_123, %dma_wait3A_124] : memref<160x128xi32, #tpu.memory_space<vmem>> -> memref<1x128xi32, #tpu.memory_space<vmem>>
      %dma_wait3A_126 = tpu.memref_squeeze %dma_wait3A_125 : memref<1x128xi32, #tpu.memory_space<vmem>> -> memref<128xi32, #tpu.memory_space<vmem>>
      %dma_wait3A_127 = arith.constant 0 : i32
      %dma_wait3A_128 = arith.constant 0 : i32
      %dma_wait3A_129 = tpu.memref_slice %arg6[%dma_wait3A_127, %dma_wait3A_128] : memref<10240x128xf32, #tpu.memory_space<vmem_shared>> -> memref<10240x128xf32, #tpu.memory_space<vmem_shared>>
      tpu.wait_indirect_dma semaphore(%arg7 : memref<!tpu.dma_semaphore, #tpu.memory_space<semaphore_mem>>) src(%arg5 : memref<128x128xf32, #tpu.memory_space<vmem>>) dst(%dma_wait3A_129 : memref<10240x128xf32, #tpu.memory_space<vmem_shared>>)
      %mul3A_130 = arith.constant 8 : i32
      %mul3A_131 = arith.muli %add3A_31, %mul3A_130 : i32
      %add3A_132 = arith.constant 2 : i32
      %add3A_133 = arith.addi %mul3A_131, %add3A_132 : i32
      %dma_wait3A_134 = arith.constant 0 : i32
      %dma_wait3A_135 = tpu.memref_slice %arg4[%add3A_133, %dma_wait3A_134] : memref<160x128xi32, #tpu.memory_space<vmem>> -> memref<1x128xi32, #tpu.memory_space<vmem>>
      %dma_wait3A_136 = tpu.memref_squeeze %dma_wait3A_135 : memref<1x128xi32, #tpu.memory_space<vmem>> -> memref<128xi32, #tpu.memory_space<vmem>>
      %dma_wait3A_137 = arith.constant 0 : i32
      %dma_wait3A_138 = arith.constant 0 : i32
      %dma_wait3A_139 = tpu.memref_slice %arg6[%dma_wait3A_137, %dma_wait3A_138] : memref<10240x128xf32, #tpu.memory_space<vmem_shared>> -> memref<10240x128xf32, #tpu.memory_space<vmem_shared>>
      tpu.wait_indirect_dma semaphore(%arg7 : memref<!tpu.dma_semaphore, #tpu.memory_space<semaphore_mem>>) src(%arg5 : memref<128x128xf32, #tpu.memory_space<vmem>>) dst(%dma_wait3A_139 : memref<10240x128xf32, #tpu.memory_space<vmem_shared>>)
      %mul3A_140 = arith.constant 8 : i32
      %mul3A_141 = arith.muli %add3A_31, %mul3A_140 : i32
      %add3A_142 = arith.constant 3 : i32
      %add3A_143 = arith.addi %mul3A_141, %add3A_142 : i32
      %dma_wait3A_144 = arith.constant 0 : i32
      %dma_wait3A_145 = tpu.memref_slice %arg4[%add3A_143, %dma_wait3A_144] : memref<160x128xi32, #tpu.memory_space<vmem>> -> memref<1x128xi32, #tpu.memory_space<vmem>>
      %dma_wait3A_146 = tpu.memref_squeeze %dma_wait3A_145 : memref<1x128xi32, #tpu.memory_space<vmem>> -> memref<128xi32, #tpu.memory_space<vmem>>
      %dma_wait3A_147 = arith.constant 0 : i32
      %dma_wait3A_148 = arith.constant 0 : i32
      %dma_wait3A_149 = tpu.memref_slice %arg6[%dma_wait3A_147, %dma_wait3A_148] : memref<10240x128xf32, #tpu.memory_space<vmem_shared>> -> memref<10240x128xf32, #tpu.memory_space<vmem_shared>>
      tpu.wait_indirect_dma semaphore(%arg7 : memref<!tpu.dma_semaphore, #tpu.memory_space<semaphore_mem>>) src(%arg5 : memref<128x128xf32, #tpu.memory_space<vmem>>) dst(%dma_wait3A_149 : memref<10240x128xf32, #tpu.memory_space<vmem_shared>>)
      %mul3A_150 = arith.constant 8 : i32
      %mul3A_151 = arith.muli %add3A_31, %mul3A_150 : i32
      %add3A_152 = arith.constant 4 : i32
      %add3A_153 = arith.addi %mul3A_151, %add3A_152 : i32
      %dma_wait3A_154 = arith.constant 0 : i32
      %dma_wait3A_155 = tpu.memref_slice %arg4[%add3A_153, %dma_wait3A_154] : memref<160x128xi32, #tpu.memory_space<vmem>> -> memref<1x128xi32, #tpu.memory_space<vmem>>
      %dma_wait3A_156 = tpu.memref_squeeze %dma_wait3A_155 : memref<1x128xi32, #tpu.memory_space<vmem>> -> memref<128xi32, #tpu.memory_space<vmem>>
      %dma_wait3A_157 = arith.constant 0 : i32
      %dma_wait3A_158 = arith.constant 0 : i32
      %dma_wait3A_159 = tpu.memref_slice %arg6[%dma_wait3A_157, %dma_wait3A_158] : memref<10240x128xf32, #tpu.memory_space<vmem_shared>> -> memref<10240x128xf32, #tpu.memory_space<vmem_shared>>
      tpu.wait_indirect_dma semaphore(%arg7 : memref<!tpu.dma_semaphore, #tpu.memory_space<semaphore_mem>>) src(%arg5 : memref<128x128xf32, #tpu.memory_space<vmem>>) dst(%dma_wait3A_159 : memref<10240x128xf32, #tpu.memory_space<vmem_shared>>)
      %mul3A_160 = arith.constant 8 : i32
      %mul3A_161 = arith.muli %add3A_31, %mul3A_160 : i32
      %add3A_162 = arith.constant 5 : i32
      %add3A_163 = arith.addi %mul3A_161, %add3A_162 : i32
      %dma_wait3A_164 = arith.constant 0 : i32
      %dma_wait3A_165 = tpu.memref_slice %arg4[%add3A_163, %dma_wait3A_164] : memref<160x128xi32, #tpu.memory_space<vmem>> -> memref<1x128xi32, #tpu.memory_space<vmem>>
      %dma_wait3A_166 = tpu.memref_squeeze %dma_wait3A_165 : memref<1x128xi32, #tpu.memory_space<vmem>> -> memref<128xi32, #tpu.memory_space<vmem>>
      %dma_wait3A_167 = arith.constant 0 : i32
      %dma_wait3A_168 = arith.constant 0 : i32
      %dma_wait3A_169 = tpu.memref_slice %arg6[%dma_wait3A_167, %dma_wait3A_168] : memref<10240x128xf32, #tpu.memory_space<vmem_shared>> -> memref<10240x128xf32, #tpu.memory_space<vmem_shared>>
      tpu.wait_indirect_dma semaphore(%arg7 : memref<!tpu.dma_semaphore, #tpu.memory_space<semaphore_mem>>) src(%arg5 : memref<128x128xf32, #tpu.memory_space<vmem>>) dst(%dma_wait3A_169 : memref<10240x128xf32, #tpu.memory_space<vmem_shared>>)
      %mul3A_170 = arith.constant 8 : i32
      %mul3A_171 = arith.muli %add3A_31, %mul3A_170 : i32
      %add3A_172 = arith.constant 6 : i32
      %add3A_173 = arith.addi %mul3A_171, %add3A_172 : i32
      %dma_wait3A_174 = arith.constant 0 : i32
      %dma_wait3A_175 = tpu.memref_slice %arg4[%add3A_173, %dma_wait3A_174] : memref<160x128xi32, #tpu.memory_space<vmem>> -> memref<1x128xi32, #tpu.memory_space<vmem>>
      %dma_wait3A_176 = tpu.memref_squeeze %dma_wait3A_175 : memref<1x128xi32, #tpu.memory_space<vmem>> -> memref<128xi32, #tpu.memory_space<vmem>>
      %dma_wait3A_177 = arith.constant 0 : i32
      %dma_wait3A_178 = arith.constant 0 : i32
      %dma_wait3A_179 = tpu.memref_slice %arg6[%dma_wait3A_177, %dma_wait3A_178] : memref<10240x128xf32, #tpu.memory_space<vmem_shared>> -> memref<10240x128xf32, #tpu.memory_space<vmem_shared>>
      tpu.wait_indirect_dma semaphore(%arg7 : memref<!tpu.dma_semaphore, #tpu.memory_space<semaphore_mem>>) src(%arg5 : memref<128x128xf32, #tpu.memory_space<vmem>>) dst(%dma_wait3A_179 : memref<10240x128xf32, #tpu.memory_space<vmem_shared>>)
      %mul3A_180 = arith.constant 8 : i32
      %mul3A_181 = arith.muli %add3A_31, %mul3A_180 : i32
      %add3A_182 = arith.constant 7 : i32
      %add3A_183 = arith.addi %mul3A_181, %add3A_182 : i32
      %dma_wait3A_184 = arith.constant 0 : i32
      %dma_wait3A_185 = tpu.memref_slice %arg4[%add3A_183, %dma_wait3A_184] : memref<160x128xi32, #tpu.memory_space<vmem>> -> memref<1x128xi32, #tpu.memory_space<vmem>>
      %dma_wait3A_186 = tpu.memref_squeeze %dma_wait3A_185 : memref<1x128xi32, #tpu.memory_space<vmem>> -> memref<128xi32, #tpu.memory_space<vmem>>
      %dma_wait3A_187 = arith.constant 0 : i32
      %dma_wait3A_188 = arith.constant 0 : i32
      %dma_wait3A_189 = tpu.memref_slice %arg6[%dma_wait3A_187, %dma_wait3A_188] : memref<10240x128xf32, #tpu.memory_space<vmem_shared>> -> memref<10240x128xf32, #tpu.memory_space<vmem_shared>>
      tpu.wait_indirect_dma semaphore(%arg7 : memref<!tpu.dma_semaphore, #tpu.memory_space<semaphore_mem>>) src(%arg5 : memref<128x128xf32, #tpu.memory_space<vmem>>) dst(%dma_wait3A_189 : memref<10240x128xf32, #tpu.memory_space<vmem_shared>>)
    }
    %scan3A_21 = arith.constant 20 : i32
    %barrier3A_22 = arith.constant 0 : index
    tpu.barrier barrier_id(%barrier3A_22)
    %mul3A_23 = arith.constant 640 : i32
    %mul3A_24 = arith.muli %arg1, %mul3A_23 : i32
    %mul3A_25 = arith.constant 640 : i32
    %mul3A_26 = arith.muli %arg1, %mul3A_25 : i32
    "tpu.region"() ({
      %run_scoped3A = tpu.sem_alloc : memref<!tpu.dma_semaphore, #tpu.memory_space<semaphore_mem>>
      %dma_start3A = arith.constant 0 : i32
      %dma_start3A_27 = tpu.memref_slice %arg3[%arg0, %mul3A_26, %dma_start3A] : memref<2x10240x128xf32, #tpu.memory_space<hbm>> -> memref<1x640x128xf32, #tpu.memory_space<hbm>>
      %dma_start3A_28 = tpu.memref_squeeze %dma_start3A_27 : memref<1x640x128xf32, #tpu.memory_space<hbm>> -> memref<640x128xf32, #tpu.memory_space<hbm>>
      %dma_start3A_29 = arith.constant 0 : i32
      %dma_start3A_30 = tpu.memref_slice %arg6[%mul3A_24, %dma_start3A_29] : memref<10240x128xf32, #tpu.memory_space<vmem_shared>> -> memref<640x128xf32, #tpu.memory_space<vmem_shared>>
      tpu.enqueue_dma source(%dma_start3A_30 : memref<640x128xf32, #tpu.memory_space<vmem_shared>>) target(%dma_start3A_28 : memref<640x128xf32, #tpu.memory_space<hbm>>) target_semaphore(%run_scoped3A : memref<!tpu.dma_semaphore, #tpu.memory_space<semaphore_mem>>)
      %dma_wait3A = arith.constant 0 : i32
      %dma_wait3A_31 = tpu.memref_slice %arg3[%arg0, %mul3A_26, %dma_wait3A] : memref<2x10240x128xf32, #tpu.memory_space<hbm>> -> memref<1x640x128xf32, #tpu.memory_space<hbm>>
      %dma_wait3A_32 = tpu.memref_squeeze %dma_wait3A_31 : memref<1x640x128xf32, #tpu.memory_space<hbm>> -> memref<640x128xf32, #tpu.memory_space<hbm>>
      %dma_wait3A_33 = arith.constant 0 : i32
      %dma_wait3A_34 = tpu.memref_slice %arg6[%mul3A_24, %dma_wait3A_33] : memref<10240x128xf32, #tpu.memory_space<vmem_shared>> -> memref<640x128xf32, #tpu.memory_space<vmem_shared>>
      tpu.wait_dma2 semaphore(%run_scoped3A : memref<!tpu.dma_semaphore, #tpu.memory_space<semaphore_mem>>) src(%dma_wait3A_34 : memref<640x128xf32, #tpu.memory_space<vmem_shared>>) dst(%dma_wait3A_32 : memref<640x128xf32, #tpu.memory_space<hbm>>)
      tpu.yield
    }) : () -> ()
    return
  }
}

module attributes {stable_mosaic.version = 14 : i64} {
  func.func @_tc_a_kernel(%arg0: i32, %arg1: memref<512x128xf32, #tpu.memory_space<vmem>>, %arg2: memref<128x128xf32, #tpu.memory_space<vmem>>, %arg3: memref<2x512x128xf32, #tpu.memory_space<vmem>>, %arg4: memref<512x128xf32, #tpu.memory_space<vmem>>, %arg5: memref<512x128xf32, #tpu.memory_space<vmem>>) attributes {dimension_semantics = [#tpu.dimension_semantics<arbitrary>], iteration_bounds = array<i64: 20>, scalar_prefetch = 0 : i64, scratch_operands = 0 : i64, tpu.core_type = #tpu.core_type<tc>, window_params = [{transform_indices = @transform_0, window_bounds = array<i64: 512, 128>}, {pipeline_mode = #tpu.pipeline_mode<synchronous>, transform_indices = @transform_1, window_bounds = array<i64: 128, 128>}, {transform_indices = @transform_2, window_bounds = array<i64: 2, 512, 128>}, {transform_indices = @transform_3, window_bounds = array<i64: 512, 128>}, {transform_indices = @transform_4, window_bounds = array<i64: 512, 128>}]} {
    %get3A = arith.constant 0 : index
    %get3A_0 = arith.constant 0 : index
    %get3A_1 = arith.constant 0 : index
    %get3A_2 = vector.load %arg3[%get3A, %get3A_0, %get3A_1] : memref<2x512x128xf32, #tpu.memory_space<vmem>>, vector<1x512x1xf32>
    %get3A_3 = vector.shape_cast %get3A_2 : vector<1x512x1xf32> to vector<512x1xf32>
    %get3A_4 = arith.constant 1 : index
    %get3A_5 = arith.constant 0 : index
    %get3A_6 = arith.constant 0 : index
    %get3A_7 = vector.load %arg3[%get3A_4, %get3A_5, %get3A_6] : memref<2x512x128xf32, #tpu.memory_space<vmem>>, vector<1x512x1xf32>
    %get3A_8 = vector.shape_cast %get3A_7 : vector<1x512x1xf32> to vector<512x1xf32>
    %add3A = arith.addf %get3A_3, %get3A_8 : vector<512x1xf32>
    %add3A_9 = arith.constant 1.000000e+00 : f32
    %add3A_10 = vector.broadcast %add3A_9 : f32 to vector<512x1xf32>
    %add3A_11 = arith.addf %add3A, %add3A_10 : vector<512x1xf32>
    %rsqrt3A = math.rsqrt %add3A_11 : vector<512x1xf32>
    %get3A_12 = arith.constant 0 : index
    %get3A_13 = arith.constant 0 : index
    %get3A_14 = vector.load %arg1[%get3A_12, %get3A_13] : memref<512x128xf32, #tpu.memory_space<vmem>>, vector<512x128xf32>
    %get3A_15 = arith.constant 0 : index
    %get3A_16 = arith.constant 0 : index
    %get3A_17 = vector.load %arg2[%get3A_15, %get3A_16] : memref<128x128xf32, #tpu.memory_space<vmem>>, vector<128x128xf32>
    %dot_general3A = arith.constant dense<0.000000e+00> : vector<512x128xf32>
    %dot_general3A_18 = tpu.matmul %get3A_14, %get3A_17, %dot_general3A {dimension_numbers = #tpu.dot_dimension_numbers<[1], [0], [0], [1], [0, 0, 1, 1], [], []>, precision = #tpu.contract_precision<fp32>, transpose_lhs_hint = false} : vector<512x128xf32>, vector<128x128xf32>, vector<512x128xf32> -> vector<512x128xf32>
    %mul3A = vector.broadcast %rsqrt3A : vector<512x1xf32> to vector<512x128xf32>
    %mul3A_19 = arith.mulf %dot_general3A_18, %mul3A : vector<512x128xf32>
    %swap3A = arith.constant 0 : index
    %swap3A_20 = arith.constant 0 : index
    %swap3A_21 = vector.load %arg4[%swap3A, %swap3A_20] : memref<512x128xf32, #tpu.memory_space<vmem>>, vector<512x128xf32>
    tpu.vector_store %arg4[%swap3A, %swap3A_20], %mul3A_19 {strides = array<i32>} : memref<512x128xf32, #tpu.memory_space<vmem>>, vector<512x128xf32>,
    %broadcast_in_dim3A = vector.shape_cast %rsqrt3A : vector<512x1xf32> to vector<512x1xf32>
    %broadcast_in_dim3A_22 = vector.broadcast %broadcast_in_dim3A : vector<512x1xf32> to vector<512x128xf32>
    %swap3A_23 = arith.constant 0 : index
    %swap3A_24 = arith.constant 0 : index
    %swap3A_25 = vector.load %arg5[%swap3A_23, %swap3A_24] : memref<512x128xf32, #tpu.memory_space<vmem>>, vector<512x128xf32>
    tpu.vector_store %arg5[%swap3A_23, %swap3A_24], %broadcast_in_dim3A_22 {strides = array<i32>} : memref<512x128xf32, #tpu.memory_space<vmem>>, vector<512x128xf32>,
    return
  }
  func.func @transform_0(%arg0: i32) -> (i32, i32) {
    %c0_i32 = arith.constant 0 : i32
    %c0_i32_0 = arith.constant 0 : i32
    return %arg0, %c0_i32 : i32, i32
  }
  func.func @transform_1(%arg0: i32) -> (i32, i32) {
    %c0_i32 = arith.constant 0 : i32
    %c0_i32_0 = arith.constant 0 : i32
    %c0_i32_1 = arith.constant 0 : i32
    return %c0_i32, %c0_i32_0 : i32, i32
  }
  func.func @transform_2(%arg0: i32) -> (i32, i32, i32) {
    %c0_i32 = arith.constant 0 : i32
    %c0_i32_0 = arith.constant 0 : i32
    %c0_i32_1 = arith.constant 0 : i32
    return %c0_i32, %arg0, %c0_i32_0 : i32, i32, i32
  }
  func.func @transform_3(%arg0: i32) -> (i32, i32) {
    %c0_i32 = arith.constant 0 : i32
    %c0_i32_0 = arith.constant 0 : i32
    return %arg0, %c0_i32 : i32, i32
  }
  func.func @transform_4(%arg0: i32) -> (i32, i32) {
    %c0_i32 = arith.constant 0 : i32
    %c0_i32_0 = arith.constant 0 : i32
    return %arg0, %c0_i32 : i32, i32
  }
}

module attributes {stable_mosaic.version = 14 : i64} {
  func.func @_tc_b_kernel(%arg0: i32, %arg1: memref<2x512x128xf32, #tpu.memory_space<vmem>>, %arg2: memref<512x128xf32, #tpu.memory_space<vmem>>, %arg3: memref<512x128xf32, #tpu.memory_space<vmem>>, %arg4: memref<128x128xf32, #tpu.memory_space<vmem>>, %arg5: memref<512x128xf32, #tpu.memory_space<vmem>>) attributes {dimension_semantics = [#tpu.dimension_semantics<arbitrary>], iteration_bounds = array<i64: 20>, scalar_prefetch = 0 : i64, scratch_operands = 0 : i64, tpu.core_type = #tpu.core_type<tc>, window_params = [{transform_indices = @transform_0, window_bounds = array<i64: 2, 512, 128>}, {transform_indices = @transform_1, window_bounds = array<i64: 512, 128>}, {transform_indices = @transform_2, window_bounds = array<i64: 512, 128>}, {pipeline_mode = #tpu.pipeline_mode<synchronous>, transform_indices = @transform_3, window_bounds = array<i64: 128, 128>}, {transform_indices = @transform_4, window_bounds = array<i64: 512, 128>}]} {
    %get3A = arith.constant 0 : index
    %get3A_0 = arith.constant 0 : index
    %get3A_1 = arith.constant 0 : index
    %get3A_2 = vector.load %arg1[%get3A, %get3A_0, %get3A_1] : memref<2x512x128xf32, #tpu.memory_space<vmem>>, vector<1x512x128xf32>
    %get3A_3 = vector.shape_cast %get3A_2 : vector<1x512x128xf32> to vector<512x128xf32>
    %get3A_4 = arith.constant 1 : index
    %get3A_5 = arith.constant 0 : index
    %get3A_6 = arith.constant 0 : index
    %get3A_7 = vector.load %arg1[%get3A_4, %get3A_5, %get3A_6] : memref<2x512x128xf32, #tpu.memory_space<vmem>>, vector<1x512x128xf32>
    %get3A_8 = vector.shape_cast %get3A_7 : vector<1x512x128xf32> to vector<512x128xf32>
    %add3A = arith.addf %get3A_3, %get3A_8 : vector<512x128xf32>
    %get3A_9 = arith.constant 0 : index
    %get3A_10 = arith.constant 0 : index
    %get3A_11 = vector.load %arg2[%get3A_9, %get3A_10] : memref<512x128xf32, #tpu.memory_space<vmem>>, vector<512x128xf32>
    %add3A_12 = arith.addf %add3A, %get3A_11 : vector<512x128xf32>
    %get3A_13 = arith.constant 0 : index
    %get3A_14 = arith.constant 0 : index
    %get3A_15 = vector.load %arg3[%get3A_13, %get3A_14] : memref<512x128xf32, #tpu.memory_space<vmem>>, vector<512x128xf32>
    %mul3A = arith.mulf %add3A_12, %get3A_15 : vector<512x128xf32>
    %max3A = arith.constant 0.000000e+00 : f32
    %max3A_16 = vector.broadcast %max3A : f32 to vector<512x128xf32>
    %max3A_17 = arith.maximumf %mul3A, %max3A_16 : vector<512x128xf32>
    %get3A_18 = arith.constant 0 : index
    %get3A_19 = arith.constant 0 : index
    %get3A_20 = vector.load %arg4[%get3A_18, %get3A_19] : memref<128x128xf32, #tpu.memory_space<vmem>>, vector<128x128xf32>
    %dot_general3A = arith.constant dense<0.000000e+00> : vector<512x128xf32>
    %dot_general3A_21 = tpu.matmul %max3A_17, %get3A_20, %dot_general3A {dimension_numbers = #tpu.dot_dimension_numbers<[1], [0], [0], [1], [0, 0, 1, 1], [], []>, precision = #tpu.contract_precision<fp32>, transpose_lhs_hint = false} : vector<512x128xf32>, vector<128x128xf32>, vector<512x128xf32> -> vector<512x128xf32>
    %get3A_22 = arith.constant 0 : index
    %get3A_23 = arith.constant 0 : index
    %get3A_24 = vector.load %arg3[%get3A_22, %get3A_23] : memref<512x128xf32, #tpu.memory_space<vmem>>, vector<512x128xf32>
    %mul3A_25 = arith.mulf %dot_general3A_21, %get3A_24 : vector<512x128xf32>
    %swap3A = arith.constant 0 : index
    %swap3A_26 = arith.constant 0 : index
    %swap3A_27 = vector.load %arg5[%swap3A, %swap3A_26] : memref<512x128xf32, #tpu.memory_space<vmem>>, vector<512x128xf32>
    tpu.vector_store %arg5[%swap3A, %swap3A_26], %mul3A_25 {strides = array<i32>} : memref<512x128xf32, #tpu.memory_space<vmem>>, vector<512x128xf32>,
    return
  }
  func.func @transform_0(%arg0: i32) -> (i32, i32, i32) {
    %c0_i32 = arith.constant 0 : i32
    %c0_i32_0 = arith.constant 0 : i32
    %c0_i32_1 = arith.constant 0 : i32
    return %c0_i32, %arg0, %c0_i32_0 : i32, i32, i32
  }
  func.func @transform_1(%arg0: i32) -> (i32, i32) {
    %c0_i32 = arith.constant 0 : i32
    %c0_i32_0 = arith.constant 0 : i32
    return %arg0, %c0_i32 : i32, i32
  }
  func.func @transform_2(%arg0: i32) -> (i32, i32) {
    %c0_i32 = arith.constant 0 : i32
    %c0_i32_0 = arith.constant 0 : i32
    return %arg0, %c0_i32 : i32, i32
  }
  func.func @transform_3(%arg0: i32) -> (i32, i32) {
    %c0_i32 = arith.constant 0 : i32
    %c0_i32_0 = arith.constant 0 : i32
    %c0_i32_1 = arith.constant 0 : i32
    return %c0_i32, %c0_i32_0 : i32, i32
  }
  func.func @transform_4(%arg0: i32) -> (i32, i32) {
    %c0_i32 = arith.constant 0 : i32
    %c0_i32_0 = arith.constant 0 : i32
    return %arg0, %c0_i32 : i32, i32
  }
}

module attributes {stable_mosaic.version = 14 : i64} {
  func.func @_tc_c_kernel(%arg0: i32, %arg1: memref<2x512x128xf32, #tpu.memory_space<vmem>>, %arg2: memref<512x128xf32, #tpu.memory_space<vmem>>, %arg3: memref<512x128xf32, #tpu.memory_space<vmem>>, %arg4: memref<512x128xf32, #tpu.memory_space<vmem>>) attributes {dimension_semantics = [#tpu.dimension_semantics<arbitrary>], iteration_bounds = array<i64: 20>, scalar_prefetch = 0 : i64, scratch_operands = 0 : i64, tpu.core_type = #tpu.core_type<tc>, window_params = [{transform_indices = @transform_0, window_bounds = array<i64: 2, 512, 128>}, {transform_indices = @transform_1, window_bounds = array<i64: 512, 128>}, {transform_indices = @transform_2, window_bounds = array<i64: 512, 128>}, {transform_indices = @transform_3, window_bounds = array<i64: 512, 128>}]} {
    %get3A = arith.constant 0 : index
    %get3A_0 = arith.constant 0 : index
    %get3A_1 = arith.constant 0 : index
    %get3A_2 = vector.load %arg1[%get3A, %get3A_0, %get3A_1] : memref<2x512x128xf32, #tpu.memory_space<vmem>>, vector<1x512x128xf32>
    %get3A_3 = vector.shape_cast %get3A_2 : vector<1x512x128xf32> to vector<512x128xf32>
    %get3A_4 = arith.constant 1 : index
    %get3A_5 = arith.constant 0 : index
    %get3A_6 = arith.constant 0 : index
    %get3A_7 = vector.load %arg1[%get3A_4, %get3A_5, %get3A_6] : memref<2x512x128xf32, #tpu.memory_space<vmem>>, vector<1x512x128xf32>
    %get3A_8 = vector.shape_cast %get3A_7 : vector<1x512x128xf32> to vector<512x128xf32>
    %add3A = arith.addf %get3A_3, %get3A_8 : vector<512x128xf32>
    %get3A_9 = arith.constant 0 : index
    %get3A_10 = arith.constant 0 : index
    %get3A_11 = vector.load %arg2[%get3A_9, %get3A_10] : memref<512x128xf32, #tpu.memory_space<vmem>>, vector<512x128xf32>
    %add3A_12 = arith.addf %add3A, %get3A_11 : vector<512x128xf32>
    %get3A_13 = arith.constant 0 : index
    %get3A_14 = arith.constant 0 : index
    %get3A_15 = vector.load %arg3[%get3A_13, %get3A_14] : memref<512x128xf32, #tpu.memory_space<vmem>>, vector<512x128xf32>
    %mul3A = arith.mulf %add3A_12, %get3A_15 : vector<512x128xf32>
    %swap3A = arith.constant 0 : index
    %swap3A_16 = arith.constant 0 : index
    %swap3A_17 = vector.load %arg4[%swap3A, %swap3A_16] : memref<512x128xf32, #tpu.memory_space<vmem>>, vector<512x128xf32>
    tpu.vector_store %arg4[%swap3A, %swap3A_16], %mul3A {strides = array<i32>} : memref<512x128xf32, #tpu.memory_space<vmem>>, vector<512x128xf32>,
    return
  }
  func.func @transform_0(%arg0: i32) -> (i32, i32, i32) {
    %c0_i32 = arith.constant 0 : i32
    %c0_i32_0 = arith.constant 0 : i32
    %c0_i32_1 = arith.constant 0 : i32
    return %c0_i32, %arg0, %c0_i32_0 : i32, i32, i32
  }
  func.func @transform_1(%arg0: i32) -> (i32, i32) {
    %c0_i32 = arith.constant 0 : i32
    %c0_i32_0 = arith.constant 0 : i32
    return %arg0, %c0_i32 : i32, i32
  }
  func.func @transform_2(%arg0: i32) -> (i32, i32) {
    %c0_i32 = arith.constant 0 : i32
    %c0_i32_0 = arith.constant 0 : i32
    return %arg0, %c0_i32 : i32, i32
  }
  func.func @transform_3(%arg0: i32) -> (i32, i32) {
    %c0_i32 = arith.constant 0 : i32
    %c0_i32_0 = arith.constant 0 : i32
    return %arg0, %c0_i32 : i32, i32
  }
}

</mosaic_0001>

<sc_bundles>
// kernel: kernel.11.cloned.1.call-start
scs
__scs_entry_jumppad:
0x0: {  	(pc) =	sbr.rel $0x88, $3  }
0x1: {  	(tag) =	ssettag $0x0;
	lr =	simm.s32 $0x1  }
0x2: {  	[smem:$0x3F9D] =	sst lr;
	_ =	strace $0xD0000000  }
0x3: {  	_ = 	snop  }
0x4: {  	_ = 	snop  }
0x5: {  	_ = 	snop  }
0x6: {  	_ = 	snop  }
0x7: {  	_ = 	snop  }
__scs_overlays_trampoline_lowered:
0x8: {  	[smem:$0x3FAC] =	sst s0  }
0x9: {  	[smem:$0x3FAD] =	sst s1  }
0xa: {  	[smem:$0x3FAE] =	sst s2  }
0xb: {  	[smem:$0x3FAF] =	sst s3  }
0xc: {  	[smem:$0x3FB0] =	sst s4  }
0xd: {  	[smem:$0x3FB1] =	sst s5  }
0xe: {  	[smem:$0x3FB2] =	sst s6  }
0xf: {  	[smem:$0x3FB3] =	sst s7  }
0x10: {  	[smem:$0x3FB4] =	sst s8  }
0x11: {  	[smem:$0x3FB5] =	sst s9;
	s0 =	simm.s32 @!p0 $0x0  }
0x12: {  	s1 =	sld [smem:$0x3F9B];
	s0 =	simm.s32 @p0 $0x1  }
0x13: {  	[smem:$0x3FB6] =	sst s0;
	s0 =	simm.s32 @!p1 $0x0  }
0x14: {  	s2 =	sld [smem:$0x3F9A];
	s0 =	simm.s32 @p1 $0x1  }
0x15: {  	[smem:$0x3FB7] =	sst s0;
	s0 =	simm.s32 @!p2 $0x0  }
0x16: {  	s3 =	sld [smem:$0x3FDB];
	s0 =	simm.s32 @p2 $0x1  }
0x17: {  	s4 =	simm.s32 $0x1BF5;
	[smem:$0x3FB9] =	sst s0  }
0x18: {  	s0 =	sld [smem:$0x3F9C];
	_ =	swait.ge [sflag:s4], $0x0  }
0x19: {  	s7 =	sld [smem:$0x3F9D]  }
0x1a: {  	s8 =	sadd.s32 $0xFFFFE003, lr  }
0x1b: {  	s9 =	sadd.s32 $0xFFFFFEF7, lr;
	s5 =	simm.s32 $0xFFFFFFFF;
	p2 =	slt.u32 s8, $0xFFFFF086  }
0x1c: {  	p1 =	slt.u32 s9, $0xF7A;
	s5 =	simm.s32 @!p2 $0x0  }
0x1d: {  	s5 =	simm.s32 @p1 $0x1;
	p0 =	seq.s32 s7, s2  }
0x1e: {  	s7 =	smul.u32 @!p0 $0xF7A, s2;
	p2 =	seq.s32 @!p0 s5, $0x0  }
0x1f: {  	s9 =	smul.u32 $0xF7A, s1;
	s8 =	simm.s32 @!p0 $0x1BF5;
	p2 =	por !p2, p0  }
0x20: {  	[sflag:s8] =	ssyncset.s32 @!p0 $0xFFFFF086;
	s6 =	sadd.s32 @!p0 s3, s7;
	s7 =	simm.s32 @!p0 $0x108  }
0x21: {  	s3 =	sadd.s32 s3, s9;
	s6 =	sadd.s32 @!p0 $0x88, s6;
	s7 =	simm.s32 @p2 $0x1082  }
0x22: {  	[simem:s7], [sflag:s8] =	dma.local @!p0 [hbm:s6], $0xF7A  }
0x23: {  	s9 =	sor.u32 $0xD0000000, s2;
	s6 =	simm.s32 $0x108;
	_ =	swait.ge @!p0 [sflag:s8], $0x0  }
0x24: {  	s3 =	sadd.s32 $0x88, s3;
	s6 =	simm.s32 @!p1 $0x1082;
	[sflag:s4] =	ssyncset.s32 $0xFFFFF086  }
0x25: {  	[simem:s6], [sflag:s4] =	dma.local [hbm:s3], $0xF7A  }
0x26: {  	[smem:$0x3F9D] =	sst s1;
	(tag) =	ssettag s2;
	_ =	strace s9  }
0x27: {  	s1 =	sld [smem:$0x3FAD]  }
0x28: {  	s2 =	sld [smem:$0x3FAE]  }
0x29: {  	s4 =	sld [smem:$0x3FB0]  }
0x2a: {  	p0 =	seq.s32 s5, $0x0;
	s5 =	sld [smem:$0x3FB1]  }
0x2b: {  	s6 =	sld [smem:$0x3FB2]  }
0x2c: {  	s7 =	sld [smem:$0x3FB3]  }
0x2d: {  	s3 =	simm.s32 $0x108;
	s8 =	sld [smem:$0x3FB4]  }
0x2e: {  	s3 =	simm.s32 @!p0 $0x1082;
	s9 =	sld [smem:$0x3FB5]  }
0x2f: {  	lr =	sadd.s32 s0, s3;
	s0 =	sld [smem:$0x3FAC]  }
0x30: {  	s3 =	sld [smem:$0x3FAF]  }
0x31: {  	[smem:$0x3FB8] =	sst s10  }
0x32: {  	s10 =	sld [smem:$0x3FB6];
	_ =	sdelay $0x3  }
0x33: {  	p0 =	seq.s32 s10, $0x1;
	s10 =	sld [smem:$0x3FB8];
	_ =	sdelay $0x3  }
0x34: {  	[smem:$0x3FB8] =	sst s10  }
0x35: {  	s10 =	sld [smem:$0x3FB7];
	_ =	sdelay $0x3  }
0x36: {  	p1 =	seq.s32 s10, $0x1;
	s10 =	sld [smem:$0x3FB8];
	_ =	sdelay $0x3  }
0x37: {  	[smem:$0x3FB8] =	sst s10  }
0x38: {  	s10 =	sld [smem:$0x3FB9]  }
0x39: {  	_ = 	snop;
	(pc) =	sbr.ind lr, $3  }
0x3a: {  	_ = 	snop  }
0x3b: {  	_ = 	snop  }
0x3c: {  	p2 =	seq.s32 s10, $0x1;
	s10 =	sld [smem:$0x3FB8]  }
0x3d: {  	_ =	shalt  }
0x3e: {  	_ =	shalt  }
0x3f: {  	_ =	shalt  }
0x40: {  	_ =	shalt  }
0x41: {  	_ =	shalt  }
0x42: {  	_ =	shalt  }
0x43: {  	_ =	shalt  }
0x44: {  	_ =	shalt  }
0x45: {  	_ =	shalt  }
0x46: {  	_ =	shalt  }
0x47: {  	_ =	shalt  }
0x48: {  	_ =	shalt  }
0x49: {  	_ =	shalt  }
0x4a: {  	_ =	shalt  }
0x4b: {  	_ =	shalt  }
0x4c: {  	_ =	shalt  }
0x4d: {  	_ =	shalt  }
0x4e: {  	_ =	shalt  }
0x4f: {  	_ =	shalt  }
0x50: {  	_ =	shalt  }
0x51: {  	_ =	shalt  }
0x52: {  	_ =	shalt  }
0x53: {  	_ =	shalt  }
0x54: {  	_ =	shalt  }
0x55: {  	_ =	shalt  }
0x56: {  	_ =	shalt  }
0x57: {  	_ =	shalt  }
0x58: {  	_ =	shalt  }
0x59: {  	_ =	shalt  }
0x5a: {  	_ =	shalt  }
0x5b: {  	_ =	shalt  }
0x5c: {  	_ =	shalt  }
0x5d: {  	_ =	shalt  }
0x5e: {  	_ =	shalt  }
0x5f: {  	_ =	shalt  }
0x60: {  	_ =	shalt  }
0x61: {  	_ =	shalt  }
0x62: {  	_ =	shalt  }
0x63: {  	_ =	shalt  }
0x64: {  	_ =	shalt  }
0x65: {  	_ =	shalt  }
0x66: {  	_ =	shalt  }
0x67: {  	_ =	shalt  }
0x68: {  	_ =	shalt  }
0x69: {  	_ =	shalt  }
0x6a: {  	_ =	shalt  }
0x6b: {  	_ =	shalt  }
0x6c: {  	_ =	shalt  }
0x6d: {  	_ =	shalt  }
0x6e: {  	_ =	shalt  }
0x6f: {  	_ =	shalt  }
0x70: {  	_ =	shalt  }
0x71: {  	_ =	shalt  }
0x72: {  	_ =	shalt  }
0x73: {  	_ =	shalt  }
0x74: {  	_ =	shalt  }
0x75: {  	_ =	shalt  }
0x76: {  	_ =	shalt  }
0x77: {  	_ =	shalt  }
0x78: {  	_ =	shalt  }
0x79: {  	_ =	shalt  }
0x7a: {  	_ =	shalt  }
0x7b: {  	_ =	shalt  }
0x7c: {  	_ =	shalt  }
0x7d: {  	_ =	shalt  }
0x7e: {  	_ =	shalt  }
0x7f: {  	_ =	shalt  }
0x80: {  	_ =	shalt  }
0x81: {  	_ =	shalt  }
0x82: {  	_ =	shalt  }
0x83: {  	_ =	shalt  }
0x84: {  	_ =	shalt  }
0x85: {  	_ =	shalt  }
0x86: {  	_ =	shalt  }
0x87: {  	_ =	shalt  }
.Lfunc_end0:
.L_simem_size_0:
called_computation.1_lowered:
.L_overlay_start_0:
0x88: {  	s2 =	sld [smem:$0x3FD9]  }
0x89: {  	s3 =	sld [smem:$0x3FFE];
	_ =	sdelay $0x1  }
0x8a: {  	s1 =	srdreg.scid  }
0x8b: {  	s0 =	sand.u32 $0x1, s1  }
0x8c: {  	s17 =	sshll.u32 s0, $0xA;
	s2 =	sadd.s32 s3, s2  }
0x8d: {  	s2 =	sadd.s32 s2, s17  }
0x8e: {  	[smem:$0x3FC4] =	sst s2  }
0x8f: {  	_ = 	snop  }
0x90: {  	s2 =	sld [smem:$0x3FD0];
	(tm) =	ssettm $0x1  }
0x91: {  	s18 =	sld [smem:$0x3FFB];
	_ =	sdelay $0x3  }
0x92: {  	_ =	strace s18  }
0x93: {  	s3 =	sld [smem:$0x3FFC];
	_ =	sdelay $0x3  }
0x94: {  	_ =	strace s3  }
0x95: {  	s3 =	sld [smem:$0x3FFD];
	_ =	sdelay $0x3  }
0x96: {  	_ =	strace s3  }
0x97: {  	_ =	strace $0x8FFFFFFF  }
0x98: {  	s19 =	sld [smem:$0x3FDB];
	_ =	sdelay $0x1  }
0x99: {  	s4 =	simm.s32 $_scs_section_size  }
0x9a: {  	s5 =	simm.s32 $_size__tile_overlayer_lowered;
	s6 =	simm.s32 $_tile_overlayer_lowered  }
0x9b: {  	s22 =	simm.s32 $0x1BFF;
	s21 =	sshll.u32 s6, $0x1;
	s3 =	sadd.s32 s4, s19  }
0x9c: {  	s7 =	simm.s32 $0x0;
	s20 =	sshll.u32 s5, $0x1;
	s5 =	sadd.s32 s21, s3  }
0x9d: {  	[timem:s7], [sflag:s22] =	dma.local [hbm:s5], s20  }
0x9e: {  	_ =	swait.ge [sflag:s22], s20  }
0x9f: {  	s4 =	ssub.s32 $0x0, s20;
	[sflag:s22] =	ssyncset.done $0x0  }
0xa0: {  	[sflag:s22] =	ssyncadd.s32 s4;
	_ =	sdelay $0x1  }
0xa1: {  	s23 =	simm.s32 $0x1B8B  }
0xa2: {  	_ =	swait.ge [sflag:s23], $0x1  }
0xa3: {  	[sflag:s23] =	ssyncset.done $0x0  }
0xa4: {  	s25 =	simm.s32 $0x1B8E;
	s24 =	sld [smem:$0x3FFE];
	[sflag:s23] =	ssyncadd.s32 $0xFFFFFFFF  }
0xa5: {  	s26 =	simm.s32 $execute0_lowered;
	[smem:$0x3FD2] =	sst s25  }
0xa6: {  	s5 =	sshll.u32 s26, $0x1;
	_ =	strace $0x80000049;
	[dreg:$0x1] =	wrdreg $0xFFFFFFFF  }
0xa7: {  	s28 =	simm.s32 $_size_execute0_lowered;
	s3 =	sadd.s32 s3, s5;
	[dreg:$0x0] =	wrdreg $0x0  }
0xa8: {  	s5 =	sshll.u32 s28, $0x1;
	[dreg:$0x2] =	wrdreg s3  }
0xa9: {  	[dreg:$0x3] =	wrdreg s5  }
0xaa: {  	[dreg:$0x4] =	wrdreg $0xC0  }
0xab: {  	_ =	task [dreg:s7], $0x5FFFF  }
0xac: {  	[dreg:$0x1] =	wrdreg $0xFFFFFFFF  }
0xad: {  	[dreg:$0x0] =	wrdreg $0x60  }
0xae: {  	[dreg:$0x2] =	wrdreg s24  }
0xaf: {  	[dreg:$0x3] =	wrdreg s2  }
0xb0: {  	[dreg:$0x4] =	wrdreg $0xA8000  }
0xb1: {  	[dreg:$0x5] =	wrdreg $0x9  }
0xb2: {  	_ =	task.clear_ibuf [dreg:s7], $0x6FFFF;
	_ =	strace $0x90000049  }
0xb3: {  	s29 =	simm.s32 $0x9;
	_ =	strace $0x8000004B  }
0xb4: {  	_ =	swait.ge [sflag:s29], $0x1  }
0xb5: {  	[sflag:s29] =	ssyncadd.s32 $0xFFFFFFFF  }
0xb6: {  	_ =	strace $0x9000004B  }
0xb7: {  	_ =	sfence  }
0xb8: {  	s30 =	sld [smem:$0x0];
	_ =	sdelay $0x2  }
0xb9: {  	s31 =	sshll.u32 s1, $0xD;
	s1 =	sshrl.u32 s1, $0x2  }
0xba: {  	s3 =	sand.u32 $0x4000, s31;
	s1 =	sadd.s32 s1, s30  }
0xbb: {  	s0 =	sor.u32 s3, s0;
	s1 =	sshll.u32 s1, $0x11  }
0xbc: {  	s0 =	sor.u32 s1, s0  }
0xbd: {  	s0 =	sadd.s32 $0x8F2B, s0  }
0xbe: {  	[sflag:s0] =	ssyncadd.remote.s32 $0x1  }
0xbf: {  	_ =	sfence.sel $0xFFFF  }
0xc0: {  	[dreg:$0x0] =	wrdreg $0xFFFFFFFF;
	(pc) =	sbr.abs _section_cstart, $3  }
0xc1: {  	[dreg:$0x1] =	wrdreg $0xFFFFFFFF  }
0xc2: {  	_ =	task.clear_ibuf [dreg:s7], $0x2FFFF;
	_ =	strace $0x9FFFFFFF  }
0xc3: {  	(tm) =	ssettm $0x7FFFFFFF  }
tec
execute0_lowered:
.L_overlay_start_1:
0x0: {  	(tag) =	ssettag $0x1  }
0x1: {  	s0 =	rddreg [dreg:$0x0]  }
0x2: {  	s1 =	rddreg [dreg:$0x1]  }
0x3: {  	s2 =	rddreg [dreg:$0x2];
	s3 =	srdreg.scid;
	s4 =	simm.s32 $0x0  }
0x4: {  	s9 =	stileid.u32;
	s15 =	simm.s32 $0x2800;
	s16 =	simm.s32 $0x3  }
0x5: {  	s17 =	simm.s32 $0x1400;
	s18 =	simm.s32 $0x20;
	s28 =	simm.s32 $0x7800  }
0x6: {  	s29 =	simm.s32 $0xC0;
	s30 =	simm.s32 $0x8800;
	s31 =	simm.s32 $0xE0  }
0x7: {  	s10 =	simm.s32 $0x2700;
	s11 =	simm.s32 $0x2780;
	s7 =	smul.u32 $0x14000, s9  }
0x8: {  	s3 =	sand.u32 $0x1, s3;
	[smem:$0x7FF] =	sst s4;
	s19 =	smul.u32 $0x50000, s9  }
0x9: {  	s5 =	sadd.s32 $0x2200, s0;
	s6 =	smul.u32 $0x140000, s3;
	s8 =	sshll.u32 s3, $0x4  }
0xa: {  	_ =	strace $0x8000004A;
	s3 =	ssub.s32 $0x2, s3;
	s8 =	sor.u32 s9, s8  }
0xb: {  	s21 =	sshrl.u32 s3, $0x1;
	s9 =	simm.s32 $0x2;
	s6 =	sadd.s32 s7, s6  }
0xc: {  	s7 =	sshrl.u32 s19, $0x2;
	s3 =	ssub.s32 s3, s21;
	s19 =	simm.s32 $0x3800  }
0xd: {  	s21 =	simm.s32 $0x4800;
	s20 =	sshrl.u32 s6, $0x3;
	s22 =	smax.u32 s3, $0x1  }
0xe: {  	s6 =	smul.u32 $0x50, s8;
	s14 =	sadd.s32 s7, s2;
	[dreg:$0x6] =	wrdreg s22  }
0xf: {  	s3 =	simm.s32 $0x1;
	s23 =	sadd.s32 $0x4000, s14;
	[dreg:$0x4] =	wrdreg s14  }
0x10: {  	s0 =	sadd.s32 s20, s0;
	s24 =	sadd.s32 $0x8000, s14;
	[dreg:$0x7] =	wrdreg s23  }
0x11: {  	s25 =	sadd.s32 $0xC000, s14;
	s26 =	sadd.s32 $0x10000, s14;
	[dreg:$0x8] =	wrdreg s24  }
0x12: {  	s20 =	simm.s32 $0x40;
	s22 =	simm.s32 $0x60;
	[dreg:$0x9] =	wrdreg s25  }
0x13: {  	s8 =	sadd.s32 $0xA00, s6;
	s0 =	sadd.s32 $0x2A200, s0;
	[dreg:$0xa] =	wrdreg s26  }
0x14: {  	s23 =	simm.s32 $0x5800;
	s24 =	simm.s32 $0x80;
	s25 =	simm.s32 $0x6800  }
0x15: {  	v0 =	vimm.f32 $0.0e+00;
	s26 =	simm.s32 $0xA0;
	[dreg:$0x5] =	wrdreg s0;
	s0 =	simm.s32 $0x9800  }
.LBB2_1:
0x16: {  	s12 =	simm.s32 $0x0;
	s13 =	simm.s32 $0x200  }
.LBB2_2:
0x17: {  	p0 =	sne.s32 s13, $0xFE00;
	[tilespmem:s12+$0x2870] =	vst v0  }
0x18: {  	[tilespmem:s12+$0x2800] =	vst v0  }
0x19: {  	[tilespmem:s12+$0x2810] =	vst v0  }
.Ltmp0:
0x1a: {  	[tilespmem:s12+$0x2820] =	vst v0;
	(pc) =	sbr.rel @p0 .LBB2_2-.Ltmp0, $4  }
0x1b: {  	[tilespmem:s12+$0x2830] =	vst v0  }
0x1c: {  	[tilespmem:s12+$0x2840] =	vst v0  }
0x1d: {  	[tilespmem:s12+$0x2850] =	vst v0  }
0x1e: {  	[tilespmem:s12+$0x2860] =	vst v0;
	s12 =	sshra.s32 s13, $0x2;
	s13 =	sadd.s32 $0x200, s13  }
0x1f: {  	[tilespmem:s12+$0x2870] =	vst v0  }
0x20: {  	[tilespmem:s12+$0x2800] =	vst v0  }
0x21: {  	[tilespmem:s12+$0x2810] =	vst v0  }
0x22: {  	[tilespmem:s12+$0x2820] =	vst v0  }
0x23: {  	[tilespmem:s12+$0x2830] =	vst v0  }
0x24: {  	[tilespmem:s12+$0x2840] =	vst v0  }
0x25: {  	[tilespmem:s12+$0x2850] =	vst v0  }
0x26: {  	[tilespmem:s12+$0x2860] =	vst v0  }
0x27: {  	[spmem:s14] =	stream.linear.scatter [tilespmem:s15], [sflag:$0x3], $0x4000, $0x38;
	[tilespmem:$0x1E800] =	vst v63  }
0x28: {  	_ =	swait.ge [sflag:s16], $0x4000  }
0x29: {  	[sflag:s16] =	ssyncset.done $0x0  }
0x2a: {  	s7 =	rddreg [dreg:$0x7];
	[sflag:s16] =	ssyncadd.s32 $0xFFFFC000  }
0x2b: {  	[spmem:s7] =	stream.linear.scatter [tilespmem:s15], [sflag:$0x3], $0x4000, $0x38;
	[tilespmem:$0x1E800] =	vst v63  }
0x2c: {  	_ =	swait.ge [sflag:s16], $0x4000  }
0x2d: {  	[sflag:s16] =	ssyncset.done $0x0  }
0x2e: {  	s12 =	rddreg [dreg:$0x8];
	[sflag:s16] =	ssyncadd.s32 $0xFFFFC000  }
0x2f: {  	[spmem:s12] =	stream.linear.scatter [tilespmem:s15], [sflag:$0x3], $0x4000, $0x38;
	[tilespmem:$0x1E800] =	vst v63  }
0x30: {  	_ =	swait.ge [sflag:s16], $0x4000  }
0x31: {  	[sflag:s16] =	ssyncset.done $0x0  }
0x32: {  	s13 =	rddreg [dreg:$0x9];
	[sflag:s16] =	ssyncadd.s32 $0xFFFFC000  }
0x33: {  	[spmem:s13] =	stream.linear.scatter [tilespmem:s15], [sflag:$0x3], $0x4000, $0x38;
	[tilespmem:$0x1E800] =	vst v63  }
0x34: {  	_ =	swait.ge [sflag:s16], $0x4000  }
0x35: {  	[sflag:s16] =	ssyncset.done $0x0  }
0x36: {  	s14 =	rddreg [dreg:$0xa];
	[sflag:s16] =	ssyncadd.s32 $0xFFFFC000  }
0x37: {  	[spmem:s14] =	stream.linear.scatter [tilespmem:s15], [sflag:$0x3], $0x4000, $0x38;
	[tilespmem:$0x1E800] =	vst v63  }
0x38: {  	_ =	swait.ge [sflag:s16], $0x4000  }
0x39: {  	[sflag:s16] =	ssyncset.done $0x0  }
0x3a: {  	p2 =	por $0x1, $0x1;
	[sflag:s16] =	ssyncadd.s32 $0xFFFFC000  }
0x3b: {  	s13 =	simm.s32 $0x0;
	s14 =	simm.s32 $0x0;
	[bflag:$0x0] =	sbarrier.arrive $0xFFFF  }
.LBB2_4:
0x3c: {  	s12 =	sadd.s32 s6, s14  }
0x3d: {  	s12 =	sshll.u32 s12, $0x4  }
0x3e: {  	s12 =	sadd.s32 s1, s12  }
0x3f: {  	[tilespmem:s13], [sflag:$0x3] =	stream.linear.gather [hbm4b:s12+s13], $0x1400, $0x38;
	[tilespmem:$0x1E800] =	vst v63  }
0x40: {  	s7 =	sadd.s32 s8, s14;
	_ =	swait.ge [sflag:s16], $0x1400  }
0x41: {  	s12 =	sshll.u32 s7, $0x4;
	[sflag:s16] =	ssyncset.done $0x0  }
0x42: {  	s12 =	sadd.s32 s1, s12;
	[sflag:s16] =	ssyncadd.s32 $0xFFFFEC00  }
0x43: {  	[tilespmem:s17], [sflag:$0x3] =	stream.linear.gather [hbm4b:s12+s13], $0x1400, $0x38;
	[tilespmem:$0x1E800] =	vst v63  }
0x44: {  	_ =	swait.ge [sflag:s16], $0x1400  }
0x45: {  	[sflag:s16] =	ssyncset.done $0x0  }
0x46: {  	[sflag:s16] =	ssyncadd.s32 $0xFFFFEC00  }
0x47: {  	[tilespmem:s15], [sflag:$0x1] =	stream.indirect.gather [hbm4b:s5+s18], $0x80, s13, s18, $0xb8;
	[tilespmem:$0x1E800] =	vst v63  }
0x48: {  	_ = 	snop  }
0x49: {  	[tilespmem:s19], [sflag:$0x1] =	stream.indirect.gather [hbm4b:s5+s18], $0x80, s18, s18, $0xb8;
	[tilespmem:$0x1E800] =	vst v63  }
0x4a: {  	_ = 	snop  }
0x4b: {  	[tilespmem:s21], [sflag:$0x1] =	stream.indirect.gather [hbm4b:s5+s18], $0x80, s20, s18, $0xb8;
	[tilespmem:$0x1E800] =	vst v63  }
0x4c: {  	_ = 	snop  }
0x4d: {  	[tilespmem:s23], [sflag:$0x1] =	stream.indirect.gather [hbm4b:s5+s18], $0x80, s22, s18, $0xb8;
	[tilespmem:$0x1E800] =	vst v63  }
0x4e: {  	_ = 	snop  }
0x4f: {  	[tilespmem:s25], [sflag:$0x2] =	stream.indirect.gather [hbm4b:s5+s18], $0x80, s24, s18, $0xb8;
	[tilespmem:$0x1E800] =	vst v63  }
0x50: {  	_ = 	snop  }
0x51: {  	[tilespmem:s28], [sflag:$0x2] =	stream.indirect.gather [hbm4b:s5+s18], $0x80, s26, s18, $0xb8;
	[tilespmem:$0x1E800] =	vst v63  }
0x52: {  	_ = 	snop  }
0x53: {  	[tilespmem:s30], [sflag:$0x2] =	stream.indirect.gather [hbm4b:s5+s18], $0x80, s29, s18, $0xb8;
	[tilespmem:$0x1E800] =	vst v63  }
0x54: {  	_ = 	snop  }
0x55: {  	[tilespmem:s0], [sflag:$0x2] =	stream.indirect.gather [hbm4b:s5+s18], $0x80, s31, s18, $0xb8;
	[tilespmem:$0x1E800] =	vst v63  }
0x56: {  	_ =	swait.ge [sflag:s3], $0x1000  }
0x57: {  	[sflag:s3] =	ssyncset.done $0x0  }
0x58: {  	[sflag:s3] =	ssyncadd.s32 $0xFFFFF000  }
0x59: {  	_ =	swait.ge [sflag:s3], $0x1000  }
0x5a: {  	[sflag:s3] =	ssyncset.done $0x0  }
0x5b: {  	[sflag:s3] =	ssyncadd.s32 $0xFFFFF000  }
0x5c: {  	_ =	swait.ge [sflag:s3], $0x1000  }
0x5d: {  	[sflag:s3] =	ssyncset.done $0x0  }
0x5e: {  	[sflag:s3] =	ssyncadd.s32 $0xFFFFF000  }
0x5f: {  	_ =	swait.ge [sflag:s3], $0x1000  }
0x60: {  	[sflag:s3] =	ssyncset.done $0x0  }
0x61: {  	s14 =	simm.s32 $0x1400;
	[sflag:s3] =	ssyncadd.s32 $0xFFFFF000  }
0x62: {  	[spmem:s2] =	stream.indirect.scatter.add.f32 [tilespmem:s15], [sflag:$0x3], $0x80, s14, s24, $0xb8;
	[tilespmem:$0x1E800] =	vst v63  }
0x63: {  	_ =	swait.ge [sflag:s16], $0x4000  }
0x64: {  	[sflag:s16] =	ssyncset.done $0x0  }
0x65: {  	s7 =	simm.s32 $0x100;
	[sflag:s16] =	ssyncadd.s32 $0xFFFFC000  }
0x66: {  	[tilespmem:s15], [sflag:$0x1] =	stream.indirect.gather [hbm4b:s5+s18], $0x80, s7, s18, $0xb8;
	[tilespmem:$0x1E800] =	vst v63  }
0x67: {  	s14 =	simm.s32 $0x120  }
0x68: {  	[tilespmem:s19], [sflag:$0x1] =	stream.indirect.gather [hbm4b:s5+s18], $0x80, s14, s18, $0xb8;
	[tilespmem:$0x1E800] =	vst v63  }
0x69: {  	s7 =	simm.s32 $0x140  }
0x6a: {  	[tilespmem:s21], [sflag:$0x1] =	stream.indirect.gather [hbm4b:s5+s18], $0x80, s7, s18, $0xb8;
	[tilespmem:$0x1E800] =	vst v63  }
0x6b: {  	s14 =	simm.s32 $0x160  }
0x6c: {  	[tilespmem:s23], [sflag:$0x1] =	stream.indirect.gather [hbm4b:s5+s18], $0x80, s14, s18, $0xb8;
	[tilespmem:$0x1E800] =	vst v63  }
0x6d: {  	_ =	swait.ge [sflag:s9], $0x1000  }
0x6e: {  	[sflag:s9] =	ssyncset.done $0x0  }
0x6f: {  	[sflag:s9] =	ssyncadd.s32 $0xFFFFF000  }
0x70: {  	_ =	swait.ge [sflag:s9], $0x1000  }
0x71: {  	[sflag:s9] =	ssyncset.done $0x0  }
0x72: {  	[sflag:s9] =	ssyncadd.s32 $0xFFFFF000  }
0x73: {  	_ =	swait.ge [sflag:s9], $0x1000  }
0x74: {  	[sflag:s9] =	ssyncset.done $0x0  }
0x75: {  	[sflag:s9] =	ssyncadd.s32 $0xFFFFF000  }
0x76: {  	_ =	swait.ge [sflag:s9], $0x1000  }
0x77: {  	[sflag:s9] =	ssyncset.done $0x0  }
0x78: {  	s7 =	simm.s32 $0x1480;
	[sflag:s9] =	ssyncadd.s32 $0xFFFFF000  }
0x79: {  	[spmem:s2] =	stream.indirect.scatter.add.f32 [tilespmem:s25], [sflag:$0x3], $0x80, s7, s24, $0xb8;
	[tilespmem:$0x1E800] =	vst v63  }
0x7a: {  	_ =	swait.ge [sflag:s16], $0x4000  }
0x7b: {  	[sflag:s16] =	ssyncset.done $0x0  }
0x7c: {  	s14 =	simm.s32 $0x180;
	[sflag:s16] =	ssyncadd.s32 $0xFFFFC000  }
0x7d: {  	[tilespmem:s25], [sflag:$0x2] =	stream.indirect.gather [hbm4b:s5+s18], $0x80, s14, s18, $0xb8;
	[tilespmem:$0x1E800] =	vst v63  }
0x7e: {  	s7 =	simm.s32 $0x1A0  }
0x7f: {  	[tilespmem:s28], [sflag:$0x2] =	stream.indirect.gather [hbm4b:s5+s18], $0x80, s7, s18, $0xb8;
	[tilespmem:$0x1E800] =	vst v63  }
0x80: {  	s14 =	simm.s32 $0x1C0  }
0x81: {  	[tilespmem:s30], [sflag:$0x2] =	stream.indirect.gather [hbm4b:s5+s18], $0x80, s14, s18, $0xb8;
	[tilespmem:$0x1E800] =	vst v63  }
0x82: {  	p0 =	por p2, p2;
	s12 =	simm.s32 $0x400;
	s14 =	simm.s32 $0x1E0  }
.LBB2_5:
0x83: {  	[tilespmem:s0], [sflag:$0x2] =	stream.indirect.gather [hbm4b:s5+s18], $0x80, s14, s18, $0xb8;
	[tilespmem:$0x1E800] =	vst v63  }
0x84: {  	s14 =	smov.u32 s12  }
0x85: {  	p1 =	sne.s32 s12, $0x4800;
	s12 =	sadd.s32 $0x400, s12;
	_ =	swait.ge [sflag:s3], $0x1000  }
0x86: {  	[sflag:s3] =	ssyncset.done $0x0  }
0x87: {  	[sflag:s3] =	ssyncadd.s32 $0xFFFFF000  }
0x88: {  	_ =	swait.ge [sflag:s3], $0x1000  }
0x89: {  	[sflag:s3] =	ssyncset.done $0x0  }
0x8a: {  	[sflag:s3] =	ssyncadd.s32 $0xFFFFF000  }
0x8b: {  	_ =	swait.ge [sflag:s3], $0x1000  }
0x8c: {  	[sflag:s3] =	ssyncset.done $0x0  }
0x8d: {  	[sflag:s3] =	ssyncadd.s32 $0xFFFFF000  }
0x8e: {  	_ =	swait.ge [sflag:s3], $0x1000  }
0x8f: {  	s14 =	sshra.s32 s14, $0x2;
	[sflag:s3] =	ssyncset.done $0x0  }
0x90: {  	s7 =	sadd.s32 $0x1400, s14;
	[sflag:s3] =	ssyncadd.s32 $0xFFFFF000  }
0x91: {  	[spmem:s2] =	stream.indirect.scatter.add.f32 [tilespmem:s15], [sflag:$0x3], $0x80, s7, s24, $0xb8;
	[tilespmem:$0x1E800] =	vst v63  }
0x92: {  	_ =	swait.ge [sflag:s16], $0x4000  }
0x93: {  	[sflag:s16] =	ssyncset.done $0x0  }
0x94: {  	s7 =	sadd.s32 $0x100, s14;
	[sflag:s16] =	ssyncadd.s32 $0xFFFFC000  }
0x95: {  	[tilespmem:s15], [sflag:$0x1] =	stream.indirect.gather [hbm4b:s5+s18], $0x80, s7, s18, $0xb8;
	[tilespmem:$0x1E800] =	vst v63  }
0x96: {  	s7 =	sadd.s32 $0x120, s14  }
0x97: {  	[tilespmem:s19], [sflag:$0x1] =	stream.indirect.gather [hbm4b:s5+s18], $0x80, s7, s18, $0xb8;
	[tilespmem:$0x1E800] =	vst v63  }
0x98: {  	s7 =	sadd.s32 $0x140, s14  }
0x99: {  	[tilespmem:s21], [sflag:$0x1] =	stream.indirect.gather [hbm4b:s5+s18], $0x80, s7, s18, $0xb8;
	[tilespmem:$0x1E800] =	vst v63  }
0x9a: {  	s7 =	sadd.s32 $0x160, s14  }
0x9b: {  	[tilespmem:s23], [sflag:$0x1] =	stream.indirect.gather [hbm4b:s5+s18], $0x80, s7, s18, $0xb8;
	[tilespmem:$0x1E800] =	vst v63  }
0x9c: {  	_ =	swait.ge [sflag:s9], $0x1000  }
0x9d: {  	[sflag:s9] =	ssyncset.done $0x0  }
0x9e: {  	[sflag:s9] =	ssyncadd.s32 $0xFFFFF000  }
0x9f: {  	_ =	swait.ge [sflag:s9], $0x1000  }
0xa0: {  	[sflag:s9] =	ssyncset.done $0x0  }
0xa1: {  	[sflag:s9] =	ssyncadd.s32 $0xFFFFF000  }
0xa2: {  	_ =	swait.ge [sflag:s9], $0x1000  }
0xa3: {  	[sflag:s9] =	ssyncset.done $0x0  }
0xa4: {  	[sflag:s9] =	ssyncadd.s32 $0xFFFFF000  }
0xa5: {  	_ =	swait.ge [sflag:s9], $0x1000  }
0xa6: {  	[sflag:s9] =	ssyncset.done $0x0  }
0xa7: {  	s7 =	sadd.s32 $0x1480, s14;
	[sflag:s9] =	ssyncadd.s32 $0xFFFFF000  }
0xa8: {  	[spmem:s2] =	stream.indirect.scatter.add.f32 [tilespmem:s25], [sflag:$0x3], $0x80, s7, s24, $0xb8;
	[tilespmem:$0x1E800] =	vst v63  }
0xa9: {  	_ =	swait.ge [sflag:s16], $0x4000  }
0xaa: {  	[sflag:s16] =	ssyncset.done $0x0  }
0xab: {  	s7 =	sadd.s32 $0x180, s14;
	[sflag:s16] =	ssyncadd.s32 $0xFFFFC000  }
0xac: {  	[tilespmem:s25], [sflag:$0x2] =	stream.indirect.gather [hbm4b:s5+s18], $0x80, s7, s18, $0xb8;
	[tilespmem:$0x1E800] =	vst v63  }
.Ltmp1:
0xad: {  	s7 =	sadd.s32 $0x1A0, s14;
	(pc) =	sbr.rel @p1 .LBB2_5-.Ltmp1, $4  }
0xae: {  	[tilespmem:s28], [sflag:$0x2] =	stream.indirect.gather [hbm4b:s5+s18], $0x80, s7, s18, $0xb8;
	[tilespmem:$0x1E800] =	vst v63  }
0xaf: {  	s7 =	sadd.s32 $0x1C0, s14  }
0xb0: {  	[tilespmem:s30], [sflag:$0x2] =	stream.indirect.gather [hbm4b:s5+s18], $0x80, s7, s18, $0xb8;
	[tilespmem:$0x1E800] =	vst v63  }
0xb1: {  	s14 =	sadd.s32 $0x1E0, s14  }
0xb2: {  	[tilespmem:s0], [sflag:$0x2] =	stream.indirect.gather [hbm4b:s5+s18], $0x80, s14, s18, $0xb8;
	[tilespmem:$0x1E800] =	vst v63  }
0xb3: {  	_ =	swait.ge [sflag:s3], $0x1000  }
0xb4: {  	[sflag:s3] =	ssyncset.done $0x0  }
0xb5: {  	[sflag:s3] =	ssyncadd.s32 $0xFFFFF000  }
0xb6: {  	_ =	swait.ge [sflag:s3], $0x1000  }
0xb7: {  	[sflag:s3] =	ssyncset.done $0x0  }
0xb8: {  	[sflag:s3] =	ssyncadd.s32 $0xFFFFF000  }
0xb9: {  	_ =	swait.ge [sflag:s3], $0x1000  }
0xba: {  	[sflag:s3] =	ssyncset.done $0x0  }
0xbb: {  	[sflag:s3] =	ssyncadd.s32 $0xFFFFF000  }
0xbc: {  	_ =	swait.ge [sflag:s3], $0x1000  }
0xbd: {  	[sflag:s3] =	ssyncset.done $0x0  }
0xbe: {  	[sflag:s3] =	ssyncadd.s32 $0xFFFFF000  }
0xbf: {  	[spmem:s2] =	stream.indirect.scatter.add.f32 [tilespmem:s15], [sflag:$0x3], $0x80, s10, s24, $0xb8;
	[tilespmem:$0x1E800] =	vst v63  }
0xc0: {  	_ =	swait.ge [sflag:s16], $0x4000  }
0xc1: {  	[sflag:s16] =	ssyncset.done $0x0  }
0xc2: {  	[sflag:s16] =	ssyncadd.s32 $0xFFFFC000  }
0xc3: {  	_ =	swait.ge [sflag:s9], $0x1000  }
0xc4: {  	[sflag:s9] =	ssyncset.done $0x0  }
0xc5: {  	[sflag:s9] =	ssyncadd.s32 $0xFFFFF000  }
0xc6: {  	_ =	swait.ge [sflag:s9], $0x1000  }
0xc7: {  	[sflag:s9] =	ssyncset.done $0x0  }
0xc8: {  	[sflag:s9] =	ssyncadd.s32 $0xFFFFF000  }
0xc9: {  	_ =	swait.ge [sflag:s9], $0x1000  }
0xca: {  	[sflag:s9] =	ssyncset.done $0x0  }
0xcb: {  	[sflag:s9] =	ssyncadd.s32 $0xFFFFF000  }
0xcc: {  	_ =	swait.ge [sflag:s9], $0x1000  }
0xcd: {  	[sflag:s9] =	ssyncset.done $0x0  }
.Ltmp2:
0xce: {  	[sflag:s9] =	ssyncadd.s32 $0xFFFFF000;
	(pc) =	sbr.rel @p0 .LBB2_4-.Ltmp2, $4  }
0xcf: {  	[spmem:s2] =	stream.indirect.scatter.add.f32 [tilespmem:s25], [sflag:$0x3], $0x80, s11, s24, $0xb8;
	[tilespmem:$0x1E800] =	vst v63  }
0xd0: {  	_ =	swait.ge [sflag:s16], $0x4000  }
0xd1: {  	s12 =	simm.s32 $0x0;
	p1 =	por $0x1, $0x1;
	[sflag:s16] =	ssyncset.done $0x0  }
0xd2: {  	s14 =	simm.s32 $0x28;
	p2 =	por $0x0, $0x0;
	[sflag:s16] =	ssyncadd.s32 $0xFFFFC000  }
0xd3: {  	s13 =	simm.s32 $0x0  }
.LBB2_8:
0xd4: {  	s7 =	sadd.s32 s8, s13  }
0xd5: {  	s7 =	sshll.u32 s7, $0x4  }
0xd6: {  	s7 =	sadd.s32 s1, s7  }
0xd7: {  	[tilespmem:s12], [sflag:$0x3] =	stream.linear.gather [hbm4b:s7+s12], $0x1400, $0x38;
	[tilespmem:$0x1E800] =	vst v63  }
0xd8: {  	s13 =	sadd.s32 s6, s13;
	_ =	swait.ge [sflag:s16], $0x1400  }
0xd9: {  	s7 =	sshll.u32 s13, $0x4;
	[sflag:s16] =	ssyncset.done $0x0  }
0xda: {  	s7 =	sadd.s32 s1, s7;
	[sflag:s16] =	ssyncadd.s32 $0xFFFFEC00  }
0xdb: {  	[tilespmem:s17], [sflag:$0x3] =	stream.linear.gather [hbm4b:s7+s12], $0x1400, $0x38;
	[tilespmem:$0x1E800] =	vst v63  }
0xdc: {  	_ =	swait.ge [sflag:s16], $0x1400  }
0xdd: {  	[sflag:s16] =	ssyncset.done $0x0  }
0xde: {  	[sflag:s16] =	ssyncadd.s32 $0xFFFFEC00  }
0xdf: {  	[tilespmem:s15], [sflag:$0x1] =	stream.indirect.gather [hbm4b:s5+s18], $0x80, s12, s18, $0xb8;
	[tilespmem:$0x1E800] =	vst v63  }
0xe0: {  	_ = 	snop  }
0xe1: {  	[tilespmem:s19], [sflag:$0x1] =	stream.indirect.gather [hbm4b:s5+s18], $0x80, s18, s18, $0xb8;
	[tilespmem:$0x1E800] =	vst v63  }
0xe2: {  	_ = 	snop  }
0xe3: {  	[tilespmem:s21], [sflag:$0x1] =	stream.indirect.gather [hbm4b:s5+s18], $0x80, s20, s18, $0xb8;
	[tilespmem:$0x1E800] =	vst v63  }
0xe4: {  	_ = 	snop  }
0xe5: {  	[tilespmem:s23], [sflag:$0x1] =	stream.indirect.gather [hbm4b:s5+s18], $0x80, s22, s18, $0xb8;
	[tilespmem:$0x1E800] =	vst v63  }
0xe6: {  	_ = 	snop  }
0xe7: {  	[tilespmem:s25], [sflag:$0x2] =	stream.indirect.gather [hbm4b:s5+s18], $0x80, s24, s18, $0xb8;
	[tilespmem:$0x1E800] =	vst v63  }
0xe8: {  	_ = 	snop  }
0xe9: {  	[tilespmem:s28], [sflag:$0x2] =	stream.indirect.gather [hbm4b:s5+s18], $0x80, s26, s18, $0xb8;
	[tilespmem:$0x1E800] =	vst v63  }
0xea: {  	_ = 	snop  }
0xeb: {  	[tilespmem:s30], [sflag:$0x2] =	stream.indirect.gather [hbm4b:s5+s18], $0x80, s29, s18, $0xb8;
	[tilespmem:$0x1E800] =	vst v63  }
0xec: {  	_ = 	snop  }
0xed: {  	[tilespmem:s0], [sflag:$0x2] =	stream.indirect.gather [hbm4b:s5+s18], $0x80, s31, s18, $0xb8;
	[tilespmem:$0x1E800] =	vst v63  }
0xee: {  	_ =	swait.ge [sflag:s3], $0x1000  }
0xef: {  	[sflag:s3] =	ssyncset.done $0x0  }
0xf0: {  	[sflag:s3] =	ssyncadd.s32 $0xFFFFF000  }
0xf1: {  	_ =	swait.ge [sflag:s3], $0x1000  }
0xf2: {  	[sflag:s3] =	ssyncset.done $0x0  }
0xf3: {  	[sflag:s3] =	ssyncadd.s32 $0xFFFFF000  }
0xf4: {  	_ =	swait.ge [sflag:s3], $0x1000  }
0xf5: {  	[sflag:s3] =	ssyncset.done $0x0  }
0xf6: {  	[sflag:s3] =	ssyncadd.s32 $0xFFFFF000  }
0xf7: {  	_ =	swait.ge [sflag:s3], $0x1000  }
0xf8: {  	[sflag:s3] =	ssyncset.done $0x0  }
0xf9: {  	s14 =	simm.s32 $0x1400;
	[sflag:s3] =	ssyncadd.s32 $0xFFFFF000  }
0xfa: {  	[spmem:s2] =	stream.indirect.scatter.add.f32 [tilespmem:s15], [sflag:$0x3], $0x80, s14, s24, $0xb8;
	[tilespmem:$0x1E800] =	vst v63  }
0xfb: {  	_ =	swait.ge [sflag:s16], $0x4000  }
0xfc: {  	[sflag:s16] =	ssyncset.done $0x0  }
0xfd: {  	s13 =	simm.s32 $0x100;
	[sflag:s16] =	ssyncadd.s32 $0xFFFFC000  }
0xfe: {  	[tilespmem:s15], [sflag:$0x1] =	stream.indirect.gather [hbm4b:s5+s18], $0x80, s13, s18, $0xb8;
	[tilespmem:$0x1E800] =	vst v63  }
0xff: {  	s14 =	simm.s32 $0x120  }
0x100: {  	[tilespmem:s19], [sflag:$0x1] =	stream.indirect.gather [hbm4b:s5+s18], $0x80, s14, s18, $0xb8;
	[tilespmem:$0x1E800] =	vst v63  }
0x101: {  	s13 =	simm.s32 $0x140  }
0x102: {  	[tilespmem:s21], [sflag:$0x1] =	stream.indirect.gather [hbm4b:s5+s18], $0x80, s13, s18, $0xb8;
	[tilespmem:$0x1E800] =	vst v63  }
0x103: {  	s14 =	simm.s32 $0x160  }
0x104: {  	[tilespmem:s23], [sflag:$0x1] =	stream.indirect.gather [hbm4b:s5+s18], $0x80, s14, s18, $0xb8;
	[tilespmem:$0x1E800] =	vst v63  }
0x105: {  	_ =	swait.ge [sflag:s9], $0x1000  }
0x106: {  	[sflag:s9] =	ssyncset.done $0x0  }
0x107: {  	[sflag:s9] =	ssyncadd.s32 $0xFFFFF000  }
0x108: {  	_ =	swait.ge [sflag:s9], $0x1000  }
0x109: {  	[sflag:s9] =	ssyncset.done $0x0  }
0x10a: {  	[sflag:s9] =	ssyncadd.s32 $0xFFFFF000  }
0x10b: {  	_ =	swait.ge [sflag:s9], $0x1000  }
0x10c: {  	[sflag:s9] =	ssyncset.done $0x0  }
0x10d: {  	[sflag:s9] =	ssyncadd.s32 $0xFFFFF000  }
0x10e: {  	_ =	swait.ge [sflag:s9], $0x1000  }
0x10f: {  	[sflag:s9] =	ssyncset.done $0x0  }
0x110: {  	s13 =	simm.s32 $0x1480;
	[sflag:s9] =	ssyncadd.s32 $0xFFFFF000  }
0x111: {  	[spmem:s2] =	stream.indirect.scatter.add.f32 [tilespmem:s25], [sflag:$0x3], $0x80, s13, s24, $0xb8;
	[tilespmem:$0x1E800] =	vst v63  }
0x112: {  	_ =	swait.ge [sflag:s16], $0x4000  }
0x113: {  	[sflag:s16] =	ssyncset.done $0x0  }
0x114: {  	s14 =	simm.s32 $0x180;
	[sflag:s16] =	ssyncadd.s32 $0xFFFFC000  }
0x115: {  	[tilespmem:s25], [sflag:$0x2] =	stream.indirect.gather [hbm4b:s5+s18], $0x80, s14, s18, $0xb8;
	[tilespmem:$0x1E800] =	vst v63  }
0x116: {  	s13 =	simm.s32 $0x1A0  }
0x117: {  	[tilespmem:s28], [sflag:$0x2] =	stream.indirect.gather [hbm4b:s5+s18], $0x80, s13, s18, $0xb8;
	[tilespmem:$0x1E800] =	vst v63  }
0x118: {  	s14 =	simm.s32 $0x1C0  }
0x119: {  	[tilespmem:s30], [sflag:$0x2] =	stream.indirect.gather [hbm4b:s5+s18], $0x80, s14, s18, $0xb8;
	[tilespmem:$0x1E800] =	vst v63  }
0x11a: {  	p0 =	por p1, p1;
	s13 =	simm.s32 $0x400;
	s14 =	simm.s32 $0x1E0  }
.LBB2_9:
0x11b: {  	[tilespmem:s0], [sflag:$0x2] =	stream.indirect.gather [hbm4b:s5+s18], $0x80, s14, s18, $0xb8;
	[tilespmem:$0x1E800] =	vst v63  }
0x11c: {  	s7 =	smov.u32 s13  }
0x11d: {  	p1 =	sne.s32 s13, $0x4800;
	s13 =	sadd.s32 $0x400, s13;
	_ =	swait.ge [sflag:s3], $0x1000  }
0x11e: {  	[sflag:s3] =	ssyncset.done $0x0  }
0x11f: {  	[sflag:s3] =	ssyncadd.s32 $0xFFFFF000  }
0x120: {  	_ =	swait.ge [sflag:s3], $0x1000  }
0x121: {  	[sflag:s3] =	ssyncset.done $0x0  }
0x122: {  	[sflag:s3] =	ssyncadd.s32 $0xFFFFF000  }
0x123: {  	_ =	swait.ge [sflag:s3], $0x1000  }
0x124: {  	[sflag:s3] =	ssyncset.done $0x0  }
0x125: {  	[sflag:s3] =	ssyncadd.s32 $0xFFFFF000  }
0x126: {  	_ =	swait.ge [sflag:s3], $0x1000  }
0x127: {  	s14 =	sshra.s32 s7, $0x2;
	[sflag:s3] =	ssyncset.done $0x0  }
0x128: {  	s7 =	sadd.s32 $0x1400, s14;
	[sflag:s3] =	ssyncadd.s32 $0xFFFFF000  }
0x129: {  	[spmem:s2] =	stream.indirect.scatter.add.f32 [tilespmem:s15], [sflag:$0x3], $0x80, s7, s24, $0xb8;
	[tilespmem:$0x1E800] =	vst v63  }
0x12a: {  	_ =	swait.ge [sflag:s16], $0x4000  }
0x12b: {  	[sflag:s16] =	ssyncset.done $0x0  }
0x12c: {  	s7 =	sadd.s32 $0x100, s14;
	[sflag:s16] =	ssyncadd.s32 $0xFFFFC000  }
0x12d: {  	[tilespmem:s15], [sflag:$0x1] =	stream.indirect.gather [hbm4b:s5+s18], $0x80, s7, s18, $0xb8;
	[tilespmem:$0x1E800] =	vst v63  }
0x12e: {  	s7 =	sadd.s32 $0x120, s14  }
0x12f: {  	[tilespmem:s19], [sflag:$0x1] =	stream.indirect.gather [hbm4b:s5+s18], $0x80, s7, s18, $0xb8;
	[tilespmem:$0x1E800] =	vst v63  }
0x130: {  	s7 =	sadd.s32 $0x140, s14  }
0x131: {  	[tilespmem:s21], [sflag:$0x1] =	stream.indirect.gather [hbm4b:s5+s18], $0x80, s7, s18, $0xb8;
	[tilespmem:$0x1E800] =	vst v63  }
0x132: {  	s7 =	sadd.s32 $0x160, s14  }
0x133: {  	[tilespmem:s23], [sflag:$0x1] =	stream.indirect.gather [hbm4b:s5+s18], $0x80, s7, s18, $0xb8;
	[tilespmem:$0x1E800] =	vst v63  }
0x134: {  	_ =	swait.ge [sflag:s9], $0x1000  }
0x135: {  	[sflag:s9] =	ssyncset.done $0x0  }
0x136: {  	[sflag:s9] =	ssyncadd.s32 $0xFFFFF000  }
0x137: {  	_ =	swait.ge [sflag:s9], $0x1000  }
0x138: {  	[sflag:s9] =	ssyncset.done $0x0  }
0x139: {  	[sflag:s9] =	ssyncadd.s32 $0xFFFFF000  }
0x13a: {  	_ =	swait.ge [sflag:s9], $0x1000  }
0x13b: {  	[sflag:s9] =	ssyncset.done $0x0  }
0x13c: {  	[sflag:s9] =	ssyncadd.s32 $0xFFFFF000  }
0x13d: {  	_ =	swait.ge [sflag:s9], $0x1000  }
0x13e: {  	[sflag:s9] =	ssyncset.done $0x0  }
0x13f: {  	s7 =	sadd.s32 $0x1480, s14;
	[sflag:s9] =	ssyncadd.s32 $0xFFFFF000  }
0x140: {  	[spmem:s2] =	stream.indirect.scatter.add.f32 [tilespmem:s25], [sflag:$0x3], $0x80, s7, s24, $0xb8;
	[tilespmem:$0x1E800] =	vst v63  }
0x141: {  	_ =	swait.ge [sflag:s16], $0x4000  }
0x142: {  	[sflag:s16] =	ssyncset.done $0x0  }
0x143: {  	s7 =	sadd.s32 $0x180, s14;
	[sflag:s16] =	ssyncadd.s32 $0xFFFFC000  }
0x144: {  	[tilespmem:s25], [sflag:$0x2] =	stream.indirect.gather [hbm4b:s5+s18], $0x80, s7, s18, $0xb8;
	[tilespmem:$0x1E800] =	vst v63  }
.Ltmp3:
0x145: {  	s7 =	sadd.s32 $0x1A0, s14;
	(pc) =	sbr.rel @p1 .LBB2_9-.Ltmp3, $4  }
0x146: {  	[tilespmem:s28], [sflag:$0x2] =	stream.indirect.gather [hbm4b:s5+s18], $0x80, s7, s18, $0xb8;
	[tilespmem:$0x1E800] =	vst v63  }
0x147: {  	s7 =	sadd.s32 $0x1C0, s14  }
0x148: {  	[tilespmem:s30], [sflag:$0x2] =	stream.indirect.gather [hbm4b:s5+s18], $0x80, s7, s18, $0xb8;
	[tilespmem:$0x1E800] =	vst v63  }
0x149: {  	s14 =	sadd.s32 $0x1E0, s14  }
0x14a: {  	[tilespmem:s0], [sflag:$0x2] =	stream.indirect.gather [hbm4b:s5+s18], $0x80, s14, s18, $0xb8;
	[tilespmem:$0x1E800] =	vst v63  }
0x14b: {  	_ =	swait.ge [sflag:s3], $0x1000  }
0x14c: {  	[sflag:s3] =	ssyncset.done $0x0  }
0x14d: {  	[sflag:s3] =	ssyncadd.s32 $0xFFFFF000  }
0x14e: {  	_ =	swait.ge [sflag:s3], $0x1000  }
0x14f: {  	[sflag:s3] =	ssyncset.done $0x0  }
0x150: {  	[sflag:s3] =	ssyncadd.s32 $0xFFFFF000  }
0x151: {  	_ =	swait.ge [sflag:s3], $0x1000  }
0x152: {  	[sflag:s3] =	ssyncset.done $0x0  }
0x153: {  	[sflag:s3] =	ssyncadd.s32 $0xFFFFF000  }
0x154: {  	_ =	swait.ge [sflag:s3], $0x1000  }
0x155: {  	[sflag:s3] =	ssyncset.done $0x0  }
0x156: {  	[sflag:s3] =	ssyncadd.s32 $0xFFFFF000  }
0x157: {  	[spmem:s2] =	stream.indirect.scatter.add.f32 [tilespmem:s15], [sflag:$0x3], $0x80, s10, s24, $0xb8;
	[tilespmem:$0x1E800] =	vst v63  }
0x158: {  	_ =	swait.ge [sflag:s16], $0x4000  }
0x159: {  	[sflag:s16] =	ssyncset.done $0x0  }
0x15a: {  	[sflag:s16] =	ssyncadd.s32 $0xFFFFC000  }
0x15b: {  	_ =	swait.ge [sflag:s9], $0x1000  }
0x15c: {  	[sflag:s9] =	ssyncset.done $0x0  }
0x15d: {  	[sflag:s9] =	ssyncadd.s32 $0xFFFFF000  }
0x15e: {  	_ =	swait.ge [sflag:s9], $0x1000  }
0x15f: {  	[sflag:s9] =	ssyncset.done $0x0  }
0x160: {  	[sflag:s9] =	ssyncadd.s32 $0xFFFFF000  }
0x161: {  	_ =	swait.ge [sflag:s9], $0x1000  }
0x162: {  	[sflag:s9] =	ssyncset.done $0x0  }
0x163: {  	[sflag:s9] =	ssyncadd.s32 $0xFFFFF000  }
0x164: {  	_ =	swait.ge [sflag:s9], $0x1000  }
0x165: {  	[sflag:s9] =	ssyncset.done $0x0  }
.Ltmp4:
0x166: {  	[sflag:s9] =	ssyncadd.s32 $0xFFFFF000;
	(pc) =	sbr.rel @p0 .LBB2_8-.Ltmp4, $4  }
0x167: {  	[spmem:s2] =	stream.indirect.scatter.add.f32 [tilespmem:s25], [sflag:$0x3], $0x80, s11, s24, $0xb8;
	[tilespmem:$0x1E800] =	vst v63  }
0x168: {  	_ =	swait.ge [sflag:s16], $0x4000  }
0x169: {  	[sflag:s16] =	ssyncset.done $0x0  }
0x16a: {  	s13 =	simm.s32 $0x28;
	p1 =	por $0x0, $0x0;
	[sflag:s16] =	ssyncadd.s32 $0xFFFFC000  }
0x16b: {  	s7 =	stileid.u32;
	[bflag:$0x0] =	sbarrier.arrive $0xFFFF  }
0x16c: {  	s7 =	sshll.u32 s7, $0x6;
	s14 =	rddreg [dreg:$0x4]  }
0x16d: {  	s13 =	rddreg [dreg:$0x5];
	s7 =	sor.u32 $0x1C03, s7;
	s12 =	sshrl.u32 s14, $0x3  }
0x16e: {  	[hbm:s13], [sflag:s7] =	dma.local [spmem:s12], $0x2800  }
0x16f: {  	_ =	swait.ge [sflag:s16], $0x2800  }
0x170: {  	s4 =	sadd.s32 $0x1, s4;
	s13 =	rddreg [dreg:$0x6]  }
0x171: {  	p0 =	sne.s32 s4, s13  }
.Ltmp5:
0x172: {  	_ = 	snop;
	(pc) =	sbr.rel @p0 .LBB2_1-.Ltmp5, $3  }
0x173: {  	_ =	sdelay $0x1  }
0x174: {  	[sflag:s16] =	ssyncset.done $0x0  }
0x175: {  	[sflag:s16] =	ssyncadd.s32 $0xFFFFD800  }
0x176: {  	_ =	sfence.sel $0x180000  }
0x177: {  	[bflag:$0x0] =	sbarrier.arrive $0xFFFF  }
0x178: {  	_ =	strace $0x9000004A  }
0x179: {  	s0 =	stileid.u32;
	[bflag:$0x2] =	sbarrier.arrive $0xFFFF  }
0x17a: {  	p0 =	sne.s32 s0, $0x0;
	s0 =	rddreg [dreg:$0x3]  }
0x17b: {  	s0 =	sadd.s32 @!p0 $0x100000, s0  }
0x17c: {  	[sflag:s0] =	ssyncadd.tile.s32 @!p0 $0x1;
	_ =	shalt  }
.Lfunc_end2:
_tile_overlayer_lowered:
.L_overlay_start_2:
0x17d: {  	(tag) =	ssettag $0x2  }
0x17e: {  	s0 =	rddreg [dreg:$0x0];
	s2 =	stileid.u32  }
0x17f: {  	s1 =	rddreg [dreg:$0x1];
	p0 =	sne.s32 s2, $0x0  }
0x180: {  	s3 =	rddreg [dreg:$0x2];
	[bflag:$0x3] =	sbarrier.arrive $0xFFFF;
	s2 =	simm.s32 @!p0 $0x1C03  }
0x181: {  	[timem:s3], [sflag:s2] =	dma.local @!p0 [hbm:s0], s1  }
0x182: {  	s0 =	simm.s32 @!p0 $0x3  }
0x183: {  	_ =	swait.ge @!p0 [sflag:s0], s1  }
0x184: {  	s1 =	ssub.s32 @!p0 $0x0, s1;
	[sflag:s0] =	ssyncset.done @!p0 $0x0  }
0x185: {  	[sflag:s0] =	ssyncadd.s32 @!p0 s1  }
0x186: {  	[bflag:$0x3] =	sbarrier.arrive $0xFFFF  }
0x187: {  	_ =	shalt  }

// kernel: kernel.14.cloned.1.call-start
scs
__scs_entry_jumppad:
0x0: {  	(pc) =	sbr.rel $0x88, $3  }
0x1: {  	(tag) =	ssettag $0x0;
	lr =	simm.s32 $0x1  }
0x2: {  	[smem:$0x3F9D] =	sst lr;
	_ =	strace $0xD0000000  }
0x3: {  	_ = 	snop  }
0x4: {  	_ = 	snop  }
0x5: {  	_ = 	snop  }
0x6: {  	_ = 	snop  }
0x7: {  	_ = 	snop  }
__scs_overlays_trampoline_lowered:
0x8: {  	[smem:$0x3FAC] =	sst s0  }
0x9: {  	[smem:$0x3FAD] =	sst s1  }
0xa: {  	[smem:$0x3FAE] =	sst s2  }
0xb: {  	[smem:$0x3FAF] =	sst s3  }
0xc: {  	[smem:$0x3FB0] =	sst s4  }
0xd: {  	[smem:$0x3FB1] =	sst s5  }
0xe: {  	[smem:$0x3FB2] =	sst s6  }
0xf: {  	[smem:$0x3FB3] =	sst s7  }
0x10: {  	[smem:$0x3FB4] =	sst s8  }
0x11: {  	[smem:$0x3FB5] =	sst s9;
	s0 =	simm.s32 @!p0 $0x0  }
0x12: {  	s1 =	sld [smem:$0x3F9B];
	s0 =	simm.s32 @p0 $0x1  }
0x13: {  	[smem:$0x3FB6] =	sst s0;
	s0 =	simm.s32 @!p1 $0x0  }
0x14: {  	s2 =	sld [smem:$0x3F9A];
	s0 =	simm.s32 @p1 $0x1  }
0x15: {  	[smem:$0x3FB7] =	sst s0;
	s0 =	simm.s32 @!p2 $0x0  }
0x16: {  	s3 =	sld [smem:$0x3FDB];
	s0 =	simm.s32 @p2 $0x1  }
0x17: {  	s4 =	simm.s32 $0x1BF5;
	[smem:$0x3FB9] =	sst s0  }
0x18: {  	s0 =	sld [smem:$0x3F9C];
	_ =	swait.ge [sflag:s4], $0x0  }
0x19: {  	s7 =	sld [smem:$0x3F9D]  }
0x1a: {  	s8 =	sadd.s32 $0xFFFFE003, lr  }
0x1b: {  	s9 =	sadd.s32 $0xFFFFFEF7, lr;
	s5 =	simm.s32 $0xFFFFFFFF;
	p2 =	slt.u32 s8, $0xFFFFF086  }
0x1c: {  	p1 =	slt.u32 s9, $0xF7A;
	s5 =	simm.s32 @!p2 $0x0  }
0x1d: {  	s5 =	simm.s32 @p1 $0x1;
	p0 =	seq.s32 s7, s2  }
0x1e: {  	s7 =	smul.u32 @!p0 $0xF7A, s2;
	p2 =	seq.s32 @!p0 s5, $0x0  }
0x1f: {  	s9 =	smul.u32 $0xF7A, s1;
	s8 =	simm.s32 @!p0 $0x1BF5;
	p2 =	por !p2, p0  }
0x20: {  	[sflag:s8] =	ssyncset.s32 @!p0 $0xFFFFF086;
	s6 =	sadd.s32 @!p0 s3, s7;
	s7 =	simm.s32 @!p0 $0x108  }
0x21: {  	s3 =	sadd.s32 s3, s9;
	s6 =	sadd.s32 @!p0 $0x88, s6;
	s7 =	simm.s32 @p2 $0x1082  }
0x22: {  	[simem:s7], [sflag:s8] =	dma.local @!p0 [hbm:s6], $0xF7A  }
0x23: {  	s9 =	sor.u32 $0xD0000000, s2;
	s6 =	simm.s32 $0x108;
	_ =	swait.ge @!p0 [sflag:s8], $0x0  }
0x24: {  	s3 =	sadd.s32 $0x88, s3;
	s6 =	simm.s32 @!p1 $0x1082;
	[sflag:s4] =	ssyncset.s32 $0xFFFFF086  }
0x25: {  	[simem:s6], [sflag:s4] =	dma.local [hbm:s3], $0xF7A  }
0x26: {  	[smem:$0x3F9D] =	sst s1;
	(tag) =	ssettag s2;
	_ =	strace s9  }
0x27: {  	s1 =	sld [smem:$0x3FAD]  }
0x28: {  	s2 =	sld [smem:$0x3FAE]  }
0x29: {  	s4 =	sld [smem:$0x3FB0]  }
0x2a: {  	p0 =	seq.s32 s5, $0x0;
	s5 =	sld [smem:$0x3FB1]  }
0x2b: {  	s6 =	sld [smem:$0x3FB2]  }
0x2c: {  	s7 =	sld [smem:$0x3FB3]  }
0x2d: {  	s3 =	simm.s32 $0x108;
	s8 =	sld [smem:$0x3FB4]  }
0x2e: {  	s3 =	simm.s32 @!p0 $0x1082;
	s9 =	sld [smem:$0x3FB5]  }
0x2f: {  	lr =	sadd.s32 s0, s3;
	s0 =	sld [smem:$0x3FAC]  }
0x30: {  	s3 =	sld [smem:$0x3FAF]  }
0x31: {  	[smem:$0x3FB8] =	sst s10  }
0x32: {  	s10 =	sld [smem:$0x3FB6];
	_ =	sdelay $0x3  }
0x33: {  	p0 =	seq.s32 s10, $0x1;
	s10 =	sld [smem:$0x3FB8];
	_ =	sdelay $0x3  }
0x34: {  	[smem:$0x3FB8] =	sst s10  }
0x35: {  	s10 =	sld [smem:$0x3FB7];
	_ =	sdelay $0x3  }
0x36: {  	p1 =	seq.s32 s10, $0x1;
	s10 =	sld [smem:$0x3FB8];
	_ =	sdelay $0x3  }
0x37: {  	[smem:$0x3FB8] =	sst s10  }
0x38: {  	s10 =	sld [smem:$0x3FB9]  }
0x39: {  	_ = 	snop;
	(pc) =	sbr.ind lr, $3  }
0x3a: {  	_ = 	snop  }
0x3b: {  	_ = 	snop  }
0x3c: {  	p2 =	seq.s32 s10, $0x1;
	s10 =	sld [smem:$0x3FB8]  }
0x3d: {  	_ =	shalt  }
0x3e: {  	_ =	shalt  }
0x3f: {  	_ =	shalt  }
0x40: {  	_ =	shalt  }
0x41: {  	_ =	shalt  }
0x42: {  	_ =	shalt  }
0x43: {  	_ =	shalt  }
0x44: {  	_ =	shalt  }
0x45: {  	_ =	shalt  }
0x46: {  	_ =	shalt  }
0x47: {  	_ =	shalt  }
0x48: {  	_ =	shalt  }
0x49: {  	_ =	shalt  }
0x4a: {  	_ =	shalt  }
0x4b: {  	_ =	shalt  }
0x4c: {  	_ =	shalt  }
0x4d: {  	_ =	shalt  }
0x4e: {  	_ =	shalt  }
0x4f: {  	_ =	shalt  }
0x50: {  	_ =	shalt  }
0x51: {  	_ =	shalt  }
0x52: {  	_ =	shalt  }
0x53: {  	_ =	shalt  }
0x54: {  	_ =	shalt  }
0x55: {  	_ =	shalt  }
0x56: {  	_ =	shalt  }
0x57: {  	_ =	shalt  }
0x58: {  	_ =	shalt  }
0x59: {  	_ =	shalt  }
0x5a: {  	_ =	shalt  }
0x5b: {  	_ =	shalt  }
0x5c: {  	_ =	shalt  }
0x5d: {  	_ =	shalt  }
0x5e: {  	_ =	shalt  }
0x5f: {  	_ =	shalt  }
0x60: {  	_ =	shalt  }
0x61: {  	_ =	shalt  }
0x62: {  	_ =	shalt  }
0x63: {  	_ =	shalt  }
0x64: {  	_ =	shalt  }
0x65: {  	_ =	shalt  }
0x66: {  	_ =	shalt  }
0x67: {  	_ =	shalt  }
0x68: {  	_ =	shalt  }
0x69: {  	_ =	shalt  }
0x6a: {  	_ =	shalt  }
0x6b: {  	_ =	shalt  }
0x6c: {  	_ =	shalt  }
0x6d: {  	_ =	shalt  }
0x6e: {  	_ =	shalt  }
0x6f: {  	_ =	shalt  }
0x70: {  	_ =	shalt  }
0x71: {  	_ =	shalt  }
0x72: {  	_ =	shalt  }
0x73: {  	_ =	shalt  }
0x74: {  	_ =	shalt  }
0x75: {  	_ =	shalt  }
0x76: {  	_ =	shalt  }
0x77: {  	_ =	shalt  }
0x78: {  	_ =	shalt  }
0x79: {  	_ =	shalt  }
0x7a: {  	_ =	shalt  }
0x7b: {  	_ =	shalt  }
0x7c: {  	_ =	shalt  }
0x7d: {  	_ =	shalt  }
0x7e: {  	_ =	shalt  }
0x7f: {  	_ =	shalt  }
0x80: {  	_ =	shalt  }
0x81: {  	_ =	shalt  }
0x82: {  	_ =	shalt  }
0x83: {  	_ =	shalt  }
0x84: {  	_ =	shalt  }
0x85: {  	_ =	shalt  }
0x86: {  	_ =	shalt  }
0x87: {  	_ =	shalt  }
.Lfunc_end0:
.L_simem_size_0:
called_computation.2_lowered:
.L_overlay_start_0:
0x88: {  	s2 =	sld [smem:$0x3FD9]  }
0x89: {  	s3 =	sld [smem:$0x3FFE];
	_ =	sdelay $0x1  }
0x8a: {  	s1 =	srdreg.scid  }
0x8b: {  	s0 =	sand.u32 $0x1, s1  }
0x8c: {  	s17 =	sshll.u32 s0, $0xA;
	s2 =	sadd.s32 s3, s2  }
0x8d: {  	s2 =	sadd.s32 s2, s17  }
0x8e: {  	[smem:$0x3FC4] =	sst s2  }
0x8f: {  	_ = 	snop  }
0x90: {  	s2 =	sld [smem:$0x3FD0];
	(tm) =	ssettm $0x1  }
0x91: {  	s18 =	sld [smem:$0x3FFB];
	_ =	sdelay $0x3  }
0x92: {  	_ =	strace s18  }
0x93: {  	s3 =	sld [smem:$0x3FFC];
	_ =	sdelay $0x3  }
0x94: {  	_ =	strace s3  }
0x95: {  	s3 =	sld [smem:$0x3FFD];
	_ =	sdelay $0x3  }
0x96: {  	_ =	strace s3  }
0x97: {  	_ =	strace $0x8FFFFFFF  }
0x98: {  	s19 =	sld [smem:$0x3FDB];
	_ =	sdelay $0x1  }
0x99: {  	s4 =	simm.s32 $_scs_section_size  }
0x9a: {  	s5 =	simm.s32 $_size__tile_overlayer_lowered;
	s6 =	simm.s32 $_tile_overlayer_lowered  }
0x9b: {  	s22 =	simm.s32 $0x1BFF;
	s21 =	sshll.u32 s6, $0x1;
	s3 =	sadd.s32 s4, s19  }
0x9c: {  	s7 =	simm.s32 $0x0;
	s20 =	sshll.u32 s5, $0x1;
	s5 =	sadd.s32 s21, s3  }
0x9d: {  	[timem:s7], [sflag:s22] =	dma.local [hbm:s5], s20  }
0x9e: {  	_ =	swait.ge [sflag:s22], s20  }
0x9f: {  	s4 =	ssub.s32 $0x0, s20;
	[sflag:s22] =	ssyncset.done $0x0  }
0xa0: {  	[sflag:s22] =	ssyncadd.s32 s4;
	_ =	sdelay $0x1  }
0xa1: {  	s23 =	simm.s32 $0x1B8B  }
0xa2: {  	_ =	swait.ge [sflag:s23], $0x1  }
0xa3: {  	[sflag:s23] =	ssyncset.done $0x0  }
0xa4: {  	s25 =	simm.s32 $0x1B8E;
	s24 =	sld [smem:$0x3FFE];
	[sflag:s23] =	ssyncadd.s32 $0xFFFFFFFF  }
0xa5: {  	s26 =	simm.s32 $execute0_lowered;
	[smem:$0x3FD2] =	sst s25  }
0xa6: {  	s5 =	sshll.u32 s26, $0x1;
	_ =	strace $0x8000004C;
	[dreg:$0x1] =	wrdreg $0xFFFFFFFF  }
0xa7: {  	s28 =	simm.s32 $_size_execute0_lowered;
	s3 =	sadd.s32 s3, s5;
	[dreg:$0x0] =	wrdreg $0x0  }
0xa8: {  	s5 =	sshll.u32 s28, $0x1;
	[dreg:$0x2] =	wrdreg s3  }
0xa9: {  	[dreg:$0x3] =	wrdreg s5  }
0xaa: {  	[dreg:$0x4] =	wrdreg $0xC0  }
0xab: {  	_ =	task [dreg:s7], $0x5FFFF  }
0xac: {  	[dreg:$0x1] =	wrdreg $0xFFFFFFFF  }
0xad: {  	[dreg:$0x0] =	wrdreg $0x60  }
0xae: {  	[dreg:$0x2] =	wrdreg s24  }
0xaf: {  	[dreg:$0x3] =	wrdreg s2  }
0xb0: {  	[dreg:$0x4] =	wrdreg $0xA8000  }
0xb1: {  	[dreg:$0x5] =	wrdreg $0x9  }
0xb2: {  	_ =	task.clear_ibuf [dreg:s7], $0x6FFFF;
	_ =	strace $0x9000004C  }
0xb3: {  	s29 =	simm.s32 $0x9;
	_ =	strace $0x8000004E  }
0xb4: {  	_ =	swait.ge [sflag:s29], $0x1  }
0xb5: {  	[sflag:s29] =	ssyncadd.s32 $0xFFFFFFFF  }
0xb6: {  	_ =	strace $0x9000004E  }
0xb7: {  	_ =	sfence  }
0xb8: {  	s30 =	sld [smem:$0x0];
	_ =	sdelay $0x2  }
0xb9: {  	s31 =	sshll.u32 s1, $0xD;
	s1 =	sshrl.u32 s1, $0x2  }
0xba: {  	s3 =	sand.u32 $0x4000, s31;
	s1 =	sadd.s32 s1, s30  }
0xbb: {  	s0 =	sor.u32 s3, s0;
	s1 =	sshll.u32 s1, $0x11  }
0xbc: {  	s0 =	sor.u32 s1, s0  }
0xbd: {  	s0 =	sadd.s32 $0x8F2B, s0  }
0xbe: {  	[sflag:s0] =	ssyncadd.remote.s32 $0x1  }
0xbf: {  	_ =	sfence.sel $0xFFFF  }
0xc0: {  	[dreg:$0x0] =	wrdreg $0xFFFFFFFF;
	(pc) =	sbr.abs _section_cstart, $3  }
0xc1: {  	[dreg:$0x1] =	wrdreg $0xFFFFFFFF  }
0xc2: {  	_ =	task.clear_ibuf [dreg:s7], $0x2FFFF;
	_ =	strace $0x9FFFFFFF  }
0xc3: {  	(tm) =	ssettm $0x7FFFFFFF  }
tec
execute0_lowered:
.L_overlay_start_1:
0x0: {  	(tag) =	ssettag $0x1  }
0x1: {  	s0 =	rddreg [dreg:$0x0]  }
0x2: {  	s1 =	rddreg [dreg:$0x1]  }
0x3: {  	s2 =	rddreg [dreg:$0x2];
	s3 =	srdreg.scid;
	s4 =	simm.s32 $0x0  }
0x4: {  	s9 =	stileid.u32;
	s15 =	simm.s32 $0x2800;
	s16 =	simm.s32 $0x3  }
0x5: {  	s17 =	simm.s32 $0x1400;
	s18 =	simm.s32 $0x20;
	s28 =	simm.s32 $0x7800  }
0x6: {  	s29 =	simm.s32 $0xC0;
	s30 =	simm.s32 $0x8800;
	s31 =	simm.s32 $0xE0  }
0x7: {  	s10 =	simm.s32 $0x2700;
	s11 =	simm.s32 $0x2780;
	s7 =	smul.u32 $0x14000, s9  }
0x8: {  	s3 =	sand.u32 $0x1, s3;
	[smem:$0x7FF] =	sst s4;
	s19 =	smul.u32 $0x50000, s9  }
0x9: {  	s5 =	sadd.s32 $0x2200, s0;
	s6 =	smul.u32 $0x140000, s3;
	s8 =	sshll.u32 s3, $0x4  }
0xa: {  	_ =	strace $0x8000004D;
	s3 =	ssub.s32 $0x2, s3;
	s8 =	sor.u32 s9, s8  }
0xb: {  	s21 =	sshrl.u32 s3, $0x1;
	s9 =	simm.s32 $0x2;
	s6 =	sadd.s32 s7, s6  }
0xc: {  	s7 =	sshrl.u32 s19, $0x2;
	s3 =	ssub.s32 s3, s21;
	s19 =	simm.s32 $0x3800  }
0xd: {  	s21 =	simm.s32 $0x4800;
	s20 =	sshrl.u32 s6, $0x3;
	s22 =	smax.u32 s3, $0x1  }
0xe: {  	s6 =	smul.u32 $0x50, s8;
	s14 =	sadd.s32 s7, s2;
	[dreg:$0x6] =	wrdreg s22  }
0xf: {  	s3 =	simm.s32 $0x1;
	s23 =	sadd.s32 $0x4000, s14;
	[dreg:$0x4] =	wrdreg s14  }
0x10: {  	s0 =	sadd.s32 s20, s0;
	s24 =	sadd.s32 $0x8000, s14;
	[dreg:$0x7] =	wrdreg s23  }
0x11: {  	s25 =	sadd.s32 $0xC000, s14;
	s26 =	sadd.s32 $0x10000, s14;
	[dreg:$0x8] =	wrdreg s24  }
0x12: {  	s20 =	simm.s32 $0x40;
	s22 =	simm.s32 $0x60;
	[dreg:$0x9] =	wrdreg s25  }
0x13: {  	s8 =	sadd.s32 $0xA00, s6;
	s0 =	sadd.s32 $0x2A200, s0;
	[dreg:$0xa] =	wrdreg s26  }
0x14: {  	s23 =	simm.s32 $0x5800;
	s24 =	simm.s32 $0x80;
	s25 =	simm.s32 $0x6800  }
0x15: {  	v0 =	vimm.f32 $0.0e+00;
	s26 =	simm.s32 $0xA0;
	[dreg:$0x5] =	wrdreg s0;
	s0 =	simm.s32 $0x9800  }
.LBB2_1:
0x16: {  	s12 =	simm.s32 $0x0;
	s13 =	simm.s32 $0x200  }
.LBB2_2:
0x17: {  	p0 =	sne.s32 s13, $0xFE00;
	[tilespmem:s12+$0x2870] =	vst v0  }
0x18: {  	[tilespmem:s12+$0x2800] =	vst v0  }
0x19: {  	[tilespmem:s12+$0x2810] =	vst v0  }
.Ltmp0:
0x1a: {  	[tilespmem:s12+$0x2820] =	vst v0;
	(pc) =	sbr.rel @p0 .LBB2_2-.Ltmp0, $4  }
0x1b: {  	[tilespmem:s12+$0x2830] =	vst v0  }
0x1c: {  	[tilespmem:s12+$0x2840] =	vst v0  }
0x1d: {  	[tilespmem:s12+$0x2850] =	vst v0  }
0x1e: {  	[tilespmem:s12+$0x2860] =	vst v0;
	s12 =	sshra.s32 s13, $0x2;
	s13 =	sadd.s32 $0x200, s13  }
0x1f: {  	[tilespmem:s12+$0x2870] =	vst v0  }
0x20: {  	[tilespmem:s12+$0x2800] =	vst v0  }
0x21: {  	[tilespmem:s12+$0x2810] =	vst v0  }
0x22: {  	[tilespmem:s12+$0x2820] =	vst v0  }
0x23: {  	[tilespmem:s12+$0x2830] =	vst v0  }
0x24: {  	[tilespmem:s12+$0x2840] =	vst v0  }
0x25: {  	[tilespmem:s12+$0x2850] =	vst v0  }
0x26: {  	[tilespmem:s12+$0x2860] =	vst v0  }
0x27: {  	[spmem:s14] =	stream.linear.scatter [tilespmem:s15], [sflag:$0x3], $0x4000, $0x38;
	[tilespmem:$0x1E800] =	vst v63  }
0x28: {  	_ =	swait.ge [sflag:s16], $0x4000  }
0x29: {  	[sflag:s16] =	ssyncset.done $0x0  }
0x2a: {  	s7 =	rddreg [dreg:$0x7];
	[sflag:s16] =	ssyncadd.s32 $0xFFFFC000  }
0x2b: {  	[spmem:s7] =	stream.linear.scatter [tilespmem:s15], [sflag:$0x3], $0x4000, $0x38;
	[tilespmem:$0x1E800] =	vst v63  }
0x2c: {  	_ =	swait.ge [sflag:s16], $0x4000  }
0x2d: {  	[sflag:s16] =	ssyncset.done $0x0  }
0x2e: {  	s12 =	rddreg [dreg:$0x8];
	[sflag:s16] =	ssyncadd.s32 $0xFFFFC000  }
0x2f: {  	[spmem:s12] =	stream.linear.scatter [tilespmem:s15], [sflag:$0x3], $0x4000, $0x38;
	[tilespmem:$0x1E800] =	vst v63  }
0x30: {  	_ =	swait.ge [sflag:s16], $0x4000  }
0x31: {  	[sflag:s16] =	ssyncset.done $0x0  }
0x32: {  	s13 =	rddreg [dreg:$0x9];
	[sflag:s16] =	ssyncadd.s32 $0xFFFFC000  }
0x33: {  	[spmem:s13] =	stream.linear.scatter [tilespmem:s15], [sflag:$0x3], $0x4000, $0x38;
	[tilespmem:$0x1E800] =	vst v63  }
0x34: {  	_ =	swait.ge [sflag:s16], $0x4000  }
0x35: {  	[sflag:s16] =	ssyncset.done $0x0  }
0x36: {  	s14 =	rddreg [dreg:$0xa];
	[sflag:s16] =	ssyncadd.s32 $0xFFFFC000  }
0x37: {  	[spmem:s14] =	stream.linear.scatter [tilespmem:s15], [sflag:$0x3], $0x4000, $0x38;
	[tilespmem:$0x1E800] =	vst v63  }
0x38: {  	_ =	swait.ge [sflag:s16], $0x4000  }
0x39: {  	[sflag:s16] =	ssyncset.done $0x0  }
0x3a: {  	p2 =	por $0x1, $0x1;
	[sflag:s16] =	ssyncadd.s32 $0xFFFFC000  }
0x3b: {  	s13 =	simm.s32 $0x0;
	s14 =	simm.s32 $0x0;
	[bflag:$0x0] =	sbarrier.arrive $0xFFFF  }
.LBB2_4:
0x3c: {  	s12 =	sadd.s32 s6, s14  }
0x3d: {  	s12 =	sshll.u32 s12, $0x4  }
0x3e: {  	s12 =	sadd.s32 s1, s12  }
0x3f: {  	[tilespmem:s13], [sflag:$0x3] =	stream.linear.gather [hbm4b:s12+s13], $0x1400, $0x38;
	[tilespmem:$0x1E800] =	vst v63  }
0x40: {  	s7 =	sadd.s32 s8, s14;
	_ =	swait.ge [sflag:s16], $0x1400  }
0x41: {  	s12 =	sshll.u32 s7, $0x4;
	[sflag:s16] =	ssyncset.done $0x0  }
0x42: {  	s12 =	sadd.s32 s1, s12;
	[sflag:s16] =	ssyncadd.s32 $0xFFFFEC00  }
0x43: {  	[tilespmem:s17], [sflag:$0x3] =	stream.linear.gather [hbm4b:s12+s13], $0x1400, $0x38;
	[tilespmem:$0x1E800] =	vst v63  }
0x44: {  	_ =	swait.ge [sflag:s16], $0x1400  }
0x45: {  	[sflag:s16] =	ssyncset.done $0x0  }
0x46: {  	[sflag:s16] =	ssyncadd.s32 $0xFFFFEC00  }
0x47: {  	[tilespmem:s15], [sflag:$0x1] =	stream.indirect.gather [hbm4b:s5+s18], $0x80, s13, s18, $0xb8;
	[tilespmem:$0x1E800] =	vst v63  }
0x48: {  	_ = 	snop  }
0x49: {  	[tilespmem:s19], [sflag:$0x1] =	stream.indirect.gather [hbm4b:s5+s18], $0x80, s18, s18, $0xb8;
	[tilespmem:$0x1E800] =	vst v63  }
0x4a: {  	_ = 	snop  }
0x4b: {  	[tilespmem:s21], [sflag:$0x1] =	stream.indirect.gather [hbm4b:s5+s18], $0x80, s20, s18, $0xb8;
	[tilespmem:$0x1E800] =	vst v63  }
0x4c: {  	_ = 	snop  }
0x4d: {  	[tilespmem:s23], [sflag:$0x1] =	stream.indirect.gather [hbm4b:s5+s18], $0x80, s22, s18, $0xb8;
	[tilespmem:$0x1E800] =	vst v63  }
0x4e: {  	_ = 	snop  }
0x4f: {  	[tilespmem:s25], [sflag:$0x2] =	stream.indirect.gather [hbm4b:s5+s18], $0x80, s24, s18, $0xb8;
	[tilespmem:$0x1E800] =	vst v63  }
0x50: {  	_ = 	snop  }
0x51: {  	[tilespmem:s28], [sflag:$0x2] =	stream.indirect.gather [hbm4b:s5+s18], $0x80, s26, s18, $0xb8;
	[tilespmem:$0x1E800] =	vst v63  }
0x52: {  	_ = 	snop  }
0x53: {  	[tilespmem:s30], [sflag:$0x2] =	stream.indirect.gather [hbm4b:s5+s18], $0x80, s29, s18, $0xb8;
	[tilespmem:$0x1E800] =	vst v63  }
0x54: {  	_ = 	snop  }
0x55: {  	[tilespmem:s0], [sflag:$0x2] =	stream.indirect.gather [hbm4b:s5+s18], $0x80, s31, s18, $0xb8;
	[tilespmem:$0x1E800] =	vst v63  }
0x56: {  	_ =	swait.ge [sflag:s3], $0x1000  }
0x57: {  	[sflag:s3] =	ssyncset.done $0x0  }
0x58: {  	[sflag:s3] =	ssyncadd.s32 $0xFFFFF000  }
0x59: {  	_ =	swait.ge [sflag:s3], $0x1000  }
0x5a: {  	[sflag:s3] =	ssyncset.done $0x0  }
0x5b: {  	[sflag:s3] =	ssyncadd.s32 $0xFFFFF000  }
0x5c: {  	_ =	swait.ge [sflag:s3], $0x1000  }
0x5d: {  	[sflag:s3] =	ssyncset.done $0x0  }
0x5e: {  	[sflag:s3] =	ssyncadd.s32 $0xFFFFF000  }
0x5f: {  	_ =	swait.ge [sflag:s3], $0x1000  }
0x60: {  	[sflag:s3] =	ssyncset.done $0x0  }
0x61: {  	s14 =	simm.s32 $0x1400;
	[sflag:s3] =	ssyncadd.s32 $0xFFFFF000  }
0x62: {  	[spmem:s2] =	stream.indirect.scatter.add.f32 [tilespmem:s15], [sflag:$0x3], $0x80, s14, s24, $0xb8;
	[tilespmem:$0x1E800] =	vst v63  }
0x63: {  	_ =	swait.ge [sflag:s16], $0x4000  }
0x64: {  	[sflag:s16] =	ssyncset.done $0x0  }
0x65: {  	s7 =	simm.s32 $0x100;
	[sflag:s16] =	ssyncadd.s32 $0xFFFFC000  }
0x66: {  	[tilespmem:s15], [sflag:$0x1] =	stream.indirect.gather [hbm4b:s5+s18], $0x80, s7, s18, $0xb8;
	[tilespmem:$0x1E800] =	vst v63  }
0x67: {  	s14 =	simm.s32 $0x120  }
0x68: {  	[tilespmem:s19], [sflag:$0x1] =	stream.indirect.gather [hbm4b:s5+s18], $0x80, s14, s18, $0xb8;
	[tilespmem:$0x1E800] =	vst v63  }
0x69: {  	s7 =	simm.s32 $0x140  }
0x6a: {  	[tilespmem:s21], [sflag:$0x1] =	stream.indirect.gather [hbm4b:s5+s18], $0x80, s7, s18, $0xb8;
	[tilespmem:$0x1E800] =	vst v63  }
0x6b: {  	s14 =	simm.s32 $0x160  }
0x6c: {  	[tilespmem:s23], [sflag:$0x1] =	stream.indirect.gather [hbm4b:s5+s18], $0x80, s14, s18, $0xb8;
	[tilespmem:$0x1E800] =	vst v63  }
0x6d: {  	_ =	swait.ge [sflag:s9], $0x1000  }
0x6e: {  	[sflag:s9] =	ssyncset.done $0x0  }
0x6f: {  	[sflag:s9] =	ssyncadd.s32 $0xFFFFF000  }
0x70: {  	_ =	swait.ge [sflag:s9], $0x1000  }
0x71: {  	[sflag:s9] =	ssyncset.done $0x0  }
0x72: {  	[sflag:s9] =	ssyncadd.s32 $0xFFFFF000  }
0x73: {  	_ =	swait.ge [sflag:s9], $0x1000  }
0x74: {  	[sflag:s9] =	ssyncset.done $0x0  }
0x75: {  	[sflag:s9] =	ssyncadd.s32 $0xFFFFF000  }
0x76: {  	_ =	swait.ge [sflag:s9], $0x1000  }
0x77: {  	[sflag:s9] =	ssyncset.done $0x0  }
0x78: {  	s7 =	simm.s32 $0x1480;
	[sflag:s9] =	ssyncadd.s32 $0xFFFFF000  }
0x79: {  	[spmem:s2] =	stream.indirect.scatter.add.f32 [tilespmem:s25], [sflag:$0x3], $0x80, s7, s24, $0xb8;
	[tilespmem:$0x1E800] =	vst v63  }
0x7a: {  	_ =	swait.ge [sflag:s16], $0x4000  }
0x7b: {  	[sflag:s16] =	ssyncset.done $0x0  }
0x7c: {  	s14 =	simm.s32 $0x180;
	[sflag:s16] =	ssyncadd.s32 $0xFFFFC000  }
0x7d: {  	[tilespmem:s25], [sflag:$0x2] =	stream.indirect.gather [hbm4b:s5+s18], $0x80, s14, s18, $0xb8;
	[tilespmem:$0x1E800] =	vst v63  }
0x7e: {  	s7 =	simm.s32 $0x1A0  }
0x7f: {  	[tilespmem:s28], [sflag:$0x2] =	stream.indirect.gather [hbm4b:s5+s18], $0x80, s7, s18, $0xb8;
	[tilespmem:$0x1E800] =	vst v63  }
0x80: {  	s14 =	simm.s32 $0x1C0  }
0x81: {  	[tilespmem:s30], [sflag:$0x2] =	stream.indirect.gather [hbm4b:s5+s18], $0x80, s14, s18, $0xb8;
	[tilespmem:$0x1E800] =	vst v63  }
0x82: {  	p0 =	por p2, p2;
	s12 =	simm.s32 $0x400;
	s14 =	simm.s32 $0x1E0  }
.LBB2_5:
0x83: {  	[tilespmem:s0], [sflag:$0x2] =	stream.indirect.gather [hbm4b:s5+s18], $0x80, s14, s18, $0xb8;
	[tilespmem:$0x1E800] =	vst v63  }
0x84: {  	s14 =	smov.u32 s12  }
0x85: {  	p1 =	sne.s32 s12, $0x4800;
	s12 =	sadd.s32 $0x400, s12;
	_ =	swait.ge [sflag:s3], $0x1000  }
0x86: {  	[sflag:s3] =	ssyncset.done $0x0  }
0x87: {  	[sflag:s3] =	ssyncadd.s32 $0xFFFFF000  }
0x88: {  	_ =	swait.ge [sflag:s3], $0x1000  }
0x89: {  	[sflag:s3] =	ssyncset.done $0x0  }
0x8a: {  	[sflag:s3] =	ssyncadd.s32 $0xFFFFF000  }
0x8b: {  	_ =	swait.ge [sflag:s3], $0x1000  }
0x8c: {  	[sflag:s3] =	ssyncset.done $0x0  }
0x8d: {  	[sflag:s3] =	ssyncadd.s32 $0xFFFFF000  }
0x8e: {  	_ =	swait.ge [sflag:s3], $0x1000  }
0x8f: {  	s14 =	sshra.s32 s14, $0x2;
	[sflag:s3] =	ssyncset.done $0x0  }
0x90: {  	s7 =	sadd.s32 $0x1400, s14;
	[sflag:s3] =	ssyncadd.s32 $0xFFFFF000  }
0x91: {  	[spmem:s2] =	stream.indirect.scatter.add.f32 [tilespmem:s15], [sflag:$0x3], $0x80, s7, s24, $0xb8;
	[tilespmem:$0x1E800] =	vst v63  }
0x92: {  	_ =	swait.ge [sflag:s16], $0x4000  }
0x93: {  	[sflag:s16] =	ssyncset.done $0x0  }
0x94: {  	s7 =	sadd.s32 $0x100, s14;
	[sflag:s16] =	ssyncadd.s32 $0xFFFFC000  }
0x95: {  	[tilespmem:s15], [sflag:$0x1] =	stream.indirect.gather [hbm4b:s5+s18], $0x80, s7, s18, $0xb8;
	[tilespmem:$0x1E800] =	vst v63  }
0x96: {  	s7 =	sadd.s32 $0x120, s14  }
0x97: {  	[tilespmem:s19], [sflag:$0x1] =	stream.indirect.gather [hbm4b:s5+s18], $0x80, s7, s18, $0xb8;
	[tilespmem:$0x1E800] =	vst v63  }
0x98: {  	s7 =	sadd.s32 $0x140, s14  }
0x99: {  	[tilespmem:s21], [sflag:$0x1] =	stream.indirect.gather [hbm4b:s5+s18], $0x80, s7, s18, $0xb8;
	[tilespmem:$0x1E800] =	vst v63  }
0x9a: {  	s7 =	sadd.s32 $0x160, s14  }
0x9b: {  	[tilespmem:s23], [sflag:$0x1] =	stream.indirect.gather [hbm4b:s5+s18], $0x80, s7, s18, $0xb8;
	[tilespmem:$0x1E800] =	vst v63  }
0x9c: {  	_ =	swait.ge [sflag:s9], $0x1000  }
0x9d: {  	[sflag:s9] =	ssyncset.done $0x0  }
0x9e: {  	[sflag:s9] =	ssyncadd.s32 $0xFFFFF000  }
0x9f: {  	_ =	swait.ge [sflag:s9], $0x1000  }
0xa0: {  	[sflag:s9] =	ssyncset.done $0x0  }
0xa1: {  	[sflag:s9] =	ssyncadd.s32 $0xFFFFF000  }
0xa2: {  	_ =	swait.ge [sflag:s9], $0x1000  }
0xa3: {  	[sflag:s9] =	ssyncset.done $0x0  }
0xa4: {  	[sflag:s9] =	ssyncadd.s32 $0xFFFFF000  }
0xa5: {  	_ =	swait.ge [sflag:s9], $0x1000  }
0xa6: {  	[sflag:s9] =	ssyncset.done $0x0  }
0xa7: {  	s7 =	sadd.s32 $0x1480, s14;
	[sflag:s9] =	ssyncadd.s32 $0xFFFFF000  }
0xa8: {  	[spmem:s2] =	stream.indirect.scatter.add.f32 [tilespmem:s25], [sflag:$0x3], $0x80, s7, s24, $0xb8;
	[tilespmem:$0x1E800] =	vst v63  }
0xa9: {  	_ =	swait.ge [sflag:s16], $0x4000  }
0xaa: {  	[sflag:s16] =	ssyncset.done $0x0  }
0xab: {  	s7 =	sadd.s32 $0x180, s14;
	[sflag:s16] =	ssyncadd.s32 $0xFFFFC000  }
0xac: {  	[tilespmem:s25], [sflag:$0x2] =	stream.indirect.gather [hbm4b:s5+s18], $0x80, s7, s18, $0xb8;
	[tilespmem:$0x1E800] =	vst v63  }
.Ltmp1:
0xad: {  	s7 =	sadd.s32 $0x1A0, s14;
	(pc) =	sbr.rel @p1 .LBB2_5-.Ltmp1, $4  }
0xae: {  	[tilespmem:s28], [sflag:$0x2] =	stream.indirect.gather [hbm4b:s5+s18], $0x80, s7, s18, $0xb8;
	[tilespmem:$0x1E800] =	vst v63  }
0xaf: {  	s7 =	sadd.s32 $0x1C0, s14  }
0xb0: {  	[tilespmem:s30], [sflag:$0x2] =	stream.indirect.gather [hbm4b:s5+s18], $0x80, s7, s18, $0xb8;
	[tilespmem:$0x1E800] =	vst v63  }
0xb1: {  	s14 =	sadd.s32 $0x1E0, s14  }
0xb2: {  	[tilespmem:s0], [sflag:$0x2] =	stream.indirect.gather [hbm4b:s5+s18], $0x80, s14, s18, $0xb8;
	[tilespmem:$0x1E800] =	vst v63  }
0xb3: {  	_ =	swait.ge [sflag:s3], $0x1000  }
0xb4: {  	[sflag:s3] =	ssyncset.done $0x0  }
0xb5: {  	[sflag:s3] =	ssyncadd.s32 $0xFFFFF000  }
0xb6: {  	_ =	swait.ge [sflag:s3], $0x1000  }
0xb7: {  	[sflag:s3] =	ssyncset.done $0x0  }
0xb8: {  	[sflag:s3] =	ssyncadd.s32 $0xFFFFF000  }
0xb9: {  	_ =	swait.ge [sflag:s3], $0x1000  }
0xba: {  	[sflag:s3] =	ssyncset.done $0x0  }
0xbb: {  	[sflag:s3] =	ssyncadd.s32 $0xFFFFF000  }
0xbc: {  	_ =	swait.ge [sflag:s3], $0x1000  }
0xbd: {  	[sflag:s3] =	ssyncset.done $0x0  }
0xbe: {  	[sflag:s3] =	ssyncadd.s32 $0xFFFFF000  }
0xbf: {  	[spmem:s2] =	stream.indirect.scatter.add.f32 [tilespmem:s15], [sflag:$0x3], $0x80, s10, s24, $0xb8;
	[tilespmem:$0x1E800] =	vst v63  }
0xc0: {  	_ =	swait.ge [sflag:s16], $0x4000  }
0xc1: {  	[sflag:s16] =	ssyncset.done $0x0  }
0xc2: {  	[sflag:s16] =	ssyncadd.s32 $0xFFFFC000  }
0xc3: {  	_ =	swait.ge [sflag:s9], $0x1000  }
0xc4: {  	[sflag:s9] =	ssyncset.done $0x0  }
0xc5: {  	[sflag:s9] =	ssyncadd.s32 $0xFFFFF000  }
0xc6: {  	_ =	swait.ge [sflag:s9], $0x1000  }
0xc7: {  	[sflag:s9] =	ssyncset.done $0x0  }
0xc8: {  	[sflag:s9] =	ssyncadd.s32 $0xFFFFF000  }
0xc9: {  	_ =	swait.ge [sflag:s9], $0x1000  }
0xca: {  	[sflag:s9] =	ssyncset.done $0x0  }
0xcb: {  	[sflag:s9] =	ssyncadd.s32 $0xFFFFF000  }
0xcc: {  	_ =	swait.ge [sflag:s9], $0x1000  }
0xcd: {  	[sflag:s9] =	ssyncset.done $0x0  }
.Ltmp2:
0xce: {  	[sflag:s9] =	ssyncadd.s32 $0xFFFFF000;
	(pc) =	sbr.rel @p0 .LBB2_4-.Ltmp2, $4  }
0xcf: {  	[spmem:s2] =	stream.indirect.scatter.add.f32 [tilespmem:s25], [sflag:$0x3], $0x80, s11, s24, $0xb8;
	[tilespmem:$0x1E800] =	vst v63  }
0xd0: {  	_ =	swait.ge [sflag:s16], $0x4000  }
0xd1: {  	s12 =	simm.s32 $0x0;
	p1 =	por $0x1, $0x1;
	[sflag:s16] =	ssyncset.done $0x0  }
0xd2: {  	s14 =	simm.s32 $0x28;
	p2 =	por $0x0, $0x0;
	[sflag:s16] =	ssyncadd.s32 $0xFFFFC000  }
0xd3: {  	s13 =	simm.s32 $0x0  }
.LBB2_8:
0xd4: {  	s7 =	sadd.s32 s8, s13  }
0xd5: {  	s7 =	sshll.u32 s7, $0x4  }
0xd6: {  	s7 =	sadd.s32 s1, s7  }
0xd7: {  	[tilespmem:s12], [sflag:$0x3] =	stream.linear.gather [hbm4b:s7+s12], $0x1400, $0x38;
	[tilespmem:$0x1E800] =	vst v63  }
0xd8: {  	s13 =	sadd.s32 s6, s13;
	_ =	swait.ge [sflag:s16], $0x1400  }
0xd9: {  	s7 =	sshll.u32 s13, $0x4;
	[sflag:s16] =	ssyncset.done $0x0  }
0xda: {  	s7 =	sadd.s32 s1, s7;
	[sflag:s16] =	ssyncadd.s32 $0xFFFFEC00  }
0xdb: {  	[tilespmem:s17], [sflag:$0x3] =	stream.linear.gather [hbm4b:s7+s12], $0x1400, $0x38;
	[tilespmem:$0x1E800] =	vst v63  }
0xdc: {  	_ =	swait.ge [sflag:s16], $0x1400  }
0xdd: {  	[sflag:s16] =	ssyncset.done $0x0  }
0xde: {  	[sflag:s16] =	ssyncadd.s32 $0xFFFFEC00  }
0xdf: {  	[tilespmem:s15], [sflag:$0x1] =	stream.indirect.gather [hbm4b:s5+s18], $0x80, s12, s18, $0xb8;
	[tilespmem:$0x1E800] =	vst v63  }
0xe0: {  	_ = 	snop  }
0xe1: {  	[tilespmem:s19], [sflag:$0x1] =	stream.indirect.gather [hbm4b:s5+s18], $0x80, s18, s18, $0xb8;
	[tilespmem:$0x1E800] =	vst v63  }
0xe2: {  	_ = 	snop  }
0xe3: {  	[tilespmem:s21], [sflag:$0x1] =	stream.indirect.gather [hbm4b:s5+s18], $0x80, s20, s18, $0xb8;
	[tilespmem:$0x1E800] =	vst v63  }
0xe4: {  	_ = 	snop  }
0xe5: {  	[tilespmem:s23], [sflag:$0x1] =	stream.indirect.gather [hbm4b:s5+s18], $0x80, s22, s18, $0xb8;
	[tilespmem:$0x1E800] =	vst v63  }
0xe6: {  	_ = 	snop  }
0xe7: {  	[tilespmem:s25], [sflag:$0x2] =	stream.indirect.gather [hbm4b:s5+s18], $0x80, s24, s18, $0xb8;
	[tilespmem:$0x1E800] =	vst v63  }
0xe8: {  	_ = 	snop  }
0xe9: {  	[tilespmem:s28], [sflag:$0x2] =	stream.indirect.gather [hbm4b:s5+s18], $0x80, s26, s18, $0xb8;
	[tilespmem:$0x1E800] =	vst v63  }
0xea: {  	_ = 	snop  }
0xeb: {  	[tilespmem:s30], [sflag:$0x2] =	stream.indirect.gather [hbm4b:s5+s18], $0x80, s29, s18, $0xb8;
	[tilespmem:$0x1E800] =	vst v63  }
0xec: {  	_ = 	snop  }
0xed: {  	[tilespmem:s0], [sflag:$0x2] =	stream.indirect.gather [hbm4b:s5+s18], $0x80, s31, s18, $0xb8;
	[tilespmem:$0x1E800] =	vst v63  }
0xee: {  	_ =	swait.ge [sflag:s3], $0x1000  }
0xef: {  	[sflag:s3] =	ssyncset.done $0x0  }
0xf0: {  	[sflag:s3] =	ssyncadd.s32 $0xFFFFF000  }
0xf1: {  	_ =	swait.ge [sflag:s3], $0x1000  }
0xf2: {  	[sflag:s3] =	ssyncset.done $0x0  }
0xf3: {  	[sflag:s3] =	ssyncadd.s32 $0xFFFFF000  }
0xf4: {  	_ =	swait.ge [sflag:s3], $0x1000  }
0xf5: {  	[sflag:s3] =	ssyncset.done $0x0  }
0xf6: {  	[sflag:s3] =	ssyncadd.s32 $0xFFFFF000  }
0xf7: {  	_ =	swait.ge [sflag:s3], $0x1000  }
0xf8: {  	[sflag:s3] =	ssyncset.done $0x0  }
0xf9: {  	s14 =	simm.s32 $0x1400;
	[sflag:s3] =	ssyncadd.s32 $0xFFFFF000  }
0xfa: {  	[spmem:s2] =	stream.indirect.scatter.add.f32 [tilespmem:s15], [sflag:$0x3], $0x80, s14, s24, $0xb8;
	[tilespmem:$0x1E800] =	vst v63  }
0xfb: {  	_ =	swait.ge [sflag:s16], $0x4000  }
0xfc: {  	[sflag:s16] =	ssyncset.done $0x0  }
0xfd: {  	s13 =	simm.s32 $0x100;
	[sflag:s16] =	ssyncadd.s32 $0xFFFFC000  }
0xfe: {  	[tilespmem:s15], [sflag:$0x1] =	stream.indirect.gather [hbm4b:s5+s18], $0x80, s13, s18, $0xb8;
	[tilespmem:$0x1E800] =	vst v63  }
0xff: {  	s14 =	simm.s32 $0x120  }
0x100: {  	[tilespmem:s19], [sflag:$0x1] =	stream.indirect.gather [hbm4b:s5+s18], $0x80, s14, s18, $0xb8;
	[tilespmem:$0x1E800] =	vst v63  }
0x101: {  	s13 =	simm.s32 $0x140  }
0x102: {  	[tilespmem:s21], [sflag:$0x1] =	stream.indirect.gather [hbm4b:s5+s18], $0x80, s13, s18, $0xb8;
	[tilespmem:$0x1E800] =	vst v63  }
0x103: {  	s14 =	simm.s32 $0x160  }
0x104: {  	[tilespmem:s23], [sflag:$0x1] =	stream.indirect.gather [hbm4b:s5+s18], $0x80, s14, s18, $0xb8;
	[tilespmem:$0x1E800] =	vst v63  }
0x105: {  	_ =	swait.ge [sflag:s9], $0x1000  }
0x106: {  	[sflag:s9] =	ssyncset.done $0x0  }
0x107: {  	[sflag:s9] =	ssyncadd.s32 $0xFFFFF000  }
0x108: {  	_ =	swait.ge [sflag:s9], $0x1000  }
0x109: {  	[sflag:s9] =	ssyncset.done $0x0  }
0x10a: {  	[sflag:s9] =	ssyncadd.s32 $0xFFFFF000  }
0x10b: {  	_ =	swait.ge [sflag:s9], $0x1000  }
0x10c: {  	[sflag:s9] =	ssyncset.done $0x0  }
0x10d: {  	[sflag:s9] =	ssyncadd.s32 $0xFFFFF000  }
0x10e: {  	_ =	swait.ge [sflag:s9], $0x1000  }
0x10f: {  	[sflag:s9] =	ssyncset.done $0x0  }
0x110: {  	s13 =	simm.s32 $0x1480;
	[sflag:s9] =	ssyncadd.s32 $0xFFFFF000  }
0x111: {  	[spmem:s2] =	stream.indirect.scatter.add.f32 [tilespmem:s25], [sflag:$0x3], $0x80, s13, s24, $0xb8;
	[tilespmem:$0x1E800] =	vst v63  }
0x112: {  	_ =	swait.ge [sflag:s16], $0x4000  }
0x113: {  	[sflag:s16] =	ssyncset.done $0x0  }
0x114: {  	s14 =	simm.s32 $0x180;
	[sflag:s16] =	ssyncadd.s32 $0xFFFFC000  }
0x115: {  	[tilespmem:s25], [sflag:$0x2] =	stream.indirect.gather [hbm4b:s5+s18], $0x80, s14, s18, $0xb8;
	[tilespmem:$0x1E800] =	vst v63  }
0x116: {  	s13 =	simm.s32 $0x1A0  }
0x117: {  	[tilespmem:s28], [sflag:$0x2] =	stream.indirect.gather [hbm4b:s5+s18], $0x80, s13, s18, $0xb8;
	[tilespmem:$0x1E800] =	vst v63  }
0x118: {  	s14 =	simm.s32 $0x1C0  }
0x119: {  	[tilespmem:s30], [sflag:$0x2] =	stream.indirect.gather [hbm4b:s5+s18], $0x80, s14, s18, $0xb8;
	[tilespmem:$0x1E800] =	vst v63  }
0x11a: {  	p0 =	por p1, p1;
	s13 =	simm.s32 $0x400;
	s14 =	simm.s32 $0x1E0  }
.LBB2_9:
0x11b: {  	[tilespmem:s0], [sflag:$0x2] =	stream.indirect.gather [hbm4b:s5+s18], $0x80, s14, s18, $0xb8;
	[tilespmem:$0x1E800] =	vst v63  }
0x11c: {  	s7 =	smov.u32 s13  }
0x11d: {  	p1 =	sne.s32 s13, $0x4800;
	s13 =	sadd.s32 $0x400, s13;
	_ =	swait.ge [sflag:s3], $0x1000  }
0x11e: {  	[sflag:s3] =	ssyncset.done $0x0  }
0x11f: {  	[sflag:s3] =	ssyncadd.s32 $0xFFFFF000  }
0x120: {  	_ =	swait.ge [sflag:s3], $0x1000  }
0x121: {  	[sflag:s3] =	ssyncset.done $0x0  }
0x122: {  	[sflag:s3] =	ssyncadd.s32 $0xFFFFF000  }
0x123: {  	_ =	swait.ge [sflag:s3], $0x1000  }
0x124: {  	[sflag:s3] =	ssyncset.done $0x0  }
0x125: {  	[sflag:s3] =	ssyncadd.s32 $0xFFFFF000  }
0x126: {  	_ =	swait.ge [sflag:s3], $0x1000  }
0x127: {  	s14 =	sshra.s32 s7, $0x2;
	[sflag:s3] =	ssyncset.done $0x0  }
0x128: {  	s7 =	sadd.s32 $0x1400, s14;
	[sflag:s3] =	ssyncadd.s32 $0xFFFFF000  }
0x129: {  	[spmem:s2] =	stream.indirect.scatter.add.f32 [tilespmem:s15], [sflag:$0x3], $0x80, s7, s24, $0xb8;
	[tilespmem:$0x1E800] =	vst v63  }
0x12a: {  	_ =	swait.ge [sflag:s16], $0x4000  }
0x12b: {  	[sflag:s16] =	ssyncset.done $0x0  }
0x12c: {  	s7 =	sadd.s32 $0x100, s14;
	[sflag:s16] =	ssyncadd.s32 $0xFFFFC000  }
0x12d: {  	[tilespmem:s15], [sflag:$0x1] =	stream.indirect.gather [hbm4b:s5+s18], $0x80, s7, s18, $0xb8;
	[tilespmem:$0x1E800] =	vst v63  }
0x12e: {  	s7 =	sadd.s32 $0x120, s14  }
0x12f: {  	[tilespmem:s19], [sflag:$0x1] =	stream.indirect.gather [hbm4b:s5+s18], $0x80, s7, s18, $0xb8;
	[tilespmem:$0x1E800] =	vst v63  }
0x130: {  	s7 =	sadd.s32 $0x140, s14  }
0x131: {  	[tilespmem:s21], [sflag:$0x1] =	stream.indirect.gather [hbm4b:s5+s18], $0x80, s7, s18, $0xb8;
	[tilespmem:$0x1E800] =	vst v63  }
0x132: {  	s7 =	sadd.s32 $0x160, s14  }
0x133: {  	[tilespmem:s23], [sflag:$0x1] =	stream.indirect.gather [hbm4b:s5+s18], $0x80, s7, s18, $0xb8;
	[tilespmem:$0x1E800] =	vst v63  }
0x134: {  	_ =	swait.ge [sflag:s9], $0x1000  }
0x135: {  	[sflag:s9] =	ssyncset.done $0x0  }
0x136: {  	[sflag:s9] =	ssyncadd.s32 $0xFFFFF000  }
0x137: {  	_ =	swait.ge [sflag:s9], $0x1000  }
0x138: {  	[sflag:s9] =	ssyncset.done $0x0  }
0x139: {  	[sflag:s9] =	ssyncadd.s32 $0xFFFFF000  }
0x13a: {  	_ =	swait.ge [sflag:s9], $0x1000  }
0x13b: {  	[sflag:s9] =	ssyncset.done $0x0  }
0x13c: {  	[sflag:s9] =	ssyncadd.s32 $0xFFFFF000  }
0x13d: {  	_ =	swait.ge [sflag:s9], $0x1000  }
0x13e: {  	[sflag:s9] =	ssyncset.done $0x0  }
0x13f: {  	s7 =	sadd.s32 $0x1480, s14;
	[sflag:s9] =	ssyncadd.s32 $0xFFFFF000  }
0x140: {  	[spmem:s2] =	stream.indirect.scatter.add.f32 [tilespmem:s25], [sflag:$0x3], $0x80, s7, s24, $0xb8;
	[tilespmem:$0x1E800] =	vst v63  }
0x141: {  	_ =	swait.ge [sflag:s16], $0x4000  }
0x142: {  	[sflag:s16] =	ssyncset.done $0x0  }
0x143: {  	s7 =	sadd.s32 $0x180, s14;
	[sflag:s16] =	ssyncadd.s32 $0xFFFFC000  }
0x144: {  	[tilespmem:s25], [sflag:$0x2] =	stream.indirect.gather [hbm4b:s5+s18], $0x80, s7, s18, $0xb8;
	[tilespmem:$0x1E800] =	vst v63  }
.Ltmp3:
0x145: {  	s7 =	sadd.s32 $0x1A0, s14;
	(pc) =	sbr.rel @p1 .LBB2_9-.Ltmp3, $4  }
0x146: {  	[tilespmem:s28], [sflag:$0x2] =	stream.indirect.gather [hbm4b:s5+s18], $0x80, s7, s18, $0xb8;
	[tilespmem:$0x1E800] =	vst v63  }
0x147: {  	s7 =	sadd.s32 $0x1C0, s14  }
0x148: {  	[tilespmem:s30], [sflag:$0x2] =	stream.indirect.gather [hbm4b:s5+s18], $0x80, s7, s18, $0xb8;
	[tilespmem:$0x1E800] =	vst v63  }
0x149: {  	s14 =	sadd.s32 $0x1E0, s14  }
0x14a: {  	[tilespmem:s0], [sflag:$0x2] =	stream.indirect.gather [hbm4b:s5+s18], $0x80, s14, s18, $0xb8;
	[tilespmem:$0x1E800] =	vst v63  }
0x14b: {  	_ =	swait.ge [sflag:s3], $0x1000  }
0x14c: {  	[sflag:s3] =	ssyncset.done $0x0  }
0x14d: {  	[sflag:s3] =	ssyncadd.s32 $0xFFFFF000  }
0x14e: {  	_ =	swait.ge [sflag:s3], $0x1000  }
0x14f: {  	[sflag:s3] =	ssyncset.done $0x0  }
0x150: {  	[sflag:s3] =	ssyncadd.s32 $0xFFFFF000  }
0x151: {  	_ =	swait.ge [sflag:s3], $0x1000  }
0x152: {  	[sflag:s3] =	ssyncset.done $0x0  }
0x153: {  	[sflag:s3] =	ssyncadd.s32 $0xFFFFF000  }
0x154: {  	_ =	swait.ge [sflag:s3], $0x1000  }
0x155: {  	[sflag:s3] =	ssyncset.done $0x0  }
0x156: {  	[sflag:s3] =	ssyncadd.s32 $0xFFFFF000  }
0x157: {  	[spmem:s2] =	stream.indirect.scatter.add.f32 [tilespmem:s15], [sflag:$0x3], $0x80, s10, s24, $0xb8;
	[tilespmem:$0x1E800] =	vst v63  }
0x158: {  	_ =	swait.ge [sflag:s16], $0x4000  }
0x159: {  	[sflag:s16] =	ssyncset.done $0x0  }
0x15a: {  	[sflag:s16] =	ssyncadd.s32 $0xFFFFC000  }
0x15b: {  	_ =	swait.ge [sflag:s9], $0x1000  }
0x15c: {  	[sflag:s9] =	ssyncset.done $0x0  }
0x15d: {  	[sflag:s9] =	ssyncadd.s32 $0xFFFFF000  }
0x15e: {  	_ =	swait.ge [sflag:s9], $0x1000  }
0x15f: {  	[sflag:s9] =	ssyncset.done $0x0  }
0x160: {  	[sflag:s9] =	ssyncadd.s32 $0xFFFFF000  }
0x161: {  	_ =	swait.ge [sflag:s9], $0x1000  }
0x162: {  	[sflag:s9] =	ssyncset.done $0x0  }
0x163: {  	[sflag:s9] =	ssyncadd.s32 $0xFFFFF000  }
0x164: {  	_ =	swait.ge [sflag:s9], $0x1000  }
0x165: {  	[sflag:s9] =	ssyncset.done $0x0  }
.Ltmp4:
0x166: {  	[sflag:s9] =	ssyncadd.s32 $0xFFFFF000;
	(pc) =	sbr.rel @p0 .LBB2_8-.Ltmp4, $4  }
0x167: {  	[spmem:s2] =	stream.indirect.scatter.add.f32 [tilespmem:s25], [sflag:$0x3], $0x80, s11, s24, $0xb8;
	[tilespmem:$0x1E800] =	vst v63  }
0x168: {  	_ =	swait.ge [sflag:s16], $0x4000  }
0x169: {  	[sflag:s16] =	ssyncset.done $0x0  }
0x16a: {  	s13 =	simm.s32 $0x28;
	p1 =	por $0x0, $0x0;
	[sflag:s16] =	ssyncadd.s32 $0xFFFFC000  }
0x16b: {  	s7 =	stileid.u32;
	[bflag:$0x0] =	sbarrier.arrive $0xFFFF  }
0x16c: {  	s7 =	sshll.u32 s7, $0x6;
	s14 =	rddreg [dreg:$0x4]  }
0x16d: {  	s13 =	rddreg [dreg:$0x5];
	s7 =	sor.u32 $0x1C03, s7;
	s12 =	sshrl.u32 s14, $0x3  }
0x16e: {  	[hbm:s13], [sflag:s7] =	dma.local [spmem:s12], $0x2800  }
0x16f: {  	_ =	swait.ge [sflag:s16], $0x2800  }
0x170: {  	s4 =	sadd.s32 $0x1, s4;
	s13 =	rddreg [dreg:$0x6]  }
0x171: {  	p0 =	sne.s32 s4, s13  }
.Ltmp5:
0x172: {  	_ = 	snop;
	(pc) =	sbr.rel @p0 .LBB2_1-.Ltmp5, $3  }
0x173: {  	_ =	sdelay $0x1  }
0x174: {  	[sflag:s16] =	ssyncset.done $0x0  }
0x175: {  	[sflag:s16] =	ssyncadd.s32 $0xFFFFD800  }
0x176: {  	_ =	sfence.sel $0x180000  }
0x177: {  	[bflag:$0x0] =	sbarrier.arrive $0xFFFF  }
0x178: {  	_ =	strace $0x9000004D  }
0x179: {  	s0 =	stileid.u32;
	[bflag:$0x2] =	sbarrier.arrive $0xFFFF  }
0x17a: {  	p0 =	sne.s32 s0, $0x0;
	s0 =	rddreg [dreg:$0x3]  }
0x17b: {  	s0 =	sadd.s32 @!p0 $0x100000, s0  }
0x17c: {  	[sflag:s0] =	ssyncadd.tile.s32 @!p0 $0x1;
	_ =	shalt  }
.Lfunc_end2:
_tile_overlayer_lowered:
.L_overlay_start_2:
0x17d: {  	(tag) =	ssettag $0x2  }
0x17e: {  	s0 =	rddreg [dreg:$0x0];
	s2 =	stileid.u32  }
0x17f: {  	s1 =	rddreg [dreg:$0x1];
	p0 =	sne.s32 s2, $0x0  }
0x180: {  	s3 =	rddreg [dreg:$0x2];
	[bflag:$0x3] =	sbarrier.arrive $0xFFFF;
	s2 =	simm.s32 @!p0 $0x1C03  }
0x181: {  	[timem:s3], [sflag:s2] =	dma.local @!p0 [hbm:s0], s1  }
0x182: {  	s0 =	simm.s32 @!p0 $0x3  }
0x183: {  	_ =	swait.ge @!p0 [sflag:s0], s1  }
0x184: {  	s1 =	ssub.s32 @!p0 $0x0, s1;
	[sflag:s0] =	ssyncset.done @!p0 $0x0  }
0x185: {  	[sflag:s0] =	ssyncadd.s32 @!p0 s1  }
0x186: {  	[bflag:$0x3] =	sbarrier.arrive $0xFFFF  }
0x187: {  	_ =	shalt  }

// kernel: kernel.8.cloned.1.call-start
scs
__scs_entry_jumppad:
0x0: {  	(pc) =	sbr.rel $0x88, $3  }
0x1: {  	(tag) =	ssettag $0x0;
	lr =	simm.s32 $0x1  }
0x2: {  	[smem:$0x3F9D] =	sst lr;
	_ =	strace $0xD0000000  }
0x3: {  	_ = 	snop  }
0x4: {  	_ = 	snop  }
0x5: {  	_ = 	snop  }
0x6: {  	_ = 	snop  }
0x7: {  	_ = 	snop  }
__scs_overlays_trampoline_lowered:
0x8: {  	[smem:$0x3FAC] =	sst s0  }
0x9: {  	[smem:$0x3FAD] =	sst s1  }
0xa: {  	[smem:$0x3FAE] =	sst s2  }
0xb: {  	[smem:$0x3FAF] =	sst s3  }
0xc: {  	[smem:$0x3FB0] =	sst s4  }
0xd: {  	[smem:$0x3FB1] =	sst s5  }
0xe: {  	[smem:$0x3FB2] =	sst s6  }
0xf: {  	[smem:$0x3FB3] =	sst s7  }
0x10: {  	[smem:$0x3FB4] =	sst s8  }
0x11: {  	[smem:$0x3FB5] =	sst s9;
	s0 =	simm.s32 @!p0 $0x0  }
0x12: {  	s1 =	sld [smem:$0x3F9B];
	s0 =	simm.s32 @p0 $0x1  }
0x13: {  	[smem:$0x3FB6] =	sst s0;
	s0 =	simm.s32 @!p1 $0x0  }
0x14: {  	s2 =	sld [smem:$0x3F9A];
	s0 =	simm.s32 @p1 $0x1  }
0x15: {  	[smem:$0x3FB7] =	sst s0;
	s0 =	simm.s32 @!p2 $0x0  }
0x16: {  	s3 =	sld [smem:$0x3FDB];
	s0 =	simm.s32 @p2 $0x1  }
0x17: {  	s4 =	simm.s32 $0x1BF5;
	[smem:$0x3FB9] =	sst s0  }
0x18: {  	s0 =	sld [smem:$0x3F9C];
	_ =	swait.ge [sflag:s4], $0x0  }
0x19: {  	s7 =	sld [smem:$0x3F9D]  }
0x1a: {  	s8 =	sadd.s32 $0xFFFFE003, lr  }
0x1b: {  	s9 =	sadd.s32 $0xFFFFFEF7, lr;
	s5 =	simm.s32 $0xFFFFFFFF;
	p2 =	slt.u32 s8, $0xFFFFF086  }
0x1c: {  	p1 =	slt.u32 s9, $0xF7A;
	s5 =	simm.s32 @!p2 $0x0  }
0x1d: {  	s5 =	simm.s32 @p1 $0x1;
	p0 =	seq.s32 s7, s2  }
0x1e: {  	s7 =	smul.u32 @!p0 $0xF7A, s2;
	p2 =	seq.s32 @!p0 s5, $0x0  }
0x1f: {  	s9 =	smul.u32 $0xF7A, s1;
	s8 =	simm.s32 @!p0 $0x1BF5;
	p2 =	por !p2, p0  }
0x20: {  	[sflag:s8] =	ssyncset.s32 @!p0 $0xFFFFF086;
	s6 =	sadd.s32 @!p0 s3, s7;
	s7 =	simm.s32 @!p0 $0x108  }
0x21: {  	s3 =	sadd.s32 s3, s9;
	s6 =	sadd.s32 @!p0 $0x88, s6;
	s7 =	simm.s32 @p2 $0x1082  }
0x22: {  	[simem:s7], [sflag:s8] =	dma.local @!p0 [hbm:s6], $0xF7A  }
0x23: {  	s9 =	sor.u32 $0xD0000000, s2;
	s6 =	simm.s32 $0x108;
	_ =	swait.ge @!p0 [sflag:s8], $0x0  }
0x24: {  	s3 =	sadd.s32 $0x88, s3;
	s6 =	simm.s32 @!p1 $0x1082;
	[sflag:s4] =	ssyncset.s32 $0xFFFFF086  }
0x25: {  	[simem:s6], [sflag:s4] =	dma.local [hbm:s3], $0xF7A  }
0x26: {  	[smem:$0x3F9D] =	sst s1;
	(tag) =	ssettag s2;
	_ =	strace s9  }
0x27: {  	s1 =	sld [smem:$0x3FAD]  }
0x28: {  	s2 =	sld [smem:$0x3FAE]  }
0x29: {  	s4 =	sld [smem:$0x3FB0]  }
0x2a: {  	p0 =	seq.s32 s5, $0x0;
	s5 =	sld [smem:$0x3FB1]  }
0x2b: {  	s6 =	sld [smem:$0x3FB2]  }
0x2c: {  	s7 =	sld [smem:$0x3FB3]  }
0x2d: {  	s3 =	simm.s32 $0x108;
	s8 =	sld [smem:$0x3FB4]  }
0x2e: {  	s3 =	simm.s32 @!p0 $0x1082;
	s9 =	sld [smem:$0x3FB5]  }
0x2f: {  	lr =	sadd.s32 s0, s3;
	s0 =	sld [smem:$0x3FAC]  }
0x30: {  	s3 =	sld [smem:$0x3FAF]  }
0x31: {  	[smem:$0x3FB8] =	sst s10  }
0x32: {  	s10 =	sld [smem:$0x3FB6];
	_ =	sdelay $0x3  }
0x33: {  	p0 =	seq.s32 s10, $0x1;
	s10 =	sld [smem:$0x3FB8];
	_ =	sdelay $0x3  }
0x34: {  	[smem:$0x3FB8] =	sst s10  }
0x35: {  	s10 =	sld [smem:$0x3FB7];
	_ =	sdelay $0x3  }
0x36: {  	p1 =	seq.s32 s10, $0x1;
	s10 =	sld [smem:$0x3FB8];
	_ =	sdelay $0x3  }
0x37: {  	[smem:$0x3FB8] =	sst s10  }
0x38: {  	s10 =	sld [smem:$0x3FB9]  }
0x39: {  	_ = 	snop;
	(pc) =	sbr.ind lr, $3  }
0x3a: {  	_ = 	snop  }
0x3b: {  	_ = 	snop  }
0x3c: {  	p2 =	seq.s32 s10, $0x1;
	s10 =	sld [smem:$0x3FB8]  }
0x3d: {  	_ =	shalt  }
0x3e: {  	_ =	shalt  }
0x3f: {  	_ =	shalt  }
0x40: {  	_ =	shalt  }
0x41: {  	_ =	shalt  }
0x42: {  	_ =	shalt  }
0x43: {  	_ =	shalt  }
0x44: {  	_ =	shalt  }
0x45: {  	_ =	shalt  }
0x46: {  	_ =	shalt  }
0x47: {  	_ =	shalt  }
0x48: {  	_ =	shalt  }
0x49: {  	_ =	shalt  }
0x4a: {  	_ =	shalt  }
0x4b: {  	_ =	shalt  }
0x4c: {  	_ =	shalt  }
0x4d: {  	_ =	shalt  }
0x4e: {  	_ =	shalt  }
0x4f: {  	_ =	shalt  }
0x50: {  	_ =	shalt  }
0x51: {  	_ =	shalt  }
0x52: {  	_ =	shalt  }
0x53: {  	_ =	shalt  }
0x54: {  	_ =	shalt  }
0x55: {  	_ =	shalt  }
0x56: {  	_ =	shalt  }
0x57: {  	_ =	shalt  }
0x58: {  	_ =	shalt  }
0x59: {  	_ =	shalt  }
0x5a: {  	_ =	shalt  }
0x5b: {  	_ =	shalt  }
0x5c: {  	_ =	shalt  }
0x5d: {  	_ =	shalt  }
0x5e: {  	_ =	shalt  }
0x5f: {  	_ =	shalt  }
0x60: {  	_ =	shalt  }
0x61: {  	_ =	shalt  }
0x62: {  	_ =	shalt  }
0x63: {  	_ =	shalt  }
0x64: {  	_ =	shalt  }
0x65: {  	_ =	shalt  }
0x66: {  	_ =	shalt  }
0x67: {  	_ =	shalt  }
0x68: {  	_ =	shalt  }
0x69: {  	_ =	shalt  }
0x6a: {  	_ =	shalt  }
0x6b: {  	_ =	shalt  }
0x6c: {  	_ =	shalt  }
0x6d: {  	_ =	shalt  }
0x6e: {  	_ =	shalt  }
0x6f: {  	_ =	shalt  }
0x70: {  	_ =	shalt  }
0x71: {  	_ =	shalt  }
0x72: {  	_ =	shalt  }
0x73: {  	_ =	shalt  }
0x74: {  	_ =	shalt  }
0x75: {  	_ =	shalt  }
0x76: {  	_ =	shalt  }
0x77: {  	_ =	shalt  }
0x78: {  	_ =	shalt  }
0x79: {  	_ =	shalt  }
0x7a: {  	_ =	shalt  }
0x7b: {  	_ =	shalt  }
0x7c: {  	_ =	shalt  }
0x7d: {  	_ =	shalt  }
0x7e: {  	_ =	shalt  }
0x7f: {  	_ =	shalt  }
0x80: {  	_ =	shalt  }
0x81: {  	_ =	shalt  }
0x82: {  	_ =	shalt  }
0x83: {  	_ =	shalt  }
0x84: {  	_ =	shalt  }
0x85: {  	_ =	shalt  }
0x86: {  	_ =	shalt  }
0x87: {  	_ =	shalt  }
.Lfunc_end0:
.L_simem_size_0:
called_computation_lowered:
.L_overlay_start_0:
0x88: {  	s2 =	sld [smem:$0x3FD9]  }
0x89: {  	s3 =	sld [smem:$0x3FFE];
	_ =	sdelay $0x1  }
0x8a: {  	s1 =	srdreg.scid  }
0x8b: {  	s0 =	sand.u32 $0x1, s1  }
0x8c: {  	s17 =	sshll.u32 s0, $0xA;
	s2 =	sadd.s32 s3, s2  }
0x8d: {  	s2 =	sadd.s32 s2, s17  }
0x8e: {  	[smem:$0x3FC4] =	sst s2  }
0x8f: {  	_ = 	snop  }
0x90: {  	s2 =	sld [smem:$0x3FD0];
	(tm) =	ssettm $0x1  }
0x91: {  	s18 =	sld [smem:$0x3FFB];
	_ =	sdelay $0x3  }
0x92: {  	_ =	strace s18  }
0x93: {  	s3 =	sld [smem:$0x3FFC];
	_ =	sdelay $0x3  }
0x94: {  	_ =	strace s3  }
0x95: {  	s3 =	sld [smem:$0x3FFD];
	_ =	sdelay $0x3  }
0x96: {  	_ =	strace s3  }
0x97: {  	_ =	strace $0x8FFFFFFF  }
0x98: {  	s19 =	sld [smem:$0x3FDB];
	_ =	sdelay $0x1  }
0x99: {  	s4 =	simm.s32 $_scs_section_size  }
0x9a: {  	s5 =	simm.s32 $_size__tile_overlayer_lowered;
	s6 =	simm.s32 $_tile_overlayer_lowered  }
0x9b: {  	s22 =	simm.s32 $0x1BFF;
	s21 =	sshll.u32 s6, $0x1;
	s3 =	sadd.s32 s4, s19  }
0x9c: {  	s7 =	simm.s32 $0x0;
	s20 =	sshll.u32 s5, $0x1;
	s5 =	sadd.s32 s21, s3  }
0x9d: {  	[timem:s7], [sflag:s22] =	dma.local [hbm:s5], s20  }
0x9e: {  	_ =	swait.ge [sflag:s22], s20  }
0x9f: {  	s4 =	ssub.s32 $0x0, s20;
	[sflag:s22] =	ssyncset.done $0x0  }
0xa0: {  	[sflag:s22] =	ssyncadd.s32 s4;
	_ =	sdelay $0x1  }
0xa1: {  	s23 =	simm.s32 $0x1B8B  }
0xa2: {  	_ =	swait.ge [sflag:s23], $0x1  }
0xa3: {  	[sflag:s23] =	ssyncset.done $0x0  }
0xa4: {  	s25 =	simm.s32 $0x1B8E;
	s24 =	sld [smem:$0x3FFE];
	[sflag:s23] =	ssyncadd.s32 $0xFFFFFFFF  }
0xa5: {  	s26 =	simm.s32 $execute0_lowered;
	[smem:$0x3FD2] =	sst s25  }
0xa6: {  	s5 =	sshll.u32 s26, $0x1;
	_ =	strace $0x80000046;
	[dreg:$0x1] =	wrdreg $0xFFFFFFFF  }
0xa7: {  	s28 =	simm.s32 $_size_execute0_lowered;
	s3 =	sadd.s32 s3, s5;
	[dreg:$0x0] =	wrdreg $0x0  }
0xa8: {  	s5 =	sshll.u32 s28, $0x1;
	[dreg:$0x2] =	wrdreg s3  }
0xa9: {  	[dreg:$0x3] =	wrdreg s5  }
0xaa: {  	[dreg:$0x4] =	wrdreg $0xC0  }
0xab: {  	_ =	task [dreg:s7], $0x5FFFF  }
0xac: {  	[dreg:$0x1] =	wrdreg $0xFFFFFFFF  }
0xad: {  	[dreg:$0x0] =	wrdreg $0x60  }
0xae: {  	[dreg:$0x2] =	wrdreg s2  }
0xaf: {  	[dreg:$0x3] =	wrdreg s24  }
0xb0: {  	[dreg:$0x4] =	wrdreg $0x90000  }
0xb1: {  	[dreg:$0x5] =	wrdreg $0x9  }
0xb2: {  	_ =	task.clear_ibuf [dreg:s7], $0x6FFFF;
	_ =	strace $0x90000046  }
0xb3: {  	s29 =	simm.s32 $0x9;
	_ =	strace $0x80000048  }
0xb4: {  	_ =	swait.ge [sflag:s29], $0x1  }
0xb5: {  	[sflag:s29] =	ssyncadd.s32 $0xFFFFFFFF  }
0xb6: {  	_ =	strace $0x90000048  }
0xb7: {  	_ =	sfence  }
0xb8: {  	s30 =	sld [smem:$0x0];
	_ =	sdelay $0x2  }
0xb9: {  	s31 =	sshll.u32 s1, $0xD;
	s1 =	sshrl.u32 s1, $0x2  }
0xba: {  	s3 =	sand.u32 $0x4000, s31;
	s1 =	sadd.s32 s1, s30  }
0xbb: {  	s0 =	sor.u32 s3, s0;
	s1 =	sshll.u32 s1, $0x11  }
0xbc: {  	s0 =	sor.u32 s1, s0  }
0xbd: {  	s0 =	sadd.s32 $0x8F2B, s0  }
0xbe: {  	[sflag:s0] =	ssyncadd.remote.s32 $0x1  }
0xbf: {  	_ =	sfence.sel $0xFFFF  }
0xc0: {  	[dreg:$0x0] =	wrdreg $0xFFFFFFFF;
	(pc) =	sbr.abs _section_cstart, $3  }
0xc1: {  	[dreg:$0x1] =	wrdreg $0xFFFFFFFF  }
0xc2: {  	_ =	task.clear_ibuf [dreg:s7], $0x2FFFF;
	_ =	strace $0x9FFFFFFF  }
0xc3: {  	(tm) =	ssettm $0x7FFFFFFF  }
tec
execute0_lowered:
.L_overlay_start_1:
0x0: {  	(tag) =	ssettag $0x1  }
0x1: {  	s4 =	rddreg [dreg:$0x0]  }
0x2: {  	s5 =	rddreg [dreg:$0x1]  }
0x3: {  	s2 =	rddreg [dreg:$0x2]  }
0x4: {  	s0 =	srdreg.scid;
	s1 =	rddreg [dreg:$0x3];
	s3 =	simm.s32 $0x0  }
0x5: {  	s12 =	simm.s32 $0x2;
	s13 =	simm.s32 $0x5000;
	s14 =	simm.s32 $0x80  }
0x6: {  	s15 =	simm.s32 $0x1;
	s6 =	sand.u32 $0x1, s0;
	s0 =	stileid.u32  }
0x7: {  	s18 =	simm.s32 $0x0;
	[smem:$0x7FF] =	sst s3;
	s7 =	smul.u32 $0x140000, s6  }
0x8: {  	s8 =	smul.u32 $0x14000, s0;
	s9 =	sshll.u32 s6, $0x4;
	s6 =	ssub.s32 $0x2, s6  }
0x9: {  	s29 =	smul.u32 $0x50000, s0;
	_ =	strace $0x80000047;
	s16 =	sshll.u32 s0, $0x6  }
0xa: {  	s9 =	sor.u32 s0, s9;
	s30 =	sshrl.u32 s6, $0x1;
	s7 =	sadd.s32 s8, s7  }
0xb: {  	s16 =	sor.u32 $0x1C02, s16;
	s28 =	smul.u32 $0xA00, s9;
	s7 =	sshrl.u32 s7, $0x3  }
0xc: {  	s10 =	ssub.s32 s6, s30;
	s31 =	sshrl.u32 s29, $0x2;
	s7 =	sadd.s32 s7, s5  }
0xd: {  	s4 =	sadd.s32 s4, s28;
	s5 =	sadd.s32 s31, s2;
	s6 =	sadd.s32 $0x2200, s7  }
0xe: {  	s7 =	smax.u32 s10, $0x1;
	s8 =	sadd.s32 $0x4000, s5;
	s9 =	sadd.s32 $0x8000, s5  }
0xf: {  	v0 =	vimm.f32 $0.0e+00;
	v1 =	vimm.f32 $1.000000000e+00;
	s10 =	sadd.s32 $0xC000, s5;
	s11 =	sadd.s32 $0x10000, s5;
	s17 =	sshrl.u32 s5, $0x3  }
.LBB2_1:
0x10: {  	[tilespmem:s3], [sflag:$0x2] =	stream.linear.gather [hbm4b:s4+s3], $0x5000, $0x38;
	[tilespmem:$0x1D000] =	vst v63  }
0x11: {  	_ =	swait.ge [sflag:s12], $0x5000  }
0x12: {  	[sflag:s12] =	ssyncset.done $0x0  }
0x13: {  	s19 =	simm.s32 $0x0;
	s20 =	simm.s32 $0x200;
	[sflag:s12] =	ssyncadd.s32 $0xFFFFB000  }
.LBB2_2:
0x14: {  	p0 =	sne.s32 s20, $0xFE00;
	[tilespmem:s19+$0x5070] =	vst v0  }
0x15: {  	[tilespmem:s19+$0x5000] =	vst v0  }
0x16: {  	[tilespmem:s19+$0x5010] =	vst v0  }
.Ltmp0:
0x17: {  	[tilespmem:s19+$0x5020] =	vst v0;
	(pc) =	sbr.rel @p0 .LBB2_2-.Ltmp0, $4  }
0x18: {  	[tilespmem:s19+$0x5030] =	vst v0  }
0x19: {  	[tilespmem:s19+$0x5040] =	vst v0  }
0x1a: {  	[tilespmem:s19+$0x5050] =	vst v0  }
0x1b: {  	[tilespmem:s19+$0x5060] =	vst v0;
	s19 =	sshra.s32 s20, $0x2;
	s20 =	sadd.s32 $0x200, s20  }
0x1c: {  	[tilespmem:s19+$0x5070] =	vst v0  }
0x1d: {  	[tilespmem:s19+$0x5000] =	vst v0  }
0x1e: {  	[tilespmem:s19+$0x5010] =	vst v0  }
0x1f: {  	[tilespmem:s19+$0x5020] =	vst v0  }
0x20: {  	[tilespmem:s19+$0x5030] =	vst v0  }
0x21: {  	[tilespmem:s19+$0x5040] =	vst v0  }
0x22: {  	[tilespmem:s19+$0x5050] =	vst v0  }
0x23: {  	[tilespmem:s19+$0x5060] =	vst v0  }
0x24: {  	[spmem:s5] =	stream.linear.scatter [tilespmem:s13], [sflag:$0x2], $0x4000, $0x38;
	[tilespmem:$0x1D000] =	vst v63  }
0x25: {  	_ =	swait.ge [sflag:s12], $0x4000  }
0x26: {  	[sflag:s12] =	ssyncset.done $0x0  }
0x27: {  	[sflag:s12] =	ssyncadd.s32 $0xFFFFC000  }
0x28: {  	[spmem:s8] =	stream.linear.scatter [tilespmem:s13], [sflag:$0x2], $0x4000, $0x38;
	[tilespmem:$0x1D000] =	vst v63  }
0x29: {  	_ =	swait.ge [sflag:s12], $0x4000  }
0x2a: {  	[sflag:s12] =	ssyncset.done $0x0  }
0x2b: {  	[sflag:s12] =	ssyncadd.s32 $0xFFFFC000  }
0x2c: {  	[spmem:s9] =	stream.linear.scatter [tilespmem:s13], [sflag:$0x2], $0x4000, $0x38;
	[tilespmem:$0x1D000] =	vst v63  }
0x2d: {  	_ =	swait.ge [sflag:s12], $0x4000  }
0x2e: {  	[sflag:s12] =	ssyncset.done $0x0  }
0x2f: {  	[sflag:s12] =	ssyncadd.s32 $0xFFFFC000  }
0x30: {  	[spmem:s10] =	stream.linear.scatter [tilespmem:s13], [sflag:$0x2], $0x4000, $0x38;
	[tilespmem:$0x1D000] =	vst v63  }
0x31: {  	_ =	swait.ge [sflag:s12], $0x4000  }
0x32: {  	[sflag:s12] =	ssyncset.done $0x0  }
0x33: {  	[sflag:s12] =	ssyncadd.s32 $0xFFFFC000  }
0x34: {  	[spmem:s11] =	stream.linear.scatter [tilespmem:s13], [sflag:$0x2], $0x4000, $0x38;
	[tilespmem:$0x1D000] =	vst v63  }
0x35: {  	_ =	swait.ge [sflag:s12], $0x4000  }
0x36: {  	[sflag:s12] =	ssyncset.done $0x0  }
0x37: {  	s19 =	simm.s32 $0x200;
	s20 =	simm.s32 $0x0;
	[sflag:s12] =	ssyncadd.s32 $0xFFFFC000  }
.LBB2_4:
0x38: {  	p0 =	sne.s32 s19, $0xFE00;
	[tilespmem:s20+$0x5000] =	vst v1;
	s20 =	smov.u32 s19;
	s19 =	sadd.s32 $0x200, s19  }
.Ltmp1:
0x39: {  	(pc) =	sbr.rel @p0 .LBB2_4-.Ltmp1, $2  }
0x3a: {  	_ =	sdelay $0x2  }
0x3b: {  	s20 =	sshra.s32 s20, $0x2  }
0x3c: {  	[tilespmem:s20+$0x5000] =	vst v1  }
0x3d: {  	s19 =	simm.s32 $0x0;
	[bflag:$0x0] =	sbarrier.arrive $0xFFFF  }
0x3e: {  	[spmem:s2] =	stream.indirect.scatter.add.f32 [tilespmem:s13], [sflag:$0x1], $0x80, s19, s14, $0xb8;
	[tilespmem:$0x1D000] =	vst v63  }
0x3f: {  	s24 =	simm.s32 $0x80  }
0x40: {  	[spmem:s2] =	stream.indirect.scatter.add.f32 [tilespmem:s13], [sflag:$0x1], $0x80, s24, s14, $0xb8;
	[tilespmem:$0x1D000] =	vst v63  }
0x41: {  	s25 =	simm.s32 $0x100  }
0x42: {  	[spmem:s2] =	stream.indirect.scatter.add.f32 [tilespmem:s13], [sflag:$0x1], $0x80, s25, s14, $0xb8;
	[tilespmem:$0x1D000] =	vst v63  }
0x43: {  	s26 =	simm.s32 $0x180  }
0x44: {  	[spmem:s2] =	stream.indirect.scatter.add.f32 [tilespmem:s13], [sflag:$0x1], $0x80, s26, s14, $0xb8;
	[tilespmem:$0x1D000] =	vst v63  }
0x45: {  	s28 =	simm.s32 $0x200  }
0x46: {  	[spmem:s2] =	stream.indirect.scatter.add.f32 [tilespmem:s13], [sflag:$0x1], $0x80, s28, s14, $0xb8;
	[tilespmem:$0x1D000] =	vst v63  }
0x47: {  	s29 =	simm.s32 $0x280  }
0x48: {  	[spmem:s2] =	stream.indirect.scatter.add.f32 [tilespmem:s13], [sflag:$0x1], $0x80, s29, s14, $0xb8;
	[tilespmem:$0x1D000] =	vst v63  }
0x49: {  	s30 =	simm.s32 $0x300  }
0x4a: {  	[spmem:s2] =	stream.indirect.scatter.add.f32 [tilespmem:s13], [sflag:$0x1], $0x80, s30, s14, $0xb8;
	[tilespmem:$0x1D000] =	vst v63  }
0x4b: {  	s31 =	simm.s32 $0x380  }
0x4c: {  	[spmem:s2] =	stream.indirect.scatter.add.f32 [tilespmem:s13], [sflag:$0x1], $0x80, s31, s14, $0xb8;
	[tilespmem:$0x1D000] =	vst v63  }
0x4d: {  	_ =	swait.ge [sflag:s15], $0x4000  }
0x4e: {  	[sflag:s15] =	ssyncset.done $0x0  }
0x4f: {  	[sflag:s15] =	ssyncadd.s32 $0xFFFFC000  }
0x50: {  	_ =	swait.ge [sflag:s15], $0x4000  }
0x51: {  	[sflag:s15] =	ssyncset.done $0x0  }
0x52: {  	[sflag:s15] =	ssyncadd.s32 $0xFFFFC000  }
0x53: {  	_ =	swait.ge [sflag:s15], $0x4000  }
0x54: {  	[sflag:s15] =	ssyncset.done $0x0  }
0x55: {  	[sflag:s15] =	ssyncadd.s32 $0xFFFFC000  }
0x56: {  	_ =	swait.ge [sflag:s15], $0x4000  }
0x57: {  	[sflag:s15] =	ssyncset.done $0x0  }
0x58: {  	[sflag:s15] =	ssyncadd.s32 $0xFFFFC000  }
0x59: {  	_ =	swait.ge [sflag:s15], $0x4000  }
0x5a: {  	[sflag:s15] =	ssyncset.done $0x0  }
0x5b: {  	[sflag:s15] =	ssyncadd.s32 $0xFFFFC000  }
0x5c: {  	_ =	swait.ge [sflag:s15], $0x4000  }
0x5d: {  	[sflag:s15] =	ssyncset.done $0x0  }
0x5e: {  	[sflag:s15] =	ssyncadd.s32 $0xFFFFC000  }
0x5f: {  	_ =	swait.ge [sflag:s15], $0x4000  }
0x60: {  	[sflag:s15] =	ssyncset.done $0x0  }
0x61: {  	[sflag:s15] =	ssyncadd.s32 $0xFFFFC000  }
0x62: {  	_ =	swait.ge [sflag:s15], $0x4000  }
0x63: {  	s21 =	simm.s32 $0x2000;
	s19 =	simm.s32 $0x1000;
	[sflag:s15] =	ssyncset.done $0x0  }
.LBB2_6:
0x64: {  	s22 =	sshra.s32 s19, $0x2  }
0x65: {  	[sflag:s15] =	ssyncadd.s32 $0xFFFFC000;
	s19 =	smov.u32 s21;
	s20 =	sadd.s32 $0x1000, s21  }
0x66: {  	[spmem:s2] =	stream.indirect.scatter.add.f32 [tilespmem:s13], [sflag:$0x1], $0x80, s22, s14, $0xb8;
	[tilespmem:$0x1D000] =	vst v63  }
0x67: {  	p0 =	sne.s32 s21, $0x13000;
	s21 =	sadd.s32 $0x80, s22  }
0x68: {  	[spmem:s2] =	stream.indirect.scatter.add.f32 [tilespmem:s13], [sflag:$0x1], $0x80, s21, s14, $0xb8;
	[tilespmem:$0x1D000] =	vst v63  }
0x69: {  	s21 =	sadd.s32 $0x100, s22  }
0x6a: {  	[spmem:s2] =	stream.indirect.scatter.add.f32 [tilespmem:s13], [sflag:$0x1], $0x80, s21, s14, $0xb8;
	[tilespmem:$0x1D000] =	vst v63  }
0x6b: {  	s21 =	sadd.s32 $0x180, s22  }
0x6c: {  	[spmem:s2] =	stream.indirect.scatter.add.f32 [tilespmem:s13], [sflag:$0x1], $0x80, s21, s14, $0xb8;
	[tilespmem:$0x1D000] =	vst v63  }
0x6d: {  	s21 =	sadd.s32 $0x200, s22  }
0x6e: {  	[spmem:s2] =	stream.indirect.scatter.add.f32 [tilespmem:s13], [sflag:$0x1], $0x80, s21, s14, $0xb8;
	[tilespmem:$0x1D000] =	vst v63  }
0x6f: {  	s21 =	sadd.s32 $0x280, s22  }
0x70: {  	[spmem:s2] =	stream.indirect.scatter.add.f32 [tilespmem:s13], [sflag:$0x1], $0x80, s21, s14, $0xb8;
	[tilespmem:$0x1D000] =	vst v63  }
0x71: {  	s21 =	sadd.s32 $0x300, s22  }
0x72: {  	[spmem:s2] =	stream.indirect.scatter.add.f32 [tilespmem:s13], [sflag:$0x1], $0x80, s21, s14, $0xb8;
	[tilespmem:$0x1D000] =	vst v63  }
0x73: {  	s21 =	sadd.s32 $0x380, s22  }
0x74: {  	[spmem:s2] =	stream.indirect.scatter.add.f32 [tilespmem:s13], [sflag:$0x1], $0x80, s21, s14, $0xb8;
	[tilespmem:$0x1D000] =	vst v63  }
0x75: {  	_ =	swait.ge [sflag:s15], $0x4000  }
0x76: {  	[sflag:s15] =	ssyncset.done $0x0  }
0x77: {  	[sflag:s15] =	ssyncadd.s32 $0xFFFFC000  }
0x78: {  	_ =	swait.ge [sflag:s15], $0x4000  }
0x79: {  	[sflag:s15] =	ssyncset.done $0x0  }
0x7a: {  	[sflag:s15] =	ssyncadd.s32 $0xFFFFC000  }
0x7b: {  	_ =	swait.ge [sflag:s15], $0x4000  }
0x7c: {  	[sflag:s15] =	ssyncset.done $0x0  }
0x7d: {  	[sflag:s15] =	ssyncadd.s32 $0xFFFFC000  }
0x7e: {  	_ =	swait.ge [sflag:s15], $0x4000  }
0x7f: {  	[sflag:s15] =	ssyncset.done $0x0  }
0x80: {  	[sflag:s15] =	ssyncadd.s32 $0xFFFFC000  }
0x81: {  	_ =	swait.ge [sflag:s15], $0x4000  }
0x82: {  	[sflag:s15] =	ssyncset.done $0x0  }
0x83: {  	[sflag:s15] =	ssyncadd.s32 $0xFFFFC000  }
0x84: {  	_ =	swait.ge [sflag:s15], $0x4000  }
0x85: {  	[sflag:s15] =	ssyncset.done $0x0  }
0x86: {  	[sflag:s15] =	ssyncadd.s32 $0xFFFFC000  }
.Ltmp2:
0x87: {  	_ =	swait.ge [sflag:s15], $0x4000;
	(pc) =	sbr.rel @p0 .LBB2_6-.Ltmp2, $4  }
0x88: {  	[sflag:s15] =	ssyncset.done $0x0  }
0x89: {  	[sflag:s15] =	ssyncadd.s32 $0xFFFFC000  }
0x8a: {  	_ =	swait.ge [sflag:s15], $0x4000  }
0x8b: {  	s21 =	smov.u32 s20;
	[sflag:s15] =	ssyncset.done $0x0  }
0x8c: {  	s19 =	sshra.s32 s19, $0x2;
	[sflag:s15] =	ssyncadd.s32 $0xFFFFC000  }
0x8d: {  	[spmem:s2] =	stream.indirect.scatter.add.f32 [tilespmem:s13], [sflag:$0x1], $0x80, s19, s14, $0xb8;
	[tilespmem:$0x1D000] =	vst v63  }
0x8e: {  	s20 =	sadd.s32 $0x80, s19  }
0x8f: {  	[spmem:s2] =	stream.indirect.scatter.add.f32 [tilespmem:s13], [sflag:$0x1], $0x80, s20, s14, $0xb8;
	[tilespmem:$0x1D000] =	vst v63  }
0x90: {  	s26 =	sadd.s32 $0x100, s19  }
0x91: {  	[spmem:s2] =	stream.indirect.scatter.add.f32 [tilespmem:s13], [sflag:$0x1], $0x80, s26, s14, $0xb8;
	[tilespmem:$0x1D000] =	vst v63  }
0x92: {  	s28 =	sadd.s32 $0x180, s19  }
0x93: {  	[spmem:s2] =	stream.indirect.scatter.add.f32 [tilespmem:s13], [sflag:$0x1], $0x80, s28, s14, $0xb8;
	[tilespmem:$0x1D000] =	vst v63  }
0x94: {  	s29 =	sadd.s32 $0x200, s19  }
0x95: {  	[spmem:s2] =	stream.indirect.scatter.add.f32 [tilespmem:s13], [sflag:$0x1], $0x80, s29, s14, $0xb8;
	[tilespmem:$0x1D000] =	vst v63  }
0x96: {  	s30 =	sadd.s32 $0x280, s19  }
0x97: {  	[spmem:s2] =	stream.indirect.scatter.add.f32 [tilespmem:s13], [sflag:$0x1], $0x80, s30, s14, $0xb8;
	[tilespmem:$0x1D000] =	vst v63  }
0x98: {  	s31 =	sadd.s32 $0x300, s19  }
0x99: {  	[spmem:s2] =	stream.indirect.scatter.add.f32 [tilespmem:s13], [sflag:$0x1], $0x80, s31, s14, $0xb8;
	[tilespmem:$0x1D000] =	vst v63  }
0x9a: {  	s19 =	sadd.s32 $0x380, s19  }
0x9b: {  	[spmem:s2] =	stream.indirect.scatter.add.f32 [tilespmem:s13], [sflag:$0x1], $0x80, s19, s14, $0xb8;
	[tilespmem:$0x1D000] =	vst v63  }
0x9c: {  	_ =	swait.ge [sflag:s15], $0x4000  }
0x9d: {  	[sflag:s15] =	ssyncset.done $0x0  }
0x9e: {  	[sflag:s15] =	ssyncadd.s32 $0xFFFFC000  }
0x9f: {  	_ =	swait.ge [sflag:s15], $0x4000  }
0xa0: {  	[sflag:s15] =	ssyncset.done $0x0  }
0xa1: {  	[sflag:s15] =	ssyncadd.s32 $0xFFFFC000  }
0xa2: {  	_ =	swait.ge [sflag:s15], $0x4000  }
0xa3: {  	[sflag:s15] =	ssyncset.done $0x0  }
0xa4: {  	[sflag:s15] =	ssyncadd.s32 $0xFFFFC000  }
0xa5: {  	_ =	swait.ge [sflag:s15], $0x4000  }
0xa6: {  	[sflag:s15] =	ssyncset.done $0x0  }
0xa7: {  	[sflag:s15] =	ssyncadd.s32 $0xFFFFC000  }
0xa8: {  	_ =	swait.ge [sflag:s15], $0x4000  }
0xa9: {  	[sflag:s15] =	ssyncset.done $0x0  }
0xaa: {  	[sflag:s15] =	ssyncadd.s32 $0xFFFFC000  }
0xab: {  	_ =	swait.ge [sflag:s15], $0x4000  }
0xac: {  	[sflag:s15] =	ssyncset.done $0x0  }
0xad: {  	[sflag:s15] =	ssyncadd.s32 $0xFFFFC000  }
0xae: {  	_ =	swait.ge [sflag:s15], $0x4000  }
0xaf: {  	[sflag:s15] =	ssyncset.done $0x0  }
0xb0: {  	[sflag:s15] =	ssyncadd.s32 $0xFFFFC000  }
0xb1: {  	_ =	swait.ge [sflag:s15], $0x4000  }
0xb2: {  	s18 =	sadd.s32 $0x1, s18;
	[sflag:s15] =	ssyncset.done $0x0  }
0xb3: {  	p0 =	sne.s32 s18, s7;
	[sflag:s15] =	ssyncadd.s32 $0xFFFFC000  }
.Ltmp3:
0xb4: {  	[bflag:$0x0] =	sbarrier.arrive $0xFFFF;
	(pc) =	sbr.rel @p0 .LBB2_1-.Ltmp3, $4  }
0xb5: {  	[hbm:s6], [sflag:s16] =	dma.local [spmem:s17], $0x2800  }
0xb6: {  	_ =	swait.ge [sflag:s12], $0x2800  }
0xb7: {  	[sflag:s12] =	ssyncset.done $0x0  }
0xb8: {  	[sflag:s12] =	ssyncadd.s32 $0xFFFFD800  }
0xb9: {  	_ =	sfence.sel $0x180000  }
0xba: {  	[bflag:$0x0] =	sbarrier.arrive $0xFFFF  }
0xbb: {  	p0 =	sne.s32 s0, $0x0;
	_ =	strace $0x90000047  }
0xbc: {  	s0 =	sadd.s32 @!p0 $0x100000, s1;
	[bflag:$0x2] =	sbarrier.arrive $0xFFFF  }
0xbd: {  	[sflag:s0] =	ssyncadd.tile.s32 @!p0 $0x1;
	_ =	shalt  }
.Lfunc_end2:
_tile_overlayer_lowered:
.L_overlay_start_2:
0xbe: {  	(tag) =	ssettag $0x2  }
0xbf: {  	s0 =	rddreg [dreg:$0x0];
	s2 =	stileid.u32  }
0xc0: {  	s1 =	rddreg [dreg:$0x1];
	p0 =	sne.s32 s2, $0x0  }
0xc1: {  	s3 =	rddreg [dreg:$0x2];
	[bflag:$0x3] =	sbarrier.arrive $0xFFFF;
	s2 =	simm.s32 @!p0 $0x1C02  }
0xc2: {  	[timem:s3], [sflag:s2] =	dma.local @!p0 [hbm:s0], s1  }
0xc3: {  	s0 =	simm.s32 @!p0 $0x2  }
0xc4: {  	_ =	swait.ge @!p0 [sflag:s0], s1  }
0xc5: {  	s1 =	ssub.s32 @!p0 $0x0, s1;
	[sflag:s0] =	ssyncset.done @!p0 $0x0  }
0xc6: {  	[sflag:s0] =	ssyncadd.s32 @!p0 s1  }
0xc7: {  	[bflag:$0x3] =	sbarrier.arrive $0xFFFF  }
0xc8: {  	_ =	shalt  }

</sc_bundles>
